<compile_context>
chip_gen: v7x
topology: tpu7x:2x2x1
jax: 0.10.2.dev20260603
libtpu: 0.0.44.dev20260713+nightly
codegen_flags: <defaults>
</compile_context>

<pallas_src>
import functools

import numpy as np
import jax
import jax.numpy as jnp
from jax import lax
from jax.experimental import pallas as pl
from jax.experimental.pallas import tpu as pltpu
from jax.experimental.pallas import tpu_sc as plsc

_LENS = (2048, 512, 1024, 1536, 768, 1280, 256, 768)
_B = len(_LENS)
_OFFS = tuple(int(x) for x in np.concatenate([[0], np.cumsum(_LENS)]))
_TOTAL = _OFFS[-1]
_D = 256
_P = 4
_NV = _D // 16
_TH = tuple(_OFFS[k] + k for k in range(1, _B))

_NTILE = (_TOTAL + _B) // 8
_CHT = 34
_CH = 8 * _CHT
_TMAX = _NTILE - _CHT

_mesh = plsc.VectorSubcoreMesh(core_axis_name="c", subcore_axis_name="s")


@functools.partial(
    pl.kernel,
    out_type=jax.ShapeDtypeStruct((_TOTAL + _B, _D), jnp.float32),
    mesh=_mesh,
    scratch_types=[
        pltpu.VMEM((_CH, _D), jnp.float32),
        pltpu.VMEM((_CH,), jnp.int32),
        pltpu.VMEM((_B, _D), jnp.float32),
        pltpu.SemaphoreType.DMA,
        pltpu.SemaphoreType.DMA,
    ],
)
def _interleave_q_sc(q_hbm, bg_hbm, outq_hbm, rows, idx, bgbuf, gsem, ssem):
    wid = lax.axis_index("s") * 2 + lax.axis_index("c")
    bgload = pltpu.async_copy(bg_hbm, bgbuf, ssem)

    a = 8 * jnp.minimum(_CHT * wid, _TMAX)
    a = pl.multiple_of(a, 8)

    for i in range(_CH // 16):
        r16 = lax.iota(jnp.int32, 16) + (a + 16 * i)
        bc = jnp.zeros((16,), jnp.int32)
        for t in _TH:
            bc = bc + jnp.where(r16 >= t, 1, 0).astype(jnp.int32)
        idx[pl.ds(16 * i, 16)] = jnp.minimum(r16 - bc, _TOTAL - 1)

    pltpu.async_copy(q_hbm.at[idx], rows, gsem).wait()
    bgload.wait()

    for b in range(_B):
        rg = _OFFS[b + 1] + b

        @pl.when((a <= rg) & (rg < a + _CH))
        def _(b=b, rg=rg):
            d = rg - a
            for k in range(_NV):
                sl = pl.ds(16 * k, 16)
                rows[d, sl] = bgbuf[b, sl]

    pltpu.sync_copy(rows, outq_hbm.at[pl.ds(a, _CH)])


def _pos_tc_body(pos_ref, out_ref):
    zero = jnp.zeros((_P, 1), jnp.float32)
    for b in range(_B):
        out_ref[:, pl.ds(_OFFS[b] + b, _LENS[b])] = pos_ref[
            :, pl.ds(_OFFS[b], _LENS[b])
        ]
        out_ref[:, pl.ds(_OFFS[b + 1] + b, 1)] = zero


_pos_tc = pl.pallas_call(
    _pos_tc_body,
    out_shape=jax.ShapeDtypeStruct((_P, _TOTAL + _B), jnp.float32),
)


def kernel(queries, query_positions, query_batch_offsets, background_queries):
    bg = background_queries.reshape(_B, _D)
    outq = _interleave_q_sc(queries, bg)
    outp = _pos_tc(query_positions.T).T
    new_offsets = query_batch_offsets + jnp.arange(
        _B + 1, dtype=query_batch_offsets.dtype
    )
    return outq, outp, new_offsets

# --- scband reference (transcript-rebuilt; emitter-appended) ---
"""Pipeline reference for scband-segmentation-map-layer-69784628625549 (READ-ONLY COPY).

The authoritative reference and input builder live on the scoring server;
editing this copy changes nothing except your own understanding.
"""

import jax, jax.numpy as jnp
import numpy as np

EMBED_DIM = 256
POS_DIM = 4
LENS = [2048, 512, 1024, 1536, 768, 1280, 256, 768]


def setup_inputs(seed: int = 0) -> dict:
    key = jax.random.key(seed)
    k1, k2, k3 = jax.random.split(key, 3)
    total = int(sum(LENS))
    B = len(LENS)
    queries = jax.random.normal(k1, (total, EMBED_DIM), dtype=jnp.float32)
    query_positions = jax.random.uniform(k2, (total, POS_DIM), dtype=jnp.float32)
    offsets_np = np.concatenate([[0], np.cumsum(LENS)]).astype(np.int32)
    query_batch_offsets = jnp.asarray(offsets_np, dtype=jnp.int32)
    background_queries = jax.random.normal(k3, (B, 1, EMBED_DIM), dtype=jnp.float32)
    return {
        "queries": queries,
        "query_positions": query_positions,
        "query_batch_offsets": query_batch_offsets,
        "background_queries": background_queries,
    }


def reference(queries, query_positions, query_batch_offsets, background_queries):
    # Faithful translation of stack_bg_onto_queries with dn_info_dict=None,
    # attn_mask=None (the non-denoising path): split the batch-concatenated
    # query / position tensors by offsets, interleave one background query per
    # image (with an all-zero position), and recompute batch offsets.
    offsets = np.concatenate([[0], np.cumsum(LENS)]).astype(np.int32)
    B = background_queries.shape[0]
    zero_pos = jnp.zeros((1, query_positions.shape[-1]), dtype=query_positions.dtype)
    q_parts = []
    p_parts = []
    for b in range(B):
        s = int(offsets[b])
        e = int(offsets[b + 1])
        q_parts.append(queries[s:e])
        q_parts.append(background_queries[b].reshape(1, -1))
        p_parts.append(query_positions[s:e])
        p_parts.append(zero_pos)
    queries_with_bg = jnp.concatenate(q_parts, axis=0)
    pos_with_bg = jnp.concatenate(p_parts, axis=0)
    new_offsets = query_batch_offsets + jnp.arange(B + 1, dtype=query_batch_offsets.dtype)
    return queries_with_bg, pos_with_bg, new_offsets

if __name__ == "__main__":
    import jax
    _d = setup_inputs()
    print(jax.jit(kernel)(*tuple(_d.values())))

</pallas_src>

<mosaic_0001>
#map = affine_map<(d0, d1) -> (0, 0)>
module attributes {stable_mosaic.version = 14 : i64} {
  func.func @_interleave_q_sc(%arg0: i32, %arg1: i32, %arg2: memref<8192x256xf32, #tpu.memory_space<hbm>>, %arg3: memref<8x256xf32, #tpu.memory_space<hbm>>, %arg4: memref<8200x256xf32, #tpu.memory_space<hbm>>, %arg5: memref<272x256xf32, #tpu.memory_space<vmem>>, %arg6: memref<272xi32, #tpu.memory_space<vmem>>, %arg7: memref<8x256xf32, #tpu.memory_space<vmem>>, %arg8: memref<!tpu.dma_semaphore, #tpu.memory_space<semaphore_mem>>, %arg9: memref<!tpu.dma_semaphore, #tpu.memory_space<semaphore_mem>>) attributes {dimension_semantics = [#tpu.dimension_semantics<core_parallel>, #tpu.dimension_semantics<subcore_parallel>], iteration_bounds = array<i64: 2, 16>, scalar_prefetch = 0 : i64, scratch_operands = 5 : i64, tpu.core_type = #tpu.core_type<sc_vector_subcore>, window_params = [{transform_indices = #map}, {transform_indices = #map}, {transform_indices = #map}]} {
    %mul3A = arith.constant 2 : i32
    %mul3A_0 = arith.muli %arg1, %mul3A : i32
    %add3A = arith.addi %mul3A_0, %arg0 : i32
    tpu.enqueue_dma source(%arg3 : memref<8x256xf32, #tpu.memory_space<hbm>>) target(%arg7 : memref<8x256xf32, #tpu.memory_space<vmem>>) target_semaphore(%arg9 : memref<!tpu.dma_semaphore, #tpu.memory_space<semaphore_mem>>)
    %mul3A_1 = arith.constant 34 : i32
    %mul3A_2 = arith.muli %mul3A_1, %add3A : i32
    %min3A = arith.constant 991 : i32
    %min3A_3 = arith.minsi %mul3A_2, %min3A : i32
    %mul3A_4 = arith.constant 8 : i32
    %mul3A_5 = arith.muli %mul3A_4, %min3A_3 : i32
    %multiple_of3A = tpu.assume_multiple %mul3A_5, 8 : i32
    %iota3A = tpu.iota {dimensions = array<i32: 0>} : vector<16xi32>
    %add3A_6 = arith.constant 0 : i32
    %add3A_7 = arith.addi %multiple_of3A, %add3A_6 : i32
    %add3A_8 = vector.broadcast %add3A_7 : i32 to vector<16xi32>
    %add3A_9 = arith.addi %iota3A, %add3A_8 : vector<16xi32>
    %broadcast_in_dim3A = arith.constant 0 : i32
    %broadcast_in_dim3A_10 = vector.broadcast %broadcast_in_dim3A : i32 to vector<16xi32>
    %ge3A = arith.constant 2049 : i32
    %ge3A_11 = vector.broadcast %ge3A : i32 to vector<16xi32>
    %ge3A_12 = arith.cmpi sge, %add3A_9, %ge3A_11 : vector<16xi32>
    %jit3A = arith.constant 1 : i32
    %jit3A_13 = arith.constant 0 : i32
    %broadcast_in_dim3A_14 = vector.broadcast %jit3A : i32 to vector<16xi32>
    %broadcast_in_dim3A_15 = vector.broadcast %jit3A_13 : i32 to vector<16xi32>
    %select_n3A = arith.select %ge3A_12, %broadcast_in_dim3A_14, %broadcast_in_dim3A_15 : vector<16xi1>, vector<16xi32>
    %add3A_16 = arith.addi %broadcast_in_dim3A_10, %select_n3A : vector<16xi32>
    %ge3A_17 = arith.constant 2562 : i32
    %ge3A_18 = vector.broadcast %ge3A_17 : i32 to vector<16xi32>
    %ge3A_19 = arith.cmpi sge, %add3A_9, %ge3A_18 : vector<16xi32>
    %jit3A_20 = arith.constant 1 : i32
    %jit3A_21 = arith.constant 0 : i32
    %broadcast_in_dim3A_22 = vector.broadcast %jit3A_20 : i32 to vector<16xi32>
    %broadcast_in_dim3A_23 = vector.broadcast %jit3A_21 : i32 to vector<16xi32>
    %select_n3A_24 = arith.select %ge3A_19, %broadcast_in_dim3A_22, %broadcast_in_dim3A_23 : vector<16xi1>, vector<16xi32>
    %add3A_25 = arith.addi %add3A_16, %select_n3A_24 : vector<16xi32>
    %ge3A_26 = arith.constant 3587 : i32
    %ge3A_27 = vector.broadcast %ge3A_26 : i32 to vector<16xi32>
    %ge3A_28 = arith.cmpi sge, %add3A_9, %ge3A_27 : vector<16xi32>
    %jit3A_29 = arith.constant 1 : i32
    %jit3A_30 = arith.constant 0 : i32
    %broadcast_in_dim3A_31 = vector.broadcast %jit3A_29 : i32 to vector<16xi32>
    %broadcast_in_dim3A_32 = vector.broadcast %jit3A_30 : i32 to vector<16xi32>
    %select_n3A_33 = arith.select %ge3A_28, %broadcast_in_dim3A_31, %broadcast_in_dim3A_32 : vector<16xi1>, vector<16xi32>
    %add3A_34 = arith.addi %add3A_25, %select_n3A_33 : vector<16xi32>
    %ge3A_35 = arith.constant 5124 : i32
    %ge3A_36 = vector.broadcast %ge3A_35 : i32 to vector<16xi32>
    %ge3A_37 = arith.cmpi sge, %add3A_9, %ge3A_36 : vector<16xi32>
    %jit3A_38 = arith.constant 1 : i32
    %jit3A_39 = arith.constant 0 : i32
    %broadcast_in_dim3A_40 = vector.broadcast %jit3A_38 : i32 to vector<16xi32>
    %broadcast_in_dim3A_41 = vector.broadcast %jit3A_39 : i32 to vector<16xi32>
    %select_n3A_42 = arith.select %ge3A_37, %broadcast_in_dim3A_40, %broadcast_in_dim3A_41 : vector<16xi1>, vector<16xi32>
    %add3A_43 = arith.addi %add3A_34, %select_n3A_42 : vector<16xi32>
    %ge3A_44 = arith.constant 5893 : i32
    %ge3A_45 = vector.broadcast %ge3A_44 : i32 to vector<16xi32>
    %ge3A_46 = arith.cmpi sge, %add3A_9, %ge3A_45 : vector<16xi32>
    %jit3A_47 = arith.constant 1 : i32
    %jit3A_48 = arith.constant 0 : i32
    %broadcast_in_dim3A_49 = vector.broadcast %jit3A_47 : i32 to vector<16xi32>
    %broadcast_in_dim3A_50 = vector.broadcast %jit3A_48 : i32 to vector<16xi32>
    %select_n3A_51 = arith.select %ge3A_46, %broadcast_in_dim3A_49, %broadcast_in_dim3A_50 : vector<16xi1>, vector<16xi32>
    %add3A_52 = arith.addi %add3A_43, %select_n3A_51 : vector<16xi32>
    %ge3A_53 = arith.constant 7174 : i32
    %ge3A_54 = vector.broadcast %ge3A_53 : i32 to vector<16xi32>
    %ge3A_55 = arith.cmpi sge, %add3A_9, %ge3A_54 : vector<16xi32>
    %jit3A_56 = arith.constant 1 : i32
    %jit3A_57 = arith.constant 0 : i32
    %broadcast_in_dim3A_58 = vector.broadcast %jit3A_56 : i32 to vector<16xi32>
    %broadcast_in_dim3A_59 = vector.broadcast %jit3A_57 : i32 to vector<16xi32>
    %select_n3A_60 = arith.select %ge3A_55, %broadcast_in_dim3A_58, %broadcast_in_dim3A_59 : vector<16xi1>, vector<16xi32>
    %add3A_61 = arith.addi %add3A_52, %select_n3A_60 : vector<16xi32>
    %ge3A_62 = arith.constant 7431 : i32
    %ge3A_63 = vector.broadcast %ge3A_62 : i32 to vector<16xi32>
    %ge3A_64 = arith.cmpi sge, %add3A_9, %ge3A_63 : vector<16xi32>
    %jit3A_65 = arith.constant 1 : i32
    %jit3A_66 = arith.constant 0 : i32
    %broadcast_in_dim3A_67 = vector.broadcast %jit3A_65 : i32 to vector<16xi32>
    %broadcast_in_dim3A_68 = vector.broadcast %jit3A_66 : i32 to vector<16xi32>
    %select_n3A_69 = arith.select %ge3A_64, %broadcast_in_dim3A_67, %broadcast_in_dim3A_68 : vector<16xi1>, vector<16xi32>
    %add3A_70 = arith.addi %add3A_61, %select_n3A_69 : vector<16xi32>
    %sub3A = arith.subi %add3A_9, %add3A_70 : vector<16xi32>
    %min3A_71 = arith.constant 8191 : i32
    %min3A_72 = vector.broadcast %min3A_71 : i32 to vector<16xi32>
    %min3A_73 = arith.minsi %sub3A, %min3A_72 : vector<16xi32>
    %swap3A = arith.constant 0 : index
    %swap3A_74 = tpu.vector_load %arg6[%swap3A] {strides = array<i32>} : memref<272xi32, #tpu.memory_space<vmem>>, vector<16xi32>,
    %swap3A_75 = vector.shape_cast %swap3A_74 : vector<16xi32> to vector<16xi32>
    %swap3A_76 = vector.shape_cast %min3A_73 : vector<16xi32> to vector<16xi32>
    tpu.vector_store %arg6[%swap3A], %swap3A_76 {strides = array<i32>} : memref<272xi32, #tpu.memory_space<vmem>>, vector<16xi32>,
    %iota3A_77 = tpu.iota {dimensions = array<i32: 0>} : vector<16xi32>
    %add3A_78 = arith.constant 16 : i32
    %add3A_79 = arith.addi %multiple_of3A, %add3A_78 : i32
    %add3A_80 = vector.broadcast %add3A_79 : i32 to vector<16xi32>
    %add3A_81 = arith.addi %iota3A_77, %add3A_80 : vector<16xi32>
    %broadcast_in_dim3A_82 = arith.constant 0 : i32
    %broadcast_in_dim3A_83 = vector.broadcast %broadcast_in_dim3A_82 : i32 to vector<16xi32>
    %ge3A_84 = arith.constant 2049 : i32
    %ge3A_85 = vector.broadcast %ge3A_84 : i32 to vector<16xi32>
    %ge3A_86 = arith.cmpi sge, %add3A_81, %ge3A_85 : vector<16xi32>
    %jit3A_87 = arith.constant 1 : i32
    %jit3A_88 = arith.constant 0 : i32
    %broadcast_in_dim3A_89 = vector.broadcast %jit3A_87 : i32 to vector<16xi32>
    %broadcast_in_dim3A_90 = vector.broadcast %jit3A_88 : i32 to vector<16xi32>
    %select_n3A_91 = arith.select %ge3A_86, %broadcast_in_dim3A_89, %broadcast_in_dim3A_90 : vector<16xi1>, vector<16xi32>
    %add3A_92 = arith.addi %broadcast_in_dim3A_83, %select_n3A_91 : vector<16xi32>
    %ge3A_93 = arith.constant 2562 : i32
    %ge3A_94 = vector.broadcast %ge3A_93 : i32 to vector<16xi32>
    %ge3A_95 = arith.cmpi sge, %add3A_81, %ge3A_94 : vector<16xi32>
    %jit3A_96 = arith.constant 1 : i32
    %jit3A_97 = arith.constant 0 : i32
    %broadcast_in_dim3A_98 = vector.broadcast %jit3A_96 : i32 to vector<16xi32>
    %broadcast_in_dim3A_99 = vector.broadcast %jit3A_97 : i32 to vector<16xi32>
    %select_n3A_100 = arith.select %ge3A_95, %broadcast_in_dim3A_98, %broadcast_in_dim3A_99 : vector<16xi1>, vector<16xi32>
    %add3A_101 = arith.addi %add3A_92, %select_n3A_100 : vector<16xi32>
    %ge3A_102 = arith.constant 3587 : i32
    %ge3A_103 = vector.broadcast %ge3A_102 : i32 to vector<16xi32>
    %ge3A_104 = arith.cmpi sge, %add3A_81, %ge3A_103 : vector<16xi32>
    %jit3A_105 = arith.constant 1 : i32
    %jit3A_106 = arith.constant 0 : i32
    %broadcast_in_dim3A_107 = vector.broadcast %jit3A_105 : i32 to vector<16xi32>
    %broadcast_in_dim3A_108 = vector.broadcast %jit3A_106 : i32 to vector<16xi32>
    %select_n3A_109 = arith.select %ge3A_104, %broadcast_in_dim3A_107, %broadcast_in_dim3A_108 : vector<16xi1>, vector<16xi32>
    %add3A_110 = arith.addi %add3A_101, %select_n3A_109 : vector<16xi32>
    %ge3A_111 = arith.constant 5124 : i32
    %ge3A_112 = vector.broadcast %ge3A_111 : i32 to vector<16xi32>
    %ge3A_113 = arith.cmpi sge, %add3A_81, %ge3A_112 : vector<16xi32>
    %jit3A_114 = arith.constant 1 : i32
    %jit3A_115 = arith.constant 0 : i32
    %broadcast_in_dim3A_116 = vector.broadcast %jit3A_114 : i32 to vector<16xi32>
    %broadcast_in_dim3A_117 = vector.broadcast %jit3A_115 : i32 to vector<16xi32>
    %select_n3A_118 = arith.select %ge3A_113, %broadcast_in_dim3A_116, %broadcast_in_dim3A_117 : vector<16xi1>, vector<16xi32>
    %add3A_119 = arith.addi %add3A_110, %select_n3A_118 : vector<16xi32>
    %ge3A_120 = arith.constant 5893 : i32
    %ge3A_121 = vector.broadcast %ge3A_120 : i32 to vector<16xi32>
    %ge3A_122 = arith.cmpi sge, %add3A_81, %ge3A_121 : vector<16xi32>
    %jit3A_123 = arith.constant 1 : i32
    %jit3A_124 = arith.constant 0 : i32
    %broadcast_in_dim3A_125 = vector.broadcast %jit3A_123 : i32 to vector<16xi32>
    %broadcast_in_dim3A_126 = vector.broadcast %jit3A_124 : i32 to vector<16xi32>
    %select_n3A_127 = arith.select %ge3A_122, %broadcast_in_dim3A_125, %broadcast_in_dim3A_126 : vector<16xi1>, vector<16xi32>
    %add3A_128 = arith.addi %add3A_119, %select_n3A_127 : vector<16xi32>
    %ge3A_129 = arith.constant 7174 : i32
    %ge3A_130 = vector.broadcast %ge3A_129 : i32 to vector<16xi32>
    %ge3A_131 = arith.cmpi sge, %add3A_81, %ge3A_130 : vector<16xi32>
    %jit3A_132 = arith.constant 1 : i32
    %jit3A_133 = arith.constant 0 : i32
    %broadcast_in_dim3A_134 = vector.broadcast %jit3A_132 : i32 to vector<16xi32>
    %broadcast_in_dim3A_135 = vector.broadcast %jit3A_133 : i32 to vector<16xi32>
    %select_n3A_136 = arith.select %ge3A_131, %broadcast_in_dim3A_134, %broadcast_in_dim3A_135 : vector<16xi1>, vector<16xi32>
    %add3A_137 = arith.addi %add3A_128, %select_n3A_136 : vector<16xi32>
    %ge3A_138 = arith.constant 7431 : i32
    %ge3A_139 = vector.broadcast %ge3A_138 : i32 to vector<16xi32>
    %ge3A_140 = arith.cmpi sge, %add3A_81, %ge3A_139 : vector<16xi32>
    %jit3A_141 = arith.constant 1 : i32
    %jit3A_142 = arith.constant 0 : i32
    %broadcast_in_dim3A_143 = vector.broadcast %jit3A_141 : i32 to vector<16xi32>
    %broadcast_in_dim3A_144 = vector.broadcast %jit3A_142 : i32 to vector<16xi32>
    %select_n3A_145 = arith.select %ge3A_140, %broadcast_in_dim3A_143, %broadcast_in_dim3A_144 : vector<16xi1>, vector<16xi32>
    %add3A_146 = arith.addi %add3A_137, %select_n3A_145 : vector<16xi32>
    %sub3A_147 = arith.subi %add3A_81, %add3A_146 : vector<16xi32>
    %min3A_148 = arith.constant 8191 : i32
    %min3A_149 = vector.broadcast %min3A_148 : i32 to vector<16xi32>
    %min3A_150 = arith.minsi %sub3A_147, %min3A_149 : vector<16xi32>
    %swap3A_151 = arith.constant 16 : index
    %swap3A_152 = tpu.vector_load %arg6[%swap3A_151] {strides = array<i32>} : memref<272xi32, #tpu.memory_space<vmem>>, vector<16xi32>,
    %swap3A_153 = vector.shape_cast %swap3A_152 : vector<16xi32> to vector<16xi32>
    %swap3A_154 = vector.shape_cast %min3A_150 : vector<16xi32> to vector<16xi32>
    tpu.vector_store %arg6[%swap3A_151], %swap3A_154 {strides = array<i32>} : memref<272xi32, #tpu.memory_space<vmem>>, vector<16xi32>,
    %iota3A_155 = tpu.iota {dimensions = array<i32: 0>} : vector<16xi32>
    %add3A_156 = arith.constant 32 : i32
    %add3A_157 = arith.addi %multiple_of3A, %add3A_156 : i32
    %add3A_158 = vector.broadcast %add3A_157 : i32 to vector<16xi32>
    %add3A_159 = arith.addi %iota3A_155, %add3A_158 : vector<16xi32>
    %broadcast_in_dim3A_160 = arith.constant 0 : i32
    %broadcast_in_dim3A_161 = vector.broadcast %broadcast_in_dim3A_160 : i32 to vector<16xi32>
    %ge3A_162 = arith.constant 2049 : i32
    %ge3A_163 = vector.broadcast %ge3A_162 : i32 to vector<16xi32>
    %ge3A_164 = arith.cmpi sge, %add3A_159, %ge3A_163 : vector<16xi32>
    %jit3A_165 = arith.constant 1 : i32
    %jit3A_166 = arith.constant 0 : i32
    %broadcast_in_dim3A_167 = vector.broadcast %jit3A_165 : i32 to vector<16xi32>
    %broadcast_in_dim3A_168 = vector.broadcast %jit3A_166 : i32 to vector<16xi32>
    %select_n3A_169 = arith.select %ge3A_164, %broadcast_in_dim3A_167, %broadcast_in_dim3A_168 : vector<16xi1>, vector<16xi32>
    %add3A_170 = arith.addi %broadcast_in_dim3A_161, %select_n3A_169 : vector<16xi32>
    %ge3A_171 = arith.constant 2562 : i32
    %ge3A_172 = vector.broadcast %ge3A_171 : i32 to vector<16xi32>
    %ge3A_173 = arith.cmpi sge, %add3A_159, %ge3A_172 : vector<16xi32>
    %jit3A_174 = arith.constant 1 : i32
    %jit3A_175 = arith.constant 0 : i32
    %broadcast_in_dim3A_176 = vector.broadcast %jit3A_174 : i32 to vector<16xi32>
    %broadcast_in_dim3A_177 = vector.broadcast %jit3A_175 : i32 to vector<16xi32>
    %select_n3A_178 = arith.select %ge3A_173, %broadcast_in_dim3A_176, %broadcast_in_dim3A_177 : vector<16xi1>, vector<16xi32>
    %add3A_179 = arith.addi %add3A_170, %select_n3A_178 : vector<16xi32>
    %ge3A_180 = arith.constant 3587 : i32
    %ge3A_181 = vector.broadcast %ge3A_180 : i32 to vector<16xi32>
    %ge3A_182 = arith.cmpi sge, %add3A_159, %ge3A_181 : vector<16xi32>
    %jit3A_183 = arith.constant 1 : i32
    %jit3A_184 = arith.constant 0 : i32
    %broadcast_in_dim3A_185 = vector.broadcast %jit3A_183 : i32 to vector<16xi32>
    %broadcast_in_dim3A_186 = vector.broadcast %jit3A_184 : i32 to vector<16xi32>
    %select_n3A_187 = arith.select %ge3A_182, %broadcast_in_dim3A_185, %broadcast_in_dim3A_186 : vector<16xi1>, vector<16xi32>
    %add3A_188 = arith.addi %add3A_179, %select_n3A_187 : vector<16xi32>
    %ge3A_189 = arith.constant 5124 : i32
    %ge3A_190 = vector.broadcast %ge3A_189 : i32 to vector<16xi32>
    %ge3A_191 = arith.cmpi sge, %add3A_159, %ge3A_190 : vector<16xi32>
    %jit3A_192 = arith.constant 1 : i32
    %jit3A_193 = arith.constant 0 : i32
    %broadcast_in_dim3A_194 = vector.broadcast %jit3A_192 : i32 to vector<16xi32>
    %broadcast_in_dim3A_195 = vector.broadcast %jit3A_193 : i32 to vector<16xi32>
    %select_n3A_196 = arith.select %ge3A_191, %broadcast_in_dim3A_194, %broadcast_in_dim3A_195 : vector<16xi1>, vector<16xi32>
    %add3A_197 = arith.addi %add3A_188, %select_n3A_196 : vector<16xi32>
    %ge3A_198 = arith.constant 5893 : i32
    %ge3A_199 = vector.broadcast %ge3A_198 : i32 to vector<16xi32>
    %ge3A_200 = arith.cmpi sge, %add3A_159, %ge3A_199 : vector<16xi32>
    %jit3A_201 = arith.constant 1 : i32
    %jit3A_202 = arith.constant 0 : i32
    %broadcast_in_dim3A_203 = vector.broadcast %jit3A_201 : i32 to vector<16xi32>
    %broadcast_in_dim3A_204 = vector.broadcast %jit3A_202 : i32 to vector<16xi32>
    %select_n3A_205 = arith.select %ge3A_200, %broadcast_in_dim3A_203, %broadcast_in_dim3A_204 : vector<16xi1>, vector<16xi32>
    %add3A_206 = arith.addi %add3A_197, %select_n3A_205 : vector<16xi32>
    %ge3A_207 = arith.constant 7174 : i32
    %ge3A_208 = vector.broadcast %ge3A_207 : i32 to vector<16xi32>
    %ge3A_209 = arith.cmpi sge, %add3A_159, %ge3A_208 : vector<16xi32>
    %jit3A_210 = arith.constant 1 : i32
    %jit3A_211 = arith.constant 0 : i32
    %broadcast_in_dim3A_212 = vector.broadcast %jit3A_210 : i32 to vector<16xi32>
    %broadcast_in_dim3A_213 = vector.broadcast %jit3A_211 : i32 to vector<16xi32>
    %select_n3A_214 = arith.select %ge3A_209, %broadcast_in_dim3A_212, %broadcast_in_dim3A_213 : vector<16xi1>, vector<16xi32>
    %add3A_215 = arith.addi %add3A_206, %select_n3A_214 : vector<16xi32>
    %ge3A_216 = arith.constant 7431 : i32
    %ge3A_217 = vector.broadcast %ge3A_216 : i32 to vector<16xi32>
    %ge3A_218 = arith.cmpi sge, %add3A_159, %ge3A_217 : vector<16xi32>
    %jit3A_219 = arith.constant 1 : i32
    %jit3A_220 = arith.constant 0 : i32
    %broadcast_in_dim3A_221 = vector.broadcast %jit3A_219 : i32 to vector<16xi32>
    %broadcast_in_dim3A_222 = vector.broadcast %jit3A_220 : i32 to vector<16xi32>
    %select_n3A_223 = arith.select %ge3A_218, %broadcast_in_dim3A_221, %broadcast_in_dim3A_222 : vector<16xi1>, vector<16xi32>
    %add3A_224 = arith.addi %add3A_215, %select_n3A_223 : vector<16xi32>
    %sub3A_225 = arith.subi %add3A_159, %add3A_224 : vector<16xi32>
    %min3A_226 = arith.constant 8191 : i32
    %min3A_227 = vector.broadcast %min3A_226 : i32 to vector<16xi32>
    %min3A_228 = arith.minsi %sub3A_225, %min3A_227 : vector<16xi32>
    %swap3A_229 = arith.constant 32 : index
    %swap3A_230 = tpu.vector_load %arg6[%swap3A_229] {strides = array<i32>} : memref<272xi32, #tpu.memory_space<vmem>>, vector<16xi32>,
    %swap3A_231 = vector.shape_cast %swap3A_230 : vector<16xi32> to vector<16xi32>
    %swap3A_232 = vector.shape_cast %min3A_228 : vector<16xi32> to vector<16xi32>
    tpu.vector_store %arg6[%swap3A_229], %swap3A_232 {strides = array<i32>} : memref<272xi32, #tpu.memory_space<vmem>>, vector<16xi32>,
    %iota3A_233 = tpu.iota {dimensions = array<i32: 0>} : vector<16xi32>
    %add3A_234 = arith.constant 48 : i32
    %add3A_235 = arith.addi %multiple_of3A, %add3A_234 : i32
    %add3A_236 = vector.broadcast %add3A_235 : i32 to vector<16xi32>
    %add3A_237 = arith.addi %iota3A_233, %add3A_236 : vector<16xi32>
    %broadcast_in_dim3A_238 = arith.constant 0 : i32
    %broadcast_in_dim3A_239 = vector.broadcast %broadcast_in_dim3A_238 : i32 to vector<16xi32>
    %ge3A_240 = arith.constant 2049 : i32
    %ge3A_241 = vector.broadcast %ge3A_240 : i32 to vector<16xi32>
    %ge3A_242 = arith.cmpi sge, %add3A_237, %ge3A_241 : vector<16xi32>
    %jit3A_243 = arith.constant 1 : i32
    %jit3A_244 = arith.constant 0 : i32
    %broadcast_in_dim3A_245 = vector.broadcast %jit3A_243 : i32 to vector<16xi32>
    %broadcast_in_dim3A_246 = vector.broadcast %jit3A_244 : i32 to vector<16xi32>
    %select_n3A_247 = arith.select %ge3A_242, %broadcast_in_dim3A_245, %broadcast_in_dim3A_246 : vector<16xi1>, vector<16xi32>
    %add3A_248 = arith.addi %broadcast_in_dim3A_239, %select_n3A_247 : vector<16xi32>
    %ge3A_249 = arith.constant 2562 : i32
    %ge3A_250 = vector.broadcast %ge3A_249 : i32 to vector<16xi32>
    %ge3A_251 = arith.cmpi sge, %add3A_237, %ge3A_250 : vector<16xi32>
    %jit3A_252 = arith.constant 1 : i32
    %jit3A_253 = arith.constant 0 : i32
    %broadcast_in_dim3A_254 = vector.broadcast %jit3A_252 : i32 to vector<16xi32>
    %broadcast_in_dim3A_255 = vector.broadcast %jit3A_253 : i32 to vector<16xi32>
    %select_n3A_256 = arith.select %ge3A_251, %broadcast_in_dim3A_254, %broadcast_in_dim3A_255 : vector<16xi1>, vector<16xi32>
    %add3A_257 = arith.addi %add3A_248, %select_n3A_256 : vector<16xi32>
    %ge3A_258 = arith.constant 3587 : i32
    %ge3A_259 = vector.broadcast %ge3A_258 : i32 to vector<16xi32>
    %ge3A_260 = arith.cmpi sge, %add3A_237, %ge3A_259 : vector<16xi32>
    %jit3A_261 = arith.constant 1 : i32
    %jit3A_262 = arith.constant 0 : i32
    %broadcast_in_dim3A_263 = vector.broadcast %jit3A_261 : i32 to vector<16xi32>
    %broadcast_in_dim3A_264 = vector.broadcast %jit3A_262 : i32 to vector<16xi32>
    %select_n3A_265 = arith.select %ge3A_260, %broadcast_in_dim3A_263, %broadcast_in_dim3A_264 : vector<16xi1>, vector<16xi32>
    %add3A_266 = arith.addi %add3A_257, %select_n3A_265 : vector<16xi32>
    %ge3A_267 = arith.constant 5124 : i32
    %ge3A_268 = vector.broadcast %ge3A_267 : i32 to vector<16xi32>
    %ge3A_269 = arith.cmpi sge, %add3A_237, %ge3A_268 : vector<16xi32>
    %jit3A_270 = arith.constant 1 : i32
    %jit3A_271 = arith.constant 0 : i32
    %broadcast_in_dim3A_272 = vector.broadcast %jit3A_270 : i32 to vector<16xi32>
    %broadcast_in_dim3A_273 = vector.broadcast %jit3A_271 : i32 to vector<16xi32>
    %select_n3A_274 = arith.select %ge3A_269, %broadcast_in_dim3A_272, %broadcast_in_dim3A_273 : vector<16xi1>, vector<16xi32>
    %add3A_275 = arith.addi %add3A_266, %select_n3A_274 : vector<16xi32>
    %ge3A_276 = arith.constant 5893 : i32
    %ge3A_277 = vector.broadcast %ge3A_276 : i32 to vector<16xi32>
    %ge3A_278 = arith.cmpi sge, %add3A_237, %ge3A_277 : vector<16xi32>
    %jit3A_279 = arith.constant 1 : i32
    %jit3A_280 = arith.constant 0 : i32
    %broadcast_in_dim3A_281 = vector.broadcast %jit3A_279 : i32 to vector<16xi32>
    %broadcast_in_dim3A_282 = vector.broadcast %jit3A_280 : i32 to vector<16xi32>
    %select_n3A_283 = arith.select %ge3A_278, %broadcast_in_dim3A_281, %broadcast_in_dim3A_282 : vector<16xi1>, vector<16xi32>
    %add3A_284 = arith.addi %add3A_275, %select_n3A_283 : vector<16xi32>
    %ge3A_285 = arith.constant 7174 : i32
    %ge3A_286 = vector.broadcast %ge3A_285 : i32 to vector<16xi32>
    %ge3A_287 = arith.cmpi sge, %add3A_237, %ge3A_286 : vector<16xi32>
    %jit3A_288 = arith.constant 1 : i32
    %jit3A_289 = arith.constant 0 : i32
    %broadcast_in_dim3A_290 = vector.broadcast %jit3A_288 : i32 to vector<16xi32>
    %broadcast_in_dim3A_291 = vector.broadcast %jit3A_289 : i32 to vector<16xi32>
    %select_n3A_292 = arith.select %ge3A_287, %broadcast_in_dim3A_290, %broadcast_in_dim3A_291 : vector<16xi1>, vector<16xi32>
    %add3A_293 = arith.addi %add3A_284, %select_n3A_292 : vector<16xi32>
    %ge3A_294 = arith.constant 7431 : i32
    %ge3A_295 = vector.broadcast %ge3A_294 : i32 to vector<16xi32>
    %ge3A_296 = arith.cmpi sge, %add3A_237, %ge3A_295 : vector<16xi32>
    %jit3A_297 = arith.constant 1 : i32
    %jit3A_298 = arith.constant 0 : i32
    %broadcast_in_dim3A_299 = vector.broadcast %jit3A_297 : i32 to vector<16xi32>
    %broadcast_in_dim3A_300 = vector.broadcast %jit3A_298 : i32 to vector<16xi32>
    %select_n3A_301 = arith.select %ge3A_296, %broadcast_in_dim3A_299, %broadcast_in_dim3A_300 : vector<16xi1>, vector<16xi32>
    %add3A_302 = arith.addi %add3A_293, %select_n3A_301 : vector<16xi32>
    %sub3A_303 = arith.subi %add3A_237, %add3A_302 : vector<16xi32>
    %min3A_304 = arith.constant 8191 : i32
    %min3A_305 = vector.broadcast %min3A_304 : i32 to vector<16xi32>
    %min3A_306 = arith.minsi %sub3A_303, %min3A_305 : vector<16xi32>
    %swap3A_307 = arith.constant 48 : index
    %swap3A_308 = tpu.vector_load %arg6[%swap3A_307] {strides = array<i32>} : memref<272xi32, #tpu.memory_space<vmem>>, vector<16xi32>,
    %swap3A_309 = vector.shape_cast %swap3A_308 : vector<16xi32> to vector<16xi32>
    %swap3A_310 = vector.shape_cast %min3A_306 : vector<16xi32> to vector<16xi32>
    tpu.vector_store %arg6[%swap3A_307], %swap3A_310 {strides = array<i32>} : memref<272xi32, #tpu.memory_space<vmem>>, vector<16xi32>,
    %iota3A_311 = tpu.iota {dimensions = array<i32: 0>} : vector<16xi32>
    %add3A_312 = arith.constant 64 : i32
    %add3A_313 = arith.addi %multiple_of3A, %add3A_312 : i32
    %add3A_314 = vector.broadcast %add3A_313 : i32 to vector<16xi32>
    %add3A_315 = arith.addi %iota3A_311, %add3A_314 : vector<16xi32>
    %broadcast_in_dim3A_316 = arith.constant 0 : i32
    %broadcast_in_dim3A_317 = vector.broadcast %broadcast_in_dim3A_316 : i32 to vector<16xi32>
    %ge3A_318 = arith.constant 2049 : i32
    %ge3A_319 = vector.broadcast %ge3A_318 : i32 to vector<16xi32>
    %ge3A_320 = arith.cmpi sge, %add3A_315, %ge3A_319 : vector<16xi32>
    %jit3A_321 = arith.constant 1 : i32
    %jit3A_322 = arith.constant 0 : i32
    %broadcast_in_dim3A_323 = vector.broadcast %jit3A_321 : i32 to vector<16xi32>
    %broadcast_in_dim3A_324 = vector.broadcast %jit3A_322 : i32 to vector<16xi32>
    %select_n3A_325 = arith.select %ge3A_320, %broadcast_in_dim3A_323, %broadcast_in_dim3A_324 : vector<16xi1>, vector<16xi32>
    %add3A_326 = arith.addi %broadcast_in_dim3A_317, %select_n3A_325 : vector<16xi32>
    %ge3A_327 = arith.constant 2562 : i32
    %ge3A_328 = vector.broadcast %ge3A_327 : i32 to vector<16xi32>
    %ge3A_329 = arith.cmpi sge, %add3A_315, %ge3A_328 : vector<16xi32>
    %jit3A_330 = arith.constant 1 : i32
    %jit3A_331 = arith.constant 0 : i32
    %broadcast_in_dim3A_332 = vector.broadcast %jit3A_330 : i32 to vector<16xi32>
    %broadcast_in_dim3A_333 = vector.broadcast %jit3A_331 : i32 to vector<16xi32>
    %select_n3A_334 = arith.select %ge3A_329, %broadcast_in_dim3A_332, %broadcast_in_dim3A_333 : vector<16xi1>, vector<16xi32>
    %add3A_335 = arith.addi %add3A_326, %select_n3A_334 : vector<16xi32>
    %ge3A_336 = arith.constant 3587 : i32
    %ge3A_337 = vector.broadcast %ge3A_336 : i32 to vector<16xi32>
    %ge3A_338 = arith.cmpi sge, %add3A_315, %ge3A_337 : vector<16xi32>
    %jit3A_339 = arith.constant 1 : i32
    %jit3A_340 = arith.constant 0 : i32
    %broadcast_in_dim3A_341 = vector.broadcast %jit3A_339 : i32 to vector<16xi32>
    %broadcast_in_dim3A_342 = vector.broadcast %jit3A_340 : i32 to vector<16xi32>
    %select_n3A_343 = arith.select %ge3A_338, %broadcast_in_dim3A_341, %broadcast_in_dim3A_342 : vector<16xi1>, vector<16xi32>
    %add3A_344 = arith.addi %add3A_335, %select_n3A_343 : vector<16xi32>
    %ge3A_345 = arith.constant 5124 : i32
    %ge3A_346 = vector.broadcast %ge3A_345 : i32 to vector<16xi32>
    %ge3A_347 = arith.cmpi sge, %add3A_315, %ge3A_346 : vector<16xi32>
    %jit3A_348 = arith.constant 1 : i32
    %jit3A_349 = arith.constant 0 : i32
    %broadcast_in_dim3A_350 = vector.broadcast %jit3A_348 : i32 to vector<16xi32>
    %broadcast_in_dim3A_351 = vector.broadcast %jit3A_349 : i32 to vector<16xi32>
    %select_n3A_352 = arith.select %ge3A_347, %broadcast_in_dim3A_350, %broadcast_in_dim3A_351 : vector<16xi1>, vector<16xi32>
    %add3A_353 = arith.addi %add3A_344, %select_n3A_352 : vector<16xi32>
    %ge3A_354 = arith.constant 5893 : i32
    %ge3A_355 = vector.broadcast %ge3A_354 : i32 to vector<16xi32>
    %ge3A_356 = arith.cmpi sge, %add3A_315, %ge3A_355 : vector<16xi32>
    %jit3A_357 = arith.constant 1 : i32
    %jit3A_358 = arith.constant 0 : i32
    %broadcast_in_dim3A_359 = vector.broadcast %jit3A_357 : i32 to vector<16xi32>
    %broadcast_in_dim3A_360 = vector.broadcast %jit3A_358 : i32 to vector<16xi32>
    %select_n3A_361 = arith.select %ge3A_356, %broadcast_in_dim3A_359, %broadcast_in_dim3A_360 : vector<16xi1>, vector<16xi32>
    %add3A_362 = arith.addi %add3A_353, %select_n3A_361 : vector<16xi32>
    %ge3A_363 = arith.constant 7174 : i32
    %ge3A_364 = vector.broadcast %ge3A_363 : i32 to vector<16xi32>
    %ge3A_365 = arith.cmpi sge, %add3A_315, %ge3A_364 : vector<16xi32>
    %jit3A_366 = arith.constant 1 : i32
    %jit3A_367 = arith.constant 0 : i32
    %broadcast_in_dim3A_368 = vector.broadcast %jit3A_366 : i32 to vector<16xi32>
    %broadcast_in_dim3A_369 = vector.broadcast %jit3A_367 : i32 to vector<16xi32>
    %select_n3A_370 = arith.select %ge3A_365, %broadcast_in_dim3A_368, %broadcast_in_dim3A_369 : vector<16xi1>, vector<16xi32>
    %add3A_371 = arith.addi %add3A_362, %select_n3A_370 : vector<16xi32>
    %ge3A_372 = arith.constant 7431 : i32
    %ge3A_373 = vector.broadcast %ge3A_372 : i32 to vector<16xi32>
    %ge3A_374 = arith.cmpi sge, %add3A_315, %ge3A_373 : vector<16xi32>
    %jit3A_375 = arith.constant 1 : i32
    %jit3A_376 = arith.constant 0 : i32
    %broadcast_in_dim3A_377 = vector.broadcast %jit3A_375 : i32 to vector<16xi32>
    %broadcast_in_dim3A_378 = vector.broadcast %jit3A_376 : i32 to vector<16xi32>
    %select_n3A_379 = arith.select %ge3A_374, %broadcast_in_dim3A_377, %broadcast_in_dim3A_378 : vector<16xi1>, vector<16xi32>
    %add3A_380 = arith.addi %add3A_371, %select_n3A_379 : vector<16xi32>
    %sub3A_381 = arith.subi %add3A_315, %add3A_380 : vector<16xi32>
    %min3A_382 = arith.constant 8191 : i32
    %min3A_383 = vector.broadcast %min3A_382 : i32 to vector<16xi32>
    %min3A_384 = arith.minsi %sub3A_381, %min3A_383 : vector<16xi32>
    %swap3A_385 = arith.constant 64 : index
    %swap3A_386 = tpu.vector_load %arg6[%swap3A_385] {strides = array<i32>} : memref<272xi32, #tpu.memory_space<vmem>>, vector<16xi32>,
    %swap3A_387 = vector.shape_cast %swap3A_386 : vector<16xi32> to vector<16xi32>
    %swap3A_388 = vector.shape_cast %min3A_384 : vector<16xi32> to vector<16xi32>
    tpu.vector_store %arg6[%swap3A_385], %swap3A_388 {strides = array<i32>} : memref<272xi32, #tpu.memory_space<vmem>>, vector<16xi32>,
    %iota3A_389 = tpu.iota {dimensions = array<i32: 0>} : vector<16xi32>
    %add3A_390 = arith.constant 80 : i32
    %add3A_391 = arith.addi %multiple_of3A, %add3A_390 : i32
    %add3A_392 = vector.broadcast %add3A_391 : i32 to vector<16xi32>
    %add3A_393 = arith.addi %iota3A_389, %add3A_392 : vector<16xi32>
    %broadcast_in_dim3A_394 = arith.constant 0 : i32
    %broadcast_in_dim3A_395 = vector.broadcast %broadcast_in_dim3A_394 : i32 to vector<16xi32>
    %ge3A_396 = arith.constant 2049 : i32
    %ge3A_397 = vector.broadcast %ge3A_396 : i32 to vector<16xi32>
    %ge3A_398 = arith.cmpi sge, %add3A_393, %ge3A_397 : vector<16xi32>
    %jit3A_399 = arith.constant 1 : i32
    %jit3A_400 = arith.constant 0 : i32
    %broadcast_in_dim3A_401 = vector.broadcast %jit3A_399 : i32 to vector<16xi32>
    %broadcast_in_dim3A_402 = vector.broadcast %jit3A_400 : i32 to vector<16xi32>
    %select_n3A_403 = arith.select %ge3A_398, %broadcast_in_dim3A_401, %broadcast_in_dim3A_402 : vector<16xi1>, vector<16xi32>
    %add3A_404 = arith.addi %broadcast_in_dim3A_395, %select_n3A_403 : vector<16xi32>
    %ge3A_405 = arith.constant 2562 : i32
    %ge3A_406 = vector.broadcast %ge3A_405 : i32 to vector<16xi32>
    %ge3A_407 = arith.cmpi sge, %add3A_393, %ge3A_406 : vector<16xi32>
    %jit3A_408 = arith.constant 1 : i32
    %jit3A_409 = arith.constant 0 : i32
    %broadcast_in_dim3A_410 = vector.broadcast %jit3A_408 : i32 to vector<16xi32>
    %broadcast_in_dim3A_411 = vector.broadcast %jit3A_409 : i32 to vector<16xi32>
    %select_n3A_412 = arith.select %ge3A_407, %broadcast_in_dim3A_410, %broadcast_in_dim3A_411 : vector<16xi1>, vector<16xi32>
    %add3A_413 = arith.addi %add3A_404, %select_n3A_412 : vector<16xi32>
    %ge3A_414 = arith.constant 3587 : i32
    %ge3A_415 = vector.broadcast %ge3A_414 : i32 to vector<16xi32>
    %ge3A_416 = arith.cmpi sge, %add3A_393, %ge3A_415 : vector<16xi32>
    %jit3A_417 = arith.constant 1 : i32
    %jit3A_418 = arith.constant 0 : i32
    %broadcast_in_dim3A_419 = vector.broadcast %jit3A_417 : i32 to vector<16xi32>
    %broadcast_in_dim3A_420 = vector.broadcast %jit3A_418 : i32 to vector<16xi32>
    %select_n3A_421 = arith.select %ge3A_416, %broadcast_in_dim3A_419, %broadcast_in_dim3A_420 : vector<16xi1>, vector<16xi32>
    %add3A_422 = arith.addi %add3A_413, %select_n3A_421 : vector<16xi32>
    %ge3A_423 = arith.constant 5124 : i32
    %ge3A_424 = vector.broadcast %ge3A_423 : i32 to vector<16xi32>
    %ge3A_425 = arith.cmpi sge, %add3A_393, %ge3A_424 : vector<16xi32>
    %jit3A_426 = arith.constant 1 : i32
    %jit3A_427 = arith.constant 0 : i32
    %broadcast_in_dim3A_428 = vector.broadcast %jit3A_426 : i32 to vector<16xi32>
    %broadcast_in_dim3A_429 = vector.broadcast %jit3A_427 : i32 to vector<16xi32>
    %select_n3A_430 = arith.select %ge3A_425, %broadcast_in_dim3A_428, %broadcast_in_dim3A_429 : vector<16xi1>, vector<16xi32>
    %add3A_431 = arith.addi %add3A_422, %select_n3A_430 : vector<16xi32>
    %ge3A_432 = arith.constant 5893 : i32
    %ge3A_433 = vector.broadcast %ge3A_432 : i32 to vector<16xi32>
    %ge3A_434 = arith.cmpi sge, %add3A_393, %ge3A_433 : vector<16xi32>
    %jit3A_435 = arith.constant 1 : i32
    %jit3A_436 = arith.constant 0 : i32
    %broadcast_in_dim3A_437 = vector.broadcast %jit3A_435 : i32 to vector<16xi32>
    %broadcast_in_dim3A_438 = vector.broadcast %jit3A_436 : i32 to vector<16xi32>
    %select_n3A_439 = arith.select %ge3A_434, %broadcast_in_dim3A_437, %broadcast_in_dim3A_438 : vector<16xi1>, vector<16xi32>
    %add3A_440 = arith.addi %add3A_431, %select_n3A_439 : vector<16xi32>
    %ge3A_441 = arith.constant 7174 : i32
    %ge3A_442 = vector.broadcast %ge3A_441 : i32 to vector<16xi32>
    %ge3A_443 = arith.cmpi sge, %add3A_393, %ge3A_442 : vector<16xi32>
    %jit3A_444 = arith.constant 1 : i32
    %jit3A_445 = arith.constant 0 : i32
    %broadcast_in_dim3A_446 = vector.broadcast %jit3A_444 : i32 to vector<16xi32>
    %broadcast_in_dim3A_447 = vector.broadcast %jit3A_445 : i32 to vector<16xi32>
    %select_n3A_448 = arith.select %ge3A_443, %broadcast_in_dim3A_446, %broadcast_in_dim3A_447 : vector<16xi1>, vector<16xi32>
    %add3A_449 = arith.addi %add3A_440, %select_n3A_448 : vector<16xi32>
    %ge3A_450 = arith.constant 7431 : i32
    %ge3A_451 = vector.broadcast %ge3A_450 : i32 to vector<16xi32>
    %ge3A_452 = arith.cmpi sge, %add3A_393, %ge3A_451 : vector<16xi32>
    %jit3A_453 = arith.constant 1 : i32
    %jit3A_454 = arith.constant 0 : i32
    %broadcast_in_dim3A_455 = vector.broadcast %jit3A_453 : i32 to vector<16xi32>
    %broadcast_in_dim3A_456 = vector.broadcast %jit3A_454 : i32 to vector<16xi32>
    %select_n3A_457 = arith.select %ge3A_452, %broadcast_in_dim3A_455, %broadcast_in_dim3A_456 : vector<16xi1>, vector<16xi32>
    %add3A_458 = arith.addi %add3A_449, %select_n3A_457 : vector<16xi32>
    %sub3A_459 = arith.subi %add3A_393, %add3A_458 : vector<16xi32>
    %min3A_460 = arith.constant 8191 : i32
    %min3A_461 = vector.broadcast %min3A_460 : i32 to vector<16xi32>
    %min3A_462 = arith.minsi %sub3A_459, %min3A_461 : vector<16xi32>
    %swap3A_463 = arith.constant 80 : index
    %swap3A_464 = tpu.vector_load %arg6[%swap3A_463] {strides = array<i32>} : memref<272xi32, #tpu.memory_space<vmem>>, vector<16xi32>,
    %swap3A_465 = vector.shape_cast %swap3A_464 : vector<16xi32> to vector<16xi32>
    %swap3A_466 = vector.shape_cast %min3A_462 : vector<16xi32> to vector<16xi32>
    tpu.vector_store %arg6[%swap3A_463], %swap3A_466 {strides = array<i32>} : memref<272xi32, #tpu.memory_space<vmem>>, vector<16xi32>,
    %iota3A_467 = tpu.iota {dimensions = array<i32: 0>} : vector<16xi32>
    %add3A_468 = arith.constant 96 : i32
    %add3A_469 = arith.addi %multiple_of3A, %add3A_468 : i32
    %add3A_470 = vector.broadcast %add3A_469 : i32 to vector<16xi32>
    %add3A_471 = arith.addi %iota3A_467, %add3A_470 : vector<16xi32>
    %broadcast_in_dim3A_472 = arith.constant 0 : i32
    %broadcast_in_dim3A_473 = vector.broadcast %broadcast_in_dim3A_472 : i32 to vector<16xi32>
    %ge3A_474 = arith.constant 2049 : i32
    %ge3A_475 = vector.broadcast %ge3A_474 : i32 to vector<16xi32>
    %ge3A_476 = arith.cmpi sge, %add3A_471, %ge3A_475 : vector<16xi32>
    %jit3A_477 = arith.constant 1 : i32
    %jit3A_478 = arith.constant 0 : i32
    %broadcast_in_dim3A_479 = vector.broadcast %jit3A_477 : i32 to vector<16xi32>
    %broadcast_in_dim3A_480 = vector.broadcast %jit3A_478 : i32 to vector<16xi32>
    %select_n3A_481 = arith.select %ge3A_476, %broadcast_in_dim3A_479, %broadcast_in_dim3A_480 : vector<16xi1>, vector<16xi32>
    %add3A_482 = arith.addi %broadcast_in_dim3A_473, %select_n3A_481 : vector<16xi32>
    %ge3A_483 = arith.constant 2562 : i32
    %ge3A_484 = vector.broadcast %ge3A_483 : i32 to vector<16xi32>
    %ge3A_485 = arith.cmpi sge, %add3A_471, %ge3A_484 : vector<16xi32>
    %jit3A_486 = arith.constant 1 : i32
    %jit3A_487 = arith.constant 0 : i32
    %broadcast_in_dim3A_488 = vector.broadcast %jit3A_486 : i32 to vector<16xi32>
    %broadcast_in_dim3A_489 = vector.broadcast %jit3A_487 : i32 to vector<16xi32>
    %select_n3A_490 = arith.select %ge3A_485, %broadcast_in_dim3A_488, %broadcast_in_dim3A_489 : vector<16xi1>, vector<16xi32>
    %add3A_491 = arith.addi %add3A_482, %select_n3A_490 : vector<16xi32>
    %ge3A_492 = arith.constant 3587 : i32
    %ge3A_493 = vector.broadcast %ge3A_492 : i32 to vector<16xi32>
    %ge3A_494 = arith.cmpi sge, %add3A_471, %ge3A_493 : vector<16xi32>
    %jit3A_495 = arith.constant 1 : i32
    %jit3A_496 = arith.constant 0 : i32
    %broadcast_in_dim3A_497 = vector.broadcast %jit3A_495 : i32 to vector<16xi32>
    %broadcast_in_dim3A_498 = vector.broadcast %jit3A_496 : i32 to vector<16xi32>
    %select_n3A_499 = arith.select %ge3A_494, %broadcast_in_dim3A_497, %broadcast_in_dim3A_498 : vector<16xi1>, vector<16xi32>
    %add3A_500 = arith.addi %add3A_491, %select_n3A_499 : vector<16xi32>
    %ge3A_501 = arith.constant 5124 : i32
    %ge3A_502 = vector.broadcast %ge3A_501 : i32 to vector<16xi32>
    %ge3A_503 = arith.cmpi sge, %add3A_471, %ge3A_502 : vector<16xi32>
    %jit3A_504 = arith.constant 1 : i32
    %jit3A_505 = arith.constant 0 : i32
    %broadcast_in_dim3A_506 = vector.broadcast %jit3A_504 : i32 to vector<16xi32>
    %broadcast_in_dim3A_507 = vector.broadcast %jit3A_505 : i32 to vector<16xi32>
    %select_n3A_508 = arith.select %ge3A_503, %broadcast_in_dim3A_506, %broadcast_in_dim3A_507 : vector<16xi1>, vector<16xi32>
    %add3A_509 = arith.addi %add3A_500, %select_n3A_508 : vector<16xi32>
    %ge3A_510 = arith.constant 5893 : i32
    %ge3A_511 = vector.broadcast %ge3A_510 : i32 to vector<16xi32>
    %ge3A_512 = arith.cmpi sge, %add3A_471, %ge3A_511 : vector<16xi32>
    %jit3A_513 = arith.constant 1 : i32
    %jit3A_514 = arith.constant 0 : i32
    %broadcast_in_dim3A_515 = vector.broadcast %jit3A_513 : i32 to vector<16xi32>
    %broadcast_in_dim3A_516 = vector.broadcast %jit3A_514 : i32 to vector<16xi32>
    %select_n3A_517 = arith.select %ge3A_512, %broadcast_in_dim3A_515, %broadcast_in_dim3A_516 : vector<16xi1>, vector<16xi32>
    %add3A_518 = arith.addi %add3A_509, %select_n3A_517 : vector<16xi32>
    %ge3A_519 = arith.constant 7174 : i32
    %ge3A_520 = vector.broadcast %ge3A_519 : i32 to vector<16xi32>
    %ge3A_521 = arith.cmpi sge, %add3A_471, %ge3A_520 : vector<16xi32>
    %jit3A_522 = arith.constant 1 : i32
    %jit3A_523 = arith.constant 0 : i32
    %broadcast_in_dim3A_524 = vector.broadcast %jit3A_522 : i32 to vector<16xi32>
    %broadcast_in_dim3A_525 = vector.broadcast %jit3A_523 : i32 to vector<16xi32>
    %select_n3A_526 = arith.select %ge3A_521, %broadcast_in_dim3A_524, %broadcast_in_dim3A_525 : vector<16xi1>, vector<16xi32>
    %add3A_527 = arith.addi %add3A_518, %select_n3A_526 : vector<16xi32>
    %ge3A_528 = arith.constant 7431 : i32
    %ge3A_529 = vector.broadcast %ge3A_528 : i32 to vector<16xi32>
    %ge3A_530 = arith.cmpi sge, %add3A_471, %ge3A_529 : vector<16xi32>
    %jit3A_531 = arith.constant 1 : i32
    %jit3A_532 = arith.constant 0 : i32
    %broadcast_in_dim3A_533 = vector.broadcast %jit3A_531 : i32 to vector<16xi32>
    %broadcast_in_dim3A_534 = vector.broadcast %jit3A_532 : i32 to vector<16xi32>
    %select_n3A_535 = arith.select %ge3A_530, %broadcast_in_dim3A_533, %broadcast_in_dim3A_534 : vector<16xi1>, vector<16xi32>
    %add3A_536 = arith.addi %add3A_527, %select_n3A_535 : vector<16xi32>
    %sub3A_537 = arith.subi %add3A_471, %add3A_536 : vector<16xi32>
    %min3A_538 = arith.constant 8191 : i32
    %min3A_539 = vector.broadcast %min3A_538 : i32 to vector<16xi32>
    %min3A_540 = arith.minsi %sub3A_537, %min3A_539 : vector<16xi32>
    %swap3A_541 = arith.constant 96 : index
    %swap3A_542 = tpu.vector_load %arg6[%swap3A_541] {strides = array<i32>} : memref<272xi32, #tpu.memory_space<vmem>>, vector<16xi32>,
    %swap3A_543 = vector.shape_cast %swap3A_542 : vector<16xi32> to vector<16xi32>
    %swap3A_544 = vector.shape_cast %min3A_540 : vector<16xi32> to vector<16xi32>
    tpu.vector_store %arg6[%swap3A_541], %swap3A_544 {strides = array<i32>} : memref<272xi32, #tpu.memory_space<vmem>>, vector<16xi32>,
    %iota3A_545 = tpu.iota {dimensions = array<i32: 0>} : vector<16xi32>
    %add3A_546 = arith.constant 112 : i32
    %add3A_547 = arith.addi %multiple_of3A, %add3A_546 : i32
    %add3A_548 = vector.broadcast %add3A_547 : i32 to vector<16xi32>
    %add3A_549 = arith.addi %iota3A_545, %add3A_548 : vector<16xi32>
    %broadcast_in_dim3A_550 = arith.constant 0 : i32
    %broadcast_in_dim3A_551 = vector.broadcast %broadcast_in_dim3A_550 : i32 to vector<16xi32>
    %ge3A_552 = arith.constant 2049 : i32
    %ge3A_553 = vector.broadcast %ge3A_552 : i32 to vector<16xi32>
    %ge3A_554 = arith.cmpi sge, %add3A_549, %ge3A_553 : vector<16xi32>
    %jit3A_555 = arith.constant 1 : i32
    %jit3A_556 = arith.constant 0 : i32
    %broadcast_in_dim3A_557 = vector.broadcast %jit3A_555 : i32 to vector<16xi32>
    %broadcast_in_dim3A_558 = vector.broadcast %jit3A_556 : i32 to vector<16xi32>
    %select_n3A_559 = arith.select %ge3A_554, %broadcast_in_dim3A_557, %broadcast_in_dim3A_558 : vector<16xi1>, vector<16xi32>
    %add3A_560 = arith.addi %broadcast_in_dim3A_551, %select_n3A_559 : vector<16xi32>
    %ge3A_561 = arith.constant 2562 : i32
    %ge3A_562 = vector.broadcast %ge3A_561 : i32 to vector<16xi32>
    %ge3A_563 = arith.cmpi sge, %add3A_549, %ge3A_562 : vector<16xi32>
    %jit3A_564 = arith.constant 1 : i32
    %jit3A_565 = arith.constant 0 : i32
    %broadcast_in_dim3A_566 = vector.broadcast %jit3A_564 : i32 to vector<16xi32>
    %broadcast_in_dim3A_567 = vector.broadcast %jit3A_565 : i32 to vector<16xi32>
    %select_n3A_568 = arith.select %ge3A_563, %broadcast_in_dim3A_566, %broadcast_in_dim3A_567 : vector<16xi1>, vector<16xi32>
    %add3A_569 = arith.addi %add3A_560, %select_n3A_568 : vector<16xi32>
    %ge3A_570 = arith.constant 3587 : i32
    %ge3A_571 = vector.broadcast %ge3A_570 : i32 to vector<16xi32>
    %ge3A_572 = arith.cmpi sge, %add3A_549, %ge3A_571 : vector<16xi32>
    %jit3A_573 = arith.constant 1 : i32
    %jit3A_574 = arith.constant 0 : i32
    %broadcast_in_dim3A_575 = vector.broadcast %jit3A_573 : i32 to vector<16xi32>
    %broadcast_in_dim3A_576 = vector.broadcast %jit3A_574 : i32 to vector<16xi32>
    %select_n3A_577 = arith.select %ge3A_572, %broadcast_in_dim3A_575, %broadcast_in_dim3A_576 : vector<16xi1>, vector<16xi32>
    %add3A_578 = arith.addi %add3A_569, %select_n3A_577 : vector<16xi32>
    %ge3A_579 = arith.constant 5124 : i32
    %ge3A_580 = vector.broadcast %ge3A_579 : i32 to vector<16xi32>
    %ge3A_581 = arith.cmpi sge, %add3A_549, %ge3A_580 : vector<16xi32>
    %jit3A_582 = arith.constant 1 : i32
    %jit3A_583 = arith.constant 0 : i32
    %broadcast_in_dim3A_584 = vector.broadcast %jit3A_582 : i32 to vector<16xi32>
    %broadcast_in_dim3A_585 = vector.broadcast %jit3A_583 : i32 to vector<16xi32>
    %select_n3A_586 = arith.select %ge3A_581, %broadcast_in_dim3A_584, %broadcast_in_dim3A_585 : vector<16xi1>, vector<16xi32>
    %add3A_587 = arith.addi %add3A_578, %select_n3A_586 : vector<16xi32>
    %ge3A_588 = arith.constant 5893 : i32
    %ge3A_589 = vector.broadcast %ge3A_588 : i32 to vector<16xi32>
    %ge3A_590 = arith.cmpi sge, %add3A_549, %ge3A_589 : vector<16xi32>
    %jit3A_591 = arith.constant 1 : i32
    %jit3A_592 = arith.constant 0 : i32
    %broadcast_in_dim3A_593 = vector.broadcast %jit3A_591 : i32 to vector<16xi32>
    %broadcast_in_dim3A_594 = vector.broadcast %jit3A_592 : i32 to vector<16xi32>
    %select_n3A_595 = arith.select %ge3A_590, %broadcast_in_dim3A_593, %broadcast_in_dim3A_594 : vector<16xi1>, vector<16xi32>
    %add3A_596 = arith.addi %add3A_587, %select_n3A_595 : vector<16xi32>
    %ge3A_597 = arith.constant 7174 : i32
    %ge3A_598 = vector.broadcast %ge3A_597 : i32 to vector<16xi32>
    %ge3A_599 = arith.cmpi sge, %add3A_549, %ge3A_598 : vector<16xi32>
    %jit3A_600 = arith.constant 1 : i32
    %jit3A_601 = arith.constant 0 : i32
    %broadcast_in_dim3A_602 = vector.broadcast %jit3A_600 : i32 to vector<16xi32>
    %broadcast_in_dim3A_603 = vector.broadcast %jit3A_601 : i32 to vector<16xi32>
    %select_n3A_604 = arith.select %ge3A_599, %broadcast_in_dim3A_602, %broadcast_in_dim3A_603 : vector<16xi1>, vector<16xi32>
    %add3A_605 = arith.addi %add3A_596, %select_n3A_604 : vector<16xi32>
    %ge3A_606 = arith.constant 7431 : i32
    %ge3A_607 = vector.broadcast %ge3A_606 : i32 to vector<16xi32>
    %ge3A_608 = arith.cmpi sge, %add3A_549, %ge3A_607 : vector<16xi32>
    %jit3A_609 = arith.constant 1 : i32
    %jit3A_610 = arith.constant 0 : i32
    %broadcast_in_dim3A_611 = vector.broadcast %jit3A_609 : i32 to vector<16xi32>
    %broadcast_in_dim3A_612 = vector.broadcast %jit3A_610 : i32 to vector<16xi32>
    %select_n3A_613 = arith.select %ge3A_608, %broadcast_in_dim3A_611, %broadcast_in_dim3A_612 : vector<16xi1>, vector<16xi32>
    %add3A_614 = arith.addi %add3A_605, %select_n3A_613 : vector<16xi32>
    %sub3A_615 = arith.subi %add3A_549, %add3A_614 : vector<16xi32>
    %min3A_616 = arith.constant 8191 : i32
    %min3A_617 = vector.broadcast %min3A_616 : i32 to vector<16xi32>
    %min3A_618 = arith.minsi %sub3A_615, %min3A_617 : vector<16xi32>
    %swap3A_619 = arith.constant 112 : index
    %swap3A_620 = tpu.vector_load %arg6[%swap3A_619] {strides = array<i32>} : memref<272xi32, #tpu.memory_space<vmem>>, vector<16xi32>,
    %swap3A_621 = vector.shape_cast %swap3A_620 : vector<16xi32> to vector<16xi32>
    %swap3A_622 = vector.shape_cast %min3A_618 : vector<16xi32> to vector<16xi32>
    tpu.vector_store %arg6[%swap3A_619], %swap3A_622 {strides = array<i32>} : memref<272xi32, #tpu.memory_space<vmem>>, vector<16xi32>,
    %iota3A_623 = tpu.iota {dimensions = array<i32: 0>} : vector<16xi32>
    %add3A_624 = arith.constant 128 : i32
    %add3A_625 = arith.addi %multiple_of3A, %add3A_624 : i32
    %add3A_626 = vector.broadcast %add3A_625 : i32 to vector<16xi32>
    %add3A_627 = arith.addi %iota3A_623, %add3A_626 : vector<16xi32>
    %broadcast_in_dim3A_628 = arith.constant 0 : i32
    %broadcast_in_dim3A_629 = vector.broadcast %broadcast_in_dim3A_628 : i32 to vector<16xi32>
    %ge3A_630 = arith.constant 2049 : i32
    %ge3A_631 = vector.broadcast %ge3A_630 : i32 to vector<16xi32>
    %ge3A_632 = arith.cmpi sge, %add3A_627, %ge3A_631 : vector<16xi32>
    %jit3A_633 = arith.constant 1 : i32
    %jit3A_634 = arith.constant 0 : i32
    %broadcast_in_dim3A_635 = vector.broadcast %jit3A_633 : i32 to vector<16xi32>
    %broadcast_in_dim3A_636 = vector.broadcast %jit3A_634 : i32 to vector<16xi32>
    %select_n3A_637 = arith.select %ge3A_632, %broadcast_in_dim3A_635, %broadcast_in_dim3A_636 : vector<16xi1>, vector<16xi32>
    %add3A_638 = arith.addi %broadcast_in_dim3A_629, %select_n3A_637 : vector<16xi32>
    %ge3A_639 = arith.constant 2562 : i32
    %ge3A_640 = vector.broadcast %ge3A_639 : i32 to vector<16xi32>
    %ge3A_641 = arith.cmpi sge, %add3A_627, %ge3A_640 : vector<16xi32>
    %jit3A_642 = arith.constant 1 : i32
    %jit3A_643 = arith.constant 0 : i32
    %broadcast_in_dim3A_644 = vector.broadcast %jit3A_642 : i32 to vector<16xi32>
    %broadcast_in_dim3A_645 = vector.broadcast %jit3A_643 : i32 to vector<16xi32>
    %select_n3A_646 = arith.select %ge3A_641, %broadcast_in_dim3A_644, %broadcast_in_dim3A_645 : vector<16xi1>, vector<16xi32>
    %add3A_647 = arith.addi %add3A_638, %select_n3A_646 : vector<16xi32>
    %ge3A_648 = arith.constant 3587 : i32
    %ge3A_649 = vector.broadcast %ge3A_648 : i32 to vector<16xi32>
    %ge3A_650 = arith.cmpi sge, %add3A_627, %ge3A_649 : vector<16xi32>
    %jit3A_651 = arith.constant 1 : i32
    %jit3A_652 = arith.constant 0 : i32
    %broadcast_in_dim3A_653 = vector.broadcast %jit3A_651 : i32 to vector<16xi32>
    %broadcast_in_dim3A_654 = vector.broadcast %jit3A_652 : i32 to vector<16xi32>
    %select_n3A_655 = arith.select %ge3A_650, %broadcast_in_dim3A_653, %broadcast_in_dim3A_654 : vector<16xi1>, vector<16xi32>
    %add3A_656 = arith.addi %add3A_647, %select_n3A_655 : vector<16xi32>
    %ge3A_657 = arith.constant 5124 : i32
    %ge3A_658 = vector.broadcast %ge3A_657 : i32 to vector<16xi32>
    %ge3A_659 = arith.cmpi sge, %add3A_627, %ge3A_658 : vector<16xi32>
    %jit3A_660 = arith.constant 1 : i32
    %jit3A_661 = arith.constant 0 : i32
    %broadcast_in_dim3A_662 = vector.broadcast %jit3A_660 : i32 to vector<16xi32>
    %broadcast_in_dim3A_663 = vector.broadcast %jit3A_661 : i32 to vector<16xi32>
    %select_n3A_664 = arith.select %ge3A_659, %broadcast_in_dim3A_662, %broadcast_in_dim3A_663 : vector<16xi1>, vector<16xi32>
    %add3A_665 = arith.addi %add3A_656, %select_n3A_664 : vector<16xi32>
    %ge3A_666 = arith.constant 5893 : i32
    %ge3A_667 = vector.broadcast %ge3A_666 : i32 to vector<16xi32>
    %ge3A_668 = arith.cmpi sge, %add3A_627, %ge3A_667 : vector<16xi32>
    %jit3A_669 = arith.constant 1 : i32
    %jit3A_670 = arith.constant 0 : i32
    %broadcast_in_dim3A_671 = vector.broadcast %jit3A_669 : i32 to vector<16xi32>
    %broadcast_in_dim3A_672 = vector.broadcast %jit3A_670 : i32 to vector<16xi32>
    %select_n3A_673 = arith.select %ge3A_668, %broadcast_in_dim3A_671, %broadcast_in_dim3A_672 : vector<16xi1>, vector<16xi32>
    %add3A_674 = arith.addi %add3A_665, %select_n3A_673 : vector<16xi32>
    %ge3A_675 = arith.constant 7174 : i32
    %ge3A_676 = vector.broadcast %ge3A_675 : i32 to vector<16xi32>
    %ge3A_677 = arith.cmpi sge, %add3A_627, %ge3A_676 : vector<16xi32>
    %jit3A_678 = arith.constant 1 : i32
    %jit3A_679 = arith.constant 0 : i32
    %broadcast_in_dim3A_680 = vector.broadcast %jit3A_678 : i32 to vector<16xi32>
    %broadcast_in_dim3A_681 = vector.broadcast %jit3A_679 : i32 to vector<16xi32>
    %select_n3A_682 = arith.select %ge3A_677, %broadcast_in_dim3A_680, %broadcast_in_dim3A_681 : vector<16xi1>, vector<16xi32>
    %add3A_683 = arith.addi %add3A_674, %select_n3A_682 : vector<16xi32>
    %ge3A_684 = arith.constant 7431 : i32
    %ge3A_685 = vector.broadcast %ge3A_684 : i32 to vector<16xi32>
    %ge3A_686 = arith.cmpi sge, %add3A_627, %ge3A_685 : vector<16xi32>
    %jit3A_687 = arith.constant 1 : i32
    %jit3A_688 = arith.constant 0 : i32
    %broadcast_in_dim3A_689 = vector.broadcast %jit3A_687 : i32 to vector<16xi32>
    %broadcast_in_dim3A_690 = vector.broadcast %jit3A_688 : i32 to vector<16xi32>
    %select_n3A_691 = arith.select %ge3A_686, %broadcast_in_dim3A_689, %broadcast_in_dim3A_690 : vector<16xi1>, vector<16xi32>
    %add3A_692 = arith.addi %add3A_683, %select_n3A_691 : vector<16xi32>
    %sub3A_693 = arith.subi %add3A_627, %add3A_692 : vector<16xi32>
    %min3A_694 = arith.constant 8191 : i32
    %min3A_695 = vector.broadcast %min3A_694 : i32 to vector<16xi32>
    %min3A_696 = arith.minsi %sub3A_693, %min3A_695 : vector<16xi32>
    %swap3A_697 = arith.constant 128 : index
    %swap3A_698 = tpu.vector_load %arg6[%swap3A_697] {strides = array<i32>} : memref<272xi32, #tpu.memory_space<vmem>>, vector<16xi32>,
    %swap3A_699 = vector.shape_cast %swap3A_698 : vector<16xi32> to vector<16xi32>
    %swap3A_700 = vector.shape_cast %min3A_696 : vector<16xi32> to vector<16xi32>
    tpu.vector_store %arg6[%swap3A_697], %swap3A_700 {strides = array<i32>} : memref<272xi32, #tpu.memory_space<vmem>>, vector<16xi32>,
    %iota3A_701 = tpu.iota {dimensions = array<i32: 0>} : vector<16xi32>
    %add3A_702 = arith.constant 144 : i32
    %add3A_703 = arith.addi %multiple_of3A, %add3A_702 : i32
    %add3A_704 = vector.broadcast %add3A_703 : i32 to vector<16xi32>
    %add3A_705 = arith.addi %iota3A_701, %add3A_704 : vector<16xi32>
    %broadcast_in_dim3A_706 = arith.constant 0 : i32
    %broadcast_in_dim3A_707 = vector.broadcast %broadcast_in_dim3A_706 : i32 to vector<16xi32>
    %ge3A_708 = arith.constant 2049 : i32
    %ge3A_709 = vector.broadcast %ge3A_708 : i32 to vector<16xi32>
    %ge3A_710 = arith.cmpi sge, %add3A_705, %ge3A_709 : vector<16xi32>
    %jit3A_711 = arith.constant 1 : i32
    %jit3A_712 = arith.constant 0 : i32
    %broadcast_in_dim3A_713 = vector.broadcast %jit3A_711 : i32 to vector<16xi32>
    %broadcast_in_dim3A_714 = vector.broadcast %jit3A_712 : i32 to vector<16xi32>
    %select_n3A_715 = arith.select %ge3A_710, %broadcast_in_dim3A_713, %broadcast_in_dim3A_714 : vector<16xi1>, vector<16xi32>
    %add3A_716 = arith.addi %broadcast_in_dim3A_707, %select_n3A_715 : vector<16xi32>
    %ge3A_717 = arith.constant 2562 : i32
    %ge3A_718 = vector.broadcast %ge3A_717 : i32 to vector<16xi32>
    %ge3A_719 = arith.cmpi sge, %add3A_705, %ge3A_718 : vector<16xi32>
    %jit3A_720 = arith.constant 1 : i32
    %jit3A_721 = arith.constant 0 : i32
    %broadcast_in_dim3A_722 = vector.broadcast %jit3A_720 : i32 to vector<16xi32>
    %broadcast_in_dim3A_723 = vector.broadcast %jit3A_721 : i32 to vector<16xi32>
    %select_n3A_724 = arith.select %ge3A_719, %broadcast_in_dim3A_722, %broadcast_in_dim3A_723 : vector<16xi1>, vector<16xi32>
    %add3A_725 = arith.addi %add3A_716, %select_n3A_724 : vector<16xi32>
    %ge3A_726 = arith.constant 3587 : i32
    %ge3A_727 = vector.broadcast %ge3A_726 : i32 to vector<16xi32>
    %ge3A_728 = arith.cmpi sge, %add3A_705, %ge3A_727 : vector<16xi32>
    %jit3A_729 = arith.constant 1 : i32
    %jit3A_730 = arith.constant 0 : i32
    %broadcast_in_dim3A_731 = vector.broadcast %jit3A_729 : i32 to vector<16xi32>
    %broadcast_in_dim3A_732 = vector.broadcast %jit3A_730 : i32 to vector<16xi32>
    %select_n3A_733 = arith.select %ge3A_728, %broadcast_in_dim3A_731, %broadcast_in_dim3A_732 : vector<16xi1>, vector<16xi32>
    %add3A_734 = arith.addi %add3A_725, %select_n3A_733 : vector<16xi32>
    %ge3A_735 = arith.constant 5124 : i32
    %ge3A_736 = vector.broadcast %ge3A_735 : i32 to vector<16xi32>
    %ge3A_737 = arith.cmpi sge, %add3A_705, %ge3A_736 : vector<16xi32>
    %jit3A_738 = arith.constant 1 : i32
    %jit3A_739 = arith.constant 0 : i32
    %broadcast_in_dim3A_740 = vector.broadcast %jit3A_738 : i32 to vector<16xi32>
    %broadcast_in_dim3A_741 = vector.broadcast %jit3A_739 : i32 to vector<16xi32>
    %select_n3A_742 = arith.select %ge3A_737, %broadcast_in_dim3A_740, %broadcast_in_dim3A_741 : vector<16xi1>, vector<16xi32>
    %add3A_743 = arith.addi %add3A_734, %select_n3A_742 : vector<16xi32>
    %ge3A_744 = arith.constant 5893 : i32
    %ge3A_745 = vector.broadcast %ge3A_744 : i32 to vector<16xi32>
    %ge3A_746 = arith.cmpi sge, %add3A_705, %ge3A_745 : vector<16xi32>
    %jit3A_747 = arith.constant 1 : i32
    %jit3A_748 = arith.constant 0 : i32
    %broadcast_in_dim3A_749 = vector.broadcast %jit3A_747 : i32 to vector<16xi32>
    %broadcast_in_dim3A_750 = vector.broadcast %jit3A_748 : i32 to vector<16xi32>
    %select_n3A_751 = arith.select %ge3A_746, %broadcast_in_dim3A_749, %broadcast_in_dim3A_750 : vector<16xi1>, vector<16xi32>
    %add3A_752 = arith.addi %add3A_743, %select_n3A_751 : vector<16xi32>
    %ge3A_753 = arith.constant 7174 : i32
    %ge3A_754 = vector.broadcast %ge3A_753 : i32 to vector<16xi32>
    %ge3A_755 = arith.cmpi sge, %add3A_705, %ge3A_754 : vector<16xi32>
    %jit3A_756 = arith.constant 1 : i32
    %jit3A_757 = arith.constant 0 : i32
    %broadcast_in_dim3A_758 = vector.broadcast %jit3A_756 : i32 to vector<16xi32>
    %broadcast_in_dim3A_759 = vector.broadcast %jit3A_757 : i32 to vector<16xi32>
    %select_n3A_760 = arith.select %ge3A_755, %broadcast_in_dim3A_758, %broadcast_in_dim3A_759 : vector<16xi1>, vector<16xi32>
    %add3A_761 = arith.addi %add3A_752, %select_n3A_760 : vector<16xi32>
    %ge3A_762 = arith.constant 7431 : i32
    %ge3A_763 = vector.broadcast %ge3A_762 : i32 to vector<16xi32>
    %ge3A_764 = arith.cmpi sge, %add3A_705, %ge3A_763 : vector<16xi32>
    %jit3A_765 = arith.constant 1 : i32
    %jit3A_766 = arith.constant 0 : i32
    %broadcast_in_dim3A_767 = vector.broadcast %jit3A_765 : i32 to vector<16xi32>
    %broadcast_in_dim3A_768 = vector.broadcast %jit3A_766 : i32 to vector<16xi32>
    %select_n3A_769 = arith.select %ge3A_764, %broadcast_in_dim3A_767, %broadcast_in_dim3A_768 : vector<16xi1>, vector<16xi32>
    %add3A_770 = arith.addi %add3A_761, %select_n3A_769 : vector<16xi32>
    %sub3A_771 = arith.subi %add3A_705, %add3A_770 : vector<16xi32>
    %min3A_772 = arith.constant 8191 : i32
    %min3A_773 = vector.broadcast %min3A_772 : i32 to vector<16xi32>
    %min3A_774 = arith.minsi %sub3A_771, %min3A_773 : vector<16xi32>
    %swap3A_775 = arith.constant 144 : index
    %swap3A_776 = tpu.vector_load %arg6[%swap3A_775] {strides = array<i32>} : memref<272xi32, #tpu.memory_space<vmem>>, vector<16xi32>,
    %swap3A_777 = vector.shape_cast %swap3A_776 : vector<16xi32> to vector<16xi32>
    %swap3A_778 = vector.shape_cast %min3A_774 : vector<16xi32> to vector<16xi32>
    tpu.vector_store %arg6[%swap3A_775], %swap3A_778 {strides = array<i32>} : memref<272xi32, #tpu.memory_space<vmem>>, vector<16xi32>,
    %iota3A_779 = tpu.iota {dimensions = array<i32: 0>} : vector<16xi32>
    %add3A_780 = arith.constant 160 : i32
    %add3A_781 = arith.addi %multiple_of3A, %add3A_780 : i32
    %add3A_782 = vector.broadcast %add3A_781 : i32 to vector<16xi32>
    %add3A_783 = arith.addi %iota3A_779, %add3A_782 : vector<16xi32>
    %broadcast_in_dim3A_784 = arith.constant 0 : i32
    %broadcast_in_dim3A_785 = vector.broadcast %broadcast_in_dim3A_784 : i32 to vector<16xi32>
    %ge3A_786 = arith.constant 2049 : i32
    %ge3A_787 = vector.broadcast %ge3A_786 : i32 to vector<16xi32>
    %ge3A_788 = arith.cmpi sge, %add3A_783, %ge3A_787 : vector<16xi32>
    %jit3A_789 = arith.constant 1 : i32
    %jit3A_790 = arith.constant 0 : i32
    %broadcast_in_dim3A_791 = vector.broadcast %jit3A_789 : i32 to vector<16xi32>
    %broadcast_in_dim3A_792 = vector.broadcast %jit3A_790 : i32 to vector<16xi32>
    %select_n3A_793 = arith.select %ge3A_788, %broadcast_in_dim3A_791, %broadcast_in_dim3A_792 : vector<16xi1>, vector<16xi32>
    %add3A_794 = arith.addi %broadcast_in_dim3A_785, %select_n3A_793 : vector<16xi32>
    %ge3A_795 = arith.constant 2562 : i32
    %ge3A_796 = vector.broadcast %ge3A_795 : i32 to vector<16xi32>
    %ge3A_797 = arith.cmpi sge, %add3A_783, %ge3A_796 : vector<16xi32>
    %jit3A_798 = arith.constant 1 : i32
    %jit3A_799 = arith.constant 0 : i32
    %broadcast_in_dim3A_800 = vector.broadcast %jit3A_798 : i32 to vector<16xi32>
    %broadcast_in_dim3A_801 = vector.broadcast %jit3A_799 : i32 to vector<16xi32>
    %select_n3A_802 = arith.select %ge3A_797, %broadcast_in_dim3A_800, %broadcast_in_dim3A_801 : vector<16xi1>, vector<16xi32>
    %add3A_803 = arith.addi %add3A_794, %select_n3A_802 : vector<16xi32>
    %ge3A_804 = arith.constant 3587 : i32
    %ge3A_805 = vector.broadcast %ge3A_804 : i32 to vector<16xi32>
    %ge3A_806 = arith.cmpi sge, %add3A_783, %ge3A_805 : vector<16xi32>
    %jit3A_807 = arith.constant 1 : i32
    %jit3A_808 = arith.constant 0 : i32
    %broadcast_in_dim3A_809 = vector.broadcast %jit3A_807 : i32 to vector<16xi32>
    %broadcast_in_dim3A_810 = vector.broadcast %jit3A_808 : i32 to vector<16xi32>
    %select_n3A_811 = arith.select %ge3A_806, %broadcast_in_dim3A_809, %broadcast_in_dim3A_810 : vector<16xi1>, vector<16xi32>
    %add3A_812 = arith.addi %add3A_803, %select_n3A_811 : vector<16xi32>
    %ge3A_813 = arith.constant 5124 : i32
    %ge3A_814 = vector.broadcast %ge3A_813 : i32 to vector<16xi32>
    %ge3A_815 = arith.cmpi sge, %add3A_783, %ge3A_814 : vector<16xi32>
    %jit3A_816 = arith.constant 1 : i32
    %jit3A_817 = arith.constant 0 : i32
    %broadcast_in_dim3A_818 = vector.broadcast %jit3A_816 : i32 to vector<16xi32>
    %broadcast_in_dim3A_819 = vector.broadcast %jit3A_817 : i32 to vector<16xi32>
    %select_n3A_820 = arith.select %ge3A_815, %broadcast_in_dim3A_818, %broadcast_in_dim3A_819 : vector<16xi1>, vector<16xi32>
    %add3A_821 = arith.addi %add3A_812, %select_n3A_820 : vector<16xi32>
    %ge3A_822 = arith.constant 5893 : i32
    %ge3A_823 = vector.broadcast %ge3A_822 : i32 to vector<16xi32>
    %ge3A_824 = arith.cmpi sge, %add3A_783, %ge3A_823 : vector<16xi32>
    %jit3A_825 = arith.constant 1 : i32
    %jit3A_826 = arith.constant 0 : i32
    %broadcast_in_dim3A_827 = vector.broadcast %jit3A_825 : i32 to vector<16xi32>
    %broadcast_in_dim3A_828 = vector.broadcast %jit3A_826 : i32 to vector<16xi32>
    %select_n3A_829 = arith.select %ge3A_824, %broadcast_in_dim3A_827, %broadcast_in_dim3A_828 : vector<16xi1>, vector<16xi32>
    %add3A_830 = arith.addi %add3A_821, %select_n3A_829 : vector<16xi32>
    %ge3A_831 = arith.constant 7174 : i32
    %ge3A_832 = vector.broadcast %ge3A_831 : i32 to vector<16xi32>
    %ge3A_833 = arith.cmpi sge, %add3A_783, %ge3A_832 : vector<16xi32>
    %jit3A_834 = arith.constant 1 : i32
    %jit3A_835 = arith.constant 0 : i32
    %broadcast_in_dim3A_836 = vector.broadcast %jit3A_834 : i32 to vector<16xi32>
    %broadcast_in_dim3A_837 = vector.broadcast %jit3A_835 : i32 to vector<16xi32>
    %select_n3A_838 = arith.select %ge3A_833, %broadcast_in_dim3A_836, %broadcast_in_dim3A_837 : vector<16xi1>, vector<16xi32>
    %add3A_839 = arith.addi %add3A_830, %select_n3A_838 : vector<16xi32>
    %ge3A_840 = arith.constant 7431 : i32
    %ge3A_841 = vector.broadcast %ge3A_840 : i32 to vector<16xi32>
    %ge3A_842 = arith.cmpi sge, %add3A_783, %ge3A_841 : vector<16xi32>
    %jit3A_843 = arith.constant 1 : i32
    %jit3A_844 = arith.constant 0 : i32
    %broadcast_in_dim3A_845 = vector.broadcast %jit3A_843 : i32 to vector<16xi32>
    %broadcast_in_dim3A_846 = vector.broadcast %jit3A_844 : i32 to vector<16xi32>
    %select_n3A_847 = arith.select %ge3A_842, %broadcast_in_dim3A_845, %broadcast_in_dim3A_846 : vector<16xi1>, vector<16xi32>
    %add3A_848 = arith.addi %add3A_839, %select_n3A_847 : vector<16xi32>
    %sub3A_849 = arith.subi %add3A_783, %add3A_848 : vector<16xi32>
    %min3A_850 = arith.constant 8191 : i32
    %min3A_851 = vector.broadcast %min3A_850 : i32 to vector<16xi32>
    %min3A_852 = arith.minsi %sub3A_849, %min3A_851 : vector<16xi32>
    %swap3A_853 = arith.constant 160 : index
    %swap3A_854 = tpu.vector_load %arg6[%swap3A_853] {strides = array<i32>} : memref<272xi32, #tpu.memory_space<vmem>>, vector<16xi32>,
    %swap3A_855 = vector.shape_cast %swap3A_854 : vector<16xi32> to vector<16xi32>
    %swap3A_856 = vector.shape_cast %min3A_852 : vector<16xi32> to vector<16xi32>
    tpu.vector_store %arg6[%swap3A_853], %swap3A_856 {strides = array<i32>} : memref<272xi32, #tpu.memory_space<vmem>>, vector<16xi32>,
    %iota3A_857 = tpu.iota {dimensions = array<i32: 0>} : vector<16xi32>
    %add3A_858 = arith.constant 176 : i32
    %add3A_859 = arith.addi %multiple_of3A, %add3A_858 : i32
    %add3A_860 = vector.broadcast %add3A_859 : i32 to vector<16xi32>
    %add3A_861 = arith.addi %iota3A_857, %add3A_860 : vector<16xi32>
    %broadcast_in_dim3A_862 = arith.constant 0 : i32
    %broadcast_in_dim3A_863 = vector.broadcast %broadcast_in_dim3A_862 : i32 to vector<16xi32>
    %ge3A_864 = arith.constant 2049 : i32
    %ge3A_865 = vector.broadcast %ge3A_864 : i32 to vector<16xi32>
    %ge3A_866 = arith.cmpi sge, %add3A_861, %ge3A_865 : vector<16xi32>
    %jit3A_867 = arith.constant 1 : i32
    %jit3A_868 = arith.constant 0 : i32
    %broadcast_in_dim3A_869 = vector.broadcast %jit3A_867 : i32 to vector<16xi32>
    %broadcast_in_dim3A_870 = vector.broadcast %jit3A_868 : i32 to vector<16xi32>
    %select_n3A_871 = arith.select %ge3A_866, %broadcast_in_dim3A_869, %broadcast_in_dim3A_870 : vector<16xi1>, vector<16xi32>
    %add3A_872 = arith.addi %broadcast_in_dim3A_863, %select_n3A_871 : vector<16xi32>
    %ge3A_873 = arith.constant 2562 : i32
    %ge3A_874 = vector.broadcast %ge3A_873 : i32 to vector<16xi32>
    %ge3A_875 = arith.cmpi sge, %add3A_861, %ge3A_874 : vector<16xi32>
    %jit3A_876 = arith.constant 1 : i32
    %jit3A_877 = arith.constant 0 : i32
    %broadcast_in_dim3A_878 = vector.broadcast %jit3A_876 : i32 to vector<16xi32>
    %broadcast_in_dim3A_879 = vector.broadcast %jit3A_877 : i32 to vector<16xi32>
    %select_n3A_880 = arith.select %ge3A_875, %broadcast_in_dim3A_878, %broadcast_in_dim3A_879 : vector<16xi1>, vector<16xi32>
    %add3A_881 = arith.addi %add3A_872, %select_n3A_880 : vector<16xi32>
    %ge3A_882 = arith.constant 3587 : i32
    %ge3A_883 = vector.broadcast %ge3A_882 : i32 to vector<16xi32>
    %ge3A_884 = arith.cmpi sge, %add3A_861, %ge3A_883 : vector<16xi32>
    %jit3A_885 = arith.constant 1 : i32
    %jit3A_886 = arith.constant 0 : i32
    %broadcast_in_dim3A_887 = vector.broadcast %jit3A_885 : i32 to vector<16xi32>
    %broadcast_in_dim3A_888 = vector.broadcast %jit3A_886 : i32 to vector<16xi32>
    %select_n3A_889 = arith.select %ge3A_884, %broadcast_in_dim3A_887, %broadcast_in_dim3A_888 : vector<16xi1>, vector<16xi32>
    %add3A_890 = arith.addi %add3A_881, %select_n3A_889 : vector<16xi32>
    %ge3A_891 = arith.constant 5124 : i32
    %ge3A_892 = vector.broadcast %ge3A_891 : i32 to vector<16xi32>
    %ge3A_893 = arith.cmpi sge, %add3A_861, %ge3A_892 : vector<16xi32>
    %jit3A_894 = arith.constant 1 : i32
    %jit3A_895 = arith.constant 0 : i32
    %broadcast_in_dim3A_896 = vector.broadcast %jit3A_894 : i32 to vector<16xi32>
    %broadcast_in_dim3A_897 = vector.broadcast %jit3A_895 : i32 to vector<16xi32>
    %select_n3A_898 = arith.select %ge3A_893, %broadcast_in_dim3A_896, %broadcast_in_dim3A_897 : vector<16xi1>, vector<16xi32>
    %add3A_899 = arith.addi %add3A_890, %select_n3A_898 : vector<16xi32>
    %ge3A_900 = arith.constant 5893 : i32
    %ge3A_901 = vector.broadcast %ge3A_900 : i32 to vector<16xi32>
    %ge3A_902 = arith.cmpi sge, %add3A_861, %ge3A_901 : vector<16xi32>
    %jit3A_903 = arith.constant 1 : i32
    %jit3A_904 = arith.constant 0 : i32
    %broadcast_in_dim3A_905 = vector.broadcast %jit3A_903 : i32 to vector<16xi32>
    %broadcast_in_dim3A_906 = vector.broadcast %jit3A_904 : i32 to vector<16xi32>
    %select_n3A_907 = arith.select %ge3A_902, %broadcast_in_dim3A_905, %broadcast_in_dim3A_906 : vector<16xi1>, vector<16xi32>
    %add3A_908 = arith.addi %add3A_899, %select_n3A_907 : vector<16xi32>
    %ge3A_909 = arith.constant 7174 : i32
    %ge3A_910 = vector.broadcast %ge3A_909 : i32 to vector<16xi32>
    %ge3A_911 = arith.cmpi sge, %add3A_861, %ge3A_910 : vector<16xi32>
    %jit3A_912 = arith.constant 1 : i32
    %jit3A_913 = arith.constant 0 : i32
    %broadcast_in_dim3A_914 = vector.broadcast %jit3A_912 : i32 to vector<16xi32>
    %broadcast_in_dim3A_915 = vector.broadcast %jit3A_913 : i32 to vector<16xi32>
    %select_n3A_916 = arith.select %ge3A_911, %broadcast_in_dim3A_914, %broadcast_in_dim3A_915 : vector<16xi1>, vector<16xi32>
    %add3A_917 = arith.addi %add3A_908, %select_n3A_916 : vector<16xi32>
    %ge3A_918 = arith.constant 7431 : i32
    %ge3A_919 = vector.broadcast %ge3A_918 : i32 to vector<16xi32>
    %ge3A_920 = arith.cmpi sge, %add3A_861, %ge3A_919 : vector<16xi32>
    %jit3A_921 = arith.constant 1 : i32
    %jit3A_922 = arith.constant 0 : i32
    %broadcast_in_dim3A_923 = vector.broadcast %jit3A_921 : i32 to vector<16xi32>
    %broadcast_in_dim3A_924 = vector.broadcast %jit3A_922 : i32 to vector<16xi32>
    %select_n3A_925 = arith.select %ge3A_920, %broadcast_in_dim3A_923, %broadcast_in_dim3A_924 : vector<16xi1>, vector<16xi32>
    %add3A_926 = arith.addi %add3A_917, %select_n3A_925 : vector<16xi32>
    %sub3A_927 = arith.subi %add3A_861, %add3A_926 : vector<16xi32>
    %min3A_928 = arith.constant 8191 : i32
    %min3A_929 = vector.broadcast %min3A_928 : i32 to vector<16xi32>
    %min3A_930 = arith.minsi %sub3A_927, %min3A_929 : vector<16xi32>
    %swap3A_931 = arith.constant 176 : index
    %swap3A_932 = tpu.vector_load %arg6[%swap3A_931] {strides = array<i32>} : memref<272xi32, #tpu.memory_space<vmem>>, vector<16xi32>,
    %swap3A_933 = vector.shape_cast %swap3A_932 : vector<16xi32> to vector<16xi32>
    %swap3A_934 = vector.shape_cast %min3A_930 : vector<16xi32> to vector<16xi32>
    tpu.vector_store %arg6[%swap3A_931], %swap3A_934 {strides = array<i32>} : memref<272xi32, #tpu.memory_space<vmem>>, vector<16xi32>,
    %iota3A_935 = tpu.iota {dimensions = array<i32: 0>} : vector<16xi32>
    %add3A_936 = arith.constant 192 : i32
    %add3A_937 = arith.addi %multiple_of3A, %add3A_936 : i32
    %add3A_938 = vector.broadcast %add3A_937 : i32 to vector<16xi32>
    %add3A_939 = arith.addi %iota3A_935, %add3A_938 : vector<16xi32>
    %broadcast_in_dim3A_940 = arith.constant 0 : i32
    %broadcast_in_dim3A_941 = vector.broadcast %broadcast_in_dim3A_940 : i32 to vector<16xi32>
    %ge3A_942 = arith.constant 2049 : i32
    %ge3A_943 = vector.broadcast %ge3A_942 : i32 to vector<16xi32>
    %ge3A_944 = arith.cmpi sge, %add3A_939, %ge3A_943 : vector<16xi32>
    %jit3A_945 = arith.constant 1 : i32
    %jit3A_946 = arith.constant 0 : i32
    %broadcast_in_dim3A_947 = vector.broadcast %jit3A_945 : i32 to vector<16xi32>
    %broadcast_in_dim3A_948 = vector.broadcast %jit3A_946 : i32 to vector<16xi32>
    %select_n3A_949 = arith.select %ge3A_944, %broadcast_in_dim3A_947, %broadcast_in_dim3A_948 : vector<16xi1>, vector<16xi32>
    %add3A_950 = arith.addi %broadcast_in_dim3A_941, %select_n3A_949 : vector<16xi32>
    %ge3A_951 = arith.constant 2562 : i32
    %ge3A_952 = vector.broadcast %ge3A_951 : i32 to vector<16xi32>
    %ge3A_953 = arith.cmpi sge, %add3A_939, %ge3A_952 : vector<16xi32>
    %jit3A_954 = arith.constant 1 : i32
    %jit3A_955 = arith.constant 0 : i32
    %broadcast_in_dim3A_956 = vector.broadcast %jit3A_954 : i32 to vector<16xi32>
    %broadcast_in_dim3A_957 = vector.broadcast %jit3A_955 : i32 to vector<16xi32>
    %select_n3A_958 = arith.select %ge3A_953, %broadcast_in_dim3A_956, %broadcast_in_dim3A_957 : vector<16xi1>, vector<16xi32>
    %add3A_959 = arith.addi %add3A_950, %select_n3A_958 : vector<16xi32>
    %ge3A_960 = arith.constant 3587 : i32
    %ge3A_961 = vector.broadcast %ge3A_960 : i32 to vector<16xi32>
    %ge3A_962 = arith.cmpi sge, %add3A_939, %ge3A_961 : vector<16xi32>
    %jit3A_963 = arith.constant 1 : i32
    %jit3A_964 = arith.constant 0 : i32
    %broadcast_in_dim3A_965 = vector.broadcast %jit3A_963 : i32 to vector<16xi32>
    %broadcast_in_dim3A_966 = vector.broadcast %jit3A_964 : i32 to vector<16xi32>
    %select_n3A_967 = arith.select %ge3A_962, %broadcast_in_dim3A_965, %broadcast_in_dim3A_966 : vector<16xi1>, vector<16xi32>
    %add3A_968 = arith.addi %add3A_959, %select_n3A_967 : vector<16xi32>
    %ge3A_969 = arith.constant 5124 : i32
    %ge3A_970 = vector.broadcast %ge3A_969 : i32 to vector<16xi32>
    %ge3A_971 = arith.cmpi sge, %add3A_939, %ge3A_970 : vector<16xi32>
    %jit3A_972 = arith.constant 1 : i32
    %jit3A_973 = arith.constant 0 : i32
    %broadcast_in_dim3A_974 = vector.broadcast %jit3A_972 : i32 to vector<16xi32>
    %broadcast_in_dim3A_975 = vector.broadcast %jit3A_973 : i32 to vector<16xi32>
    %select_n3A_976 = arith.select %ge3A_971, %broadcast_in_dim3A_974, %broadcast_in_dim3A_975 : vector<16xi1>, vector<16xi32>
    %add3A_977 = arith.addi %add3A_968, %select_n3A_976 : vector<16xi32>
    %ge3A_978 = arith.constant 5893 : i32
    %ge3A_979 = vector.broadcast %ge3A_978 : i32 to vector<16xi32>
    %ge3A_980 = arith.cmpi sge, %add3A_939, %ge3A_979 : vector<16xi32>
    %jit3A_981 = arith.constant 1 : i32
    %jit3A_982 = arith.constant 0 : i32
    %broadcast_in_dim3A_983 = vector.broadcast %jit3A_981 : i32 to vector<16xi32>
    %broadcast_in_dim3A_984 = vector.broadcast %jit3A_982 : i32 to vector<16xi32>
    %select_n3A_985 = arith.select %ge3A_980, %broadcast_in_dim3A_983, %broadcast_in_dim3A_984 : vector<16xi1>, vector<16xi32>
    %add3A_986 = arith.addi %add3A_977, %select_n3A_985 : vector<16xi32>
    %ge3A_987 = arith.constant 7174 : i32
    %ge3A_988 = vector.broadcast %ge3A_987 : i32 to vector<16xi32>
    %ge3A_989 = arith.cmpi sge, %add3A_939, %ge3A_988 : vector<16xi32>
    %jit3A_990 = arith.constant 1 : i32
    %jit3A_991 = arith.constant 0 : i32
    %broadcast_in_dim3A_992 = vector.broadcast %jit3A_990 : i32 to vector<16xi32>
    %broadcast_in_dim3A_993 = vector.broadcast %jit3A_991 : i32 to vector<16xi32>
    %select_n3A_994 = arith.select %ge3A_989, %broadcast_in_dim3A_992, %broadcast_in_dim3A_993 : vector<16xi1>, vector<16xi32>
    %add3A_995 = arith.addi %add3A_986, %select_n3A_994 : vector<16xi32>
    %ge3A_996 = arith.constant 7431 : i32
    %ge3A_997 = vector.broadcast %ge3A_996 : i32 to vector<16xi32>
    %ge3A_998 = arith.cmpi sge, %add3A_939, %ge3A_997 : vector<16xi32>
    %jit3A_999 = arith.constant 1 : i32
    %jit3A_1000 = arith.constant 0 : i32
    %broadcast_in_dim3A_1001 = vector.broadcast %jit3A_999 : i32 to vector<16xi32>
    %broadcast_in_dim3A_1002 = vector.broadcast %jit3A_1000 : i32 to vector<16xi32>
    %select_n3A_1003 = arith.select %ge3A_998, %broadcast_in_dim3A_1001, %broadcast_in_dim3A_1002 : vector<16xi1>, vector<16xi32>
    %add3A_1004 = arith.addi %add3A_995, %select_n3A_1003 : vector<16xi32>
    %sub3A_1005 = arith.subi %add3A_939, %add3A_1004 : vector<16xi32>
    %min3A_1006 = arith.constant 8191 : i32
    %min3A_1007 = vector.broadcast %min3A_1006 : i32 to vector<16xi32>
    %min3A_1008 = arith.minsi %sub3A_1005, %min3A_1007 : vector<16xi32>
    %swap3A_1009 = arith.constant 192 : index
    %swap3A_1010 = tpu.vector_load %arg6[%swap3A_1009] {strides = array<i32>} : memref<272xi32, #tpu.memory_space<vmem>>, vector<16xi32>,
    %swap3A_1011 = vector.shape_cast %swap3A_1010 : vector<16xi32> to vector<16xi32>
    %swap3A_1012 = vector.shape_cast %min3A_1008 : vector<16xi32> to vector<16xi32>
    tpu.vector_store %arg6[%swap3A_1009], %swap3A_1012 {strides = array<i32>} : memref<272xi32, #tpu.memory_space<vmem>>, vector<16xi32>,
    %iota3A_1013 = tpu.iota {dimensions = array<i32: 0>} : vector<16xi32>
    %add3A_1014 = arith.constant 208 : i32
    %add3A_1015 = arith.addi %multiple_of3A, %add3A_1014 : i32
    %add3A_1016 = vector.broadcast %add3A_1015 : i32 to vector<16xi32>
    %add3A_1017 = arith.addi %iota3A_1013, %add3A_1016 : vector<16xi32>
    %broadcast_in_dim3A_1018 = arith.constant 0 : i32
    %broadcast_in_dim3A_1019 = vector.broadcast %broadcast_in_dim3A_1018 : i32 to vector<16xi32>
    %ge3A_1020 = arith.constant 2049 : i32
    %ge3A_1021 = vector.broadcast %ge3A_1020 : i32 to vector<16xi32>
    %ge3A_1022 = arith.cmpi sge, %add3A_1017, %ge3A_1021 : vector<16xi32>
    %jit3A_1023 = arith.constant 1 : i32
    %jit3A_1024 = arith.constant 0 : i32
    %broadcast_in_dim3A_1025 = vector.broadcast %jit3A_1023 : i32 to vector<16xi32>
    %broadcast_in_dim3A_1026 = vector.broadcast %jit3A_1024 : i32 to vector<16xi32>
    %select_n3A_1027 = arith.select %ge3A_1022, %broadcast_in_dim3A_1025, %broadcast_in_dim3A_1026 : vector<16xi1>, vector<16xi32>
    %add3A_1028 = arith.addi %broadcast_in_dim3A_1019, %select_n3A_1027 : vector<16xi32>
    %ge3A_1029 = arith.constant 2562 : i32
    %ge3A_1030 = vector.broadcast %ge3A_1029 : i32 to vector<16xi32>
    %ge3A_1031 = arith.cmpi sge, %add3A_1017, %ge3A_1030 : vector<16xi32>
    %jit3A_1032 = arith.constant 1 : i32
    %jit3A_1033 = arith.constant 0 : i32
    %broadcast_in_dim3A_1034 = vector.broadcast %jit3A_1032 : i32 to vector<16xi32>
    %broadcast_in_dim3A_1035 = vector.broadcast %jit3A_1033 : i32 to vector<16xi32>
    %select_n3A_1036 = arith.select %ge3A_1031, %broadcast_in_dim3A_1034, %broadcast_in_dim3A_1035 : vector<16xi1>, vector<16xi32>
    %add3A_1037 = arith.addi %add3A_1028, %select_n3A_1036 : vector<16xi32>
    %ge3A_1038 = arith.constant 3587 : i32
    %ge3A_1039 = vector.broadcast %ge3A_1038 : i32 to vector<16xi32>
    %ge3A_1040 = arith.cmpi sge, %add3A_1017, %ge3A_1039 : vector<16xi32>
    %jit3A_1041 = arith.constant 1 : i32
    %jit3A_1042 = arith.constant 0 : i32
    %broadcast_in_dim3A_1043 = vector.broadcast %jit3A_1041 : i32 to vector<16xi32>
    %broadcast_in_dim3A_1044 = vector.broadcast %jit3A_1042 : i32 to vector<16xi32>
    %select_n3A_1045 = arith.select %ge3A_1040, %broadcast_in_dim3A_1043, %broadcast_in_dim3A_1044 : vector<16xi1>, vector<16xi32>
    %add3A_1046 = arith.addi %add3A_1037, %select_n3A_1045 : vector<16xi32>
    %ge3A_1047 = arith.constant 5124 : i32
    %ge3A_1048 = vector.broadcast %ge3A_1047 : i32 to vector<16xi32>
    %ge3A_1049 = arith.cmpi sge, %add3A_1017, %ge3A_1048 : vector<16xi32>
    %jit3A_1050 = arith.constant 1 : i32
    %jit3A_1051 = arith.constant 0 : i32
    %broadcast_in_dim3A_1052 = vector.broadcast %jit3A_1050 : i32 to vector<16xi32>
    %broadcast_in_dim3A_1053 = vector.broadcast %jit3A_1051 : i32 to vector<16xi32>
    %select_n3A_1054 = arith.select %ge3A_1049, %broadcast_in_dim3A_1052, %broadcast_in_dim3A_1053 : vector<16xi1>, vector<16xi32>
    %add3A_1055 = arith.addi %add3A_1046, %select_n3A_1054 : vector<16xi32>
    %ge3A_1056 = arith.constant 5893 : i32
    %ge3A_1057 = vector.broadcast %ge3A_1056 : i32 to vector<16xi32>
    %ge3A_1058 = arith.cmpi sge, %add3A_1017, %ge3A_1057 : vector<16xi32>
    %jit3A_1059 = arith.constant 1 : i32
    %jit3A_1060 = arith.constant 0 : i32
    %broadcast_in_dim3A_1061 = vector.broadcast %jit3A_1059 : i32 to vector<16xi32>
    %broadcast_in_dim3A_1062 = vector.broadcast %jit3A_1060 : i32 to vector<16xi32>
    %select_n3A_1063 = arith.select %ge3A_1058, %broadcast_in_dim3A_1061, %broadcast_in_dim3A_1062 : vector<16xi1>, vector<16xi32>
    %add3A_1064 = arith.addi %add3A_1055, %select_n3A_1063 : vector<16xi32>
    %ge3A_1065 = arith.constant 7174 : i32
    %ge3A_1066 = vector.broadcast %ge3A_1065 : i32 to vector<16xi32>
    %ge3A_1067 = arith.cmpi sge, %add3A_1017, %ge3A_1066 : vector<16xi32>
    %jit3A_1068 = arith.constant 1 : i32
    %jit3A_1069 = arith.constant 0 : i32
    %broadcast_in_dim3A_1070 = vector.broadcast %jit3A_1068 : i32 to vector<16xi32>
    %broadcast_in_dim3A_1071 = vector.broadcast %jit3A_1069 : i32 to vector<16xi32>
    %select_n3A_1072 = arith.select %ge3A_1067, %broadcast_in_dim3A_1070, %broadcast_in_dim3A_1071 : vector<16xi1>, vector<16xi32>
    %add3A_1073 = arith.addi %add3A_1064, %select_n3A_1072 : vector<16xi32>
    %ge3A_1074 = arith.constant 7431 : i32
    %ge3A_1075 = vector.broadcast %ge3A_1074 : i32 to vector<16xi32>
    %ge3A_1076 = arith.cmpi sge, %add3A_1017, %ge3A_1075 : vector<16xi32>
    %jit3A_1077 = arith.constant 1 : i32
    %jit3A_1078 = arith.constant 0 : i32
    %broadcast_in_dim3A_1079 = vector.broadcast %jit3A_1077 : i32 to vector<16xi32>
    %broadcast_in_dim3A_1080 = vector.broadcast %jit3A_1078 : i32 to vector<16xi32>
    %select_n3A_1081 = arith.select %ge3A_1076, %broadcast_in_dim3A_1079, %broadcast_in_dim3A_1080 : vector<16xi1>, vector<16xi32>
    %add3A_1082 = arith.addi %add3A_1073, %select_n3A_1081 : vector<16xi32>
    %sub3A_1083 = arith.subi %add3A_1017, %add3A_1082 : vector<16xi32>
    %min3A_1084 = arith.constant 8191 : i32
    %min3A_1085 = vector.broadcast %min3A_1084 : i32 to vector<16xi32>
    %min3A_1086 = arith.minsi %sub3A_1083, %min3A_1085 : vector<16xi32>
    %swap3A_1087 = arith.constant 208 : index
    %swap3A_1088 = tpu.vector_load %arg6[%swap3A_1087] {strides = array<i32>} : memref<272xi32, #tpu.memory_space<vmem>>, vector<16xi32>,
    %swap3A_1089 = vector.shape_cast %swap3A_1088 : vector<16xi32> to vector<16xi32>
    %swap3A_1090 = vector.shape_cast %min3A_1086 : vector<16xi32> to vector<16xi32>
    tpu.vector_store %arg6[%swap3A_1087], %swap3A_1090 {strides = array<i32>} : memref<272xi32, #tpu.memory_space<vmem>>, vector<16xi32>,
    %iota3A_1091 = tpu.iota {dimensions = array<i32: 0>} : vector<16xi32>
    %add3A_1092 = arith.constant 224 : i32
    %add3A_1093 = arith.addi %multiple_of3A, %add3A_1092 : i32
    %add3A_1094 = vector.broadcast %add3A_1093 : i32 to vector<16xi32>
    %add3A_1095 = arith.addi %iota3A_1091, %add3A_1094 : vector<16xi32>
    %broadcast_in_dim3A_1096 = arith.constant 0 : i32
    %broadcast_in_dim3A_1097 = vector.broadcast %broadcast_in_dim3A_1096 : i32 to vector<16xi32>
    %ge3A_1098 = arith.constant 2049 : i32
    %ge3A_1099 = vector.broadcast %ge3A_1098 : i32 to vector<16xi32>
    %ge3A_1100 = arith.cmpi sge, %add3A_1095, %ge3A_1099 : vector<16xi32>
    %jit3A_1101 = arith.constant 1 : i32
    %jit3A_1102 = arith.constant 0 : i32
    %broadcast_in_dim3A_1103 = vector.broadcast %jit3A_1101 : i32 to vector<16xi32>
    %broadcast_in_dim3A_1104 = vector.broadcast %jit3A_1102 : i32 to vector<16xi32>
    %select_n3A_1105 = arith.select %ge3A_1100, %broadcast_in_dim3A_1103, %broadcast_in_dim3A_1104 : vector<16xi1>, vector<16xi32>
    %add3A_1106 = arith.addi %broadcast_in_dim3A_1097, %select_n3A_1105 : vector<16xi32>
    %ge3A_1107 = arith.constant 2562 : i32
    %ge3A_1108 = vector.broadcast %ge3A_1107 : i32 to vector<16xi32>
    %ge3A_1109 = arith.cmpi sge, %add3A_1095, %ge3A_1108 : vector<16xi32>
    %jit3A_1110 = arith.constant 1 : i32
    %jit3A_1111 = arith.constant 0 : i32
    %broadcast_in_dim3A_1112 = vector.broadcast %jit3A_1110 : i32 to vector<16xi32>
    %broadcast_in_dim3A_1113 = vector.broadcast %jit3A_1111 : i32 to vector<16xi32>
    %select_n3A_1114 = arith.select %ge3A_1109, %broadcast_in_dim3A_1112, %broadcast_in_dim3A_1113 : vector<16xi1>, vector<16xi32>
    %add3A_1115 = arith.addi %add3A_1106, %select_n3A_1114 : vector<16xi32>
    %ge3A_1116 = arith.constant 3587 : i32
    %ge3A_1117 = vector.broadcast %ge3A_1116 : i32 to vector<16xi32>
    %ge3A_1118 = arith.cmpi sge, %add3A_1095, %ge3A_1117 : vector<16xi32>
    %jit3A_1119 = arith.constant 1 : i32
    %jit3A_1120 = arith.constant 0 : i32
    %broadcast_in_dim3A_1121 = vector.broadcast %jit3A_1119 : i32 to vector<16xi32>
    %broadcast_in_dim3A_1122 = vector.broadcast %jit3A_1120 : i32 to vector<16xi32>
    %select_n3A_1123 = arith.select %ge3A_1118, %broadcast_in_dim3A_1121, %broadcast_in_dim3A_1122 : vector<16xi1>, vector<16xi32>
    %add3A_1124 = arith.addi %add3A_1115, %select_n3A_1123 : vector<16xi32>
    %ge3A_1125 = arith.constant 5124 : i32
    %ge3A_1126 = vector.broadcast %ge3A_1125 : i32 to vector<16xi32>
    %ge3A_1127 = arith.cmpi sge, %add3A_1095, %ge3A_1126 : vector<16xi32>
    %jit3A_1128 = arith.constant 1 : i32
    %jit3A_1129 = arith.constant 0 : i32
    %broadcast_in_dim3A_1130 = vector.broadcast %jit3A_1128 : i32 to vector<16xi32>
    %broadcast_in_dim3A_1131 = vector.broadcast %jit3A_1129 : i32 to vector<16xi32>
    %select_n3A_1132 = arith.select %ge3A_1127, %broadcast_in_dim3A_1130, %broadcast_in_dim3A_1131 : vector<16xi1>, vector<16xi32>
    %add3A_1133 = arith.addi %add3A_1124, %select_n3A_1132 : vector<16xi32>
    %ge3A_1134 = arith.constant 5893 : i32
    %ge3A_1135 = vector.broadcast %ge3A_1134 : i32 to vector<16xi32>
    %ge3A_1136 = arith.cmpi sge, %add3A_1095, %ge3A_1135 : vector<16xi32>
    %jit3A_1137 = arith.constant 1 : i32
    %jit3A_1138 = arith.constant 0 : i32
    %broadcast_in_dim3A_1139 = vector.broadcast %jit3A_1137 : i32 to vector<16xi32>
    %broadcast_in_dim3A_1140 = vector.broadcast %jit3A_1138 : i32 to vector<16xi32>
    %select_n3A_1141 = arith.select %ge3A_1136, %broadcast_in_dim3A_1139, %broadcast_in_dim3A_1140 : vector<16xi1>, vector<16xi32>
    %add3A_1142 = arith.addi %add3A_1133, %select_n3A_1141 : vector<16xi32>
    %ge3A_1143 = arith.constant 7174 : i32
    %ge3A_1144 = vector.broadcast %ge3A_1143 : i32 to vector<16xi32>
    %ge3A_1145 = arith.cmpi sge, %add3A_1095, %ge3A_1144 : vector<16xi32>
    %jit3A_1146 = arith.constant 1 : i32
    %jit3A_1147 = arith.constant 0 : i32
    %broadcast_in_dim3A_1148 = vector.broadcast %jit3A_1146 : i32 to vector<16xi32>
    %broadcast_in_dim3A_1149 = vector.broadcast %jit3A_1147 : i32 to vector<16xi32>
    %select_n3A_1150 = arith.select %ge3A_1145, %broadcast_in_dim3A_1148, %broadcast_in_dim3A_1149 : vector<16xi1>, vector<16xi32>
    %add3A_1151 = arith.addi %add3A_1142, %select_n3A_1150 : vector<16xi32>
    %ge3A_1152 = arith.constant 7431 : i32
    %ge3A_1153 = vector.broadcast %ge3A_1152 : i32 to vector<16xi32>
    %ge3A_1154 = arith.cmpi sge, %add3A_1095, %ge3A_1153 : vector<16xi32>
    %jit3A_1155 = arith.constant 1 : i32
    %jit3A_1156 = arith.constant 0 : i32
    %broadcast_in_dim3A_1157 = vector.broadcast %jit3A_1155 : i32 to vector<16xi32>
    %broadcast_in_dim3A_1158 = vector.broadcast %jit3A_1156 : i32 to vector<16xi32>
    %select_n3A_1159 = arith.select %ge3A_1154, %broadcast_in_dim3A_1157, %broadcast_in_dim3A_1158 : vector<16xi1>, vector<16xi32>
    %add3A_1160 = arith.addi %add3A_1151, %select_n3A_1159 : vector<16xi32>
    %sub3A_1161 = arith.subi %add3A_1095, %add3A_1160 : vector<16xi32>
    %min3A_1162 = arith.constant 8191 : i32
    %min3A_1163 = vector.broadcast %min3A_1162 : i32 to vector<16xi32>
    %min3A_1164 = arith.minsi %sub3A_1161, %min3A_1163 : vector<16xi32>
    %swap3A_1165 = arith.constant 224 : index
    %swap3A_1166 = tpu.vector_load %arg6[%swap3A_1165] {strides = array<i32>} : memref<272xi32, #tpu.memory_space<vmem>>, vector<16xi32>,
    %swap3A_1167 = vector.shape_cast %swap3A_1166 : vector<16xi32> to vector<16xi32>
    %swap3A_1168 = vector.shape_cast %min3A_1164 : vector<16xi32> to vector<16xi32>
    tpu.vector_store %arg6[%swap3A_1165], %swap3A_1168 {strides = array<i32>} : memref<272xi32, #tpu.memory_space<vmem>>, vector<16xi32>,
    %iota3A_1169 = tpu.iota {dimensions = array<i32: 0>} : vector<16xi32>
    %add3A_1170 = arith.constant 240 : i32
    %add3A_1171 = arith.addi %multiple_of3A, %add3A_1170 : i32
    %add3A_1172 = vector.broadcast %add3A_1171 : i32 to vector<16xi32>
    %add3A_1173 = arith.addi %iota3A_1169, %add3A_1172 : vector<16xi32>
    %broadcast_in_dim3A_1174 = arith.constant 0 : i32
    %broadcast_in_dim3A_1175 = vector.broadcast %broadcast_in_dim3A_1174 : i32 to vector<16xi32>
    %ge3A_1176 = arith.constant 2049 : i32
    %ge3A_1177 = vector.broadcast %ge3A_1176 : i32 to vector<16xi32>
    %ge3A_1178 = arith.cmpi sge, %add3A_1173, %ge3A_1177 : vector<16xi32>
    %jit3A_1179 = arith.constant 1 : i32
    %jit3A_1180 = arith.constant 0 : i32
    %broadcast_in_dim3A_1181 = vector.broadcast %jit3A_1179 : i32 to vector<16xi32>
    %broadcast_in_dim3A_1182 = vector.broadcast %jit3A_1180 : i32 to vector<16xi32>
    %select_n3A_1183 = arith.select %ge3A_1178, %broadcast_in_dim3A_1181, %broadcast_in_dim3A_1182 : vector<16xi1>, vector<16xi32>
    %add3A_1184 = arith.addi %broadcast_in_dim3A_1175, %select_n3A_1183 : vector<16xi32>
    %ge3A_1185 = arith.constant 2562 : i32
    %ge3A_1186 = vector.broadcast %ge3A_1185 : i32 to vector<16xi32>
    %ge3A_1187 = arith.cmpi sge, %add3A_1173, %ge3A_1186 : vector<16xi32>
    %jit3A_1188 = arith.constant 1 : i32
    %jit3A_1189 = arith.constant 0 : i32
    %broadcast_in_dim3A_1190 = vector.broadcast %jit3A_1188 : i32 to vector<16xi32>
    %broadcast_in_dim3A_1191 = vector.broadcast %jit3A_1189 : i32 to vector<16xi32>
    %select_n3A_1192 = arith.select %ge3A_1187, %broadcast_in_dim3A_1190, %broadcast_in_dim3A_1191 : vector<16xi1>, vector<16xi32>
    %add3A_1193 = arith.addi %add3A_1184, %select_n3A_1192 : vector<16xi32>
    %ge3A_1194 = arith.constant 3587 : i32
    %ge3A_1195 = vector.broadcast %ge3A_1194 : i32 to vector<16xi32>
    %ge3A_1196 = arith.cmpi sge, %add3A_1173, %ge3A_1195 : vector<16xi32>
    %jit3A_1197 = arith.constant 1 : i32
    %jit3A_1198 = arith.constant 0 : i32
    %broadcast_in_dim3A_1199 = vector.broadcast %jit3A_1197 : i32 to vector<16xi32>
    %broadcast_in_dim3A_1200 = vector.broadcast %jit3A_1198 : i32 to vector<16xi32>
    %select_n3A_1201 = arith.select %ge3A_1196, %broadcast_in_dim3A_1199, %broadcast_in_dim3A_1200 : vector<16xi1>, vector<16xi32>
    %add3A_1202 = arith.addi %add3A_1193, %select_n3A_1201 : vector<16xi32>
    %ge3A_1203 = arith.constant 5124 : i32
    %ge3A_1204 = vector.broadcast %ge3A_1203 : i32 to vector<16xi32>
    %ge3A_1205 = arith.cmpi sge, %add3A_1173, %ge3A_1204 : vector<16xi32>
    %jit3A_1206 = arith.constant 1 : i32
    %jit3A_1207 = arith.constant 0 : i32
    %broadcast_in_dim3A_1208 = vector.broadcast %jit3A_1206 : i32 to vector<16xi32>
    %broadcast_in_dim3A_1209 = vector.broadcast %jit3A_1207 : i32 to vector<16xi32>
    %select_n3A_1210 = arith.select %ge3A_1205, %broadcast_in_dim3A_1208, %broadcast_in_dim3A_1209 : vector<16xi1>, vector<16xi32>
    %add3A_1211 = arith.addi %add3A_1202, %select_n3A_1210 : vector<16xi32>
    %ge3A_1212 = arith.constant 5893 : i32
    %ge3A_1213 = vector.broadcast %ge3A_1212 : i32 to vector<16xi32>
    %ge3A_1214 = arith.cmpi sge, %add3A_1173, %ge3A_1213 : vector<16xi32>
    %jit3A_1215 = arith.constant 1 : i32
    %jit3A_1216 = arith.constant 0 : i32
    %broadcast_in_dim3A_1217 = vector.broadcast %jit3A_1215 : i32 to vector<16xi32>
    %broadcast_in_dim3A_1218 = vector.broadcast %jit3A_1216 : i32 to vector<16xi32>
    %select_n3A_1219 = arith.select %ge3A_1214, %broadcast_in_dim3A_1217, %broadcast_in_dim3A_1218 : vector<16xi1>, vector<16xi32>
    %add3A_1220 = arith.addi %add3A_1211, %select_n3A_1219 : vector<16xi32>
    %ge3A_1221 = arith.constant 7174 : i32
    %ge3A_1222 = vector.broadcast %ge3A_1221 : i32 to vector<16xi32>
    %ge3A_1223 = arith.cmpi sge, %add3A_1173, %ge3A_1222 : vector<16xi32>
    %jit3A_1224 = arith.constant 1 : i32
    %jit3A_1225 = arith.constant 0 : i32
    %broadcast_in_dim3A_1226 = vector.broadcast %jit3A_1224 : i32 to vector<16xi32>
    %broadcast_in_dim3A_1227 = vector.broadcast %jit3A_1225 : i32 to vector<16xi32>
    %select_n3A_1228 = arith.select %ge3A_1223, %broadcast_in_dim3A_1226, %broadcast_in_dim3A_1227 : vector<16xi1>, vector<16xi32>
    %add3A_1229 = arith.addi %add3A_1220, %select_n3A_1228 : vector<16xi32>
    %ge3A_1230 = arith.constant 7431 : i32
    %ge3A_1231 = vector.broadcast %ge3A_1230 : i32 to vector<16xi32>
    %ge3A_1232 = arith.cmpi sge, %add3A_1173, %ge3A_1231 : vector<16xi32>
    %jit3A_1233 = arith.constant 1 : i32
    %jit3A_1234 = arith.constant 0 : i32
    %broadcast_in_dim3A_1235 = vector.broadcast %jit3A_1233 : i32 to vector<16xi32>
    %broadcast_in_dim3A_1236 = vector.broadcast %jit3A_1234 : i32 to vector<16xi32>
    %select_n3A_1237 = arith.select %ge3A_1232, %broadcast_in_dim3A_1235, %broadcast_in_dim3A_1236 : vector<16xi1>, vector<16xi32>
    %add3A_1238 = arith.addi %add3A_1229, %select_n3A_1237 : vector<16xi32>
    %sub3A_1239 = arith.subi %add3A_1173, %add3A_1238 : vector<16xi32>
    %min3A_1240 = arith.constant 8191 : i32
    %min3A_1241 = vector.broadcast %min3A_1240 : i32 to vector<16xi32>
    %min3A_1242 = arith.minsi %sub3A_1239, %min3A_1241 : vector<16xi32>
    %swap3A_1243 = arith.constant 240 : index
    %swap3A_1244 = tpu.vector_load %arg6[%swap3A_1243] {strides = array<i32>} : memref<272xi32, #tpu.memory_space<vmem>>, vector<16xi32>,
    %swap3A_1245 = vector.shape_cast %swap3A_1244 : vector<16xi32> to vector<16xi32>
    %swap3A_1246 = vector.shape_cast %min3A_1242 : vector<16xi32> to vector<16xi32>
    tpu.vector_store %arg6[%swap3A_1243], %swap3A_1246 {strides = array<i32>} : memref<272xi32, #tpu.memory_space<vmem>>, vector<16xi32>,
    %iota3A_1247 = tpu.iota {dimensions = array<i32: 0>} : vector<16xi32>
    %add3A_1248 = arith.constant 256 : i32
    %add3A_1249 = arith.addi %multiple_of3A, %add3A_1248 : i32
    %add3A_1250 = vector.broadcast %add3A_1249 : i32 to vector<16xi32>
    %add3A_1251 = arith.addi %iota3A_1247, %add3A_1250 : vector<16xi32>
    %broadcast_in_dim3A_1252 = arith.constant 0 : i32
    %broadcast_in_dim3A_1253 = vector.broadcast %broadcast_in_dim3A_1252 : i32 to vector<16xi32>
    %ge3A_1254 = arith.constant 2049 : i32
    %ge3A_1255 = vector.broadcast %ge3A_1254 : i32 to vector<16xi32>
    %ge3A_1256 = arith.cmpi sge, %add3A_1251, %ge3A_1255 : vector<16xi32>
    %jit3A_1257 = arith.constant 1 : i32
    %jit3A_1258 = arith.constant 0 : i32
    %broadcast_in_dim3A_1259 = vector.broadcast %jit3A_1257 : i32 to vector<16xi32>
    %broadcast_in_dim3A_1260 = vector.broadcast %jit3A_1258 : i32 to vector<16xi32>
    %select_n3A_1261 = arith.select %ge3A_1256, %broadcast_in_dim3A_1259, %broadcast_in_dim3A_1260 : vector<16xi1>, vector<16xi32>
    %add3A_1262 = arith.addi %broadcast_in_dim3A_1253, %select_n3A_1261 : vector<16xi32>
    %ge3A_1263 = arith.constant 2562 : i32
    %ge3A_1264 = vector.broadcast %ge3A_1263 : i32 to vector<16xi32>
    %ge3A_1265 = arith.cmpi sge, %add3A_1251, %ge3A_1264 : vector<16xi32>
    %jit3A_1266 = arith.constant 1 : i32
    %jit3A_1267 = arith.constant 0 : i32
    %broadcast_in_dim3A_1268 = vector.broadcast %jit3A_1266 : i32 to vector<16xi32>
    %broadcast_in_dim3A_1269 = vector.broadcast %jit3A_1267 : i32 to vector<16xi32>
    %select_n3A_1270 = arith.select %ge3A_1265, %broadcast_in_dim3A_1268, %broadcast_in_dim3A_1269 : vector<16xi1>, vector<16xi32>
    %add3A_1271 = arith.addi %add3A_1262, %select_n3A_1270 : vector<16xi32>
    %ge3A_1272 = arith.constant 3587 : i32
    %ge3A_1273 = vector.broadcast %ge3A_1272 : i32 to vector<16xi32>
    %ge3A_1274 = arith.cmpi sge, %add3A_1251, %ge3A_1273 : vector<16xi32>
    %jit3A_1275 = arith.constant 1 : i32
    %jit3A_1276 = arith.constant 0 : i32
    %broadcast_in_dim3A_1277 = vector.broadcast %jit3A_1275 : i32 to vector<16xi32>
    %broadcast_in_dim3A_1278 = vector.broadcast %jit3A_1276 : i32 to vector<16xi32>
    %select_n3A_1279 = arith.select %ge3A_1274, %broadcast_in_dim3A_1277, %broadcast_in_dim3A_1278 : vector<16xi1>, vector<16xi32>
    %add3A_1280 = arith.addi %add3A_1271, %select_n3A_1279 : vector<16xi32>
    %ge3A_1281 = arith.constant 5124 : i32
    %ge3A_1282 = vector.broadcast %ge3A_1281 : i32 to vector<16xi32>
    %ge3A_1283 = arith.cmpi sge, %add3A_1251, %ge3A_1282 : vector<16xi32>
    %jit3A_1284 = arith.constant 1 : i32
    %jit3A_1285 = arith.constant 0 : i32
    %broadcast_in_dim3A_1286 = vector.broadcast %jit3A_1284 : i32 to vector<16xi32>
    %broadcast_in_dim3A_1287 = vector.broadcast %jit3A_1285 : i32 to vector<16xi32>
    %select_n3A_1288 = arith.select %ge3A_1283, %broadcast_in_dim3A_1286, %broadcast_in_dim3A_1287 : vector<16xi1>, vector<16xi32>
    %add3A_1289 = arith.addi %add3A_1280, %select_n3A_1288 : vector<16xi32>
    %ge3A_1290 = arith.constant 5893 : i32
    %ge3A_1291 = vector.broadcast %ge3A_1290 : i32 to vector<16xi32>
    %ge3A_1292 = arith.cmpi sge, %add3A_1251, %ge3A_1291 : vector<16xi32>
    %jit3A_1293 = arith.constant 1 : i32
    %jit3A_1294 = arith.constant 0 : i32
    %broadcast_in_dim3A_1295 = vector.broadcast %jit3A_1293 : i32 to vector<16xi32>
    %broadcast_in_dim3A_1296 = vector.broadcast %jit3A_1294 : i32 to vector<16xi32>
    %select_n3A_1297 = arith.select %ge3A_1292, %broadcast_in_dim3A_1295, %broadcast_in_dim3A_1296 : vector<16xi1>, vector<16xi32>
    %add3A_1298 = arith.addi %add3A_1289, %select_n3A_1297 : vector<16xi32>
    %ge3A_1299 = arith.constant 7174 : i32
    %ge3A_1300 = vector.broadcast %ge3A_1299 : i32 to vector<16xi32>
    %ge3A_1301 = arith.cmpi sge, %add3A_1251, %ge3A_1300 : vector<16xi32>
    %jit3A_1302 = arith.constant 1 : i32
    %jit3A_1303 = arith.constant 0 : i32
    %broadcast_in_dim3A_1304 = vector.broadcast %jit3A_1302 : i32 to vector<16xi32>
    %broadcast_in_dim3A_1305 = vector.broadcast %jit3A_1303 : i32 to vector<16xi32>
    %select_n3A_1306 = arith.select %ge3A_1301, %broadcast_in_dim3A_1304, %broadcast_in_dim3A_1305 : vector<16xi1>, vector<16xi32>
    %add3A_1307 = arith.addi %add3A_1298, %select_n3A_1306 : vector<16xi32>
    %ge3A_1308 = arith.constant 7431 : i32
    %ge3A_1309 = vector.broadcast %ge3A_1308 : i32 to vector<16xi32>
    %ge3A_1310 = arith.cmpi sge, %add3A_1251, %ge3A_1309 : vector<16xi32>
    %jit3A_1311 = arith.constant 1 : i32
    %jit3A_1312 = arith.constant 0 : i32
    %broadcast_in_dim3A_1313 = vector.broadcast %jit3A_1311 : i32 to vector<16xi32>
    %broadcast_in_dim3A_1314 = vector.broadcast %jit3A_1312 : i32 to vector<16xi32>
    %select_n3A_1315 = arith.select %ge3A_1310, %broadcast_in_dim3A_1313, %broadcast_in_dim3A_1314 : vector<16xi1>, vector<16xi32>
    %add3A_1316 = arith.addi %add3A_1307, %select_n3A_1315 : vector<16xi32>
    %sub3A_1317 = arith.subi %add3A_1251, %add3A_1316 : vector<16xi32>
    %min3A_1318 = arith.constant 8191 : i32
    %min3A_1319 = vector.broadcast %min3A_1318 : i32 to vector<16xi32>
    %min3A_1320 = arith.minsi %sub3A_1317, %min3A_1319 : vector<16xi32>
    %swap3A_1321 = arith.constant 256 : index
    %swap3A_1322 = tpu.vector_load %arg6[%swap3A_1321] {strides = array<i32>} : memref<272xi32, #tpu.memory_space<vmem>>, vector<16xi32>,
    %swap3A_1323 = vector.shape_cast %swap3A_1322 : vector<16xi32> to vector<16xi32>
    %swap3A_1324 = vector.shape_cast %min3A_1320 : vector<16xi32> to vector<16xi32>
    tpu.vector_store %arg6[%swap3A_1321], %swap3A_1324 {strides = array<i32>} : memref<272xi32, #tpu.memory_space<vmem>>, vector<16xi32>,
    %dma_start3A = arith.constant 0 : i32
    %dma_start3A_1325 = arith.constant 0 : i32
    %dma_start3A_1326 = tpu.memref_slice %arg2[%dma_start3A, %dma_start3A_1325] : memref<8192x256xf32, #tpu.memory_space<hbm>> -> memref<8192x256xf32, #tpu.memory_space<hbm>>
    tpu.enqueue_indirect_dma source(%dma_start3A_1326 : memref<8192x256xf32, #tpu.memory_space<hbm>>) target(%arg5 : memref<272x256xf32, #tpu.memory_space<vmem>>) offsets(%arg6 : memref<272xi32, #tpu.memory_space<vmem>>) semaphore(%arg8 : memref<!tpu.dma_semaphore, #tpu.memory_space<semaphore_mem>>)
    %dma_wait3A = arith.constant 0 : i32
    %dma_wait3A_1327 = arith.constant 0 : i32
    %dma_wait3A_1328 = tpu.memref_slice %arg2[%dma_wait3A, %dma_wait3A_1327] : memref<8192x256xf32, #tpu.memory_space<hbm>> -> memref<8192x256xf32, #tpu.memory_space<hbm>>
    tpu.wait_indirect_dma semaphore(%arg8 : memref<!tpu.dma_semaphore, #tpu.memory_space<semaphore_mem>>) src(%dma_wait3A_1328 : memref<8192x256xf32, #tpu.memory_space<hbm>>) dst(%arg5 : memref<272x256xf32, #tpu.memory_space<vmem>>)
    tpu.wait_dma2 semaphore(%arg9 : memref<!tpu.dma_semaphore, #tpu.memory_space<semaphore_mem>>) src(%arg3 : memref<8x256xf32, #tpu.memory_space<hbm>>) dst(%arg7 : memref<8x256xf32, #tpu.memory_space<vmem>>)
    %le3A = arith.constant 2048 : i32
    %le3A_1329 = arith.cmpi sle, %multiple_of3A, %le3A : i32
    %add3A_1330 = arith.constant 272 : i32
    %add3A_1331 = arith.addi %multiple_of3A, %add3A_1330 : i32
    %gt3A = arith.constant 2048 : i32
    %gt3A_1332 = arith.cmpi sgt, %add3A_1331, %gt3A : i32
    %and3A = arith.andi %le3A_1329, %gt3A_1332 : i1
    %convert_element_type3A = arith.extui %and3A : i1 to i32
    %cond3A = arith.constant 0 : i32
    %cond3A_1333 = arith.cmpi ne, %convert_element_type3A, %cond3A : i32
    scf.if %cond3A_1333 {
      %sub3A_1404 = arith.constant 2048 : i32
      %sub3A_1405 = arith.subi %sub3A_1404, %multiple_of3A : i32
      %get3A = arith.constant 0 : i32
      %get3A_1406 = arith.index_cast %get3A : i32 to index
      %get3A_1407 = arith.constant 0 : index
      %get3A_1408 = tpu.vector_load %arg7[%get3A_1406, %get3A_1407] {strides = array<i32>} : memref<8x256xf32, #tpu.memory_space<vmem>>, vector<1x16xf32>,
      %get3A_1409 = vector.shape_cast %get3A_1408 : vector<1x16xf32> to vector<16xf32>
      %swap3A_1410 = arith.index_cast %sub3A_1405 : i32 to index
      %swap3A_1411 = arith.constant 0 : index
      %swap3A_1412 = tpu.vector_load %arg5[%swap3A_1410, %swap3A_1411] {strides = array<i32>} : memref<272x256xf32, #tpu.memory_space<vmem>>, vector<1x16xf32>,
      %swap3A_1413 = vector.shape_cast %swap3A_1412 : vector<1x16xf32> to vector<16xf32>
      %swap3A_1414 = vector.shape_cast %get3A_1409 : vector<16xf32> to vector<1x16xf32>
      tpu.vector_store %arg5[%swap3A_1410, %swap3A_1411], %swap3A_1414 {strides = array<i32>} : memref<272x256xf32, #tpu.memory_space<vmem>>, vector<1x16xf32>,
      %get3A_1415 = arith.constant 0 : i32
      %get3A_1416 = arith.index_cast %get3A_1415 : i32 to index
      %get3A_1417 = arith.constant 16 : index
      %get3A_1418 = tpu.vector_load %arg7[%get3A_1416, %get3A_1417] {strides = array<i32>} : memref<8x256xf32, #tpu.memory_space<vmem>>, vector<1x16xf32>,
      %get3A_1419 = vector.shape_cast %get3A_1418 : vector<1x16xf32> to vector<16xf32>
      %swap3A_1420 = arith.index_cast %sub3A_1405 : i32 to index
      %swap3A_1421 = arith.constant 16 : index
      %swap3A_1422 = tpu.vector_load %arg5[%swap3A_1420, %swap3A_1421] {strides = array<i32>} : memref<272x256xf32, #tpu.memory_space<vmem>>, vector<1x16xf32>,
      %swap3A_1423 = vector.shape_cast %swap3A_1422 : vector<1x16xf32> to vector<16xf32>
      %swap3A_1424 = vector.shape_cast %get3A_1419 : vector<16xf32> to vector<1x16xf32>
      tpu.vector_store %arg5[%swap3A_1420, %swap3A_1421], %swap3A_1424 {strides = array<i32>} : memref<272x256xf32, #tpu.memory_space<vmem>>, vector<1x16xf32>,
      %get3A_1425 = arith.constant 0 : i32
      %get3A_1426 = arith.index_cast %get3A_1425 : i32 to index
      %get3A_1427 = arith.constant 32 : index
      %get3A_1428 = tpu.vector_load %arg7[%get3A_1426, %get3A_1427] {strides = array<i32>} : memref<8x256xf32, #tpu.memory_space<vmem>>, vector<1x16xf32>,
      %get3A_1429 = vector.shape_cast %get3A_1428 : vector<1x16xf32> to vector<16xf32>
      %swap3A_1430 = arith.index_cast %sub3A_1405 : i32 to index
      %swap3A_1431 = arith.constant 32 : index
      %swap3A_1432 = tpu.vector_load %arg5[%swap3A_1430, %swap3A_1431] {strides = array<i32>} : memref<272x256xf32, #tpu.memory_space<vmem>>, vector<1x16xf32>,
      %swap3A_1433 = vector.shape_cast %swap3A_1432 : vector<1x16xf32> to vector<16xf32>
      %swap3A_1434 = vector.shape_cast %get3A_1429 : vector<16xf32> to vector<1x16xf32>
      tpu.vector_store %arg5[%swap3A_1430, %swap3A_1431], %swap3A_1434 {strides = array<i32>} : memref<272x256xf32, #tpu.memory_space<vmem>>, vector<1x16xf32>,
      %get3A_1435 = arith.constant 0 : i32
      %get3A_1436 = arith.index_cast %get3A_1435 : i32 to index
      %get3A_1437 = arith.constant 48 : index
      %get3A_1438 = tpu.vector_load %arg7[%get3A_1436, %get3A_1437] {strides = array<i32>} : memref<8x256xf32, #tpu.memory_space<vmem>>, vector<1x16xf32>,
      %get3A_1439 = vector.shape_cast %get3A_1438 : vector<1x16xf32> to vector<16xf32>
      %swap3A_1440 = arith.index_cast %sub3A_1405 : i32 to index
      %swap3A_1441 = arith.constant 48 : index
      %swap3A_1442 = tpu.vector_load %arg5[%swap3A_1440, %swap3A_1441] {strides = array<i32>} : memref<272x256xf32, #tpu.memory_space<vmem>>, vector<1x16xf32>,
      %swap3A_1443 = vector.shape_cast %swap3A_1442 : vector<1x16xf32> to vector<16xf32>
      %swap3A_1444 = vector.shape_cast %get3A_1439 : vector<16xf32> to vector<1x16xf32>
      tpu.vector_store %arg5[%swap3A_1440, %swap3A_1441], %swap3A_1444 {strides = array<i32>} : memref<272x256xf32, #tpu.memory_space<vmem>>, vector<1x16xf32>,
      %get3A_1445 = arith.constant 0 : i32
      %get3A_1446 = arith.index_cast %get3A_1445 : i32 to index
      %get3A_1447 = arith.constant 64 : index
      %get3A_1448 = tpu.vector_load %arg7[%get3A_1446, %get3A_1447] {strides = array<i32>} : memref<8x256xf32, #tpu.memory_space<vmem>>, vector<1x16xf32>,
      %get3A_1449 = vector.shape_cast %get3A_1448 : vector<1x16xf32> to vector<16xf32>
      %swap3A_1450 = arith.index_cast %sub3A_1405 : i32 to index
      %swap3A_1451 = arith.constant 64 : index
      %swap3A_1452 = tpu.vector_load %arg5[%swap3A_1450, %swap3A_1451] {strides = array<i32>} : memref<272x256xf32, #tpu.memory_space<vmem>>, vector<1x16xf32>,
      %swap3A_1453 = vector.shape_cast %swap3A_1452 : vector<1x16xf32> to vector<16xf32>
      %swap3A_1454 = vector.shape_cast %get3A_1449 : vector<16xf32> to vector<1x16xf32>
      tpu.vector_store %arg5[%swap3A_1450, %swap3A_1451], %swap3A_1454 {strides = array<i32>} : memref<272x256xf32, #tpu.memory_space<vmem>>, vector<1x16xf32>,
      %get3A_1455 = arith.constant 0 : i32
      %get3A_1456 = arith.index_cast %get3A_1455 : i32 to index
      %get3A_1457 = arith.constant 80 : index
      %get3A_1458 = tpu.vector_load %arg7[%get3A_1456, %get3A_1457] {strides = array<i32>} : memref<8x256xf32, #tpu.memory_space<vmem>>, vector<1x16xf32>,
      %get3A_1459 = vector.shape_cast %get3A_1458 : vector<1x16xf32> to vector<16xf32>
      %swap3A_1460 = arith.index_cast %sub3A_1405 : i32 to index
      %swap3A_1461 = arith.constant 80 : index
      %swap3A_1462 = tpu.vector_load %arg5[%swap3A_1460, %swap3A_1461] {strides = array<i32>} : memref<272x256xf32, #tpu.memory_space<vmem>>, vector<1x16xf32>,
      %swap3A_1463 = vector.shape_cast %swap3A_1462 : vector<1x16xf32> to vector<16xf32>
      %swap3A_1464 = vector.shape_cast %get3A_1459 : vector<16xf32> to vector<1x16xf32>
      tpu.vector_store %arg5[%swap3A_1460, %swap3A_1461], %swap3A_1464 {strides = array<i32>} : memref<272x256xf32, #tpu.memory_space<vmem>>, vector<1x16xf32>,
      %get3A_1465 = arith.constant 0 : i32
      %get3A_1466 = arith.index_cast %get3A_1465 : i32 to index
      %get3A_1467 = arith.constant 96 : index
      %get3A_1468 = tpu.vector_load %arg7[%get3A_1466, %get3A_1467] {strides = array<i32>} : memref<8x256xf32, #tpu.memory_space<vmem>>, vector<1x16xf32>,
      %get3A_1469 = vector.shape_cast %get3A_1468 : vector<1x16xf32> to vector<16xf32>
      %swap3A_1470 = arith.index_cast %sub3A_1405 : i32 to index
      %swap3A_1471 = arith.constant 96 : index
      %swap3A_1472 = tpu.vector_load %arg5[%swap3A_1470, %swap3A_1471] {strides = array<i32>} : memref<272x256xf32, #tpu.memory_space<vmem>>, vector<1x16xf32>,
      %swap3A_1473 = vector.shape_cast %swap3A_1472 : vector<1x16xf32> to vector<16xf32>
      %swap3A_1474 = vector.shape_cast %get3A_1469 : vector<16xf32> to vector<1x16xf32>
      tpu.vector_store %arg5[%swap3A_1470, %swap3A_1471], %swap3A_1474 {strides = array<i32>} : memref<272x256xf32, #tpu.memory_space<vmem>>, vector<1x16xf32>,
      %get3A_1475 = arith.constant 0 : i32
      %get3A_1476 = arith.index_cast %get3A_1475 : i32 to index
      %get3A_1477 = arith.constant 112 : index
      %get3A_1478 = tpu.vector_load %arg7[%get3A_1476, %get3A_1477] {strides = array<i32>} : memref<8x256xf32, #tpu.memory_space<vmem>>, vector<1x16xf32>,
      %get3A_1479 = vector.shape_cast %get3A_1478 : vector<1x16xf32> to vector<16xf32>
      %swap3A_1480 = arith.index_cast %sub3A_1405 : i32 to index
      %swap3A_1481 = arith.constant 112 : index
      %swap3A_1482 = tpu.vector_load %arg5[%swap3A_1480, %swap3A_1481] {strides = array<i32>} : memref<272x256xf32, #tpu.memory_space<vmem>>, vector<1x16xf32>,
      %swap3A_1483 = vector.shape_cast %swap3A_1482 : vector<1x16xf32> to vector<16xf32>
      %swap3A_1484 = vector.shape_cast %get3A_1479 : vector<16xf32> to vector<1x16xf32>
      tpu.vector_store %arg5[%swap3A_1480, %swap3A_1481], %swap3A_1484 {strides = array<i32>} : memref<272x256xf32, #tpu.memory_space<vmem>>, vector<1x16xf32>,
      %get3A_1485 = arith.constant 0 : i32
      %get3A_1486 = arith.index_cast %get3A_1485 : i32 to index
      %get3A_1487 = arith.constant 128 : index
      %get3A_1488 = tpu.vector_load %arg7[%get3A_1486, %get3A_1487] {strides = array<i32>} : memref<8x256xf32, #tpu.memory_space<vmem>>, vector<1x16xf32>,
      %get3A_1489 = vector.shape_cast %get3A_1488 : vector<1x16xf32> to vector<16xf32>
      %swap3A_1490 = arith.index_cast %sub3A_1405 : i32 to index
      %swap3A_1491 = arith.constant 128 : index
      %swap3A_1492 = tpu.vector_load %arg5[%swap3A_1490, %swap3A_1491] {strides = array<i32>} : memref<272x256xf32, #tpu.memory_space<vmem>>, vector<1x16xf32>,
      %swap3A_1493 = vector.shape_cast %swap3A_1492 : vector<1x16xf32> to vector<16xf32>
      %swap3A_1494 = vector.shape_cast %get3A_1489 : vector<16xf32> to vector<1x16xf32>
      tpu.vector_store %arg5[%swap3A_1490, %swap3A_1491], %swap3A_1494 {strides = array<i32>} : memref<272x256xf32, #tpu.memory_space<vmem>>, vector<1x16xf32>,
      %get3A_1495 = arith.constant 0 : i32
      %get3A_1496 = arith.index_cast %get3A_1495 : i32 to index
      %get3A_1497 = arith.constant 144 : index
      %get3A_1498 = tpu.vector_load %arg7[%get3A_1496, %get3A_1497] {strides = array<i32>} : memref<8x256xf32, #tpu.memory_space<vmem>>, vector<1x16xf32>,
      %get3A_1499 = vector.shape_cast %get3A_1498 : vector<1x16xf32> to vector<16xf32>
      %swap3A_1500 = arith.index_cast %sub3A_1405 : i32 to index
      %swap3A_1501 = arith.constant 144 : index
      %swap3A_1502 = tpu.vector_load %arg5[%swap3A_1500, %swap3A_1501] {strides = array<i32>} : memref<272x256xf32, #tpu.memory_space<vmem>>, vector<1x16xf32>,
      %swap3A_1503 = vector.shape_cast %swap3A_1502 : vector<1x16xf32> to vector<16xf32>
      %swap3A_1504 = vector.shape_cast %get3A_1499 : vector<16xf32> to vector<1x16xf32>
      tpu.vector_store %arg5[%swap3A_1500, %swap3A_1501], %swap3A_1504 {strides = array<i32>} : memref<272x256xf32, #tpu.memory_space<vmem>>, vector<1x16xf32>,
      %get3A_1505 = arith.constant 0 : i32
      %get3A_1506 = arith.index_cast %get3A_1505 : i32 to index
      %get3A_1507 = arith.constant 160 : index
      %get3A_1508 = tpu.vector_load %arg7[%get3A_1506, %get3A_1507] {strides = array<i32>} : memref<8x256xf32, #tpu.memory_space<vmem>>, vector<1x16xf32>,
      %get3A_1509 = vector.shape_cast %get3A_1508 : vector<1x16xf32> to vector<16xf32>
      %swap3A_1510 = arith.index_cast %sub3A_1405 : i32 to index
      %swap3A_1511 = arith.constant 160 : index
      %swap3A_1512 = tpu.vector_load %arg5[%swap3A_1510, %swap3A_1511] {strides = array<i32>} : memref<272x256xf32, #tpu.memory_space<vmem>>, vector<1x16xf32>,
      %swap3A_1513 = vector.shape_cast %swap3A_1512 : vector<1x16xf32> to vector<16xf32>
      %swap3A_1514 = vector.shape_cast %get3A_1509 : vector<16xf32> to vector<1x16xf32>
      tpu.vector_store %arg5[%swap3A_1510, %swap3A_1511], %swap3A_1514 {strides = array<i32>} : memref<272x256xf32, #tpu.memory_space<vmem>>, vector<1x16xf32>,
      %get3A_1515 = arith.constant 0 : i32
      %get3A_1516 = arith.index_cast %get3A_1515 : i32 to index
      %get3A_1517 = arith.constant 176 : index
      %get3A_1518 = tpu.vector_load %arg7[%get3A_1516, %get3A_1517] {strides = array<i32>} : memref<8x256xf32, #tpu.memory_space<vmem>>, vector<1x16xf32>,
      %get3A_1519 = vector.shape_cast %get3A_1518 : vector<1x16xf32> to vector<16xf32>
      %swap3A_1520 = arith.index_cast %sub3A_1405 : i32 to index
      %swap3A_1521 = arith.constant 176 : index
      %swap3A_1522 = tpu.vector_load %arg5[%swap3A_1520, %swap3A_1521] {strides = array<i32>} : memref<272x256xf32, #tpu.memory_space<vmem>>, vector<1x16xf32>,
      %swap3A_1523 = vector.shape_cast %swap3A_1522 : vector<1x16xf32> to vector<16xf32>
      %swap3A_1524 = vector.shape_cast %get3A_1519 : vector<16xf32> to vector<1x16xf32>
      tpu.vector_store %arg5[%swap3A_1520, %swap3A_1521], %swap3A_1524 {strides = array<i32>} : memref<272x256xf32, #tpu.memory_space<vmem>>, vector<1x16xf32>,
      %get3A_1525 = arith.constant 0 : i32
      %get3A_1526 = arith.index_cast %get3A_1525 : i32 to index
      %get3A_1527 = arith.constant 192 : index
      %get3A_1528 = tpu.vector_load %arg7[%get3A_1526, %get3A_1527] {strides = array<i32>} : memref<8x256xf32, #tpu.memory_space<vmem>>, vector<1x16xf32>,
      %get3A_1529 = vector.shape_cast %get3A_1528 : vector<1x16xf32> to vector<16xf32>
      %swap3A_1530 = arith.index_cast %sub3A_1405 : i32 to index
      %swap3A_1531 = arith.constant 192 : index
      %swap3A_1532 = tpu.vector_load %arg5[%swap3A_1530, %swap3A_1531] {strides = array<i32>} : memref<272x256xf32, #tpu.memory_space<vmem>>, vector<1x16xf32>,
      %swap3A_1533 = vector.shape_cast %swap3A_1532 : vector<1x16xf32> to vector<16xf32>
      %swap3A_1534 = vector.shape_cast %get3A_1529 : vector<16xf32> to vector<1x16xf32>
      tpu.vector_store %arg5[%swap3A_1530, %swap3A_1531], %swap3A_1534 {strides = array<i32>} : memref<272x256xf32, #tpu.memory_space<vmem>>, vector<1x16xf32>,
      %get3A_1535 = arith.constant 0 : i32
      %get3A_1536 = arith.index_cast %get3A_1535 : i32 to index
      %get3A_1537 = arith.constant 208 : index
      %get3A_1538 = tpu.vector_load %arg7[%get3A_1536, %get3A_1537] {strides = array<i32>} : memref<8x256xf32, #tpu.memory_space<vmem>>, vector<1x16xf32>,
      %get3A_1539 = vector.shape_cast %get3A_1538 : vector<1x16xf32> to vector<16xf32>
      %swap3A_1540 = arith.index_cast %sub3A_1405 : i32 to index
      %swap3A_1541 = arith.constant 208 : index
      %swap3A_1542 = tpu.vector_load %arg5[%swap3A_1540, %swap3A_1541] {strides = array<i32>} : memref<272x256xf32, #tpu.memory_space<vmem>>, vector<1x16xf32>,
      %swap3A_1543 = vector.shape_cast %swap3A_1542 : vector<1x16xf32> to vector<16xf32>
      %swap3A_1544 = vector.shape_cast %get3A_1539 : vector<16xf32> to vector<1x16xf32>
      tpu.vector_store %arg5[%swap3A_1540, %swap3A_1541], %swap3A_1544 {strides = array<i32>} : memref<272x256xf32, #tpu.memory_space<vmem>>, vector<1x16xf32>,
      %get3A_1545 = arith.constant 0 : i32
      %get3A_1546 = arith.index_cast %get3A_1545 : i32 to index
      %get3A_1547 = arith.constant 224 : index
      %get3A_1548 = tpu.vector_load %arg7[%get3A_1546, %get3A_1547] {strides = array<i32>} : memref<8x256xf32, #tpu.memory_space<vmem>>, vector<1x16xf32>,
      %get3A_1549 = vector.shape_cast %get3A_1548 : vector<1x16xf32> to vector<16xf32>
      %swap3A_1550 = arith.index_cast %sub3A_1405 : i32 to index
      %swap3A_1551 = arith.constant 224 : index
      %swap3A_1552 = tpu.vector_load %arg5[%swap3A_1550, %swap3A_1551] {strides = array<i32>} : memref<272x256xf32, #tpu.memory_space<vmem>>, vector<1x16xf32>,
      %swap3A_1553 = vector.shape_cast %swap3A_1552 : vector<1x16xf32> to vector<16xf32>
      %swap3A_1554 = vector.shape_cast %get3A_1549 : vector<16xf32> to vector<1x16xf32>
      tpu.vector_store %arg5[%swap3A_1550, %swap3A_1551], %swap3A_1554 {strides = array<i32>} : memref<272x256xf32, #tpu.memory_space<vmem>>, vector<1x16xf32>,
      %get3A_1555 = arith.constant 0 : i32
      %get3A_1556 = arith.index_cast %get3A_1555 : i32 to index
      %get3A_1557 = arith.constant 240 : index
      %get3A_1558 = tpu.vector_load %arg7[%get3A_1556, %get3A_1557] {strides = array<i32>} : memref<8x256xf32, #tpu.memory_space<vmem>>, vector<1x16xf32>,
      %get3A_1559 = vector.shape_cast %get3A_1558 : vector<1x16xf32> to vector<16xf32>
      %swap3A_1560 = arith.index_cast %sub3A_1405 : i32 to index
      %swap3A_1561 = arith.constant 240 : index
      %swap3A_1562 = tpu.vector_load %arg5[%swap3A_1560, %swap3A_1561] {strides = array<i32>} : memref<272x256xf32, #tpu.memory_space<vmem>>, vector<1x16xf32>,
      %swap3A_1563 = vector.shape_cast %swap3A_1562 : vector<1x16xf32> to vector<16xf32>
      %swap3A_1564 = vector.shape_cast %get3A_1559 : vector<16xf32> to vector<1x16xf32>
      tpu.vector_store %arg5[%swap3A_1560, %swap3A_1561], %swap3A_1564 {strides = array<i32>} : memref<272x256xf32, #tpu.memory_space<vmem>>, vector<1x16xf32>,
    } else {
    }
    %le3A_1334 = arith.constant 2561 : i32
    %le3A_1335 = arith.cmpi sle, %multiple_of3A, %le3A_1334 : i32
    %add3A_1336 = arith.constant 272 : i32
    %add3A_1337 = arith.addi %multiple_of3A, %add3A_1336 : i32
    %gt3A_1338 = arith.constant 2561 : i32
    %gt3A_1339 = arith.cmpi sgt, %add3A_1337, %gt3A_1338 : i32
    %and3A_1340 = arith.andi %le3A_1335, %gt3A_1339 : i1
    %convert_element_type3A_1341 = arith.extui %and3A_1340 : i1 to i32
    %cond3A_1342 = arith.constant 0 : i32
    %cond3A_1343 = arith.cmpi ne, %convert_element_type3A_1341, %cond3A_1342 : i32
    scf.if %cond3A_1343 {
      %sub3A_1404 = arith.constant 2561 : i32
      %sub3A_1405 = arith.subi %sub3A_1404, %multiple_of3A : i32
      %get3A = arith.constant 1 : i32
      %get3A_1406 = arith.index_cast %get3A : i32 to index
      %get3A_1407 = arith.constant 0 : index
      %get3A_1408 = tpu.vector_load %arg7[%get3A_1406, %get3A_1407] {strides = array<i32>} : memref<8x256xf32, #tpu.memory_space<vmem>>, vector<1x16xf32>,
      %get3A_1409 = vector.shape_cast %get3A_1408 : vector<1x16xf32> to vector<16xf32>
      %swap3A_1410 = arith.index_cast %sub3A_1405 : i32 to index
      %swap3A_1411 = arith.constant 0 : index
      %swap3A_1412 = tpu.vector_load %arg5[%swap3A_1410, %swap3A_1411] {strides = array<i32>} : memref<272x256xf32, #tpu.memory_space<vmem>>, vector<1x16xf32>,
      %swap3A_1413 = vector.shape_cast %swap3A_1412 : vector<1x16xf32> to vector<16xf32>
      %swap3A_1414 = vector.shape_cast %get3A_1409 : vector<16xf32> to vector<1x16xf32>
      tpu.vector_store %arg5[%swap3A_1410, %swap3A_1411], %swap3A_1414 {strides = array<i32>} : memref<272x256xf32, #tpu.memory_space<vmem>>, vector<1x16xf32>,
      %get3A_1415 = arith.constant 1 : i32
      %get3A_1416 = arith.index_cast %get3A_1415 : i32 to index
      %get3A_1417 = arith.constant 16 : index
      %get3A_1418 = tpu.vector_load %arg7[%get3A_1416, %get3A_1417] {strides = array<i32>} : memref<8x256xf32, #tpu.memory_space<vmem>>, vector<1x16xf32>,
      %get3A_1419 = vector.shape_cast %get3A_1418 : vector<1x16xf32> to vector<16xf32>
      %swap3A_1420 = arith.index_cast %sub3A_1405 : i32 to index
      %swap3A_1421 = arith.constant 16 : index
      %swap3A_1422 = tpu.vector_load %arg5[%swap3A_1420, %swap3A_1421] {strides = array<i32>} : memref<272x256xf32, #tpu.memory_space<vmem>>, vector<1x16xf32>,
      %swap3A_1423 = vector.shape_cast %swap3A_1422 : vector<1x16xf32> to vector<16xf32>
      %swap3A_1424 = vector.shape_cast %get3A_1419 : vector<16xf32> to vector<1x16xf32>
      tpu.vector_store %arg5[%swap3A_1420, %swap3A_1421], %swap3A_1424 {strides = array<i32>} : memref<272x256xf32, #tpu.memory_space<vmem>>, vector<1x16xf32>,
      %get3A_1425 = arith.constant 1 : i32
      %get3A_1426 = arith.index_cast %get3A_1425 : i32 to index
      %get3A_1427 = arith.constant 32 : index
      %get3A_1428 = tpu.vector_load %arg7[%get3A_1426, %get3A_1427] {strides = array<i32>} : memref<8x256xf32, #tpu.memory_space<vmem>>, vector<1x16xf32>,
      %get3A_1429 = vector.shape_cast %get3A_1428 : vector<1x16xf32> to vector<16xf32>
      %swap3A_1430 = arith.index_cast %sub3A_1405 : i32 to index
      %swap3A_1431 = arith.constant 32 : index
      %swap3A_1432 = tpu.vector_load %arg5[%swap3A_1430, %swap3A_1431] {strides = array<i32>} : memref<272x256xf32, #tpu.memory_space<vmem>>, vector<1x16xf32>,
      %swap3A_1433 = vector.shape_cast %swap3A_1432 : vector<1x16xf32> to vector<16xf32>
      %swap3A_1434 = vector.shape_cast %get3A_1429 : vector<16xf32> to vector<1x16xf32>
      tpu.vector_store %arg5[%swap3A_1430, %swap3A_1431], %swap3A_1434 {strides = array<i32>} : memref<272x256xf32, #tpu.memory_space<vmem>>, vector<1x16xf32>,
      %get3A_1435 = arith.constant 1 : i32
      %get3A_1436 = arith.index_cast %get3A_1435 : i32 to index
      %get3A_1437 = arith.constant 48 : index
      %get3A_1438 = tpu.vector_load %arg7[%get3A_1436, %get3A_1437] {strides = array<i32>} : memref<8x256xf32, #tpu.memory_space<vmem>>, vector<1x16xf32>,
      %get3A_1439 = vector.shape_cast %get3A_1438 : vector<1x16xf32> to vector<16xf32>
      %swap3A_1440 = arith.index_cast %sub3A_1405 : i32 to index
      %swap3A_1441 = arith.constant 48 : index
      %swap3A_1442 = tpu.vector_load %arg5[%swap3A_1440, %swap3A_1441] {strides = array<i32>} : memref<272x256xf32, #tpu.memory_space<vmem>>, vector<1x16xf32>,
      %swap3A_1443 = vector.shape_cast %swap3A_1442 : vector<1x16xf32> to vector<16xf32>
      %swap3A_1444 = vector.shape_cast %get3A_1439 : vector<16xf32> to vector<1x16xf32>
      tpu.vector_store %arg5[%swap3A_1440, %swap3A_1441], %swap3A_1444 {strides = array<i32>} : memref<272x256xf32, #tpu.memory_space<vmem>>, vector<1x16xf32>,
      %get3A_1445 = arith.constant 1 : i32
      %get3A_1446 = arith.index_cast %get3A_1445 : i32 to index
      %get3A_1447 = arith.constant 64 : index
      %get3A_1448 = tpu.vector_load %arg7[%get3A_1446, %get3A_1447] {strides = array<i32>} : memref<8x256xf32, #tpu.memory_space<vmem>>, vector<1x16xf32>,
      %get3A_1449 = vector.shape_cast %get3A_1448 : vector<1x16xf32> to vector<16xf32>
      %swap3A_1450 = arith.index_cast %sub3A_1405 : i32 to index
      %swap3A_1451 = arith.constant 64 : index
      %swap3A_1452 = tpu.vector_load %arg5[%swap3A_1450, %swap3A_1451] {strides = array<i32>} : memref<272x256xf32, #tpu.memory_space<vmem>>, vector<1x16xf32>,
      %swap3A_1453 = vector.shape_cast %swap3A_1452 : vector<1x16xf32> to vector<16xf32>
      %swap3A_1454 = vector.shape_cast %get3A_1449 : vector<16xf32> to vector<1x16xf32>
      tpu.vector_store %arg5[%swap3A_1450, %swap3A_1451], %swap3A_1454 {strides = array<i32>} : memref<272x256xf32, #tpu.memory_space<vmem>>, vector<1x16xf32>,
      %get3A_1455 = arith.constant 1 : i32
      %get3A_1456 = arith.index_cast %get3A_1455 : i32 to index
      %get3A_1457 = arith.constant 80 : index
      %get3A_1458 = tpu.vector_load %arg7[%get3A_1456, %get3A_1457] {strides = array<i32>} : memref<8x256xf32, #tpu.memory_space<vmem>>, vector<1x16xf32>,
      %get3A_1459 = vector.shape_cast %get3A_1458 : vector<1x16xf32> to vector<16xf32>
      %swap3A_1460 = arith.index_cast %sub3A_1405 : i32 to index
      %swap3A_1461 = arith.constant 80 : index
      %swap3A_1462 = tpu.vector_load %arg5[%swap3A_1460, %swap3A_1461] {strides = array<i32>} : memref<272x256xf32, #tpu.memory_space<vmem>>, vector<1x16xf32>,
      %swap3A_1463 = vector.shape_cast %swap3A_1462 : vector<1x16xf32> to vector<16xf32>
      %swap3A_1464 = vector.shape_cast %get3A_1459 : vector<16xf32> to vector<1x16xf32>
      tpu.vector_store %arg5[%swap3A_1460, %swap3A_1461], %swap3A_1464 {strides = array<i32>} : memref<272x256xf32, #tpu.memory_space<vmem>>, vector<1x16xf32>,
      %get3A_1465 = arith.constant 1 : i32
      %get3A_1466 = arith.index_cast %get3A_1465 : i32 to index
      %get3A_1467 = arith.constant 96 : index
      %get3A_1468 = tpu.vector_load %arg7[%get3A_1466, %get3A_1467] {strides = array<i32>} : memref<8x256xf32, #tpu.memory_space<vmem>>, vector<1x16xf32>,
      %get3A_1469 = vector.shape_cast %get3A_1468 : vector<1x16xf32> to vector<16xf32>
      %swap3A_1470 = arith.index_cast %sub3A_1405 : i32 to index
      %swap3A_1471 = arith.constant 96 : index
      %swap3A_1472 = tpu.vector_load %arg5[%swap3A_1470, %swap3A_1471] {strides = array<i32>} : memref<272x256xf32, #tpu.memory_space<vmem>>, vector<1x16xf32>,
      %swap3A_1473 = vector.shape_cast %swap3A_1472 : vector<1x16xf32> to vector<16xf32>
      %swap3A_1474 = vector.shape_cast %get3A_1469 : vector<16xf32> to vector<1x16xf32>
      tpu.vector_store %arg5[%swap3A_1470, %swap3A_1471], %swap3A_1474 {strides = array<i32>} : memref<272x256xf32, #tpu.memory_space<vmem>>, vector<1x16xf32>,
      %get3A_1475 = arith.constant 1 : i32
      %get3A_1476 = arith.index_cast %get3A_1475 : i32 to index
      %get3A_1477 = arith.constant 112 : index
      %get3A_1478 = tpu.vector_load %arg7[%get3A_1476, %get3A_1477] {strides = array<i32>} : memref<8x256xf32, #tpu.memory_space<vmem>>, vector<1x16xf32>,
      %get3A_1479 = vector.shape_cast %get3A_1478 : vector<1x16xf32> to vector<16xf32>
      %swap3A_1480 = arith.index_cast %sub3A_1405 : i32 to index
      %swap3A_1481 = arith.constant 112 : index
      %swap3A_1482 = tpu.vector_load %arg5[%swap3A_1480, %swap3A_1481] {strides = array<i32>} : memref<272x256xf32, #tpu.memory_space<vmem>>, vector<1x16xf32>,
      %swap3A_1483 = vector.shape_cast %swap3A_1482 : vector<1x16xf32> to vector<16xf32>
      %swap3A_1484 = vector.shape_cast %get3A_1479 : vector<16xf32> to vector<1x16xf32>
      tpu.vector_store %arg5[%swap3A_1480, %swap3A_1481], %swap3A_1484 {strides = array<i32>} : memref<272x256xf32, #tpu.memory_space<vmem>>, vector<1x16xf32>,
      %get3A_1485 = arith.constant 1 : i32
      %get3A_1486 = arith.index_cast %get3A_1485 : i32 to index
      %get3A_1487 = arith.constant 128 : index
      %get3A_1488 = tpu.vector_load %arg7[%get3A_1486, %get3A_1487] {strides = array<i32>} : memref<8x256xf32, #tpu.memory_space<vmem>>, vector<1x16xf32>,
      %get3A_1489 = vector.shape_cast %get3A_1488 : vector<1x16xf32> to vector<16xf32>
      %swap3A_1490 = arith.index_cast %sub3A_1405 : i32 to index
      %swap3A_1491 = arith.constant 128 : index
      %swap3A_1492 = tpu.vector_load %arg5[%swap3A_1490, %swap3A_1491] {strides = array<i32>} : memref<272x256xf32, #tpu.memory_space<vmem>>, vector<1x16xf32>,
      %swap3A_1493 = vector.shape_cast %swap3A_1492 : vector<1x16xf32> to vector<16xf32>
      %swap3A_1494 = vector.shape_cast %get3A_1489 : vector<16xf32> to vector<1x16xf32>
      tpu.vector_store %arg5[%swap3A_1490, %swap3A_1491], %swap3A_1494 {strides = array<i32>} : memref<272x256xf32, #tpu.memory_space<vmem>>, vector<1x16xf32>,
      %get3A_1495 = arith.constant 1 : i32
      %get3A_1496 = arith.index_cast %get3A_1495 : i32 to index
      %get3A_1497 = arith.constant 144 : index
      %get3A_1498 = tpu.vector_load %arg7[%get3A_1496, %get3A_1497] {strides = array<i32>} : memref<8x256xf32, #tpu.memory_space<vmem>>, vector<1x16xf32>,
      %get3A_1499 = vector.shape_cast %get3A_1498 : vector<1x16xf32> to vector<16xf32>
      %swap3A_1500 = arith.index_cast %sub3A_1405 : i32 to index
      %swap3A_1501 = arith.constant 144 : index
      %swap3A_1502 = tpu.vector_load %arg5[%swap3A_1500, %swap3A_1501] {strides = array<i32>} : memref<272x256xf32, #tpu.memory_space<vmem>>, vector<1x16xf32>,
      %swap3A_1503 = vector.shape_cast %swap3A_1502 : vector<1x16xf32> to vector<16xf32>
      %swap3A_1504 = vector.shape_cast %get3A_1499 : vector<16xf32> to vector<1x16xf32>
      tpu.vector_store %arg5[%swap3A_1500, %swap3A_1501], %swap3A_1504 {strides = array<i32>} : memref<272x256xf32, #tpu.memory_space<vmem>>, vector<1x16xf32>,
      %get3A_1505 = arith.constant 1 : i32
      %get3A_1506 = arith.index_cast %get3A_1505 : i32 to index
      %get3A_1507 = arith.constant 160 : index
      %get3A_1508 = tpu.vector_load %arg7[%get3A_1506, %get3A_1507] {strides = array<i32>} : memref<8x256xf32, #tpu.memory_space<vmem>>, vector<1x16xf32>,
      %get3A_1509 = vector.shape_cast %get3A_1508 : vector<1x16xf32> to vector<16xf32>
      %swap3A_1510 = arith.index_cast %sub3A_1405 : i32 to index
      %swap3A_1511 = arith.constant 160 : index
      %swap3A_1512 = tpu.vector_load %arg5[%swap3A_1510, %swap3A_1511] {strides = array<i32>} : memref<272x256xf32, #tpu.memory_space<vmem>>, vector<1x16xf32>,
      %swap3A_1513 = vector.shape_cast %swap3A_1512 : vector<1x16xf32> to vector<16xf32>
      %swap3A_1514 = vector.shape_cast %get3A_1509 : vector<16xf32> to vector<1x16xf32>
      tpu.vector_store %arg5[%swap3A_1510, %swap3A_1511], %swap3A_1514 {strides = array<i32>} : memref<272x256xf32, #tpu.memory_space<vmem>>, vector<1x16xf32>,
      %get3A_1515 = arith.constant 1 : i32
      %get3A_1516 = arith.index_cast %get3A_1515 : i32 to index
      %get3A_1517 = arith.constant 176 : index
      %get3A_1518 = tpu.vector_load %arg7[%get3A_1516, %get3A_1517] {strides = array<i32>} : memref<8x256xf32, #tpu.memory_space<vmem>>, vector<1x16xf32>,
      %get3A_1519 = vector.shape_cast %get3A_1518 : vector<1x16xf32> to vector<16xf32>
      %swap3A_1520 = arith.index_cast %sub3A_1405 : i32 to index
      %swap3A_1521 = arith.constant 176 : index
      %swap3A_1522 = tpu.vector_load %arg5[%swap3A_1520, %swap3A_1521] {strides = array<i32>} : memref<272x256xf32, #tpu.memory_space<vmem>>, vector<1x16xf32>,
      %swap3A_1523 = vector.shape_cast %swap3A_1522 : vector<1x16xf32> to vector<16xf32>
      %swap3A_1524 = vector.shape_cast %get3A_1519 : vector<16xf32> to vector<1x16xf32>
      tpu.vector_store %arg5[%swap3A_1520, %swap3A_1521], %swap3A_1524 {strides = array<i32>} : memref<272x256xf32, #tpu.memory_space<vmem>>, vector<1x16xf32>,
      %get3A_1525 = arith.constant 1 : i32
      %get3A_1526 = arith.index_cast %get3A_1525 : i32 to index
      %get3A_1527 = arith.constant 192 : index
      %get3A_1528 = tpu.vector_load %arg7[%get3A_1526, %get3A_1527] {strides = array<i32>} : memref<8x256xf32, #tpu.memory_space<vmem>>, vector<1x16xf32>,
      %get3A_1529 = vector.shape_cast %get3A_1528 : vector<1x16xf32> to vector<16xf32>
      %swap3A_1530 = arith.index_cast %sub3A_1405 : i32 to index
      %swap3A_1531 = arith.constant 192 : index
      %swap3A_1532 = tpu.vector_load %arg5[%swap3A_1530, %swap3A_1531] {strides = array<i32>} : memref<272x256xf32, #tpu.memory_space<vmem>>, vector<1x16xf32>,
      %swap3A_1533 = vector.shape_cast %swap3A_1532 : vector<1x16xf32> to vector<16xf32>
      %swap3A_1534 = vector.shape_cast %get3A_1529 : vector<16xf32> to vector<1x16xf32>
      tpu.vector_store %arg5[%swap3A_1530, %swap3A_1531], %swap3A_1534 {strides = array<i32>} : memref<272x256xf32, #tpu.memory_space<vmem>>, vector<1x16xf32>,
      %get3A_1535 = arith.constant 1 : i32
      %get3A_1536 = arith.index_cast %get3A_1535 : i32 to index
      %get3A_1537 = arith.constant 208 : index
      %get3A_1538 = tpu.vector_load %arg7[%get3A_1536, %get3A_1537] {strides = array<i32>} : memref<8x256xf32, #tpu.memory_space<vmem>>, vector<1x16xf32>,
      %get3A_1539 = vector.shape_cast %get3A_1538 : vector<1x16xf32> to vector<16xf32>
      %swap3A_1540 = arith.index_cast %sub3A_1405 : i32 to index
      %swap3A_1541 = arith.constant 208 : index
      %swap3A_1542 = tpu.vector_load %arg5[%swap3A_1540, %swap3A_1541] {strides = array<i32>} : memref<272x256xf32, #tpu.memory_space<vmem>>, vector<1x16xf32>,
      %swap3A_1543 = vector.shape_cast %swap3A_1542 : vector<1x16xf32> to vector<16xf32>
      %swap3A_1544 = vector.shape_cast %get3A_1539 : vector<16xf32> to vector<1x16xf32>
      tpu.vector_store %arg5[%swap3A_1540, %swap3A_1541], %swap3A_1544 {strides = array<i32>} : memref<272x256xf32, #tpu.memory_space<vmem>>, vector<1x16xf32>,
      %get3A_1545 = arith.constant 1 : i32
      %get3A_1546 = arith.index_cast %get3A_1545 : i32 to index
      %get3A_1547 = arith.constant 224 : index
      %get3A_1548 = tpu.vector_load %arg7[%get3A_1546, %get3A_1547] {strides = array<i32>} : memref<8x256xf32, #tpu.memory_space<vmem>>, vector<1x16xf32>,
      %get3A_1549 = vector.shape_cast %get3A_1548 : vector<1x16xf32> to vector<16xf32>
      %swap3A_1550 = arith.index_cast %sub3A_1405 : i32 to index
      %swap3A_1551 = arith.constant 224 : index
      %swap3A_1552 = tpu.vector_load %arg5[%swap3A_1550, %swap3A_1551] {strides = array<i32>} : memref<272x256xf32, #tpu.memory_space<vmem>>, vector<1x16xf32>,
      %swap3A_1553 = vector.shape_cast %swap3A_1552 : vector<1x16xf32> to vector<16xf32>
      %swap3A_1554 = vector.shape_cast %get3A_1549 : vector<16xf32> to vector<1x16xf32>
      tpu.vector_store %arg5[%swap3A_1550, %swap3A_1551], %swap3A_1554 {strides = array<i32>} : memref<272x256xf32, #tpu.memory_space<vmem>>, vector<1x16xf32>,
      %get3A_1555 = arith.constant 1 : i32
      %get3A_1556 = arith.index_cast %get3A_1555 : i32 to index
      %get3A_1557 = arith.constant 240 : index
      %get3A_1558 = tpu.vector_load %arg7[%get3A_1556, %get3A_1557] {strides = array<i32>} : memref<8x256xf32, #tpu.memory_space<vmem>>, vector<1x16xf32>,
      %get3A_1559 = vector.shape_cast %get3A_1558 : vector<1x16xf32> to vector<16xf32>
      %swap3A_1560 = arith.index_cast %sub3A_1405 : i32 to index
      %swap3A_1561 = arith.constant 240 : index
      %swap3A_1562 = tpu.vector_load %arg5[%swap3A_1560, %swap3A_1561] {strides = array<i32>} : memref<272x256xf32, #tpu.memory_space<vmem>>, vector<1x16xf32>,
      %swap3A_1563 = vector.shape_cast %swap3A_1562 : vector<1x16xf32> to vector<16xf32>
      %swap3A_1564 = vector.shape_cast %get3A_1559 : vector<16xf32> to vector<1x16xf32>
      tpu.vector_store %arg5[%swap3A_1560, %swap3A_1561], %swap3A_1564 {strides = array<i32>} : memref<272x256xf32, #tpu.memory_space<vmem>>, vector<1x16xf32>,
    } else {
    }
    %le3A_1344 = arith.constant 3586 : i32
    %le3A_1345 = arith.cmpi sle, %multiple_of3A, %le3A_1344 : i32
    %add3A_1346 = arith.constant 272 : i32
    %add3A_1347 = arith.addi %multiple_of3A, %add3A_1346 : i32
    %gt3A_1348 = arith.constant 3586 : i32
    %gt3A_1349 = arith.cmpi sgt, %add3A_1347, %gt3A_1348 : i32
    %and3A_1350 = arith.andi %le3A_1345, %gt3A_1349 : i1
    %convert_element_type3A_1351 = arith.extui %and3A_1350 : i1 to i32
    %cond3A_1352 = arith.constant 0 : i32
    %cond3A_1353 = arith.cmpi ne, %convert_element_type3A_1351, %cond3A_1352 : i32
    scf.if %cond3A_1353 {
      %sub3A_1404 = arith.constant 3586 : i32
      %sub3A_1405 = arith.subi %sub3A_1404, %multiple_of3A : i32
      %get3A = arith.constant 2 : i32
      %get3A_1406 = arith.index_cast %get3A : i32 to index
      %get3A_1407 = arith.constant 0 : index
      %get3A_1408 = tpu.vector_load %arg7[%get3A_1406, %get3A_1407] {strides = array<i32>} : memref<8x256xf32, #tpu.memory_space<vmem>>, vector<1x16xf32>,
      %get3A_1409 = vector.shape_cast %get3A_1408 : vector<1x16xf32> to vector<16xf32>
      %swap3A_1410 = arith.index_cast %sub3A_1405 : i32 to index
      %swap3A_1411 = arith.constant 0 : index
      %swap3A_1412 = tpu.vector_load %arg5[%swap3A_1410, %swap3A_1411] {strides = array<i32>} : memref<272x256xf32, #tpu.memory_space<vmem>>, vector<1x16xf32>,
      %swap3A_1413 = vector.shape_cast %swap3A_1412 : vector<1x16xf32> to vector<16xf32>
      %swap3A_1414 = vector.shape_cast %get3A_1409 : vector<16xf32> to vector<1x16xf32>
      tpu.vector_store %arg5[%swap3A_1410, %swap3A_1411], %swap3A_1414 {strides = array<i32>} : memref<272x256xf32, #tpu.memory_space<vmem>>, vector<1x16xf32>,
      %get3A_1415 = arith.constant 2 : i32
      %get3A_1416 = arith.index_cast %get3A_1415 : i32 to index
      %get3A_1417 = arith.constant 16 : index
      %get3A_1418 = tpu.vector_load %arg7[%get3A_1416, %get3A_1417] {strides = array<i32>} : memref<8x256xf32, #tpu.memory_space<vmem>>, vector<1x16xf32>,
      %get3A_1419 = vector.shape_cast %get3A_1418 : vector<1x16xf32> to vector<16xf32>
      %swap3A_1420 = arith.index_cast %sub3A_1405 : i32 to index
      %swap3A_1421 = arith.constant 16 : index
      %swap3A_1422 = tpu.vector_load %arg5[%swap3A_1420, %swap3A_1421] {strides = array<i32>} : memref<272x256xf32, #tpu.memory_space<vmem>>, vector<1x16xf32>,
      %swap3A_1423 = vector.shape_cast %swap3A_1422 : vector<1x16xf32> to vector<16xf32>
      %swap3A_1424 = vector.shape_cast %get3A_1419 : vector<16xf32> to vector<1x16xf32>
      tpu.vector_store %arg5[%swap3A_1420, %swap3A_1421], %swap3A_1424 {strides = array<i32>} : memref<272x256xf32, #tpu.memory_space<vmem>>, vector<1x16xf32>,
      %get3A_1425 = arith.constant 2 : i32
      %get3A_1426 = arith.index_cast %get3A_1425 : i32 to index
      %get3A_1427 = arith.constant 32 : index
      %get3A_1428 = tpu.vector_load %arg7[%get3A_1426, %get3A_1427] {strides = array<i32>} : memref<8x256xf32, #tpu.memory_space<vmem>>, vector<1x16xf32>,
      %get3A_1429 = vector.shape_cast %get3A_1428 : vector<1x16xf32> to vector<16xf32>
      %swap3A_1430 = arith.index_cast %sub3A_1405 : i32 to index
      %swap3A_1431 = arith.constant 32 : index
      %swap3A_1432 = tpu.vector_load %arg5[%swap3A_1430, %swap3A_1431] {strides = array<i32>} : memref<272x256xf32, #tpu.memory_space<vmem>>, vector<1x16xf32>,
      %swap3A_1433 = vector.shape_cast %swap3A_1432 : vector<1x16xf32> to vector<16xf32>
      %swap3A_1434 = vector.shape_cast %get3A_1429 : vector<16xf32> to vector<1x16xf32>
      tpu.vector_store %arg5[%swap3A_1430, %swap3A_1431], %swap3A_1434 {strides = array<i32>} : memref<272x256xf32, #tpu.memory_space<vmem>>, vector<1x16xf32>,
      %get3A_1435 = arith.constant 2 : i32
      %get3A_1436 = arith.index_cast %get3A_1435 : i32 to index
      %get3A_1437 = arith.constant 48 : index
      %get3A_1438 = tpu.vector_load %arg7[%get3A_1436, %get3A_1437] {strides = array<i32>} : memref<8x256xf32, #tpu.memory_space<vmem>>, vector<1x16xf32>,
      %get3A_1439 = vector.shape_cast %get3A_1438 : vector<1x16xf32> to vector<16xf32>
      %swap3A_1440 = arith.index_cast %sub3A_1405 : i32 to index
      %swap3A_1441 = arith.constant 48 : index
      %swap3A_1442 = tpu.vector_load %arg5[%swap3A_1440, %swap3A_1441] {strides = array<i32>} : memref<272x256xf32, #tpu.memory_space<vmem>>, vector<1x16xf32>,
      %swap3A_1443 = vector.shape_cast %swap3A_1442 : vector<1x16xf32> to vector<16xf32>
      %swap3A_1444 = vector.shape_cast %get3A_1439 : vector<16xf32> to vector<1x16xf32>
      tpu.vector_store %arg5[%swap3A_1440, %swap3A_1441], %swap3A_1444 {strides = array<i32>} : memref<272x256xf32, #tpu.memory_space<vmem>>, vector<1x16xf32>,
      %get3A_1445 = arith.constant 2 : i32
      %get3A_1446 = arith.index_cast %get3A_1445 : i32 to index
      %get3A_1447 = arith.constant 64 : index
      %get3A_1448 = tpu.vector_load %arg7[%get3A_1446, %get3A_1447] {strides = array<i32>} : memref<8x256xf32, #tpu.memory_space<vmem>>, vector<1x16xf32>,
      %get3A_1449 = vector.shape_cast %get3A_1448 : vector<1x16xf32> to vector<16xf32>
      %swap3A_1450 = arith.index_cast %sub3A_1405 : i32 to index
      %swap3A_1451 = arith.constant 64 : index
      %swap3A_1452 = tpu.vector_load %arg5[%swap3A_1450, %swap3A_1451] {strides = array<i32>} : memref<272x256xf32, #tpu.memory_space<vmem>>, vector<1x16xf32>,
      %swap3A_1453 = vector.shape_cast %swap3A_1452 : vector<1x16xf32> to vector<16xf32>
      %swap3A_1454 = vector.shape_cast %get3A_1449 : vector<16xf32> to vector<1x16xf32>
      tpu.vector_store %arg5[%swap3A_1450, %swap3A_1451], %swap3A_1454 {strides = array<i32>} : memref<272x256xf32, #tpu.memory_space<vmem>>, vector<1x16xf32>,
      %get3A_1455 = arith.constant 2 : i32
      %get3A_1456 = arith.index_cast %get3A_1455 : i32 to index
      %get3A_1457 = arith.constant 80 : index
      %get3A_1458 = tpu.vector_load %arg7[%get3A_1456, %get3A_1457] {strides = array<i32>} : memref<8x256xf32, #tpu.memory_space<vmem>>, vector<1x16xf32>,
      %get3A_1459 = vector.shape_cast %get3A_1458 : vector<1x16xf32> to vector<16xf32>
      %swap3A_1460 = arith.index_cast %sub3A_1405 : i32 to index
      %swap3A_1461 = arith.constant 80 : index
      %swap3A_1462 = tpu.vector_load %arg5[%swap3A_1460, %swap3A_1461] {strides = array<i32>} : memref<272x256xf32, #tpu.memory_space<vmem>>, vector<1x16xf32>,
      %swap3A_1463 = vector.shape_cast %swap3A_1462 : vector<1x16xf32> to vector<16xf32>
      %swap3A_1464 = vector.shape_cast %get3A_1459 : vector<16xf32> to vector<1x16xf32>
      tpu.vector_store %arg5[%swap3A_1460, %swap3A_1461], %swap3A_1464 {strides = array<i32>} : memref<272x256xf32, #tpu.memory_space<vmem>>, vector<1x16xf32>,
      %get3A_1465 = arith.constant 2 : i32
      %get3A_1466 = arith.index_cast %get3A_1465 : i32 to index
      %get3A_1467 = arith.constant 96 : index
      %get3A_1468 = tpu.vector_load %arg7[%get3A_1466, %get3A_1467] {strides = array<i32>} : memref<8x256xf32, #tpu.memory_space<vmem>>, vector<1x16xf32>,
      %get3A_1469 = vector.shape_cast %get3A_1468 : vector<1x16xf32> to vector<16xf32>
      %swap3A_1470 = arith.index_cast %sub3A_1405 : i32 to index
      %swap3A_1471 = arith.constant 96 : index
      %swap3A_1472 = tpu.vector_load %arg5[%swap3A_1470, %swap3A_1471] {strides = array<i32>} : memref<272x256xf32, #tpu.memory_space<vmem>>, vector<1x16xf32>,
      %swap3A_1473 = vector.shape_cast %swap3A_1472 : vector<1x16xf32> to vector<16xf32>
      %swap3A_1474 = vector.shape_cast %get3A_1469 : vector<16xf32> to vector<1x16xf32>
      tpu.vector_store %arg5[%swap3A_1470, %swap3A_1471], %swap3A_1474 {strides = array<i32>} : memref<272x256xf32, #tpu.memory_space<vmem>>, vector<1x16xf32>,
      %get3A_1475 = arith.constant 2 : i32
      %get3A_1476 = arith.index_cast %get3A_1475 : i32 to index
      %get3A_1477 = arith.constant 112 : index
      %get3A_1478 = tpu.vector_load %arg7[%get3A_1476, %get3A_1477] {strides = array<i32>} : memref<8x256xf32, #tpu.memory_space<vmem>>, vector<1x16xf32>,
      %get3A_1479 = vector.shape_cast %get3A_1478 : vector<1x16xf32> to vector<16xf32>
      %swap3A_1480 = arith.index_cast %sub3A_1405 : i32 to index
      %swap3A_1481 = arith.constant 112 : index
      %swap3A_1482 = tpu.vector_load %arg5[%swap3A_1480, %swap3A_1481] {strides = array<i32>} : memref<272x256xf32, #tpu.memory_space<vmem>>, vector<1x16xf32>,
      %swap3A_1483 = vector.shape_cast %swap3A_1482 : vector<1x16xf32> to vector<16xf32>
      %swap3A_1484 = vector.shape_cast %get3A_1479 : vector<16xf32> to vector<1x16xf32>
      tpu.vector_store %arg5[%swap3A_1480, %swap3A_1481], %swap3A_1484 {strides = array<i32>} : memref<272x256xf32, #tpu.memory_space<vmem>>, vector<1x16xf32>,
      %get3A_1485 = arith.constant 2 : i32
      %get3A_1486 = arith.index_cast %get3A_1485 : i32 to index
      %get3A_1487 = arith.constant 128 : index
      %get3A_1488 = tpu.vector_load %arg7[%get3A_1486, %get3A_1487] {strides = array<i32>} : memref<8x256xf32, #tpu.memory_space<vmem>>, vector<1x16xf32>,
      %get3A_1489 = vector.shape_cast %get3A_1488 : vector<1x16xf32> to vector<16xf32>
      %swap3A_1490 = arith.index_cast %sub3A_1405 : i32 to index
      %swap3A_1491 = arith.constant 128 : index
      %swap3A_1492 = tpu.vector_load %arg5[%swap3A_1490, %swap3A_1491] {strides = array<i32>} : memref<272x256xf32, #tpu.memory_space<vmem>>, vector<1x16xf32>,
      %swap3A_1493 = vector.shape_cast %swap3A_1492 : vector<1x16xf32> to vector<16xf32>
      %swap3A_1494 = vector.shape_cast %get3A_1489 : vector<16xf32> to vector<1x16xf32>
      tpu.vector_store %arg5[%swap3A_1490, %swap3A_1491], %swap3A_1494 {strides = array<i32>} : memref<272x256xf32, #tpu.memory_space<vmem>>, vector<1x16xf32>,
      %get3A_1495 = arith.constant 2 : i32
      %get3A_1496 = arith.index_cast %get3A_1495 : i32 to index
      %get3A_1497 = arith.constant 144 : index
      %get3A_1498 = tpu.vector_load %arg7[%get3A_1496, %get3A_1497] {strides = array<i32>} : memref<8x256xf32, #tpu.memory_space<vmem>>, vector<1x16xf32>,
      %get3A_1499 = vector.shape_cast %get3A_1498 : vector<1x16xf32> to vector<16xf32>
      %swap3A_1500 = arith.index_cast %sub3A_1405 : i32 to index
      %swap3A_1501 = arith.constant 144 : index
      %swap3A_1502 = tpu.vector_load %arg5[%swap3A_1500, %swap3A_1501] {strides = array<i32>} : memref<272x256xf32, #tpu.memory_space<vmem>>, vector<1x16xf32>,
      %swap3A_1503 = vector.shape_cast %swap3A_1502 : vector<1x16xf32> to vector<16xf32>
      %swap3A_1504 = vector.shape_cast %get3A_1499 : vector<16xf32> to vector<1x16xf32>
      tpu.vector_store %arg5[%swap3A_1500, %swap3A_1501], %swap3A_1504 {strides = array<i32>} : memref<272x256xf32, #tpu.memory_space<vmem>>, vector<1x16xf32>,
      %get3A_1505 = arith.constant 2 : i32
      %get3A_1506 = arith.index_cast %get3A_1505 : i32 to index
      %get3A_1507 = arith.constant 160 : index
      %get3A_1508 = tpu.vector_load %arg7[%get3A_1506, %get3A_1507] {strides = array<i32>} : memref<8x256xf32, #tpu.memory_space<vmem>>, vector<1x16xf32>,
      %get3A_1509 = vector.shape_cast %get3A_1508 : vector<1x16xf32> to vector<16xf32>
      %swap3A_1510 = arith.index_cast %sub3A_1405 : i32 to index
      %swap3A_1511 = arith.constant 160 : index
      %swap3A_1512 = tpu.vector_load %arg5[%swap3A_1510, %swap3A_1511] {strides = array<i32>} : memref<272x256xf32, #tpu.memory_space<vmem>>, vector<1x16xf32>,
      %swap3A_1513 = vector.shape_cast %swap3A_1512 : vector<1x16xf32> to vector<16xf32>
      %swap3A_1514 = vector.shape_cast %get3A_1509 : vector<16xf32> to vector<1x16xf32>
      tpu.vector_store %arg5[%swap3A_1510, %swap3A_1511], %swap3A_1514 {strides = array<i32>} : memref<272x256xf32, #tpu.memory_space<vmem>>, vector<1x16xf32>,
      %get3A_1515 = arith.constant 2 : i32
      %get3A_1516 = arith.index_cast %get3A_1515 : i32 to index
      %get3A_1517 = arith.constant 176 : index
      %get3A_1518 = tpu.vector_load %arg7[%get3A_1516, %get3A_1517] {strides = array<i32>} : memref<8x256xf32, #tpu.memory_space<vmem>>, vector<1x16xf32>,
      %get3A_1519 = vector.shape_cast %get3A_1518 : vector<1x16xf32> to vector<16xf32>
      %swap3A_1520 = arith.index_cast %sub3A_1405 : i32 to index
      %swap3A_1521 = arith.constant 176 : index
      %swap3A_1522 = tpu.vector_load %arg5[%swap3A_1520, %swap3A_1521] {strides = array<i32>} : memref<272x256xf32, #tpu.memory_space<vmem>>, vector<1x16xf32>,
      %swap3A_1523 = vector.shape_cast %swap3A_1522 : vector<1x16xf32> to vector<16xf32>
      %swap3A_1524 = vector.shape_cast %get3A_1519 : vector<16xf32> to vector<1x16xf32>
      tpu.vector_store %arg5[%swap3A_1520, %swap3A_1521], %swap3A_1524 {strides = array<i32>} : memref<272x256xf32, #tpu.memory_space<vmem>>, vector<1x16xf32>,
      %get3A_1525 = arith.constant 2 : i32
      %get3A_1526 = arith.index_cast %get3A_1525 : i32 to index
      %get3A_1527 = arith.constant 192 : index
      %get3A_1528 = tpu.vector_load %arg7[%get3A_1526, %get3A_1527] {strides = array<i32>} : memref<8x256xf32, #tpu.memory_space<vmem>>, vector<1x16xf32>,
      %get3A_1529 = vector.shape_cast %get3A_1528 : vector<1x16xf32> to vector<16xf32>
      %swap3A_1530 = arith.index_cast %sub3A_1405 : i32 to index
      %swap3A_1531 = arith.constant 192 : index
      %swap3A_1532 = tpu.vector_load %arg5[%swap3A_1530, %swap3A_1531] {strides = array<i32>} : memref<272x256xf32, #tpu.memory_space<vmem>>, vector<1x16xf32>,
      %swap3A_1533 = vector.shape_cast %swap3A_1532 : vector<1x16xf32> to vector<16xf32>
      %swap3A_1534 = vector.shape_cast %get3A_1529 : vector<16xf32> to vector<1x16xf32>
      tpu.vector_store %arg5[%swap3A_1530, %swap3A_1531], %swap3A_1534 {strides = array<i32>} : memref<272x256xf32, #tpu.memory_space<vmem>>, vector<1x16xf32>,
      %get3A_1535 = arith.constant 2 : i32
      %get3A_1536 = arith.index_cast %get3A_1535 : i32 to index
      %get3A_1537 = arith.constant 208 : index
      %get3A_1538 = tpu.vector_load %arg7[%get3A_1536, %get3A_1537] {strides = array<i32>} : memref<8x256xf32, #tpu.memory_space<vmem>>, vector<1x16xf32>,
      %get3A_1539 = vector.shape_cast %get3A_1538 : vector<1x16xf32> to vector<16xf32>
      %swap3A_1540 = arith.index_cast %sub3A_1405 : i32 to index
      %swap3A_1541 = arith.constant 208 : index
      %swap3A_1542 = tpu.vector_load %arg5[%swap3A_1540, %swap3A_1541] {strides = array<i32>} : memref<272x256xf32, #tpu.memory_space<vmem>>, vector<1x16xf32>,
      %swap3A_1543 = vector.shape_cast %swap3A_1542 : vector<1x16xf32> to vector<16xf32>
      %swap3A_1544 = vector.shape_cast %get3A_1539 : vector<16xf32> to vector<1x16xf32>
      tpu.vector_store %arg5[%swap3A_1540, %swap3A_1541], %swap3A_1544 {strides = array<i32>} : memref<272x256xf32, #tpu.memory_space<vmem>>, vector<1x16xf32>,
      %get3A_1545 = arith.constant 2 : i32
      %get3A_1546 = arith.index_cast %get3A_1545 : i32 to index
      %get3A_1547 = arith.constant 224 : index
      %get3A_1548 = tpu.vector_load %arg7[%get3A_1546, %get3A_1547] {strides = array<i32>} : memref<8x256xf32, #tpu.memory_space<vmem>>, vector<1x16xf32>,
      %get3A_1549 = vector.shape_cast %get3A_1548 : vector<1x16xf32> to vector<16xf32>
      %swap3A_1550 = arith.index_cast %sub3A_1405 : i32 to index
      %swap3A_1551 = arith.constant 224 : index
      %swap3A_1552 = tpu.vector_load %arg5[%swap3A_1550, %swap3A_1551] {strides = array<i32>} : memref<272x256xf32, #tpu.memory_space<vmem>>, vector<1x16xf32>,
      %swap3A_1553 = vector.shape_cast %swap3A_1552 : vector<1x16xf32> to vector<16xf32>
      %swap3A_1554 = vector.shape_cast %get3A_1549 : vector<16xf32> to vector<1x16xf32>
      tpu.vector_store %arg5[%swap3A_1550, %swap3A_1551], %swap3A_1554 {strides = array<i32>} : memref<272x256xf32, #tpu.memory_space<vmem>>, vector<1x16xf32>,
      %get3A_1555 = arith.constant 2 : i32
      %get3A_1556 = arith.index_cast %get3A_1555 : i32 to index
      %get3A_1557 = arith.constant 240 : index
      %get3A_1558 = tpu.vector_load %arg7[%get3A_1556, %get3A_1557] {strides = array<i32>} : memref<8x256xf32, #tpu.memory_space<vmem>>, vector<1x16xf32>,
      %get3A_1559 = vector.shape_cast %get3A_1558 : vector<1x16xf32> to vector<16xf32>
      %swap3A_1560 = arith.index_cast %sub3A_1405 : i32 to index
      %swap3A_1561 = arith.constant 240 : index
      %swap3A_1562 = tpu.vector_load %arg5[%swap3A_1560, %swap3A_1561] {strides = array<i32>} : memref<272x256xf32, #tpu.memory_space<vmem>>, vector<1x16xf32>,
      %swap3A_1563 = vector.shape_cast %swap3A_1562 : vector<1x16xf32> to vector<16xf32>
      %swap3A_1564 = vector.shape_cast %get3A_1559 : vector<16xf32> to vector<1x16xf32>
      tpu.vector_store %arg5[%swap3A_1560, %swap3A_1561], %swap3A_1564 {strides = array<i32>} : memref<272x256xf32, #tpu.memory_space<vmem>>, vector<1x16xf32>,
    } else {
    }
    %le3A_1354 = arith.constant 5123 : i32
    %le3A_1355 = arith.cmpi sle, %multiple_of3A, %le3A_1354 : i32
    %add3A_1356 = arith.constant 272 : i32
    %add3A_1357 = arith.addi %multiple_of3A, %add3A_1356 : i32
    %gt3A_1358 = arith.constant 5123 : i32
    %gt3A_1359 = arith.cmpi sgt, %add3A_1357, %gt3A_1358 : i32
    %and3A_1360 = arith.andi %le3A_1355, %gt3A_1359 : i1
    %convert_element_type3A_1361 = arith.extui %and3A_1360 : i1 to i32
    %cond3A_1362 = arith.constant 0 : i32
    %cond3A_1363 = arith.cmpi ne, %convert_element_type3A_1361, %cond3A_1362 : i32
    scf.if %cond3A_1363 {
      %sub3A_1404 = arith.constant 5123 : i32
      %sub3A_1405 = arith.subi %sub3A_1404, %multiple_of3A : i32
      %get3A = arith.constant 3 : i32
      %get3A_1406 = arith.index_cast %get3A : i32 to index
      %get3A_1407 = arith.constant 0 : index
      %get3A_1408 = tpu.vector_load %arg7[%get3A_1406, %get3A_1407] {strides = array<i32>} : memref<8x256xf32, #tpu.memory_space<vmem>>, vector<1x16xf32>,
      %get3A_1409 = vector.shape_cast %get3A_1408 : vector<1x16xf32> to vector<16xf32>
      %swap3A_1410 = arith.index_cast %sub3A_1405 : i32 to index
      %swap3A_1411 = arith.constant 0 : index
      %swap3A_1412 = tpu.vector_load %arg5[%swap3A_1410, %swap3A_1411] {strides = array<i32>} : memref<272x256xf32, #tpu.memory_space<vmem>>, vector<1x16xf32>,
      %swap3A_1413 = vector.shape_cast %swap3A_1412 : vector<1x16xf32> to vector<16xf32>
      %swap3A_1414 = vector.shape_cast %get3A_1409 : vector<16xf32> to vector<1x16xf32>
      tpu.vector_store %arg5[%swap3A_1410, %swap3A_1411], %swap3A_1414 {strides = array<i32>} : memref<272x256xf32, #tpu.memory_space<vmem>>, vector<1x16xf32>,
      %get3A_1415 = arith.constant 3 : i32
      %get3A_1416 = arith.index_cast %get3A_1415 : i32 to index
      %get3A_1417 = arith.constant 16 : index
      %get3A_1418 = tpu.vector_load %arg7[%get3A_1416, %get3A_1417] {strides = array<i32>} : memref<8x256xf32, #tpu.memory_space<vmem>>, vector<1x16xf32>,
      %get3A_1419 = vector.shape_cast %get3A_1418 : vector<1x16xf32> to vector<16xf32>
      %swap3A_1420 = arith.index_cast %sub3A_1405 : i32 to index
      %swap3A_1421 = arith.constant 16 : index
      %swap3A_1422 = tpu.vector_load %arg5[%swap3A_1420, %swap3A_1421] {strides = array<i32>} : memref<272x256xf32, #tpu.memory_space<vmem>>, vector<1x16xf32>,
      %swap3A_1423 = vector.shape_cast %swap3A_1422 : vector<1x16xf32> to vector<16xf32>
      %swap3A_1424 = vector.shape_cast %get3A_1419 : vector<16xf32> to vector<1x16xf32>
      tpu.vector_store %arg5[%swap3A_1420, %swap3A_1421], %swap3A_1424 {strides = array<i32>} : memref<272x256xf32, #tpu.memory_space<vmem>>, vector<1x16xf32>,
      %get3A_1425 = arith.constant 3 : i32
      %get3A_1426 = arith.index_cast %get3A_1425 : i32 to index
      %get3A_1427 = arith.constant 32 : index
      %get3A_1428 = tpu.vector_load %arg7[%get3A_1426, %get3A_1427] {strides = array<i32>} : memref<8x256xf32, #tpu.memory_space<vmem>>, vector<1x16xf32>,
      %get3A_1429 = vector.shape_cast %get3A_1428 : vector<1x16xf32> to vector<16xf32>
      %swap3A_1430 = arith.index_cast %sub3A_1405 : i32 to index
      %swap3A_1431 = arith.constant 32 : index
      %swap3A_1432 = tpu.vector_load %arg5[%swap3A_1430, %swap3A_1431] {strides = array<i32>} : memref<272x256xf32, #tpu.memory_space<vmem>>, vector<1x16xf32>,
      %swap3A_1433 = vector.shape_cast %swap3A_1432 : vector<1x16xf32> to vector<16xf32>
      %swap3A_1434 = vector.shape_cast %get3A_1429 : vector<16xf32> to vector<1x16xf32>
      tpu.vector_store %arg5[%swap3A_1430, %swap3A_1431], %swap3A_1434 {strides = array<i32>} : memref<272x256xf32, #tpu.memory_space<vmem>>, vector<1x16xf32>,
      %get3A_1435 = arith.constant 3 : i32
      %get3A_1436 = arith.index_cast %get3A_1435 : i32 to index
      %get3A_1437 = arith.constant 48 : index
      %get3A_1438 = tpu.vector_load %arg7[%get3A_1436, %get3A_1437] {strides = array<i32>} : memref<8x256xf32, #tpu.memory_space<vmem>>, vector<1x16xf32>,
      %get3A_1439 = vector.shape_cast %get3A_1438 : vector<1x16xf32> to vector<16xf32>
      %swap3A_1440 = arith.index_cast %sub3A_1405 : i32 to index
      %swap3A_1441 = arith.constant 48 : index
      %swap3A_1442 = tpu.vector_load %arg5[%swap3A_1440, %swap3A_1441] {strides = array<i32>} : memref<272x256xf32, #tpu.memory_space<vmem>>, vector<1x16xf32>,
      %swap3A_1443 = vector.shape_cast %swap3A_1442 : vector<1x16xf32> to vector<16xf32>
      %swap3A_1444 = vector.shape_cast %get3A_1439 : vector<16xf32> to vector<1x16xf32>
      tpu.vector_store %arg5[%swap3A_1440, %swap3A_1441], %swap3A_1444 {strides = array<i32>} : memref<272x256xf32, #tpu.memory_space<vmem>>, vector<1x16xf32>,
      %get3A_1445 = arith.constant 3 : i32
      %get3A_1446 = arith.index_cast %get3A_1445 : i32 to index
      %get3A_1447 = arith.constant 64 : index
      %get3A_1448 = tpu.vector_load %arg7[%get3A_1446, %get3A_1447] {strides = array<i32>} : memref<8x256xf32, #tpu.memory_space<vmem>>, vector<1x16xf32>,
      %get3A_1449 = vector.shape_cast %get3A_1448 : vector<1x16xf32> to vector<16xf32>
      %swap3A_1450 = arith.index_cast %sub3A_1405 : i32 to index
      %swap3A_1451 = arith.constant 64 : index
      %swap3A_1452 = tpu.vector_load %arg5[%swap3A_1450, %swap3A_1451] {strides = array<i32>} : memref<272x256xf32, #tpu.memory_space<vmem>>, vector<1x16xf32>,
      %swap3A_1453 = vector.shape_cast %swap3A_1452 : vector<1x16xf32> to vector<16xf32>
      %swap3A_1454 = vector.shape_cast %get3A_1449 : vector<16xf32> to vector<1x16xf32>
      tpu.vector_store %arg5[%swap3A_1450, %swap3A_1451], %swap3A_1454 {strides = array<i32>} : memref<272x256xf32, #tpu.memory_space<vmem>>, vector<1x16xf32>,
      %get3A_1455 = arith.constant 3 : i32
      %get3A_1456 = arith.index_cast %get3A_1455 : i32 to index
      %get3A_1457 = arith.constant 80 : index
      %get3A_1458 = tpu.vector_load %arg7[%get3A_1456, %get3A_1457] {strides = array<i32>} : memref<8x256xf32, #tpu.memory_space<vmem>>, vector<1x16xf32>,
      %get3A_1459 = vector.shape_cast %get3A_1458 : vector<1x16xf32> to vector<16xf32>
      %swap3A_1460 = arith.index_cast %sub3A_1405 : i32 to index
      %swap3A_1461 = arith.constant 80 : index
      %swap3A_1462 = tpu.vector_load %arg5[%swap3A_1460, %swap3A_1461] {strides = array<i32>} : memref<272x256xf32, #tpu.memory_space<vmem>>, vector<1x16xf32>,
      %swap3A_1463 = vector.shape_cast %swap3A_1462 : vector<1x16xf32> to vector<16xf32>
      %swap3A_1464 = vector.shape_cast %get3A_1459 : vector<16xf32> to vector<1x16xf32>
      tpu.vector_store %arg5[%swap3A_1460, %swap3A_1461], %swap3A_1464 {strides = array<i32>} : memref<272x256xf32, #tpu.memory_space<vmem>>, vector<1x16xf32>,
      %get3A_1465 = arith.constant 3 : i32
      %get3A_1466 = arith.index_cast %get3A_1465 : i32 to index
      %get3A_1467 = arith.constant 96 : index
      %get3A_1468 = tpu.vector_load %arg7[%get3A_1466, %get3A_1467] {strides = array<i32>} : memref<8x256xf32, #tpu.memory_space<vmem>>, vector<1x16xf32>,
      %get3A_1469 = vector.shape_cast %get3A_1468 : vector<1x16xf32> to vector<16xf32>
      %swap3A_1470 = arith.index_cast %sub3A_1405 : i32 to index
      %swap3A_1471 = arith.constant 96 : index
      %swap3A_1472 = tpu.vector_load %arg5[%swap3A_1470, %swap3A_1471] {strides = array<i32>} : memref<272x256xf32, #tpu.memory_space<vmem>>, vector<1x16xf32>,
      %swap3A_1473 = vector.shape_cast %swap3A_1472 : vector<1x16xf32> to vector<16xf32>
      %swap3A_1474 = vector.shape_cast %get3A_1469 : vector<16xf32> to vector<1x16xf32>
      tpu.vector_store %arg5[%swap3A_1470, %swap3A_1471], %swap3A_1474 {strides = array<i32>} : memref<272x256xf32, #tpu.memory_space<vmem>>, vector<1x16xf32>,
      %get3A_1475 = arith.constant 3 : i32
      %get3A_1476 = arith.index_cast %get3A_1475 : i32 to index
      %get3A_1477 = arith.constant 112 : index
      %get3A_1478 = tpu.vector_load %arg7[%get3A_1476, %get3A_1477] {strides = array<i32>} : memref<8x256xf32, #tpu.memory_space<vmem>>, vector<1x16xf32>,
      %get3A_1479 = vector.shape_cast %get3A_1478 : vector<1x16xf32> to vector<16xf32>
      %swap3A_1480 = arith.index_cast %sub3A_1405 : i32 to index
      %swap3A_1481 = arith.constant 112 : index
      %swap3A_1482 = tpu.vector_load %arg5[%swap3A_1480, %swap3A_1481] {strides = array<i32>} : memref<272x256xf32, #tpu.memory_space<vmem>>, vector<1x16xf32>,
      %swap3A_1483 = vector.shape_cast %swap3A_1482 : vector<1x16xf32> to vector<16xf32>
      %swap3A_1484 = vector.shape_cast %get3A_1479 : vector<16xf32> to vector<1x16xf32>
      tpu.vector_store %arg5[%swap3A_1480, %swap3A_1481], %swap3A_1484 {strides = array<i32>} : memref<272x256xf32, #tpu.memory_space<vmem>>, vector<1x16xf32>,
      %get3A_1485 = arith.constant 3 : i32
      %get3A_1486 = arith.index_cast %get3A_1485 : i32 to index
      %get3A_1487 = arith.constant 128 : index
      %get3A_1488 = tpu.vector_load %arg7[%get3A_1486, %get3A_1487] {strides = array<i32>} : memref<8x256xf32, #tpu.memory_space<vmem>>, vector<1x16xf32>,
      %get3A_1489 = vector.shape_cast %get3A_1488 : vector<1x16xf32> to vector<16xf32>
      %swap3A_1490 = arith.index_cast %sub3A_1405 : i32 to index
      %swap3A_1491 = arith.constant 128 : index
      %swap3A_1492 = tpu.vector_load %arg5[%swap3A_1490, %swap3A_1491] {strides = array<i32>} : memref<272x256xf32, #tpu.memory_space<vmem>>, vector<1x16xf32>,
      %swap3A_1493 = vector.shape_cast %swap3A_1492 : vector<1x16xf32> to vector<16xf32>
      %swap3A_1494 = vector.shape_cast %get3A_1489 : vector<16xf32> to vector<1x16xf32>
      tpu.vector_store %arg5[%swap3A_1490, %swap3A_1491], %swap3A_1494 {strides = array<i32>} : memref<272x256xf32, #tpu.memory_space<vmem>>, vector<1x16xf32>,
      %get3A_1495 = arith.constant 3 : i32
      %get3A_1496 = arith.index_cast %get3A_1495 : i32 to index
      %get3A_1497 = arith.constant 144 : index
      %get3A_1498 = tpu.vector_load %arg7[%get3A_1496, %get3A_1497] {strides = array<i32>} : memref<8x256xf32, #tpu.memory_space<vmem>>, vector<1x16xf32>,
      %get3A_1499 = vector.shape_cast %get3A_1498 : vector<1x16xf32> to vector<16xf32>
      %swap3A_1500 = arith.index_cast %sub3A_1405 : i32 to index
      %swap3A_1501 = arith.constant 144 : index
      %swap3A_1502 = tpu.vector_load %arg5[%swap3A_1500, %swap3A_1501] {strides = array<i32>} : memref<272x256xf32, #tpu.memory_space<vmem>>, vector<1x16xf32>,
      %swap3A_1503 = vector.shape_cast %swap3A_1502 : vector<1x16xf32> to vector<16xf32>
      %swap3A_1504 = vector.shape_cast %get3A_1499 : vector<16xf32> to vector<1x16xf32>
      tpu.vector_store %arg5[%swap3A_1500, %swap3A_1501], %swap3A_1504 {strides = array<i32>} : memref<272x256xf32, #tpu.memory_space<vmem>>, vector<1x16xf32>,
      %get3A_1505 = arith.constant 3 : i32
      %get3A_1506 = arith.index_cast %get3A_1505 : i32 to index
      %get3A_1507 = arith.constant 160 : index
      %get3A_1508 = tpu.vector_load %arg7[%get3A_1506, %get3A_1507] {strides = array<i32>} : memref<8x256xf32, #tpu.memory_space<vmem>>, vector<1x16xf32>,
      %get3A_1509 = vector.shape_cast %get3A_1508 : vector<1x16xf32> to vector<16xf32>
      %swap3A_1510 = arith.index_cast %sub3A_1405 : i32 to index
      %swap3A_1511 = arith.constant 160 : index
      %swap3A_1512 = tpu.vector_load %arg5[%swap3A_1510, %swap3A_1511] {strides = array<i32>} : memref<272x256xf32, #tpu.memory_space<vmem>>, vector<1x16xf32>,
      %swap3A_1513 = vector.shape_cast %swap3A_1512 : vector<1x16xf32> to vector<16xf32>
      %swap3A_1514 = vector.shape_cast %get3A_1509 : vector<16xf32> to vector<1x16xf32>
      tpu.vector_store %arg5[%swap3A_1510, %swap3A_1511], %swap3A_1514 {strides = array<i32>} : memref<272x256xf32, #tpu.memory_space<vmem>>, vector<1x16xf32>,
      %get3A_1515 = arith.constant 3 : i32
      %get3A_1516 = arith.index_cast %get3A_1515 : i32 to index
      %get3A_1517 = arith.constant 176 : index
      %get3A_1518 = tpu.vector_load %arg7[%get3A_1516, %get3A_1517] {strides = array<i32>} : memref<8x256xf32, #tpu.memory_space<vmem>>, vector<1x16xf32>,
      %get3A_1519 = vector.shape_cast %get3A_1518 : vector<1x16xf32> to vector<16xf32>
      %swap3A_1520 = arith.index_cast %sub3A_1405 : i32 to index
      %swap3A_1521 = arith.constant 176 : index
      %swap3A_1522 = tpu.vector_load %arg5[%swap3A_1520, %swap3A_1521] {strides = array<i32>} : memref<272x256xf32, #tpu.memory_space<vmem>>, vector<1x16xf32>,
      %swap3A_1523 = vector.shape_cast %swap3A_1522 : vector<1x16xf32> to vector<16xf32>
      %swap3A_1524 = vector.shape_cast %get3A_1519 : vector<16xf32> to vector<1x16xf32>
      tpu.vector_store %arg5[%swap3A_1520, %swap3A_1521], %swap3A_1524 {strides = array<i32>} : memref<272x256xf32, #tpu.memory_space<vmem>>, vector<1x16xf32>,
      %get3A_1525 = arith.constant 3 : i32
      %get3A_1526 = arith.index_cast %get3A_1525 : i32 to index
      %get3A_1527 = arith.constant 192 : index
      %get3A_1528 = tpu.vector_load %arg7[%get3A_1526, %get3A_1527] {strides = array<i32>} : memref<8x256xf32, #tpu.memory_space<vmem>>, vector<1x16xf32>,
      %get3A_1529 = vector.shape_cast %get3A_1528 : vector<1x16xf32> to vector<16xf32>
      %swap3A_1530 = arith.index_cast %sub3A_1405 : i32 to index
      %swap3A_1531 = arith.constant 192 : index
      %swap3A_1532 = tpu.vector_load %arg5[%swap3A_1530, %swap3A_1531] {strides = array<i32>} : memref<272x256xf32, #tpu.memory_space<vmem>>, vector<1x16xf32>,
      %swap3A_1533 = vector.shape_cast %swap3A_1532 : vector<1x16xf32> to vector<16xf32>
      %swap3A_1534 = vector.shape_cast %get3A_1529 : vector<16xf32> to vector<1x16xf32>
      tpu.vector_store %arg5[%swap3A_1530, %swap3A_1531], %swap3A_1534 {strides = array<i32>} : memref<272x256xf32, #tpu.memory_space<vmem>>, vector<1x16xf32>,
      %get3A_1535 = arith.constant 3 : i32
      %get3A_1536 = arith.index_cast %get3A_1535 : i32 to index
      %get3A_1537 = arith.constant 208 : index
      %get3A_1538 = tpu.vector_load %arg7[%get3A_1536, %get3A_1537] {strides = array<i32>} : memref<8x256xf32, #tpu.memory_space<vmem>>, vector<1x16xf32>,
      %get3A_1539 = vector.shape_cast %get3A_1538 : vector<1x16xf32> to vector<16xf32>
      %swap3A_1540 = arith.index_cast %sub3A_1405 : i32 to index
      %swap3A_1541 = arith.constant 208 : index
      %swap3A_1542 = tpu.vector_load %arg5[%swap3A_1540, %swap3A_1541] {strides = array<i32>} : memref<272x256xf32, #tpu.memory_space<vmem>>, vector<1x16xf32>,
      %swap3A_1543 = vector.shape_cast %swap3A_1542 : vector<1x16xf32> to vector<16xf32>
      %swap3A_1544 = vector.shape_cast %get3A_1539 : vector<16xf32> to vector<1x16xf32>
      tpu.vector_store %arg5[%swap3A_1540, %swap3A_1541], %swap3A_1544 {strides = array<i32>} : memref<272x256xf32, #tpu.memory_space<vmem>>, vector<1x16xf32>,
      %get3A_1545 = arith.constant 3 : i32
      %get3A_1546 = arith.index_cast %get3A_1545 : i32 to index
      %get3A_1547 = arith.constant 224 : index
      %get3A_1548 = tpu.vector_load %arg7[%get3A_1546, %get3A_1547] {strides = array<i32>} : memref<8x256xf32, #tpu.memory_space<vmem>>, vector<1x16xf32>,
      %get3A_1549 = vector.shape_cast %get3A_1548 : vector<1x16xf32> to vector<16xf32>
      %swap3A_1550 = arith.index_cast %sub3A_1405 : i32 to index
      %swap3A_1551 = arith.constant 224 : index
      %swap3A_1552 = tpu.vector_load %arg5[%swap3A_1550, %swap3A_1551] {strides = array<i32>} : memref<272x256xf32, #tpu.memory_space<vmem>>, vector<1x16xf32>,
      %swap3A_1553 = vector.shape_cast %swap3A_1552 : vector<1x16xf32> to vector<16xf32>
      %swap3A_1554 = vector.shape_cast %get3A_1549 : vector<16xf32> to vector<1x16xf32>
      tpu.vector_store %arg5[%swap3A_1550, %swap3A_1551], %swap3A_1554 {strides = array<i32>} : memref<272x256xf32, #tpu.memory_space<vmem>>, vector<1x16xf32>,
      %get3A_1555 = arith.constant 3 : i32
      %get3A_1556 = arith.index_cast %get3A_1555 : i32 to index
      %get3A_1557 = arith.constant 240 : index
      %get3A_1558 = tpu.vector_load %arg7[%get3A_1556, %get3A_1557] {strides = array<i32>} : memref<8x256xf32, #tpu.memory_space<vmem>>, vector<1x16xf32>,
      %get3A_1559 = vector.shape_cast %get3A_1558 : vector<1x16xf32> to vector<16xf32>
      %swap3A_1560 = arith.index_cast %sub3A_1405 : i32 to index
      %swap3A_1561 = arith.constant 240 : index
      %swap3A_1562 = tpu.vector_load %arg5[%swap3A_1560, %swap3A_1561] {strides = array<i32>} : memref<272x256xf32, #tpu.memory_space<vmem>>, vector<1x16xf32>,
      %swap3A_1563 = vector.shape_cast %swap3A_1562 : vector<1x16xf32> to vector<16xf32>
      %swap3A_1564 = vector.shape_cast %get3A_1559 : vector<16xf32> to vector<1x16xf32>
      tpu.vector_store %arg5[%swap3A_1560, %swap3A_1561], %swap3A_1564 {strides = array<i32>} : memref<272x256xf32, #tpu.memory_space<vmem>>, vector<1x16xf32>,
    } else {
    }
    %le3A_1364 = arith.constant 5892 : i32
    %le3A_1365 = arith.cmpi sle, %multiple_of3A, %le3A_1364 : i32
    %add3A_1366 = arith.constant 272 : i32
    %add3A_1367 = arith.addi %multiple_of3A, %add3A_1366 : i32
    %gt3A_1368 = arith.constant 5892 : i32
    %gt3A_1369 = arith.cmpi sgt, %add3A_1367, %gt3A_1368 : i32
    %and3A_1370 = arith.andi %le3A_1365, %gt3A_1369 : i1
    %convert_element_type3A_1371 = arith.extui %and3A_1370 : i1 to i32
    %cond3A_1372 = arith.constant 0 : i32
    %cond3A_1373 = arith.cmpi ne, %convert_element_type3A_1371, %cond3A_1372 : i32
    scf.if %cond3A_1373 {
      %sub3A_1404 = arith.constant 5892 : i32
      %sub3A_1405 = arith.subi %sub3A_1404, %multiple_of3A : i32
      %get3A = arith.constant 4 : i32
      %get3A_1406 = arith.index_cast %get3A : i32 to index
      %get3A_1407 = arith.constant 0 : index
      %get3A_1408 = tpu.vector_load %arg7[%get3A_1406, %get3A_1407] {strides = array<i32>} : memref<8x256xf32, #tpu.memory_space<vmem>>, vector<1x16xf32>,
      %get3A_1409 = vector.shape_cast %get3A_1408 : vector<1x16xf32> to vector<16xf32>
      %swap3A_1410 = arith.index_cast %sub3A_1405 : i32 to index
      %swap3A_1411 = arith.constant 0 : index
      %swap3A_1412 = tpu.vector_load %arg5[%swap3A_1410, %swap3A_1411] {strides = array<i32>} : memref<272x256xf32, #tpu.memory_space<vmem>>, vector<1x16xf32>,
      %swap3A_1413 = vector.shape_cast %swap3A_1412 : vector<1x16xf32> to vector<16xf32>
      %swap3A_1414 = vector.shape_cast %get3A_1409 : vector<16xf32> to vector<1x16xf32>
      tpu.vector_store %arg5[%swap3A_1410, %swap3A_1411], %swap3A_1414 {strides = array<i32>} : memref<272x256xf32, #tpu.memory_space<vmem>>, vector<1x16xf32>,
      %get3A_1415 = arith.constant 4 : i32
      %get3A_1416 = arith.index_cast %get3A_1415 : i32 to index
      %get3A_1417 = arith.constant 16 : index
      %get3A_1418 = tpu.vector_load %arg7[%get3A_1416, %get3A_1417] {strides = array<i32>} : memref<8x256xf32, #tpu.memory_space<vmem>>, vector<1x16xf32>,
      %get3A_1419 = vector.shape_cast %get3A_1418 : vector<1x16xf32> to vector<16xf32>
      %swap3A_1420 = arith.index_cast %sub3A_1405 : i32 to index
      %swap3A_1421 = arith.constant 16 : index
      %swap3A_1422 = tpu.vector_load %arg5[%swap3A_1420, %swap3A_1421] {strides = array<i32>} : memref<272x256xf32, #tpu.memory_space<vmem>>, vector<1x16xf32>,
      %swap3A_1423 = vector.shape_cast %swap3A_1422 : vector<1x16xf32> to vector<16xf32>
      %swap3A_1424 = vector.shape_cast %get3A_1419 : vector<16xf32> to vector<1x16xf32>
      tpu.vector_store %arg5[%swap3A_1420, %swap3A_1421], %swap3A_1424 {strides = array<i32>} : memref<272x256xf32, #tpu.memory_space<vmem>>, vector<1x16xf32>,
      %get3A_1425 = arith.constant 4 : i32
      %get3A_1426 = arith.index_cast %get3A_1425 : i32 to index
      %get3A_1427 = arith.constant 32 : index
      %get3A_1428 = tpu.vector_load %arg7[%get3A_1426, %get3A_1427] {strides = array<i32>} : memref<8x256xf32, #tpu.memory_space<vmem>>, vector<1x16xf32>,
      %get3A_1429 = vector.shape_cast %get3A_1428 : vector<1x16xf32> to vector<16xf32>
      %swap3A_1430 = arith.index_cast %sub3A_1405 : i32 to index
      %swap3A_1431 = arith.constant 32 : index
      %swap3A_1432 = tpu.vector_load %arg5[%swap3A_1430, %swap3A_1431] {strides = array<i32>} : memref<272x256xf32, #tpu.memory_space<vmem>>, vector<1x16xf32>,
      %swap3A_1433 = vector.shape_cast %swap3A_1432 : vector<1x16xf32> to vector<16xf32>
      %swap3A_1434 = vector.shape_cast %get3A_1429 : vector<16xf32> to vector<1x16xf32>
      tpu.vector_store %arg5[%swap3A_1430, %swap3A_1431], %swap3A_1434 {strides = array<i32>} : memref<272x256xf32, #tpu.memory_space<vmem>>, vector<1x16xf32>,
      %get3A_1435 = arith.constant 4 : i32
      %get3A_1436 = arith.index_cast %get3A_1435 : i32 to index
      %get3A_1437 = arith.constant 48 : index
      %get3A_1438 = tpu.vector_load %arg7[%get3A_1436, %get3A_1437] {strides = array<i32>} : memref<8x256xf32, #tpu.memory_space<vmem>>, vector<1x16xf32>,
      %get3A_1439 = vector.shape_cast %get3A_1438 : vector<1x16xf32> to vector<16xf32>
      %swap3A_1440 = arith.index_cast %sub3A_1405 : i32 to index
      %swap3A_1441 = arith.constant 48 : index
      %swap3A_1442 = tpu.vector_load %arg5[%swap3A_1440, %swap3A_1441] {strides = array<i32>} : memref<272x256xf32, #tpu.memory_space<vmem>>, vector<1x16xf32>,
      %swap3A_1443 = vector.shape_cast %swap3A_1442 : vector<1x16xf32> to vector<16xf32>
      %swap3A_1444 = vector.shape_cast %get3A_1439 : vector<16xf32> to vector<1x16xf32>
      tpu.vector_store %arg5[%swap3A_1440, %swap3A_1441], %swap3A_1444 {strides = array<i32>} : memref<272x256xf32, #tpu.memory_space<vmem>>, vector<1x16xf32>,
      %get3A_1445 = arith.constant 4 : i32
      %get3A_1446 = arith.index_cast %get3A_1445 : i32 to index
      %get3A_1447 = arith.constant 64 : index
      %get3A_1448 = tpu.vector_load %arg7[%get3A_1446, %get3A_1447] {strides = array<i32>} : memref<8x256xf32, #tpu.memory_space<vmem>>, vector<1x16xf32>,
      %get3A_1449 = vector.shape_cast %get3A_1448 : vector<1x16xf32> to vector<16xf32>
      %swap3A_1450 = arith.index_cast %sub3A_1405 : i32 to index
      %swap3A_1451 = arith.constant 64 : index
      %swap3A_1452 = tpu.vector_load %arg5[%swap3A_1450, %swap3A_1451] {strides = array<i32>} : memref<272x256xf32, #tpu.memory_space<vmem>>, vector<1x16xf32>,
      %swap3A_1453 = vector.shape_cast %swap3A_1452 : vector<1x16xf32> to vector<16xf32>
      %swap3A_1454 = vector.shape_cast %get3A_1449 : vector<16xf32> to vector<1x16xf32>
      tpu.vector_store %arg5[%swap3A_1450, %swap3A_1451], %swap3A_1454 {strides = array<i32>} : memref<272x256xf32, #tpu.memory_space<vmem>>, vector<1x16xf32>,
      %get3A_1455 = arith.constant 4 : i32
      %get3A_1456 = arith.index_cast %get3A_1455 : i32 to index
      %get3A_1457 = arith.constant 80 : index
      %get3A_1458 = tpu.vector_load %arg7[%get3A_1456, %get3A_1457] {strides = array<i32>} : memref<8x256xf32, #tpu.memory_space<vmem>>, vector<1x16xf32>,
      %get3A_1459 = vector.shape_cast %get3A_1458 : vector<1x16xf32> to vector<16xf32>
      %swap3A_1460 = arith.index_cast %sub3A_1405 : i32 to index
      %swap3A_1461 = arith.constant 80 : index
      %swap3A_1462 = tpu.vector_load %arg5[%swap3A_1460, %swap3A_1461] {strides = array<i32>} : memref<272x256xf32, #tpu.memory_space<vmem>>, vector<1x16xf32>,
      %swap3A_1463 = vector.shape_cast %swap3A_1462 : vector<1x16xf32> to vector<16xf32>
      %swap3A_1464 = vector.shape_cast %get3A_1459 : vector<16xf32> to vector<1x16xf32>
      tpu.vector_store %arg5[%swap3A_1460, %swap3A_1461], %swap3A_1464 {strides = array<i32>} : memref<272x256xf32, #tpu.memory_space<vmem>>, vector<1x16xf32>,
      %get3A_1465 = arith.constant 4 : i32
      %get3A_1466 = arith.index_cast %get3A_1465 : i32 to index
      %get3A_1467 = arith.constant 96 : index
      %get3A_1468 = tpu.vector_load %arg7[%get3A_1466, %get3A_1467] {strides = array<i32>} : memref<8x256xf32, #tpu.memory_space<vmem>>, vector<1x16xf32>,
      %get3A_1469 = vector.shape_cast %get3A_1468 : vector<1x16xf32> to vector<16xf32>
      %swap3A_1470 = arith.index_cast %sub3A_1405 : i32 to index
      %swap3A_1471 = arith.constant 96 : index
      %swap3A_1472 = tpu.vector_load %arg5[%swap3A_1470, %swap3A_1471] {strides = array<i32>} : memref<272x256xf32, #tpu.memory_space<vmem>>, vector<1x16xf32>,
      %swap3A_1473 = vector.shape_cast %swap3A_1472 : vector<1x16xf32> to vector<16xf32>
      %swap3A_1474 = vector.shape_cast %get3A_1469 : vector<16xf32> to vector<1x16xf32>
      tpu.vector_store %arg5[%swap3A_1470, %swap3A_1471], %swap3A_1474 {strides = array<i32>} : memref<272x256xf32, #tpu.memory_space<vmem>>, vector<1x16xf32>,
      %get3A_1475 = arith.constant 4 : i32
      %get3A_1476 = arith.index_cast %get3A_1475 : i32 to index
      %get3A_1477 = arith.constant 112 : index
      %get3A_1478 = tpu.vector_load %arg7[%get3A_1476, %get3A_1477] {strides = array<i32>} : memref<8x256xf32, #tpu.memory_space<vmem>>, vector<1x16xf32>,
      %get3A_1479 = vector.shape_cast %get3A_1478 : vector<1x16xf32> to vector<16xf32>
      %swap3A_1480 = arith.index_cast %sub3A_1405 : i32 to index
      %swap3A_1481 = arith.constant 112 : index
      %swap3A_1482 = tpu.vector_load %arg5[%swap3A_1480, %swap3A_1481] {strides = array<i32>} : memref<272x256xf32, #tpu.memory_space<vmem>>, vector<1x16xf32>,
      %swap3A_1483 = vector.shape_cast %swap3A_1482 : vector<1x16xf32> to vector<16xf32>
      %swap3A_1484 = vector.shape_cast %get3A_1479 : vector<16xf32> to vector<1x16xf32>
      tpu.vector_store %arg5[%swap3A_1480, %swap3A_1481], %swap3A_1484 {strides = array<i32>} : memref<272x256xf32, #tpu.memory_space<vmem>>, vector<1x16xf32>,
      %get3A_1485 = arith.constant 4 : i32
      %get3A_1486 = arith.index_cast %get3A_1485 : i32 to index
      %get3A_1487 = arith.constant 128 : index
      %get3A_1488 = tpu.vector_load %arg7[%get3A_1486, %get3A_1487] {strides = array<i32>} : memref<8x256xf32, #tpu.memory_space<vmem>>, vector<1x16xf32>,
      %get3A_1489 = vector.shape_cast %get3A_1488 : vector<1x16xf32> to vector<16xf32>
      %swap3A_1490 = arith.index_cast %sub3A_1405 : i32 to index
      %swap3A_1491 = arith.constant 128 : index
      %swap3A_1492 = tpu.vector_load %arg5[%swap3A_1490, %swap3A_1491] {strides = array<i32>} : memref<272x256xf32, #tpu.memory_space<vmem>>, vector<1x16xf32>,
      %swap3A_1493 = vector.shape_cast %swap3A_1492 : vector<1x16xf32> to vector<16xf32>
      %swap3A_1494 = vector.shape_cast %get3A_1489 : vector<16xf32> to vector<1x16xf32>
      tpu.vector_store %arg5[%swap3A_1490, %swap3A_1491], %swap3A_1494 {strides = array<i32>} : memref<272x256xf32, #tpu.memory_space<vmem>>, vector<1x16xf32>,
      %get3A_1495 = arith.constant 4 : i32
      %get3A_1496 = arith.index_cast %get3A_1495 : i32 to index
      %get3A_1497 = arith.constant 144 : index
      %get3A_1498 = tpu.vector_load %arg7[%get3A_1496, %get3A_1497] {strides = array<i32>} : memref<8x256xf32, #tpu.memory_space<vmem>>, vector<1x16xf32>,
      %get3A_1499 = vector.shape_cast %get3A_1498 : vector<1x16xf32> to vector<16xf32>
      %swap3A_1500 = arith.index_cast %sub3A_1405 : i32 to index
      %swap3A_1501 = arith.constant 144 : index
      %swap3A_1502 = tpu.vector_load %arg5[%swap3A_1500, %swap3A_1501] {strides = array<i32>} : memref<272x256xf32, #tpu.memory_space<vmem>>, vector<1x16xf32>,
      %swap3A_1503 = vector.shape_cast %swap3A_1502 : vector<1x16xf32> to vector<16xf32>
      %swap3A_1504 = vector.shape_cast %get3A_1499 : vector<16xf32> to vector<1x16xf32>
      tpu.vector_store %arg5[%swap3A_1500, %swap3A_1501], %swap3A_1504 {strides = array<i32>} : memref<272x256xf32, #tpu.memory_space<vmem>>, vector<1x16xf32>,
      %get3A_1505 = arith.constant 4 : i32
      %get3A_1506 = arith.index_cast %get3A_1505 : i32 to index
      %get3A_1507 = arith.constant 160 : index
      %get3A_1508 = tpu.vector_load %arg7[%get3A_1506, %get3A_1507] {strides = array<i32>} : memref<8x256xf32, #tpu.memory_space<vmem>>, vector<1x16xf32>,
      %get3A_1509 = vector.shape_cast %get3A_1508 : vector<1x16xf32> to vector<16xf32>
      %swap3A_1510 = arith.index_cast %sub3A_1405 : i32 to index
      %swap3A_1511 = arith.constant 160 : index
      %swap3A_1512 = tpu.vector_load %arg5[%swap3A_1510, %swap3A_1511] {strides = array<i32>} : memref<272x256xf32, #tpu.memory_space<vmem>>, vector<1x16xf32>,
      %swap3A_1513 = vector.shape_cast %swap3A_1512 : vector<1x16xf32> to vector<16xf32>
      %swap3A_1514 = vector.shape_cast %get3A_1509 : vector<16xf32> to vector<1x16xf32>
      tpu.vector_store %arg5[%swap3A_1510, %swap3A_1511], %swap3A_1514 {strides = array<i32>} : memref<272x256xf32, #tpu.memory_space<vmem>>, vector<1x16xf32>,
      %get3A_1515 = arith.constant 4 : i32
      %get3A_1516 = arith.index_cast %get3A_1515 : i32 to index
      %get3A_1517 = arith.constant 176 : index
      %get3A_1518 = tpu.vector_load %arg7[%get3A_1516, %get3A_1517] {strides = array<i32>} : memref<8x256xf32, #tpu.memory_space<vmem>>, vector<1x16xf32>,
      %get3A_1519 = vector.shape_cast %get3A_1518 : vector<1x16xf32> to vector<16xf32>
      %swap3A_1520 = arith.index_cast %sub3A_1405 : i32 to index
      %swap3A_1521 = arith.constant 176 : index
      %swap3A_1522 = tpu.vector_load %arg5[%swap3A_1520, %swap3A_1521] {strides = array<i32>} : memref<272x256xf32, #tpu.memory_space<vmem>>, vector<1x16xf32>,
      %swap3A_1523 = vector.shape_cast %swap3A_1522 : vector<1x16xf32> to vector<16xf32>
      %swap3A_1524 = vector.shape_cast %get3A_1519 : vector<16xf32> to vector<1x16xf32>
      tpu.vector_store %arg5[%swap3A_1520, %swap3A_1521], %swap3A_1524 {strides = array<i32>} : memref<272x256xf32, #tpu.memory_space<vmem>>, vector<1x16xf32>,
      %get3A_1525 = arith.constant 4 : i32
      %get3A_1526 = arith.index_cast %get3A_1525 : i32 to index
      %get3A_1527 = arith.constant 192 : index
      %get3A_1528 = tpu.vector_load %arg7[%get3A_1526, %get3A_1527] {strides = array<i32>} : memref<8x256xf32, #tpu.memory_space<vmem>>, vector<1x16xf32>,
      %get3A_1529 = vector.shape_cast %get3A_1528 : vector<1x16xf32> to vector<16xf32>
      %swap3A_1530 = arith.index_cast %sub3A_1405 : i32 to index
      %swap3A_1531 = arith.constant 192 : index
      %swap3A_1532 = tpu.vector_load %arg5[%swap3A_1530, %swap3A_1531] {strides = array<i32>} : memref<272x256xf32, #tpu.memory_space<vmem>>, vector<1x16xf32>,
      %swap3A_1533 = vector.shape_cast %swap3A_1532 : vector<1x16xf32> to vector<16xf32>
      %swap3A_1534 = vector.shape_cast %get3A_1529 : vector<16xf32> to vector<1x16xf32>
      tpu.vector_store %arg5[%swap3A_1530, %swap3A_1531], %swap3A_1534 {strides = array<i32>} : memref<272x256xf32, #tpu.memory_space<vmem>>, vector<1x16xf32>,
      %get3A_1535 = arith.constant 4 : i32
      %get3A_1536 = arith.index_cast %get3A_1535 : i32 to index
      %get3A_1537 = arith.constant 208 : index
      %get3A_1538 = tpu.vector_load %arg7[%get3A_1536, %get3A_1537] {strides = array<i32>} : memref<8x256xf32, #tpu.memory_space<vmem>>, vector<1x16xf32>,
      %get3A_1539 = vector.shape_cast %get3A_1538 : vector<1x16xf32> to vector<16xf32>
      %swap3A_1540 = arith.index_cast %sub3A_1405 : i32 to index
      %swap3A_1541 = arith.constant 208 : index
      %swap3A_1542 = tpu.vector_load %arg5[%swap3A_1540, %swap3A_1541] {strides = array<i32>} : memref<272x256xf32, #tpu.memory_space<vmem>>, vector<1x16xf32>,
      %swap3A_1543 = vector.shape_cast %swap3A_1542 : vector<1x16xf32> to vector<16xf32>
      %swap3A_1544 = vector.shape_cast %get3A_1539 : vector<16xf32> to vector<1x16xf32>
      tpu.vector_store %arg5[%swap3A_1540, %swap3A_1541], %swap3A_1544 {strides = array<i32>} : memref<272x256xf32, #tpu.memory_space<vmem>>, vector<1x16xf32>,
      %get3A_1545 = arith.constant 4 : i32
      %get3A_1546 = arith.index_cast %get3A_1545 : i32 to index
      %get3A_1547 = arith.constant 224 : index
      %get3A_1548 = tpu.vector_load %arg7[%get3A_1546, %get3A_1547] {strides = array<i32>} : memref<8x256xf32, #tpu.memory_space<vmem>>, vector<1x16xf32>,
      %get3A_1549 = vector.shape_cast %get3A_1548 : vector<1x16xf32> to vector<16xf32>
      %swap3A_1550 = arith.index_cast %sub3A_1405 : i32 to index
      %swap3A_1551 = arith.constant 224 : index
      %swap3A_1552 = tpu.vector_load %arg5[%swap3A_1550, %swap3A_1551] {strides = array<i32>} : memref<272x256xf32, #tpu.memory_space<vmem>>, vector<1x16xf32>,
      %swap3A_1553 = vector.shape_cast %swap3A_1552 : vector<1x16xf32> to vector<16xf32>
      %swap3A_1554 = vector.shape_cast %get3A_1549 : vector<16xf32> to vector<1x16xf32>
      tpu.vector_store %arg5[%swap3A_1550, %swap3A_1551], %swap3A_1554 {strides = array<i32>} : memref<272x256xf32, #tpu.memory_space<vmem>>, vector<1x16xf32>,
      %get3A_1555 = arith.constant 4 : i32
      %get3A_1556 = arith.index_cast %get3A_1555 : i32 to index
      %get3A_1557 = arith.constant 240 : index
      %get3A_1558 = tpu.vector_load %arg7[%get3A_1556, %get3A_1557] {strides = array<i32>} : memref<8x256xf32, #tpu.memory_space<vmem>>, vector<1x16xf32>,
      %get3A_1559 = vector.shape_cast %get3A_1558 : vector<1x16xf32> to vector<16xf32>
      %swap3A_1560 = arith.index_cast %sub3A_1405 : i32 to index
      %swap3A_1561 = arith.constant 240 : index
      %swap3A_1562 = tpu.vector_load %arg5[%swap3A_1560, %swap3A_1561] {strides = array<i32>} : memref<272x256xf32, #tpu.memory_space<vmem>>, vector<1x16xf32>,
      %swap3A_1563 = vector.shape_cast %swap3A_1562 : vector<1x16xf32> to vector<16xf32>
      %swap3A_1564 = vector.shape_cast %get3A_1559 : vector<16xf32> to vector<1x16xf32>
      tpu.vector_store %arg5[%swap3A_1560, %swap3A_1561], %swap3A_1564 {strides = array<i32>} : memref<272x256xf32, #tpu.memory_space<vmem>>, vector<1x16xf32>,
    } else {
    }
    %le3A_1374 = arith.constant 7173 : i32
    %le3A_1375 = arith.cmpi sle, %multiple_of3A, %le3A_1374 : i32
    %add3A_1376 = arith.constant 272 : i32
    %add3A_1377 = arith.addi %multiple_of3A, %add3A_1376 : i32
    %gt3A_1378 = arith.constant 7173 : i32
    %gt3A_1379 = arith.cmpi sgt, %add3A_1377, %gt3A_1378 : i32
    %and3A_1380 = arith.andi %le3A_1375, %gt3A_1379 : i1
    %convert_element_type3A_1381 = arith.extui %and3A_1380 : i1 to i32
    %cond3A_1382 = arith.constant 0 : i32
    %cond3A_1383 = arith.cmpi ne, %convert_element_type3A_1381, %cond3A_1382 : i32
    scf.if %cond3A_1383 {
      %sub3A_1404 = arith.constant 7173 : i32
      %sub3A_1405 = arith.subi %sub3A_1404, %multiple_of3A : i32
      %get3A = arith.constant 5 : i32
      %get3A_1406 = arith.index_cast %get3A : i32 to index
      %get3A_1407 = arith.constant 0 : index
      %get3A_1408 = tpu.vector_load %arg7[%get3A_1406, %get3A_1407] {strides = array<i32>} : memref<8x256xf32, #tpu.memory_space<vmem>>, vector<1x16xf32>,
      %get3A_1409 = vector.shape_cast %get3A_1408 : vector<1x16xf32> to vector<16xf32>
      %swap3A_1410 = arith.index_cast %sub3A_1405 : i32 to index
      %swap3A_1411 = arith.constant 0 : index
      %swap3A_1412 = tpu.vector_load %arg5[%swap3A_1410, %swap3A_1411] {strides = array<i32>} : memref<272x256xf32, #tpu.memory_space<vmem>>, vector<1x16xf32>,
      %swap3A_1413 = vector.shape_cast %swap3A_1412 : vector<1x16xf32> to vector<16xf32>
      %swap3A_1414 = vector.shape_cast %get3A_1409 : vector<16xf32> to vector<1x16xf32>
      tpu.vector_store %arg5[%swap3A_1410, %swap3A_1411], %swap3A_1414 {strides = array<i32>} : memref<272x256xf32, #tpu.memory_space<vmem>>, vector<1x16xf32>,
      %get3A_1415 = arith.constant 5 : i32
      %get3A_1416 = arith.index_cast %get3A_1415 : i32 to index
      %get3A_1417 = arith.constant 16 : index
      %get3A_1418 = tpu.vector_load %arg7[%get3A_1416, %get3A_1417] {strides = array<i32>} : memref<8x256xf32, #tpu.memory_space<vmem>>, vector<1x16xf32>,
      %get3A_1419 = vector.shape_cast %get3A_1418 : vector<1x16xf32> to vector<16xf32>
      %swap3A_1420 = arith.index_cast %sub3A_1405 : i32 to index
      %swap3A_1421 = arith.constant 16 : index
      %swap3A_1422 = tpu.vector_load %arg5[%swap3A_1420, %swap3A_1421] {strides = array<i32>} : memref<272x256xf32, #tpu.memory_space<vmem>>, vector<1x16xf32>,
      %swap3A_1423 = vector.shape_cast %swap3A_1422 : vector<1x16xf32> to vector<16xf32>
      %swap3A_1424 = vector.shape_cast %get3A_1419 : vector<16xf32> to vector<1x16xf32>
      tpu.vector_store %arg5[%swap3A_1420, %swap3A_1421], %swap3A_1424 {strides = array<i32>} : memref<272x256xf32, #tpu.memory_space<vmem>>, vector<1x16xf32>,
      %get3A_1425 = arith.constant 5 : i32
      %get3A_1426 = arith.index_cast %get3A_1425 : i32 to index
      %get3A_1427 = arith.constant 32 : index
      %get3A_1428 = tpu.vector_load %arg7[%get3A_1426, %get3A_1427] {strides = array<i32>} : memref<8x256xf32, #tpu.memory_space<vmem>>, vector<1x16xf32>,
      %get3A_1429 = vector.shape_cast %get3A_1428 : vector<1x16xf32> to vector<16xf32>
      %swap3A_1430 = arith.index_cast %sub3A_1405 : i32 to index
      %swap3A_1431 = arith.constant 32 : index
      %swap3A_1432 = tpu.vector_load %arg5[%swap3A_1430, %swap3A_1431] {strides = array<i32>} : memref<272x256xf32, #tpu.memory_space<vmem>>, vector<1x16xf32>,
      %swap3A_1433 = vector.shape_cast %swap3A_1432 : vector<1x16xf32> to vector<16xf32>
      %swap3A_1434 = vector.shape_cast %get3A_1429 : vector<16xf32> to vector<1x16xf32>
      tpu.vector_store %arg5[%swap3A_1430, %swap3A_1431], %swap3A_1434 {strides = array<i32>} : memref<272x256xf32, #tpu.memory_space<vmem>>, vector<1x16xf32>,
      %get3A_1435 = arith.constant 5 : i32
      %get3A_1436 = arith.index_cast %get3A_1435 : i32 to index
      %get3A_1437 = arith.constant 48 : index
      %get3A_1438 = tpu.vector_load %arg7[%get3A_1436, %get3A_1437] {strides = array<i32>} : memref<8x256xf32, #tpu.memory_space<vmem>>, vector<1x16xf32>,
      %get3A_1439 = vector.shape_cast %get3A_1438 : vector<1x16xf32> to vector<16xf32>
      %swap3A_1440 = arith.index_cast %sub3A_1405 : i32 to index
      %swap3A_1441 = arith.constant 48 : index
      %swap3A_1442 = tpu.vector_load %arg5[%swap3A_1440, %swap3A_1441] {strides = array<i32>} : memref<272x256xf32, #tpu.memory_space<vmem>>, vector<1x16xf32>,
      %swap3A_1443 = vector.shape_cast %swap3A_1442 : vector<1x16xf32> to vector<16xf32>
      %swap3A_1444 = vector.shape_cast %get3A_1439 : vector<16xf32> to vector<1x16xf32>
      tpu.vector_store %arg5[%swap3A_1440, %swap3A_1441], %swap3A_1444 {strides = array<i32>} : memref<272x256xf32, #tpu.memory_space<vmem>>, vector<1x16xf32>,
      %get3A_1445 = arith.constant 5 : i32
      %get3A_1446 = arith.index_cast %get3A_1445 : i32 to index
      %get3A_1447 = arith.constant 64 : index
      %get3A_1448 = tpu.vector_load %arg7[%get3A_1446, %get3A_1447] {strides = array<i32>} : memref<8x256xf32, #tpu.memory_space<vmem>>, vector<1x16xf32>,
      %get3A_1449 = vector.shape_cast %get3A_1448 : vector<1x16xf32> to vector<16xf32>
      %swap3A_1450 = arith.index_cast %sub3A_1405 : i32 to index
      %swap3A_1451 = arith.constant 64 : index
      %swap3A_1452 = tpu.vector_load %arg5[%swap3A_1450, %swap3A_1451] {strides = array<i32>} : memref<272x256xf32, #tpu.memory_space<vmem>>, vector<1x16xf32>,
      %swap3A_1453 = vector.shape_cast %swap3A_1452 : vector<1x16xf32> to vector<16xf32>
      %swap3A_1454 = vector.shape_cast %get3A_1449 : vector<16xf32> to vector<1x16xf32>
      tpu.vector_store %arg5[%swap3A_1450, %swap3A_1451], %swap3A_1454 {strides = array<i32>} : memref<272x256xf32, #tpu.memory_space<vmem>>, vector<1x16xf32>,
      %get3A_1455 = arith.constant 5 : i32
      %get3A_1456 = arith.index_cast %get3A_1455 : i32 to index
      %get3A_1457 = arith.constant 80 : index
      %get3A_1458 = tpu.vector_load %arg7[%get3A_1456, %get3A_1457] {strides = array<i32>} : memref<8x256xf32, #tpu.memory_space<vmem>>, vector<1x16xf32>,
      %get3A_1459 = vector.shape_cast %get3A_1458 : vector<1x16xf32> to vector<16xf32>
      %swap3A_1460 = arith.index_cast %sub3A_1405 : i32 to index
      %swap3A_1461 = arith.constant 80 : index
      %swap3A_1462 = tpu.vector_load %arg5[%swap3A_1460, %swap3A_1461] {strides = array<i32>} : memref<272x256xf32, #tpu.memory_space<vmem>>, vector<1x16xf32>,
      %swap3A_1463 = vector.shape_cast %swap3A_1462 : vector<1x16xf32> to vector<16xf32>
      %swap3A_1464 = vector.shape_cast %get3A_1459 : vector<16xf32> to vector<1x16xf32>
      tpu.vector_store %arg5[%swap3A_1460, %swap3A_1461], %swap3A_1464 {strides = array<i32>} : memref<272x256xf32, #tpu.memory_space<vmem>>, vector<1x16xf32>,
      %get3A_1465 = arith.constant 5 : i32
      %get3A_1466 = arith.index_cast %get3A_1465 : i32 to index
      %get3A_1467 = arith.constant 96 : index
      %get3A_1468 = tpu.vector_load %arg7[%get3A_1466, %get3A_1467] {strides = array<i32>} : memref<8x256xf32, #tpu.memory_space<vmem>>, vector<1x16xf32>,
      %get3A_1469 = vector.shape_cast %get3A_1468 : vector<1x16xf32> to vector<16xf32>
      %swap3A_1470 = arith.index_cast %sub3A_1405 : i32 to index
      %swap3A_1471 = arith.constant 96 : index
      %swap3A_1472 = tpu.vector_load %arg5[%swap3A_1470, %swap3A_1471] {strides = array<i32>} : memref<272x256xf32, #tpu.memory_space<vmem>>, vector<1x16xf32>,
      %swap3A_1473 = vector.shape_cast %swap3A_1472 : vector<1x16xf32> to vector<16xf32>
      %swap3A_1474 = vector.shape_cast %get3A_1469 : vector<16xf32> to vector<1x16xf32>
      tpu.vector_store %arg5[%swap3A_1470, %swap3A_1471], %swap3A_1474 {strides = array<i32>} : memref<272x256xf32, #tpu.memory_space<vmem>>, vector<1x16xf32>,
      %get3A_1475 = arith.constant 5 : i32
      %get3A_1476 = arith.index_cast %get3A_1475 : i32 to index
      %get3A_1477 = arith.constant 112 : index
      %get3A_1478 = tpu.vector_load %arg7[%get3A_1476, %get3A_1477] {strides = array<i32>} : memref<8x256xf32, #tpu.memory_space<vmem>>, vector<1x16xf32>,
      %get3A_1479 = vector.shape_cast %get3A_1478 : vector<1x16xf32> to vector<16xf32>
      %swap3A_1480 = arith.index_cast %sub3A_1405 : i32 to index
      %swap3A_1481 = arith.constant 112 : index
      %swap3A_1482 = tpu.vector_load %arg5[%swap3A_1480, %swap3A_1481] {strides = array<i32>} : memref<272x256xf32, #tpu.memory_space<vmem>>, vector<1x16xf32>,
      %swap3A_1483 = vector.shape_cast %swap3A_1482 : vector<1x16xf32> to vector<16xf32>
      %swap3A_1484 = vector.shape_cast %get3A_1479 : vector<16xf32> to vector<1x16xf32>
      tpu.vector_store %arg5[%swap3A_1480, %swap3A_1481], %swap3A_1484 {strides = array<i32>} : memref<272x256xf32, #tpu.memory_space<vmem>>, vector<1x16xf32>,
      %get3A_1485 = arith.constant 5 : i32
      %get3A_1486 = arith.index_cast %get3A_1485 : i32 to index
      %get3A_1487 = arith.constant 128 : index
      %get3A_1488 = tpu.vector_load %arg7[%get3A_1486, %get3A_1487] {strides = array<i32>} : memref<8x256xf32, #tpu.memory_space<vmem>>, vector<1x16xf32>,
      %get3A_1489 = vector.shape_cast %get3A_1488 : vector<1x16xf32> to vector<16xf32>
      %swap3A_1490 = arith.index_cast %sub3A_1405 : i32 to index
      %swap3A_1491 = arith.constant 128 : index
      %swap3A_1492 = tpu.vector_load %arg5[%swap3A_1490, %swap3A_1491] {strides = array<i32>} : memref<272x256xf32, #tpu.memory_space<vmem>>, vector<1x16xf32>,
      %swap3A_1493 = vector.shape_cast %swap3A_1492 : vector<1x16xf32> to vector<16xf32>
      %swap3A_1494 = vector.shape_cast %get3A_1489 : vector<16xf32> to vector<1x16xf32>
      tpu.vector_store %arg5[%swap3A_1490, %swap3A_1491], %swap3A_1494 {strides = array<i32>} : memref<272x256xf32, #tpu.memory_space<vmem>>, vector<1x16xf32>,
      %get3A_1495 = arith.constant 5 : i32
      %get3A_1496 = arith.index_cast %get3A_1495 : i32 to index
      %get3A_1497 = arith.constant 144 : index
      %get3A_1498 = tpu.vector_load %arg7[%get3A_1496, %get3A_1497] {strides = array<i32>} : memref<8x256xf32, #tpu.memory_space<vmem>>, vector<1x16xf32>,
      %get3A_1499 = vector.shape_cast %get3A_1498 : vector<1x16xf32> to vector<16xf32>
      %swap3A_1500 = arith.index_cast %sub3A_1405 : i32 to index
      %swap3A_1501 = arith.constant 144 : index
      %swap3A_1502 = tpu.vector_load %arg5[%swap3A_1500, %swap3A_1501] {strides = array<i32>} : memref<272x256xf32, #tpu.memory_space<vmem>>, vector<1x16xf32>,
      %swap3A_1503 = vector.shape_cast %swap3A_1502 : vector<1x16xf32> to vector<16xf32>
      %swap3A_1504 = vector.shape_cast %get3A_1499 : vector<16xf32> to vector<1x16xf32>
      tpu.vector_store %arg5[%swap3A_1500, %swap3A_1501], %swap3A_1504 {strides = array<i32>} : memref<272x256xf32, #tpu.memory_space<vmem>>, vector<1x16xf32>,
      %get3A_1505 = arith.constant 5 : i32
      %get3A_1506 = arith.index_cast %get3A_1505 : i32 to index
      %get3A_1507 = arith.constant 160 : index
      %get3A_1508 = tpu.vector_load %arg7[%get3A_1506, %get3A_1507] {strides = array<i32>} : memref<8x256xf32, #tpu.memory_space<vmem>>, vector<1x16xf32>,
      %get3A_1509 = vector.shape_cast %get3A_1508 : vector<1x16xf32> to vector<16xf32>
      %swap3A_1510 = arith.index_cast %sub3A_1405 : i32 to index
      %swap3A_1511 = arith.constant 160 : index
      %swap3A_1512 = tpu.vector_load %arg5[%swap3A_1510, %swap3A_1511] {strides = array<i32>} : memref<272x256xf32, #tpu.memory_space<vmem>>, vector<1x16xf32>,
      %swap3A_1513 = vector.shape_cast %swap3A_1512 : vector<1x16xf32> to vector<16xf32>
      %swap3A_1514 = vector.shape_cast %get3A_1509 : vector<16xf32> to vector<1x16xf32>
      tpu.vector_store %arg5[%swap3A_1510, %swap3A_1511], %swap3A_1514 {strides = array<i32>} : memref<272x256xf32, #tpu.memory_space<vmem>>, vector<1x16xf32>,
      %get3A_1515 = arith.constant 5 : i32
      %get3A_1516 = arith.index_cast %get3A_1515 : i32 to index
      %get3A_1517 = arith.constant 176 : index
      %get3A_1518 = tpu.vector_load %arg7[%get3A_1516, %get3A_1517] {strides = array<i32>} : memref<8x256xf32, #tpu.memory_space<vmem>>, vector<1x16xf32>,
      %get3A_1519 = vector.shape_cast %get3A_1518 : vector<1x16xf32> to vector<16xf32>
      %swap3A_1520 = arith.index_cast %sub3A_1405 : i32 to index
      %swap3A_1521 = arith.constant 176 : index
      %swap3A_1522 = tpu.vector_load %arg5[%swap3A_1520, %swap3A_1521] {strides = array<i32>} : memref<272x256xf32, #tpu.memory_space<vmem>>, vector<1x16xf32>,
      %swap3A_1523 = vector.shape_cast %swap3A_1522 : vector<1x16xf32> to vector<16xf32>
      %swap3A_1524 = vector.shape_cast %get3A_1519 : vector<16xf32> to vector<1x16xf32>
      tpu.vector_store %arg5[%swap3A_1520, %swap3A_1521], %swap3A_1524 {strides = array<i32>} : memref<272x256xf32, #tpu.memory_space<vmem>>, vector<1x16xf32>,
      %get3A_1525 = arith.constant 5 : i32
      %get3A_1526 = arith.index_cast %get3A_1525 : i32 to index
      %get3A_1527 = arith.constant 192 : index
      %get3A_1528 = tpu.vector_load %arg7[%get3A_1526, %get3A_1527] {strides = array<i32>} : memref<8x256xf32, #tpu.memory_space<vmem>>, vector<1x16xf32>,
      %get3A_1529 = vector.shape_cast %get3A_1528 : vector<1x16xf32> to vector<16xf32>
      %swap3A_1530 = arith.index_cast %sub3A_1405 : i32 to index
      %swap3A_1531 = arith.constant 192 : index
      %swap3A_1532 = tpu.vector_load %arg5[%swap3A_1530, %swap3A_1531] {strides = array<i32>} : memref<272x256xf32, #tpu.memory_space<vmem>>, vector<1x16xf32>,
      %swap3A_1533 = vector.shape_cast %swap3A_1532 : vector<1x16xf32> to vector<16xf32>
      %swap3A_1534 = vector.shape_cast %get3A_1529 : vector<16xf32> to vector<1x16xf32>
      tpu.vector_store %arg5[%swap3A_1530, %swap3A_1531], %swap3A_1534 {strides = array<i32>} : memref<272x256xf32, #tpu.memory_space<vmem>>, vector<1x16xf32>,
      %get3A_1535 = arith.constant 5 : i32
      %get3A_1536 = arith.index_cast %get3A_1535 : i32 to index
      %get3A_1537 = arith.constant 208 : index
      %get3A_1538 = tpu.vector_load %arg7[%get3A_1536, %get3A_1537] {strides = array<i32>} : memref<8x256xf32, #tpu.memory_space<vmem>>, vector<1x16xf32>,
      %get3A_1539 = vector.shape_cast %get3A_1538 : vector<1x16xf32> to vector<16xf32>
      %swap3A_1540 = arith.index_cast %sub3A_1405 : i32 to index
      %swap3A_1541 = arith.constant 208 : index
      %swap3A_1542 = tpu.vector_load %arg5[%swap3A_1540, %swap3A_1541] {strides = array<i32>} : memref<272x256xf32, #tpu.memory_space<vmem>>, vector<1x16xf32>,
      %swap3A_1543 = vector.shape_cast %swap3A_1542 : vector<1x16xf32> to vector<16xf32>
      %swap3A_1544 = vector.shape_cast %get3A_1539 : vector<16xf32> to vector<1x16xf32>
      tpu.vector_store %arg5[%swap3A_1540, %swap3A_1541], %swap3A_1544 {strides = array<i32>} : memref<272x256xf32, #tpu.memory_space<vmem>>, vector<1x16xf32>,
      %get3A_1545 = arith.constant 5 : i32
      %get3A_1546 = arith.index_cast %get3A_1545 : i32 to index
      %get3A_1547 = arith.constant 224 : index
      %get3A_1548 = tpu.vector_load %arg7[%get3A_1546, %get3A_1547] {strides = array<i32>} : memref<8x256xf32, #tpu.memory_space<vmem>>, vector<1x16xf32>,
      %get3A_1549 = vector.shape_cast %get3A_1548 : vector<1x16xf32> to vector<16xf32>
      %swap3A_1550 = arith.index_cast %sub3A_1405 : i32 to index
      %swap3A_1551 = arith.constant 224 : index
      %swap3A_1552 = tpu.vector_load %arg5[%swap3A_1550, %swap3A_1551] {strides = array<i32>} : memref<272x256xf32, #tpu.memory_space<vmem>>, vector<1x16xf32>,
      %swap3A_1553 = vector.shape_cast %swap3A_1552 : vector<1x16xf32> to vector<16xf32>
      %swap3A_1554 = vector.shape_cast %get3A_1549 : vector<16xf32> to vector<1x16xf32>
      tpu.vector_store %arg5[%swap3A_1550, %swap3A_1551], %swap3A_1554 {strides = array<i32>} : memref<272x256xf32, #tpu.memory_space<vmem>>, vector<1x16xf32>,
      %get3A_1555 = arith.constant 5 : i32
      %get3A_1556 = arith.index_cast %get3A_1555 : i32 to index
      %get3A_1557 = arith.constant 240 : index
      %get3A_1558 = tpu.vector_load %arg7[%get3A_1556, %get3A_1557] {strides = array<i32>} : memref<8x256xf32, #tpu.memory_space<vmem>>, vector<1x16xf32>,
      %get3A_1559 = vector.shape_cast %get3A_1558 : vector<1x16xf32> to vector<16xf32>
      %swap3A_1560 = arith.index_cast %sub3A_1405 : i32 to index
      %swap3A_1561 = arith.constant 240 : index
      %swap3A_1562 = tpu.vector_load %arg5[%swap3A_1560, %swap3A_1561] {strides = array<i32>} : memref<272x256xf32, #tpu.memory_space<vmem>>, vector<1x16xf32>,
      %swap3A_1563 = vector.shape_cast %swap3A_1562 : vector<1x16xf32> to vector<16xf32>
      %swap3A_1564 = vector.shape_cast %get3A_1559 : vector<16xf32> to vector<1x16xf32>
      tpu.vector_store %arg5[%swap3A_1560, %swap3A_1561], %swap3A_1564 {strides = array<i32>} : memref<272x256xf32, #tpu.memory_space<vmem>>, vector<1x16xf32>,
    } else {
    }
    %le3A_1384 = arith.constant 7430 : i32
    %le3A_1385 = arith.cmpi sle, %multiple_of3A, %le3A_1384 : i32
    %add3A_1386 = arith.constant 272 : i32
    %add3A_1387 = arith.addi %multiple_of3A, %add3A_1386 : i32
    %gt3A_1388 = arith.constant 7430 : i32
    %gt3A_1389 = arith.cmpi sgt, %add3A_1387, %gt3A_1388 : i32
    %and3A_1390 = arith.andi %le3A_1385, %gt3A_1389 : i1
    %convert_element_type3A_1391 = arith.extui %and3A_1390 : i1 to i32
    %cond3A_1392 = arith.constant 0 : i32
    %cond3A_1393 = arith.cmpi ne, %convert_element_type3A_1391, %cond3A_1392 : i32
    scf.if %cond3A_1393 {
      %sub3A_1404 = arith.constant 7430 : i32
      %sub3A_1405 = arith.subi %sub3A_1404, %multiple_of3A : i32
      %get3A = arith.constant 6 : i32
      %get3A_1406 = arith.index_cast %get3A : i32 to index
      %get3A_1407 = arith.constant 0 : index
      %get3A_1408 = tpu.vector_load %arg7[%get3A_1406, %get3A_1407] {strides = array<i32>} : memref<8x256xf32, #tpu.memory_space<vmem>>, vector<1x16xf32>,
      %get3A_1409 = vector.shape_cast %get3A_1408 : vector<1x16xf32> to vector<16xf32>
      %swap3A_1410 = arith.index_cast %sub3A_1405 : i32 to index
      %swap3A_1411 = arith.constant 0 : index
      %swap3A_1412 = tpu.vector_load %arg5[%swap3A_1410, %swap3A_1411] {strides = array<i32>} : memref<272x256xf32, #tpu.memory_space<vmem>>, vector<1x16xf32>,
      %swap3A_1413 = vector.shape_cast %swap3A_1412 : vector<1x16xf32> to vector<16xf32>
      %swap3A_1414 = vector.shape_cast %get3A_1409 : vector<16xf32> to vector<1x16xf32>
      tpu.vector_store %arg5[%swap3A_1410, %swap3A_1411], %swap3A_1414 {strides = array<i32>} : memref<272x256xf32, #tpu.memory_space<vmem>>, vector<1x16xf32>,
      %get3A_1415 = arith.constant 6 : i32
      %get3A_1416 = arith.index_cast %get3A_1415 : i32 to index
      %get3A_1417 = arith.constant 16 : index
      %get3A_1418 = tpu.vector_load %arg7[%get3A_1416, %get3A_1417] {strides = array<i32>} : memref<8x256xf32, #tpu.memory_space<vmem>>, vector<1x16xf32>,
      %get3A_1419 = vector.shape_cast %get3A_1418 : vector<1x16xf32> to vector<16xf32>
      %swap3A_1420 = arith.index_cast %sub3A_1405 : i32 to index
      %swap3A_1421 = arith.constant 16 : index
      %swap3A_1422 = tpu.vector_load %arg5[%swap3A_1420, %swap3A_1421] {strides = array<i32>} : memref<272x256xf32, #tpu.memory_space<vmem>>, vector<1x16xf32>,
      %swap3A_1423 = vector.shape_cast %swap3A_1422 : vector<1x16xf32> to vector<16xf32>
      %swap3A_1424 = vector.shape_cast %get3A_1419 : vector<16xf32> to vector<1x16xf32>
      tpu.vector_store %arg5[%swap3A_1420, %swap3A_1421], %swap3A_1424 {strides = array<i32>} : memref<272x256xf32, #tpu.memory_space<vmem>>, vector<1x16xf32>,
      %get3A_1425 = arith.constant 6 : i32
      %get3A_1426 = arith.index_cast %get3A_1425 : i32 to index
      %get3A_1427 = arith.constant 32 : index
      %get3A_1428 = tpu.vector_load %arg7[%get3A_1426, %get3A_1427] {strides = array<i32>} : memref<8x256xf32, #tpu.memory_space<vmem>>, vector<1x16xf32>,
      %get3A_1429 = vector.shape_cast %get3A_1428 : vector<1x16xf32> to vector<16xf32>
      %swap3A_1430 = arith.index_cast %sub3A_1405 : i32 to index
      %swap3A_1431 = arith.constant 32 : index
      %swap3A_1432 = tpu.vector_load %arg5[%swap3A_1430, %swap3A_1431] {strides = array<i32>} : memref<272x256xf32, #tpu.memory_space<vmem>>, vector<1x16xf32>,
      %swap3A_1433 = vector.shape_cast %swap3A_1432 : vector<1x16xf32> to vector<16xf32>
      %swap3A_1434 = vector.shape_cast %get3A_1429 : vector<16xf32> to vector<1x16xf32>
      tpu.vector_store %arg5[%swap3A_1430, %swap3A_1431], %swap3A_1434 {strides = array<i32>} : memref<272x256xf32, #tpu.memory_space<vmem>>, vector<1x16xf32>,
      %get3A_1435 = arith.constant 6 : i32
      %get3A_1436 = arith.index_cast %get3A_1435 : i32 to index
      %get3A_1437 = arith.constant 48 : index
      %get3A_1438 = tpu.vector_load %arg7[%get3A_1436, %get3A_1437] {strides = array<i32>} : memref<8x256xf32, #tpu.memory_space<vmem>>, vector<1x16xf32>,
      %get3A_1439 = vector.shape_cast %get3A_1438 : vector<1x16xf32> to vector<16xf32>
      %swap3A_1440 = arith.index_cast %sub3A_1405 : i32 to index
      %swap3A_1441 = arith.constant 48 : index
      %swap3A_1442 = tpu.vector_load %arg5[%swap3A_1440, %swap3A_1441] {strides = array<i32>} : memref<272x256xf32, #tpu.memory_space<vmem>>, vector<1x16xf32>,
      %swap3A_1443 = vector.shape_cast %swap3A_1442 : vector<1x16xf32> to vector<16xf32>
      %swap3A_1444 = vector.shape_cast %get3A_1439 : vector<16xf32> to vector<1x16xf32>
      tpu.vector_store %arg5[%swap3A_1440, %swap3A_1441], %swap3A_1444 {strides = array<i32>} : memref<272x256xf32, #tpu.memory_space<vmem>>, vector<1x16xf32>,
      %get3A_1445 = arith.constant 6 : i32
      %get3A_1446 = arith.index_cast %get3A_1445 : i32 to index
      %get3A_1447 = arith.constant 64 : index
      %get3A_1448 = tpu.vector_load %arg7[%get3A_1446, %get3A_1447] {strides = array<i32>} : memref<8x256xf32, #tpu.memory_space<vmem>>, vector<1x16xf32>,
      %get3A_1449 = vector.shape_cast %get3A_1448 : vector<1x16xf32> to vector<16xf32>
      %swap3A_1450 = arith.index_cast %sub3A_1405 : i32 to index
      %swap3A_1451 = arith.constant 64 : index
      %swap3A_1452 = tpu.vector_load %arg5[%swap3A_1450, %swap3A_1451] {strides = array<i32>} : memref<272x256xf32, #tpu.memory_space<vmem>>, vector<1x16xf32>,
      %swap3A_1453 = vector.shape_cast %swap3A_1452 : vector<1x16xf32> to vector<16xf32>
      %swap3A_1454 = vector.shape_cast %get3A_1449 : vector<16xf32> to vector<1x16xf32>
      tpu.vector_store %arg5[%swap3A_1450, %swap3A_1451], %swap3A_1454 {strides = array<i32>} : memref<272x256xf32, #tpu.memory_space<vmem>>, vector<1x16xf32>,
      %get3A_1455 = arith.constant 6 : i32
      %get3A_1456 = arith.index_cast %get3A_1455 : i32 to index
      %get3A_1457 = arith.constant 80 : index
      %get3A_1458 = tpu.vector_load %arg7[%get3A_1456, %get3A_1457] {strides = array<i32>} : memref<8x256xf32, #tpu.memory_space<vmem>>, vector<1x16xf32>,
      %get3A_1459 = vector.shape_cast %get3A_1458 : vector<1x16xf32> to vector<16xf32>
      %swap3A_1460 = arith.index_cast %sub3A_1405 : i32 to index
      %swap3A_1461 = arith.constant 80 : index
      %swap3A_1462 = tpu.vector_load %arg5[%swap3A_1460, %swap3A_1461] {strides = array<i32>} : memref<272x256xf32, #tpu.memory_space<vmem>>, vector<1x16xf32>,
      %swap3A_1463 = vector.shape_cast %swap3A_1462 : vector<1x16xf32> to vector<16xf32>
      %swap3A_1464 = vector.shape_cast %get3A_1459 : vector<16xf32> to vector<1x16xf32>
      tpu.vector_store %arg5[%swap3A_1460, %swap3A_1461], %swap3A_1464 {strides = array<i32>} : memref<272x256xf32, #tpu.memory_space<vmem>>, vector<1x16xf32>,
      %get3A_1465 = arith.constant 6 : i32
      %get3A_1466 = arith.index_cast %get3A_1465 : i32 to index
      %get3A_1467 = arith.constant 96 : index
      %get3A_1468 = tpu.vector_load %arg7[%get3A_1466, %get3A_1467] {strides = array<i32>} : memref<8x256xf32, #tpu.memory_space<vmem>>, vector<1x16xf32>,
      %get3A_1469 = vector.shape_cast %get3A_1468 : vector<1x16xf32> to vector<16xf32>
      %swap3A_1470 = arith.index_cast %sub3A_1405 : i32 to index
      %swap3A_1471 = arith.constant 96 : index
      %swap3A_1472 = tpu.vector_load %arg5[%swap3A_1470, %swap3A_1471] {strides = array<i32>} : memref<272x256xf32, #tpu.memory_space<vmem>>, vector<1x16xf32>,
      %swap3A_1473 = vector.shape_cast %swap3A_1472 : vector<1x16xf32> to vector<16xf32>
      %swap3A_1474 = vector.shape_cast %get3A_1469 : vector<16xf32> to vector<1x16xf32>
      tpu.vector_store %arg5[%swap3A_1470, %swap3A_1471], %swap3A_1474 {strides = array<i32>} : memref<272x256xf32, #tpu.memory_space<vmem>>, vector<1x16xf32>,
      %get3A_1475 = arith.constant 6 : i32
      %get3A_1476 = arith.index_cast %get3A_1475 : i32 to index
      %get3A_1477 = arith.constant 112 : index
      %get3A_1478 = tpu.vector_load %arg7[%get3A_1476, %get3A_1477] {strides = array<i32>} : memref<8x256xf32, #tpu.memory_space<vmem>>, vector<1x16xf32>,
      %get3A_1479 = vector.shape_cast %get3A_1478 : vector<1x16xf32> to vector<16xf32>
      %swap3A_1480 = arith.index_cast %sub3A_1405 : i32 to index
      %swap3A_1481 = arith.constant 112 : index
      %swap3A_1482 = tpu.vector_load %arg5[%swap3A_1480, %swap3A_1481] {strides = array<i32>} : memref<272x256xf32, #tpu.memory_space<vmem>>, vector<1x16xf32>,
      %swap3A_1483 = vector.shape_cast %swap3A_1482 : vector<1x16xf32> to vector<16xf32>
      %swap3A_1484 = vector.shape_cast %get3A_1479 : vector<16xf32> to vector<1x16xf32>
      tpu.vector_store %arg5[%swap3A_1480, %swap3A_1481], %swap3A_1484 {strides = array<i32>} : memref<272x256xf32, #tpu.memory_space<vmem>>, vector<1x16xf32>,
      %get3A_1485 = arith.constant 6 : i32
      %get3A_1486 = arith.index_cast %get3A_1485 : i32 to index
      %get3A_1487 = arith.constant 128 : index
      %get3A_1488 = tpu.vector_load %arg7[%get3A_1486, %get3A_1487] {strides = array<i32>} : memref<8x256xf32, #tpu.memory_space<vmem>>, vector<1x16xf32>,
      %get3A_1489 = vector.shape_cast %get3A_1488 : vector<1x16xf32> to vector<16xf32>
      %swap3A_1490 = arith.index_cast %sub3A_1405 : i32 to index
      %swap3A_1491 = arith.constant 128 : index
      %swap3A_1492 = tpu.vector_load %arg5[%swap3A_1490, %swap3A_1491] {strides = array<i32>} : memref<272x256xf32, #tpu.memory_space<vmem>>, vector<1x16xf32>,
      %swap3A_1493 = vector.shape_cast %swap3A_1492 : vector<1x16xf32> to vector<16xf32>
      %swap3A_1494 = vector.shape_cast %get3A_1489 : vector<16xf32> to vector<1x16xf32>
      tpu.vector_store %arg5[%swap3A_1490, %swap3A_1491], %swap3A_1494 {strides = array<i32>} : memref<272x256xf32, #tpu.memory_space<vmem>>, vector<1x16xf32>,
      %get3A_1495 = arith.constant 6 : i32
      %get3A_1496 = arith.index_cast %get3A_1495 : i32 to index
      %get3A_1497 = arith.constant 144 : index
      %get3A_1498 = tpu.vector_load %arg7[%get3A_1496, %get3A_1497] {strides = array<i32>} : memref<8x256xf32, #tpu.memory_space<vmem>>, vector<1x16xf32>,
      %get3A_1499 = vector.shape_cast %get3A_1498 : vector<1x16xf32> to vector<16xf32>
      %swap3A_1500 = arith.index_cast %sub3A_1405 : i32 to index
      %swap3A_1501 = arith.constant 144 : index
      %swap3A_1502 = tpu.vector_load %arg5[%swap3A_1500, %swap3A_1501] {strides = array<i32>} : memref<272x256xf32, #tpu.memory_space<vmem>>, vector<1x16xf32>,
      %swap3A_1503 = vector.shape_cast %swap3A_1502 : vector<1x16xf32> to vector<16xf32>
      %swap3A_1504 = vector.shape_cast %get3A_1499 : vector<16xf32> to vector<1x16xf32>
      tpu.vector_store %arg5[%swap3A_1500, %swap3A_1501], %swap3A_1504 {strides = array<i32>} : memref<272x256xf32, #tpu.memory_space<vmem>>, vector<1x16xf32>,
      %get3A_1505 = arith.constant 6 : i32
      %get3A_1506 = arith.index_cast %get3A_1505 : i32 to index
      %get3A_1507 = arith.constant 160 : index
      %get3A_1508 = tpu.vector_load %arg7[%get3A_1506, %get3A_1507] {strides = array<i32>} : memref<8x256xf32, #tpu.memory_space<vmem>>, vector<1x16xf32>,
      %get3A_1509 = vector.shape_cast %get3A_1508 : vector<1x16xf32> to vector<16xf32>
      %swap3A_1510 = arith.index_cast %sub3A_1405 : i32 to index
      %swap3A_1511 = arith.constant 160 : index
      %swap3A_1512 = tpu.vector_load %arg5[%swap3A_1510, %swap3A_1511] {strides = array<i32>} : memref<272x256xf32, #tpu.memory_space<vmem>>, vector<1x16xf32>,
      %swap3A_1513 = vector.shape_cast %swap3A_1512 : vector<1x16xf32> to vector<16xf32>
      %swap3A_1514 = vector.shape_cast %get3A_1509 : vector<16xf32> to vector<1x16xf32>
      tpu.vector_store %arg5[%swap3A_1510, %swap3A_1511], %swap3A_1514 {strides = array<i32>} : memref<272x256xf32, #tpu.memory_space<vmem>>, vector<1x16xf32>,
      %get3A_1515 = arith.constant 6 : i32
      %get3A_1516 = arith.index_cast %get3A_1515 : i32 to index
      %get3A_1517 = arith.constant 176 : index
      %get3A_1518 = tpu.vector_load %arg7[%get3A_1516, %get3A_1517] {strides = array<i32>} : memref<8x256xf32, #tpu.memory_space<vmem>>, vector<1x16xf32>,
      %get3A_1519 = vector.shape_cast %get3A_1518 : vector<1x16xf32> to vector<16xf32>
      %swap3A_1520 = arith.index_cast %sub3A_1405 : i32 to index
      %swap3A_1521 = arith.constant 176 : index
      %swap3A_1522 = tpu.vector_load %arg5[%swap3A_1520, %swap3A_1521] {strides = array<i32>} : memref<272x256xf32, #tpu.memory_space<vmem>>, vector<1x16xf32>,
      %swap3A_1523 = vector.shape_cast %swap3A_1522 : vector<1x16xf32> to vector<16xf32>
      %swap3A_1524 = vector.shape_cast %get3A_1519 : vector<16xf32> to vector<1x16xf32>
      tpu.vector_store %arg5[%swap3A_1520, %swap3A_1521], %swap3A_1524 {strides = array<i32>} : memref<272x256xf32, #tpu.memory_space<vmem>>, vector<1x16xf32>,
      %get3A_1525 = arith.constant 6 : i32
      %get3A_1526 = arith.index_cast %get3A_1525 : i32 to index
      %get3A_1527 = arith.constant 192 : index
      %get3A_1528 = tpu.vector_load %arg7[%get3A_1526, %get3A_1527] {strides = array<i32>} : memref<8x256xf32, #tpu.memory_space<vmem>>, vector<1x16xf32>,
      %get3A_1529 = vector.shape_cast %get3A_1528 : vector<1x16xf32> to vector<16xf32>
      %swap3A_1530 = arith.index_cast %sub3A_1405 : i32 to index
      %swap3A_1531 = arith.constant 192 : index
      %swap3A_1532 = tpu.vector_load %arg5[%swap3A_1530, %swap3A_1531] {strides = array<i32>} : memref<272x256xf32, #tpu.memory_space<vmem>>, vector<1x16xf32>,
      %swap3A_1533 = vector.shape_cast %swap3A_1532 : vector<1x16xf32> to vector<16xf32>
      %swap3A_1534 = vector.shape_cast %get3A_1529 : vector<16xf32> to vector<1x16xf32>
      tpu.vector_store %arg5[%swap3A_1530, %swap3A_1531], %swap3A_1534 {strides = array<i32>} : memref<272x256xf32, #tpu.memory_space<vmem>>, vector<1x16xf32>,
      %get3A_1535 = arith.constant 6 : i32
      %get3A_1536 = arith.index_cast %get3A_1535 : i32 to index
      %get3A_1537 = arith.constant 208 : index
      %get3A_1538 = tpu.vector_load %arg7[%get3A_1536, %get3A_1537] {strides = array<i32>} : memref<8x256xf32, #tpu.memory_space<vmem>>, vector<1x16xf32>,
      %get3A_1539 = vector.shape_cast %get3A_1538 : vector<1x16xf32> to vector<16xf32>
      %swap3A_1540 = arith.index_cast %sub3A_1405 : i32 to index
      %swap3A_1541 = arith.constant 208 : index
      %swap3A_1542 = tpu.vector_load %arg5[%swap3A_1540, %swap3A_1541] {strides = array<i32>} : memref<272x256xf32, #tpu.memory_space<vmem>>, vector<1x16xf32>,
      %swap3A_1543 = vector.shape_cast %swap3A_1542 : vector<1x16xf32> to vector<16xf32>
      %swap3A_1544 = vector.shape_cast %get3A_1539 : vector<16xf32> to vector<1x16xf32>
      tpu.vector_store %arg5[%swap3A_1540, %swap3A_1541], %swap3A_1544 {strides = array<i32>} : memref<272x256xf32, #tpu.memory_space<vmem>>, vector<1x16xf32>,
      %get3A_1545 = arith.constant 6 : i32
      %get3A_1546 = arith.index_cast %get3A_1545 : i32 to index
      %get3A_1547 = arith.constant 224 : index
      %get3A_1548 = tpu.vector_load %arg7[%get3A_1546, %get3A_1547] {strides = array<i32>} : memref<8x256xf32, #tpu.memory_space<vmem>>, vector<1x16xf32>,
      %get3A_1549 = vector.shape_cast %get3A_1548 : vector<1x16xf32> to vector<16xf32>
      %swap3A_1550 = arith.index_cast %sub3A_1405 : i32 to index
      %swap3A_1551 = arith.constant 224 : index
      %swap3A_1552 = tpu.vector_load %arg5[%swap3A_1550, %swap3A_1551] {strides = array<i32>} : memref<272x256xf32, #tpu.memory_space<vmem>>, vector<1x16xf32>,
      %swap3A_1553 = vector.shape_cast %swap3A_1552 : vector<1x16xf32> to vector<16xf32>
      %swap3A_1554 = vector.shape_cast %get3A_1549 : vector<16xf32> to vector<1x16xf32>
      tpu.vector_store %arg5[%swap3A_1550, %swap3A_1551], %swap3A_1554 {strides = array<i32>} : memref<272x256xf32, #tpu.memory_space<vmem>>, vector<1x16xf32>,
      %get3A_1555 = arith.constant 6 : i32
      %get3A_1556 = arith.index_cast %get3A_1555 : i32 to index
      %get3A_1557 = arith.constant 240 : index
      %get3A_1558 = tpu.vector_load %arg7[%get3A_1556, %get3A_1557] {strides = array<i32>} : memref<8x256xf32, #tpu.memory_space<vmem>>, vector<1x16xf32>,
      %get3A_1559 = vector.shape_cast %get3A_1558 : vector<1x16xf32> to vector<16xf32>
      %swap3A_1560 = arith.index_cast %sub3A_1405 : i32 to index
      %swap3A_1561 = arith.constant 240 : index
      %swap3A_1562 = tpu.vector_load %arg5[%swap3A_1560, %swap3A_1561] {strides = array<i32>} : memref<272x256xf32, #tpu.memory_space<vmem>>, vector<1x16xf32>,
      %swap3A_1563 = vector.shape_cast %swap3A_1562 : vector<1x16xf32> to vector<16xf32>
      %swap3A_1564 = vector.shape_cast %get3A_1559 : vector<16xf32> to vector<1x16xf32>
      tpu.vector_store %arg5[%swap3A_1560, %swap3A_1561], %swap3A_1564 {strides = array<i32>} : memref<272x256xf32, #tpu.memory_space<vmem>>, vector<1x16xf32>,
    } else {
    }
    %le3A_1394 = arith.constant 8199 : i32
    %le3A_1395 = arith.cmpi sle, %multiple_of3A, %le3A_1394 : i32
    %add3A_1396 = arith.constant 272 : i32
    %add3A_1397 = arith.addi %multiple_of3A, %add3A_1396 : i32
    %gt3A_1398 = arith.constant 8199 : i32
    %gt3A_1399 = arith.cmpi sgt, %add3A_1397, %gt3A_1398 : i32
    %and3A_1400 = arith.andi %le3A_1395, %gt3A_1399 : i1
    %convert_element_type3A_1401 = arith.extui %and3A_1400 : i1 to i32
    %cond3A_1402 = arith.constant 0 : i32
    %cond3A_1403 = arith.cmpi ne, %convert_element_type3A_1401, %cond3A_1402 : i32
    scf.if %cond3A_1403 {
      %sub3A_1404 = arith.constant 8199 : i32
      %sub3A_1405 = arith.subi %sub3A_1404, %multiple_of3A : i32
      %get3A = arith.constant 7 : i32
      %get3A_1406 = arith.index_cast %get3A : i32 to index
      %get3A_1407 = arith.constant 0 : index
      %get3A_1408 = tpu.vector_load %arg7[%get3A_1406, %get3A_1407] {strides = array<i32>} : memref<8x256xf32, #tpu.memory_space<vmem>>, vector<1x16xf32>,
      %get3A_1409 = vector.shape_cast %get3A_1408 : vector<1x16xf32> to vector<16xf32>
      %swap3A_1410 = arith.index_cast %sub3A_1405 : i32 to index
      %swap3A_1411 = arith.constant 0 : index
      %swap3A_1412 = tpu.vector_load %arg5[%swap3A_1410, %swap3A_1411] {strides = array<i32>} : memref<272x256xf32, #tpu.memory_space<vmem>>, vector<1x16xf32>,
      %swap3A_1413 = vector.shape_cast %swap3A_1412 : vector<1x16xf32> to vector<16xf32>
      %swap3A_1414 = vector.shape_cast %get3A_1409 : vector<16xf32> to vector<1x16xf32>
      tpu.vector_store %arg5[%swap3A_1410, %swap3A_1411], %swap3A_1414 {strides = array<i32>} : memref<272x256xf32, #tpu.memory_space<vmem>>, vector<1x16xf32>,
      %get3A_1415 = arith.constant 7 : i32
      %get3A_1416 = arith.index_cast %get3A_1415 : i32 to index
      %get3A_1417 = arith.constant 16 : index
      %get3A_1418 = tpu.vector_load %arg7[%get3A_1416, %get3A_1417] {strides = array<i32>} : memref<8x256xf32, #tpu.memory_space<vmem>>, vector<1x16xf32>,
      %get3A_1419 = vector.shape_cast %get3A_1418 : vector<1x16xf32> to vector<16xf32>
      %swap3A_1420 = arith.index_cast %sub3A_1405 : i32 to index
      %swap3A_1421 = arith.constant 16 : index
      %swap3A_1422 = tpu.vector_load %arg5[%swap3A_1420, %swap3A_1421] {strides = array<i32>} : memref<272x256xf32, #tpu.memory_space<vmem>>, vector<1x16xf32>,
      %swap3A_1423 = vector.shape_cast %swap3A_1422 : vector<1x16xf32> to vector<16xf32>
      %swap3A_1424 = vector.shape_cast %get3A_1419 : vector<16xf32> to vector<1x16xf32>
      tpu.vector_store %arg5[%swap3A_1420, %swap3A_1421], %swap3A_1424 {strides = array<i32>} : memref<272x256xf32, #tpu.memory_space<vmem>>, vector<1x16xf32>,
      %get3A_1425 = arith.constant 7 : i32
      %get3A_1426 = arith.index_cast %get3A_1425 : i32 to index
      %get3A_1427 = arith.constant 32 : index
      %get3A_1428 = tpu.vector_load %arg7[%get3A_1426, %get3A_1427] {strides = array<i32>} : memref<8x256xf32, #tpu.memory_space<vmem>>, vector<1x16xf32>,
      %get3A_1429 = vector.shape_cast %get3A_1428 : vector<1x16xf32> to vector<16xf32>
      %swap3A_1430 = arith.index_cast %sub3A_1405 : i32 to index
      %swap3A_1431 = arith.constant 32 : index
      %swap3A_1432 = tpu.vector_load %arg5[%swap3A_1430, %swap3A_1431] {strides = array<i32>} : memref<272x256xf32, #tpu.memory_space<vmem>>, vector<1x16xf32>,
      %swap3A_1433 = vector.shape_cast %swap3A_1432 : vector<1x16xf32> to vector<16xf32>
      %swap3A_1434 = vector.shape_cast %get3A_1429 : vector<16xf32> to vector<1x16xf32>
      tpu.vector_store %arg5[%swap3A_1430, %swap3A_1431], %swap3A_1434 {strides = array<i32>} : memref<272x256xf32, #tpu.memory_space<vmem>>, vector<1x16xf32>,
      %get3A_1435 = arith.constant 7 : i32
      %get3A_1436 = arith.index_cast %get3A_1435 : i32 to index
      %get3A_1437 = arith.constant 48 : index
      %get3A_1438 = tpu.vector_load %arg7[%get3A_1436, %get3A_1437] {strides = array<i32>} : memref<8x256xf32, #tpu.memory_space<vmem>>, vector<1x16xf32>,
      %get3A_1439 = vector.shape_cast %get3A_1438 : vector<1x16xf32> to vector<16xf32>
      %swap3A_1440 = arith.index_cast %sub3A_1405 : i32 to index
      %swap3A_1441 = arith.constant 48 : index
      %swap3A_1442 = tpu.vector_load %arg5[%swap3A_1440, %swap3A_1441] {strides = array<i32>} : memref<272x256xf32, #tpu.memory_space<vmem>>, vector<1x16xf32>,
      %swap3A_1443 = vector.shape_cast %swap3A_1442 : vector<1x16xf32> to vector<16xf32>
      %swap3A_1444 = vector.shape_cast %get3A_1439 : vector<16xf32> to vector<1x16xf32>
      tpu.vector_store %arg5[%swap3A_1440, %swap3A_1441], %swap3A_1444 {strides = array<i32>} : memref<272x256xf32, #tpu.memory_space<vmem>>, vector<1x16xf32>,
      %get3A_1445 = arith.constant 7 : i32
      %get3A_1446 = arith.index_cast %get3A_1445 : i32 to index
      %get3A_1447 = arith.constant 64 : index
      %get3A_1448 = tpu.vector_load %arg7[%get3A_1446, %get3A_1447] {strides = array<i32>} : memref<8x256xf32, #tpu.memory_space<vmem>>, vector<1x16xf32>,
      %get3A_1449 = vector.shape_cast %get3A_1448 : vector<1x16xf32> to vector<16xf32>
      %swap3A_1450 = arith.index_cast %sub3A_1405 : i32 to index
      %swap3A_1451 = arith.constant 64 : index
      %swap3A_1452 = tpu.vector_load %arg5[%swap3A_1450, %swap3A_1451] {strides = array<i32>} : memref<272x256xf32, #tpu.memory_space<vmem>>, vector<1x16xf32>,
      %swap3A_1453 = vector.shape_cast %swap3A_1452 : vector<1x16xf32> to vector<16xf32>
      %swap3A_1454 = vector.shape_cast %get3A_1449 : vector<16xf32> to vector<1x16xf32>
      tpu.vector_store %arg5[%swap3A_1450, %swap3A_1451], %swap3A_1454 {strides = array<i32>} : memref<272x256xf32, #tpu.memory_space<vmem>>, vector<1x16xf32>,
      %get3A_1455 = arith.constant 7 : i32
      %get3A_1456 = arith.index_cast %get3A_1455 : i32 to index
      %get3A_1457 = arith.constant 80 : index
      %get3A_1458 = tpu.vector_load %arg7[%get3A_1456, %get3A_1457] {strides = array<i32>} : memref<8x256xf32, #tpu.memory_space<vmem>>, vector<1x16xf32>,
      %get3A_1459 = vector.shape_cast %get3A_1458 : vector<1x16xf32> to vector<16xf32>
      %swap3A_1460 = arith.index_cast %sub3A_1405 : i32 to index
      %swap3A_1461 = arith.constant 80 : index
      %swap3A_1462 = tpu.vector_load %arg5[%swap3A_1460, %swap3A_1461] {strides = array<i32>} : memref<272x256xf32, #tpu.memory_space<vmem>>, vector<1x16xf32>,
      %swap3A_1463 = vector.shape_cast %swap3A_1462 : vector<1x16xf32> to vector<16xf32>
      %swap3A_1464 = vector.shape_cast %get3A_1459 : vector<16xf32> to vector<1x16xf32>
      tpu.vector_store %arg5[%swap3A_1460, %swap3A_1461], %swap3A_1464 {strides = array<i32>} : memref<272x256xf32, #tpu.memory_space<vmem>>, vector<1x16xf32>,
      %get3A_1465 = arith.constant 7 : i32
      %get3A_1466 = arith.index_cast %get3A_1465 : i32 to index
      %get3A_1467 = arith.constant 96 : index
      %get3A_1468 = tpu.vector_load %arg7[%get3A_1466, %get3A_1467] {strides = array<i32>} : memref<8x256xf32, #tpu.memory_space<vmem>>, vector<1x16xf32>,
      %get3A_1469 = vector.shape_cast %get3A_1468 : vector<1x16xf32> to vector<16xf32>
      %swap3A_1470 = arith.index_cast %sub3A_1405 : i32 to index
      %swap3A_1471 = arith.constant 96 : index
      %swap3A_1472 = tpu.vector_load %arg5[%swap3A_1470, %swap3A_1471] {strides = array<i32>} : memref<272x256xf32, #tpu.memory_space<vmem>>, vector<1x16xf32>,
      %swap3A_1473 = vector.shape_cast %swap3A_1472 : vector<1x16xf32> to vector<16xf32>
      %swap3A_1474 = vector.shape_cast %get3A_1469 : vector<16xf32> to vector<1x16xf32>
      tpu.vector_store %arg5[%swap3A_1470, %swap3A_1471], %swap3A_1474 {strides = array<i32>} : memref<272x256xf32, #tpu.memory_space<vmem>>, vector<1x16xf32>,
      %get3A_1475 = arith.constant 7 : i32
      %get3A_1476 = arith.index_cast %get3A_1475 : i32 to index
      %get3A_1477 = arith.constant 112 : index
      %get3A_1478 = tpu.vector_load %arg7[%get3A_1476, %get3A_1477] {strides = array<i32>} : memref<8x256xf32, #tpu.memory_space<vmem>>, vector<1x16xf32>,
      %get3A_1479 = vector.shape_cast %get3A_1478 : vector<1x16xf32> to vector<16xf32>
      %swap3A_1480 = arith.index_cast %sub3A_1405 : i32 to index
      %swap3A_1481 = arith.constant 112 : index
      %swap3A_1482 = tpu.vector_load %arg5[%swap3A_1480, %swap3A_1481] {strides = array<i32>} : memref<272x256xf32, #tpu.memory_space<vmem>>, vector<1x16xf32>,
      %swap3A_1483 = vector.shape_cast %swap3A_1482 : vector<1x16xf32> to vector<16xf32>
      %swap3A_1484 = vector.shape_cast %get3A_1479 : vector<16xf32> to vector<1x16xf32>
      tpu.vector_store %arg5[%swap3A_1480, %swap3A_1481], %swap3A_1484 {strides = array<i32>} : memref<272x256xf32, #tpu.memory_space<vmem>>, vector<1x16xf32>,
      %get3A_1485 = arith.constant 7 : i32
      %get3A_1486 = arith.index_cast %get3A_1485 : i32 to index
      %get3A_1487 = arith.constant 128 : index
      %get3A_1488 = tpu.vector_load %arg7[%get3A_1486, %get3A_1487] {strides = array<i32>} : memref<8x256xf32, #tpu.memory_space<vmem>>, vector<1x16xf32>,
      %get3A_1489 = vector.shape_cast %get3A_1488 : vector<1x16xf32> to vector<16xf32>
      %swap3A_1490 = arith.index_cast %sub3A_1405 : i32 to index
      %swap3A_1491 = arith.constant 128 : index
      %swap3A_1492 = tpu.vector_load %arg5[%swap3A_1490, %swap3A_1491] {strides = array<i32>} : memref<272x256xf32, #tpu.memory_space<vmem>>, vector<1x16xf32>,
      %swap3A_1493 = vector.shape_cast %swap3A_1492 : vector<1x16xf32> to vector<16xf32>
      %swap3A_1494 = vector.shape_cast %get3A_1489 : vector<16xf32> to vector<1x16xf32>
      tpu.vector_store %arg5[%swap3A_1490, %swap3A_1491], %swap3A_1494 {strides = array<i32>} : memref<272x256xf32, #tpu.memory_space<vmem>>, vector<1x16xf32>,
      %get3A_1495 = arith.constant 7 : i32
      %get3A_1496 = arith.index_cast %get3A_1495 : i32 to index
      %get3A_1497 = arith.constant 144 : index
      %get3A_1498 = tpu.vector_load %arg7[%get3A_1496, %get3A_1497] {strides = array<i32>} : memref<8x256xf32, #tpu.memory_space<vmem>>, vector<1x16xf32>,
      %get3A_1499 = vector.shape_cast %get3A_1498 : vector<1x16xf32> to vector<16xf32>
      %swap3A_1500 = arith.index_cast %sub3A_1405 : i32 to index
      %swap3A_1501 = arith.constant 144 : index
      %swap3A_1502 = tpu.vector_load %arg5[%swap3A_1500, %swap3A_1501] {strides = array<i32>} : memref<272x256xf32, #tpu.memory_space<vmem>>, vector<1x16xf32>,
      %swap3A_1503 = vector.shape_cast %swap3A_1502 : vector<1x16xf32> to vector<16xf32>
      %swap3A_1504 = vector.shape_cast %get3A_1499 : vector<16xf32> to vector<1x16xf32>
      tpu.vector_store %arg5[%swap3A_1500, %swap3A_1501], %swap3A_1504 {strides = array<i32>} : memref<272x256xf32, #tpu.memory_space<vmem>>, vector<1x16xf32>,
      %get3A_1505 = arith.constant 7 : i32
      %get3A_1506 = arith.index_cast %get3A_1505 : i32 to index
      %get3A_1507 = arith.constant 160 : index
      %get3A_1508 = tpu.vector_load %arg7[%get3A_1506, %get3A_1507] {strides = array<i32>} : memref<8x256xf32, #tpu.memory_space<vmem>>, vector<1x16xf32>,
      %get3A_1509 = vector.shape_cast %get3A_1508 : vector<1x16xf32> to vector<16xf32>
      %swap3A_1510 = arith.index_cast %sub3A_1405 : i32 to index
      %swap3A_1511 = arith.constant 160 : index
      %swap3A_1512 = tpu.vector_load %arg5[%swap3A_1510, %swap3A_1511] {strides = array<i32>} : memref<272x256xf32, #tpu.memory_space<vmem>>, vector<1x16xf32>,
      %swap3A_1513 = vector.shape_cast %swap3A_1512 : vector<1x16xf32> to vector<16xf32>
      %swap3A_1514 = vector.shape_cast %get3A_1509 : vector<16xf32> to vector<1x16xf32>
      tpu.vector_store %arg5[%swap3A_1510, %swap3A_1511], %swap3A_1514 {strides = array<i32>} : memref<272x256xf32, #tpu.memory_space<vmem>>, vector<1x16xf32>,
      %get3A_1515 = arith.constant 7 : i32
      %get3A_1516 = arith.index_cast %get3A_1515 : i32 to index
      %get3A_1517 = arith.constant 176 : index
      %get3A_1518 = tpu.vector_load %arg7[%get3A_1516, %get3A_1517] {strides = array<i32>} : memref<8x256xf32, #tpu.memory_space<vmem>>, vector<1x16xf32>,
      %get3A_1519 = vector.shape_cast %get3A_1518 : vector<1x16xf32> to vector<16xf32>
      %swap3A_1520 = arith.index_cast %sub3A_1405 : i32 to index
      %swap3A_1521 = arith.constant 176 : index
      %swap3A_1522 = tpu.vector_load %arg5[%swap3A_1520, %swap3A_1521] {strides = array<i32>} : memref<272x256xf32, #tpu.memory_space<vmem>>, vector<1x16xf32>,
      %swap3A_1523 = vector.shape_cast %swap3A_1522 : vector<1x16xf32> to vector<16xf32>
      %swap3A_1524 = vector.shape_cast %get3A_1519 : vector<16xf32> to vector<1x16xf32>
      tpu.vector_store %arg5[%swap3A_1520, %swap3A_1521], %swap3A_1524 {strides = array<i32>} : memref<272x256xf32, #tpu.memory_space<vmem>>, vector<1x16xf32>,
      %get3A_1525 = arith.constant 7 : i32
      %get3A_1526 = arith.index_cast %get3A_1525 : i32 to index
      %get3A_1527 = arith.constant 192 : index
      %get3A_1528 = tpu.vector_load %arg7[%get3A_1526, %get3A_1527] {strides = array<i32>} : memref<8x256xf32, #tpu.memory_space<vmem>>, vector<1x16xf32>,
      %get3A_1529 = vector.shape_cast %get3A_1528 : vector<1x16xf32> to vector<16xf32>
      %swap3A_1530 = arith.index_cast %sub3A_1405 : i32 to index
      %swap3A_1531 = arith.constant 192 : index
      %swap3A_1532 = tpu.vector_load %arg5[%swap3A_1530, %swap3A_1531] {strides = array<i32>} : memref<272x256xf32, #tpu.memory_space<vmem>>, vector<1x16xf32>,
      %swap3A_1533 = vector.shape_cast %swap3A_1532 : vector<1x16xf32> to vector<16xf32>
      %swap3A_1534 = vector.shape_cast %get3A_1529 : vector<16xf32> to vector<1x16xf32>
      tpu.vector_store %arg5[%swap3A_1530, %swap3A_1531], %swap3A_1534 {strides = array<i32>} : memref<272x256xf32, #tpu.memory_space<vmem>>, vector<1x16xf32>,
      %get3A_1535 = arith.constant 7 : i32
      %get3A_1536 = arith.index_cast %get3A_1535 : i32 to index
      %get3A_1537 = arith.constant 208 : index
      %get3A_1538 = tpu.vector_load %arg7[%get3A_1536, %get3A_1537] {strides = array<i32>} : memref<8x256xf32, #tpu.memory_space<vmem>>, vector<1x16xf32>,
      %get3A_1539 = vector.shape_cast %get3A_1538 : vector<1x16xf32> to vector<16xf32>
      %swap3A_1540 = arith.index_cast %sub3A_1405 : i32 to index
      %swap3A_1541 = arith.constant 208 : index
      %swap3A_1542 = tpu.vector_load %arg5[%swap3A_1540, %swap3A_1541] {strides = array<i32>} : memref<272x256xf32, #tpu.memory_space<vmem>>, vector<1x16xf32>,
      %swap3A_1543 = vector.shape_cast %swap3A_1542 : vector<1x16xf32> to vector<16xf32>
      %swap3A_1544 = vector.shape_cast %get3A_1539 : vector<16xf32> to vector<1x16xf32>
      tpu.vector_store %arg5[%swap3A_1540, %swap3A_1541], %swap3A_1544 {strides = array<i32>} : memref<272x256xf32, #tpu.memory_space<vmem>>, vector<1x16xf32>,
      %get3A_1545 = arith.constant 7 : i32
      %get3A_1546 = arith.index_cast %get3A_1545 : i32 to index
      %get3A_1547 = arith.constant 224 : index
      %get3A_1548 = tpu.vector_load %arg7[%get3A_1546, %get3A_1547] {strides = array<i32>} : memref<8x256xf32, #tpu.memory_space<vmem>>, vector<1x16xf32>,
      %get3A_1549 = vector.shape_cast %get3A_1548 : vector<1x16xf32> to vector<16xf32>
      %swap3A_1550 = arith.index_cast %sub3A_1405 : i32 to index
      %swap3A_1551 = arith.constant 224 : index
      %swap3A_1552 = tpu.vector_load %arg5[%swap3A_1550, %swap3A_1551] {strides = array<i32>} : memref<272x256xf32, #tpu.memory_space<vmem>>, vector<1x16xf32>,
      %swap3A_1553 = vector.shape_cast %swap3A_1552 : vector<1x16xf32> to vector<16xf32>
      %swap3A_1554 = vector.shape_cast %get3A_1549 : vector<16xf32> to vector<1x16xf32>
      tpu.vector_store %arg5[%swap3A_1550, %swap3A_1551], %swap3A_1554 {strides = array<i32>} : memref<272x256xf32, #tpu.memory_space<vmem>>, vector<1x16xf32>,
      %get3A_1555 = arith.constant 7 : i32
      %get3A_1556 = arith.index_cast %get3A_1555 : i32 to index
      %get3A_1557 = arith.constant 240 : index
      %get3A_1558 = tpu.vector_load %arg7[%get3A_1556, %get3A_1557] {strides = array<i32>} : memref<8x256xf32, #tpu.memory_space<vmem>>, vector<1x16xf32>,
      %get3A_1559 = vector.shape_cast %get3A_1558 : vector<1x16xf32> to vector<16xf32>
      %swap3A_1560 = arith.index_cast %sub3A_1405 : i32 to index
      %swap3A_1561 = arith.constant 240 : index
      %swap3A_1562 = tpu.vector_load %arg5[%swap3A_1560, %swap3A_1561] {strides = array<i32>} : memref<272x256xf32, #tpu.memory_space<vmem>>, vector<1x16xf32>,
      %swap3A_1563 = vector.shape_cast %swap3A_1562 : vector<1x16xf32> to vector<16xf32>
      %swap3A_1564 = vector.shape_cast %get3A_1559 : vector<16xf32> to vector<1x16xf32>
      tpu.vector_store %arg5[%swap3A_1560, %swap3A_1561], %swap3A_1564 {strides = array<i32>} : memref<272x256xf32, #tpu.memory_space<vmem>>, vector<1x16xf32>,
    } else {
    }
    "tpu.region"() ({
      %run_scoped3A = tpu.sem_alloc : memref<!tpu.dma_semaphore, #tpu.memory_space<semaphore_mem>>
      %dma_start3A_1404 = arith.constant 0 : i32
      %dma_start3A_1405 = tpu.memref_slice %arg4[%multiple_of3A, %dma_start3A_1404] : memref<8200x256xf32, #tpu.memory_space<hbm>> -> memref<272x256xf32, #tpu.memory_space<hbm>>
      %dma_start3A_1406 = arith.constant 0 : i32
      %dma_start3A_1407 = tpu.memref_slice %arg4[%multiple_of3A, %dma_start3A_1406] : memref<8200x256xf32, #tpu.memory_space<hbm>> -> memref<272x256xf32, #tpu.memory_space<hbm>>
      tpu.enqueue_dma source(%arg5 : memref<272x256xf32, #tpu.memory_space<vmem>>) target(%dma_start3A_1407 : memref<272x256xf32, #tpu.memory_space<hbm>>) target_semaphore(%run_scoped3A : memref<!tpu.dma_semaphore, #tpu.memory_space<semaphore_mem>>)
      %dma_wait3A_1408 = arith.constant 0 : i32
      %dma_wait3A_1409 = tpu.memref_slice %arg4[%multiple_of3A, %dma_wait3A_1408] : memref<8200x256xf32, #tpu.memory_space<hbm>> -> memref<272x256xf32, #tpu.memory_space<hbm>>
      %dma_wait3A_1410 = arith.constant 0 : i32
      %dma_wait3A_1411 = tpu.memref_slice %arg4[%multiple_of3A, %dma_wait3A_1410] : memref<8200x256xf32, #tpu.memory_space<hbm>> -> memref<272x256xf32, #tpu.memory_space<hbm>>
      tpu.wait_dma2 semaphore(%run_scoped3A : memref<!tpu.dma_semaphore, #tpu.memory_space<semaphore_mem>>) src(%arg5 : memref<272x256xf32, #tpu.memory_space<vmem>>) dst(%dma_wait3A_1411 : memref<272x256xf32, #tpu.memory_space<hbm>>)
      tpu.yield
    }) : () -> ()
    return
  }
}

module attributes {stable_mosaic.version = 14 : i64} {
  func.func @_pos_tc_body(%arg0: memref<4x8192xf32, #tpu.memory_space<vmem>>, %arg1: memref<4x8200xf32, #tpu.memory_space<vmem>>) attributes {dimension_semantics = [], scalar_prefetch = 0 : i64, scratch_operands = 0 : i64, tpu.core_type = #tpu.core_type<tc>} {
    %broadcast_in_dim3A = arith.constant 0.000000e+00 : f32
    %broadcast_in_dim3A_0 = vector.broadcast %broadcast_in_dim3A : f32 to vector<4x1xf32>
    %get3A = arith.constant 0 : index
    %get3A_1 = arith.constant 0 : index
    %get3A_2 = vector.load %arg0[%get3A, %get3A_1] : memref<4x8192xf32, #tpu.memory_space<vmem>>, vector<4x2048xf32>
    %swap3A = arith.constant 0 : index
    %swap3A_3 = arith.constant 0 : index
    %swap3A_4 = vector.load %arg1[%swap3A, %swap3A_3] : memref<4x8200xf32, #tpu.memory_space<vmem>>, vector<4x2048xf32>
    tpu.vector_store %arg1[%swap3A, %swap3A_3], %get3A_2 {strides = array<i32>} : memref<4x8200xf32, #tpu.memory_space<vmem>>, vector<4x2048xf32>,
    %swap3A_5 = arith.constant 0 : index
    %swap3A_6 = arith.constant 2048 : index
    %swap3A_7 = vector.load %arg1[%swap3A_5, %swap3A_6] : memref<4x8200xf32, #tpu.memory_space<vmem>>, vector<4x1xf32>
    tpu.vector_store %arg1[%swap3A_5, %swap3A_6], %broadcast_in_dim3A_0 {strides = array<i32>} : memref<4x8200xf32, #tpu.memory_space<vmem>>, vector<4x1xf32>,
    %get3A_8 = arith.constant 0 : index
    %get3A_9 = arith.constant 2048 : index
    %get3A_10 = vector.load %arg0[%get3A_8, %get3A_9] : memref<4x8192xf32, #tpu.memory_space<vmem>>, vector<4x512xf32>
    %swap3A_11 = arith.constant 0 : index
    %swap3A_12 = arith.constant 2049 : index
    %swap3A_13 = vector.load %arg1[%swap3A_11, %swap3A_12] : memref<4x8200xf32, #tpu.memory_space<vmem>>, vector<4x512xf32>
    tpu.vector_store %arg1[%swap3A_11, %swap3A_12], %get3A_10 {strides = array<i32>} : memref<4x8200xf32, #tpu.memory_space<vmem>>, vector<4x512xf32>,
    %swap3A_14 = arith.constant 0 : index
    %swap3A_15 = arith.constant 2561 : index
    %swap3A_16 = vector.load %arg1[%swap3A_14, %swap3A_15] : memref<4x8200xf32, #tpu.memory_space<vmem>>, vector<4x1xf32>
    tpu.vector_store %arg1[%swap3A_14, %swap3A_15], %broadcast_in_dim3A_0 {strides = array<i32>} : memref<4x8200xf32, #tpu.memory_space<vmem>>, vector<4x1xf32>,
    %get3A_17 = arith.constant 0 : index
    %get3A_18 = arith.constant 2560 : index
    %get3A_19 = vector.load %arg0[%get3A_17, %get3A_18] : memref<4x8192xf32, #tpu.memory_space<vmem>>, vector<4x1024xf32>
    %swap3A_20 = arith.constant 0 : index
    %swap3A_21 = arith.constant 2562 : index
    %swap3A_22 = vector.load %arg1[%swap3A_20, %swap3A_21] : memref<4x8200xf32, #tpu.memory_space<vmem>>, vector<4x1024xf32>
    tpu.vector_store %arg1[%swap3A_20, %swap3A_21], %get3A_19 {strides = array<i32>} : memref<4x8200xf32, #tpu.memory_space<vmem>>, vector<4x1024xf32>,
    %swap3A_23 = arith.constant 0 : index
    %swap3A_24 = arith.constant 3586 : index
    %swap3A_25 = vector.load %arg1[%swap3A_23, %swap3A_24] : memref<4x8200xf32, #tpu.memory_space<vmem>>, vector<4x1xf32>
    tpu.vector_store %arg1[%swap3A_23, %swap3A_24], %broadcast_in_dim3A_0 {strides = array<i32>} : memref<4x8200xf32, #tpu.memory_space<vmem>>, vector<4x1xf32>,
    %get3A_26 = arith.constant 0 : index
    %get3A_27 = arith.constant 3584 : index
    %get3A_28 = vector.load %arg0[%get3A_26, %get3A_27] : memref<4x8192xf32, #tpu.memory_space<vmem>>, vector<4x1536xf32>
    %swap3A_29 = arith.constant 0 : index
    %swap3A_30 = arith.constant 3587 : index
    %swap3A_31 = vector.load %arg1[%swap3A_29, %swap3A_30] : memref<4x8200xf32, #tpu.memory_space<vmem>>, vector<4x1536xf32>
    tpu.vector_store %arg1[%swap3A_29, %swap3A_30], %get3A_28 {strides = array<i32>} : memref<4x8200xf32, #tpu.memory_space<vmem>>, vector<4x1536xf32>,
    %swap3A_32 = arith.constant 0 : index
    %swap3A_33 = arith.constant 5123 : index
    %swap3A_34 = vector.load %arg1[%swap3A_32, %swap3A_33] : memref<4x8200xf32, #tpu.memory_space<vmem>>, vector<4x1xf32>
    tpu.vector_store %arg1[%swap3A_32, %swap3A_33], %broadcast_in_dim3A_0 {strides = array<i32>} : memref<4x8200xf32, #tpu.memory_space<vmem>>, vector<4x1xf32>,
    %get3A_35 = arith.constant 0 : index
    %get3A_36 = arith.constant 5120 : index
    %get3A_37 = vector.load %arg0[%get3A_35, %get3A_36] : memref<4x8192xf32, #tpu.memory_space<vmem>>, vector<4x768xf32>
    %swap3A_38 = arith.constant 0 : index
    %swap3A_39 = arith.constant 5124 : index
    %swap3A_40 = vector.load %arg1[%swap3A_38, %swap3A_39] : memref<4x8200xf32, #tpu.memory_space<vmem>>, vector<4x768xf32>
    tpu.vector_store %arg1[%swap3A_38, %swap3A_39], %get3A_37 {strides = array<i32>} : memref<4x8200xf32, #tpu.memory_space<vmem>>, vector<4x768xf32>,
    %swap3A_41 = arith.constant 0 : index
    %swap3A_42 = arith.constant 5892 : index
    %swap3A_43 = vector.load %arg1[%swap3A_41, %swap3A_42] : memref<4x8200xf32, #tpu.memory_space<vmem>>, vector<4x1xf32>
    tpu.vector_store %arg1[%swap3A_41, %swap3A_42], %broadcast_in_dim3A_0 {strides = array<i32>} : memref<4x8200xf32, #tpu.memory_space<vmem>>, vector<4x1xf32>,
    %get3A_44 = arith.constant 0 : index
    %get3A_45 = arith.constant 5888 : index
    %get3A_46 = vector.load %arg0[%get3A_44, %get3A_45] : memref<4x8192xf32, #tpu.memory_space<vmem>>, vector<4x1280xf32>
    %swap3A_47 = arith.constant 0 : index
    %swap3A_48 = arith.constant 5893 : index
    %swap3A_49 = vector.load %arg1[%swap3A_47, %swap3A_48] : memref<4x8200xf32, #tpu.memory_space<vmem>>, vector<4x1280xf32>
    tpu.vector_store %arg1[%swap3A_47, %swap3A_48], %get3A_46 {strides = array<i32>} : memref<4x8200xf32, #tpu.memory_space<vmem>>, vector<4x1280xf32>,
    %swap3A_50 = arith.constant 0 : index
    %swap3A_51 = arith.constant 7173 : index
    %swap3A_52 = vector.load %arg1[%swap3A_50, %swap3A_51] : memref<4x8200xf32, #tpu.memory_space<vmem>>, vector<4x1xf32>
    tpu.vector_store %arg1[%swap3A_50, %swap3A_51], %broadcast_in_dim3A_0 {strides = array<i32>} : memref<4x8200xf32, #tpu.memory_space<vmem>>, vector<4x1xf32>,
    %get3A_53 = arith.constant 0 : index
    %get3A_54 = arith.constant 7168 : index
    %get3A_55 = vector.load %arg0[%get3A_53, %get3A_54] : memref<4x8192xf32, #tpu.memory_space<vmem>>, vector<4x256xf32>
    %swap3A_56 = arith.constant 0 : index
    %swap3A_57 = arith.constant 7174 : index
    %swap3A_58 = vector.load %arg1[%swap3A_56, %swap3A_57] : memref<4x8200xf32, #tpu.memory_space<vmem>>, vector<4x256xf32>
    tpu.vector_store %arg1[%swap3A_56, %swap3A_57], %get3A_55 {strides = array<i32>} : memref<4x8200xf32, #tpu.memory_space<vmem>>, vector<4x256xf32>,
    %swap3A_59 = arith.constant 0 : index
    %swap3A_60 = arith.constant 7430 : index
    %swap3A_61 = vector.load %arg1[%swap3A_59, %swap3A_60] : memref<4x8200xf32, #tpu.memory_space<vmem>>, vector<4x1xf32>
    tpu.vector_store %arg1[%swap3A_59, %swap3A_60], %broadcast_in_dim3A_0 {strides = array<i32>} : memref<4x8200xf32, #tpu.memory_space<vmem>>, vector<4x1xf32>,
    %get3A_62 = arith.constant 0 : index
    %get3A_63 = arith.constant 7424 : index
    %get3A_64 = vector.load %arg0[%get3A_62, %get3A_63] : memref<4x8192xf32, #tpu.memory_space<vmem>>, vector<4x768xf32>
    %swap3A_65 = arith.constant 0 : index
    %swap3A_66 = arith.constant 7431 : index
    %swap3A_67 = vector.load %arg1[%swap3A_65, %swap3A_66] : memref<4x8200xf32, #tpu.memory_space<vmem>>, vector<4x768xf32>
    tpu.vector_store %arg1[%swap3A_65, %swap3A_66], %get3A_64 {strides = array<i32>} : memref<4x8200xf32, #tpu.memory_space<vmem>>, vector<4x768xf32>,
    %swap3A_68 = arith.constant 0 : index
    %swap3A_69 = arith.constant 8199 : index
    %swap3A_70 = vector.load %arg1[%swap3A_68, %swap3A_69] : memref<4x8200xf32, #tpu.memory_space<vmem>>, vector<4x1xf32>
    tpu.vector_store %arg1[%swap3A_68, %swap3A_69], %broadcast_in_dim3A_0 {strides = array<i32>} : memref<4x8200xf32, #tpu.memory_space<vmem>>, vector<4x1xf32>,
    return
  }
}

</mosaic_0001>

<sc_bundles>
// kernel: kernel.4.cloned.1.call-start
scs
__scs_entry_jumppad:
0x0: {  	(pc) =	sbr.rel $0x88, $3  }
0x1: {  	(tag) =	ssettag $0x0;
	lr =	simm.s32 $0x1  }
0x2: {  	[smem:$0x3F9D] =	sst lr;
	_ =	strace $0xD0000000  }
0x3: {  	_ = 	snop  }
0x4: {  	_ = 	snop  }
0x5: {  	_ = 	snop  }
0x6: {  	_ = 	snop  }
0x7: {  	_ = 	snop  }
__scs_overlays_trampoline_lowered:
0x8: {  	[smem:$0x3FAC] =	sst s0  }
0x9: {  	[smem:$0x3FAD] =	sst s1  }
0xa: {  	[smem:$0x3FAE] =	sst s2  }
0xb: {  	[smem:$0x3FAF] =	sst s3  }
0xc: {  	[smem:$0x3FB0] =	sst s4  }
0xd: {  	[smem:$0x3FB1] =	sst s5  }
0xe: {  	[smem:$0x3FB2] =	sst s6  }
0xf: {  	[smem:$0x3FB3] =	sst s7  }
0x10: {  	[smem:$0x3FB4] =	sst s8  }
0x11: {  	[smem:$0x3FB5] =	sst s9;
	s0 =	simm.s32 @!p0 $0x0  }
0x12: {  	s1 =	sld [smem:$0x3F9B];
	s0 =	simm.s32 @p0 $0x1  }
0x13: {  	[smem:$0x3FB6] =	sst s0;
	s0 =	simm.s32 @!p1 $0x0  }
0x14: {  	s2 =	sld [smem:$0x3F9A];
	s0 =	simm.s32 @p1 $0x1  }
0x15: {  	[smem:$0x3FB7] =	sst s0;
	s0 =	simm.s32 @!p2 $0x0  }
0x16: {  	s3 =	sld [smem:$0x3FDB];
	s0 =	simm.s32 @p2 $0x1  }
0x17: {  	s4 =	simm.s32 $0x1BF5;
	[smem:$0x3FB9] =	sst s0  }
0x18: {  	s0 =	sld [smem:$0x3F9C];
	_ =	swait.ge [sflag:s4], $0x0  }
0x19: {  	s7 =	sld [smem:$0x3F9D]  }
0x1a: {  	s8 =	sadd.s32 $0xFFFFE003, lr  }
0x1b: {  	s9 =	sadd.s32 $0xFFFFFEF7, lr;
	s5 =	simm.s32 $0xFFFFFFFF;
	p2 =	slt.u32 s8, $0xFFFFF086  }
0x1c: {  	p1 =	slt.u32 s9, $0xF7A;
	s5 =	simm.s32 @!p2 $0x0  }
0x1d: {  	s5 =	simm.s32 @p1 $0x1;
	p0 =	seq.s32 s7, s2  }
0x1e: {  	s7 =	smul.u32 @!p0 $0xF7A, s2;
	p2 =	seq.s32 @!p0 s5, $0x0  }
0x1f: {  	s9 =	smul.u32 $0xF7A, s1;
	s8 =	simm.s32 @!p0 $0x1BF5;
	p2 =	por !p2, p0  }
0x20: {  	[sflag:s8] =	ssyncset.s32 @!p0 $0xFFFFF086;
	s6 =	sadd.s32 @!p0 s3, s7;
	s7 =	simm.s32 @!p0 $0x108  }
0x21: {  	s3 =	sadd.s32 s3, s9;
	s6 =	sadd.s32 @!p0 $0x88, s6;
	s7 =	simm.s32 @p2 $0x1082  }
0x22: {  	[simem:s7], [sflag:s8] =	dma.local @!p0 [hbm:s6], $0xF7A  }
0x23: {  	s9 =	sor.u32 $0xD0000000, s2;
	s6 =	simm.s32 $0x108;
	_ =	swait.ge @!p0 [sflag:s8], $0x0  }
0x24: {  	s3 =	sadd.s32 $0x88, s3;
	s6 =	simm.s32 @!p1 $0x1082;
	[sflag:s4] =	ssyncset.s32 $0xFFFFF086  }
0x25: {  	[simem:s6], [sflag:s4] =	dma.local [hbm:s3], $0xF7A  }
0x26: {  	[smem:$0x3F9D] =	sst s1;
	(tag) =	ssettag s2;
	_ =	strace s9  }
0x27: {  	s1 =	sld [smem:$0x3FAD]  }
0x28: {  	s2 =	sld [smem:$0x3FAE]  }
0x29: {  	s4 =	sld [smem:$0x3FB0]  }
0x2a: {  	p0 =	seq.s32 s5, $0x0;
	s5 =	sld [smem:$0x3FB1]  }
0x2b: {  	s6 =	sld [smem:$0x3FB2]  }
0x2c: {  	s7 =	sld [smem:$0x3FB3]  }
0x2d: {  	s3 =	simm.s32 $0x108;
	s8 =	sld [smem:$0x3FB4]  }
0x2e: {  	s3 =	simm.s32 @!p0 $0x1082;
	s9 =	sld [smem:$0x3FB5]  }
0x2f: {  	lr =	sadd.s32 s0, s3;
	s0 =	sld [smem:$0x3FAC]  }
0x30: {  	s3 =	sld [smem:$0x3FAF]  }
0x31: {  	[smem:$0x3FB8] =	sst s10  }
0x32: {  	s10 =	sld [smem:$0x3FB6];
	_ =	sdelay $0x3  }
0x33: {  	p0 =	seq.s32 s10, $0x1;
	s10 =	sld [smem:$0x3FB8];
	_ =	sdelay $0x3  }
0x34: {  	[smem:$0x3FB8] =	sst s10  }
0x35: {  	s10 =	sld [smem:$0x3FB7];
	_ =	sdelay $0x3  }
0x36: {  	p1 =	seq.s32 s10, $0x1;
	s10 =	sld [smem:$0x3FB8];
	_ =	sdelay $0x3  }
0x37: {  	[smem:$0x3FB8] =	sst s10  }
0x38: {  	s10 =	sld [smem:$0x3FB9]  }
0x39: {  	_ = 	snop;
	(pc) =	sbr.ind lr, $3  }
0x3a: {  	_ = 	snop  }
0x3b: {  	_ = 	snop  }
0x3c: {  	p2 =	seq.s32 s10, $0x1;
	s10 =	sld [smem:$0x3FB8]  }
0x3d: {  	_ =	shalt  }
0x3e: {  	_ =	shalt  }
0x3f: {  	_ =	shalt  }
0x40: {  	_ =	shalt  }
0x41: {  	_ =	shalt  }
0x42: {  	_ =	shalt  }
0x43: {  	_ =	shalt  }
0x44: {  	_ =	shalt  }
0x45: {  	_ =	shalt  }
0x46: {  	_ =	shalt  }
0x47: {  	_ =	shalt  }
0x48: {  	_ =	shalt  }
0x49: {  	_ =	shalt  }
0x4a: {  	_ =	shalt  }
0x4b: {  	_ =	shalt  }
0x4c: {  	_ =	shalt  }
0x4d: {  	_ =	shalt  }
0x4e: {  	_ =	shalt  }
0x4f: {  	_ =	shalt  }
0x50: {  	_ =	shalt  }
0x51: {  	_ =	shalt  }
0x52: {  	_ =	shalt  }
0x53: {  	_ =	shalt  }
0x54: {  	_ =	shalt  }
0x55: {  	_ =	shalt  }
0x56: {  	_ =	shalt  }
0x57: {  	_ =	shalt  }
0x58: {  	_ =	shalt  }
0x59: {  	_ =	shalt  }
0x5a: {  	_ =	shalt  }
0x5b: {  	_ =	shalt  }
0x5c: {  	_ =	shalt  }
0x5d: {  	_ =	shalt  }
0x5e: {  	_ =	shalt  }
0x5f: {  	_ =	shalt  }
0x60: {  	_ =	shalt  }
0x61: {  	_ =	shalt  }
0x62: {  	_ =	shalt  }
0x63: {  	_ =	shalt  }
0x64: {  	_ =	shalt  }
0x65: {  	_ =	shalt  }
0x66: {  	_ =	shalt  }
0x67: {  	_ =	shalt  }
0x68: {  	_ =	shalt  }
0x69: {  	_ =	shalt  }
0x6a: {  	_ =	shalt  }
0x6b: {  	_ =	shalt  }
0x6c: {  	_ =	shalt  }
0x6d: {  	_ =	shalt  }
0x6e: {  	_ =	shalt  }
0x6f: {  	_ =	shalt  }
0x70: {  	_ =	shalt  }
0x71: {  	_ =	shalt  }
0x72: {  	_ =	shalt  }
0x73: {  	_ =	shalt  }
0x74: {  	_ =	shalt  }
0x75: {  	_ =	shalt  }
0x76: {  	_ =	shalt  }
0x77: {  	_ =	shalt  }
0x78: {  	_ =	shalt  }
0x79: {  	_ =	shalt  }
0x7a: {  	_ =	shalt  }
0x7b: {  	_ =	shalt  }
0x7c: {  	_ =	shalt  }
0x7d: {  	_ =	shalt  }
0x7e: {  	_ =	shalt  }
0x7f: {  	_ =	shalt  }
0x80: {  	_ =	shalt  }
0x81: {  	_ =	shalt  }
0x82: {  	_ =	shalt  }
0x83: {  	_ =	shalt  }
0x84: {  	_ =	shalt  }
0x85: {  	_ =	shalt  }
0x86: {  	_ =	shalt  }
0x87: {  	_ =	shalt  }
.Lfunc_end0:
.L_simem_size_0:
called_computation_lowered:
.L_overlay_start_0:
0x88: {  	s2 =	sld [smem:$0x3FD9]  }
0x89: {  	s3 =	sld [smem:$0x3FFE];
	_ =	sdelay $0x1  }
0x8a: {  	s1 =	srdreg.scid  }
0x8b: {  	s0 =	sand.u32 $0x1, s1  }
0x8c: {  	s14 =	sshll.u32 s0, $0xA;
	s2 =	sadd.s32 s3, s2  }
0x8d: {  	s2 =	sadd.s32 s2, s14  }
0x8e: {  	[smem:$0x3FC4] =	sst s2  }
0x8f: {  	_ = 	snop  }
0x90: {  	s2 =	sld [smem:$0x3FD0];
	_ =	sdelay $0x2  }
0x91: {  	s4 =	simm.s32 $0xA;
	s5 =	simm.s32 $0x10;
	s15 =	sld [smem:$0x3FC9]  }
0x92: {  	[smem:s5], [sflag:s4] =	dma.local [hbm:s2], $0x1  }
0x93: {  	_ =	swait.eq [sflag:s4], $0x1  }
0x94: {  	[sflag:s4] =	ssyncset.done $0x0  }
0x95: {  	[sflag:s4] =	ssyncadd.s32 $0xFFFFFFFF  }
0x96: {  	s16 =	sld [smem:$0x10];
	(tm) =	ssettm $0x1  }
0x97: {  	s17 =	sld [smem:$0x3FFB];
	_ =	sdelay $0x3  }
0x98: {  	_ =	strace s17  }
0x99: {  	s4 =	sld [smem:$0x3FFC];
	_ =	sdelay $0x3  }
0x9a: {  	_ =	strace s4  }
0x9b: {  	s4 =	sld [smem:$0x3FFD];
	_ =	sdelay $0x3  }
0x9c: {  	_ =	strace s4  }
0x9d: {  	_ =	strace $0x8FFFFFFF  }
0x9e: {  	s18 =	sld [smem:$0x3FDB];
	_ =	sdelay $0x1  }
0x9f: {  	s19 =	simm.s32 $_scs_section_size  }
0xa0: {  	s6 =	simm.s32 $_size__tile_overlayer_lowered;
	s7 =	simm.s32 $_tile_overlayer_lowered  }
0xa1: {  	s22 =	simm.s32 $0x1BFF;
	s21 =	sshll.u32 s7, $0x1;
	s4 =	sadd.s32 s19, s18  }
0xa2: {  	s8 =	simm.s32 $0x0;
	s20 =	sshll.u32 s6, $0x1;
	s6 =	sadd.s32 s21, s4  }
0xa3: {  	[timem:s8], [sflag:s22] =	dma.local [hbm:s6], s20  }
0xa4: {  	_ =	swait.ge [sflag:s22], s20  }
0xa5: {  	s5 =	ssub.s32 $0x0, s20;
	[sflag:s22] =	ssyncset.done $0x0  }
0xa6: {  	[sflag:s22] =	ssyncadd.s32 s5;
	_ =	sdelay $0x1  }
0xa7: {  	s23 =	simm.s32 $0x1B8B  }
0xa8: {  	_ =	swait.ge [sflag:s23], $0x1  }
0xa9: {  	[sflag:s23] =	ssyncset.done $0x0  }
0xaa: {  	s25 =	simm.s32 $0x1B8E;
	s24 =	sld [smem:$0x3FFE];
	[sflag:s23] =	ssyncadd.s32 $0xFFFFFFFF  }
0xab: {  	s26 =	simm.s32 $execute0_lowered;
	[smem:$0x3FD2] =	sst s25  }
0xac: {  	s6 =	sshll.u32 s26, $0x1;
	_ =	strace $0x80000046;
	[dreg:$0x1] =	wrdreg $0xFFFFFFFF  }
0xad: {  	s28 =	simm.s32 $_size_execute0_lowered;
	s4 =	sadd.s32 s4, s6;
	[dreg:$0x0] =	wrdreg $0x0  }
0xae: {  	s6 =	sshll.u32 s28, $0x1;
	[dreg:$0x2] =	wrdreg s4  }
0xaf: {  	[dreg:$0x3] =	wrdreg s6  }
0xb0: {  	[dreg:$0x4] =	wrdreg $0xC0  }
0xb1: {  	_ =	task [dreg:s8], $0x5FFFF  }
0xb2: {  	[dreg:$0x1] =	wrdreg $0xFFFFFFFF  }
0xb3: {  	[dreg:$0x0] =	wrdreg $0x60  }
0xb4: {  	[dreg:$0x2] =	wrdreg s15  }
0xb5: {  	[dreg:$0x3] =	wrdreg s24  }
0xb6: {  	[dreg:$0x4] =	wrdreg s16  }
0xb7: {  	[dreg:$0x5] =	wrdreg $0x9  }
0xb8: {  	_ =	task.clear_ibuf [dreg:s8], $0x6FFFF;
	_ =	strace $0x90000046  }
0xb9: {  	s29 =	simm.s32 $0x9;
	_ =	strace $0x80000048  }
0xba: {  	_ =	swait.ge [sflag:s29], $0x1  }
0xbb: {  	[sflag:s29] =	ssyncadd.s32 $0xFFFFFFFF  }
0xbc: {  	_ =	strace $0x90000048  }
0xbd: {  	_ =	sfence  }
0xbe: {  	s30 =	sld [smem:$0x0];
	_ =	sdelay $0x2  }
0xbf: {  	s31 =	sshll.u32 s1, $0xD;
	s1 =	sshrl.u32 s1, $0x2  }
0xc0: {  	s3 =	sand.u32 $0x4000, s31;
	s1 =	sadd.s32 s1, s30  }
0xc1: {  	s0 =	sor.u32 s3, s0;
	s1 =	sshll.u32 s1, $0x11  }
0xc2: {  	s0 =	sor.u32 s1, s0  }
0xc3: {  	s0 =	sadd.s32 $0x8F2B, s0  }
0xc4: {  	[sflag:s0] =	ssyncadd.remote.s32 $0x1  }
0xc5: {  	_ =	sfence.sel $0xFFFF  }
0xc6: {  	[dreg:$0x0] =	wrdreg $0xFFFFFFFF;
	(pc) =	sbr.abs _section_cstart, $3  }
0xc7: {  	[dreg:$0x1] =	wrdreg $0xFFFFFFFF  }
0xc8: {  	_ =	task.clear_ibuf [dreg:s8], $0x2FFFF;
	_ =	strace $0x9FFFFFFF  }
0xc9: {  	(tm) =	ssettm $0x7FFFFFFF  }
tec
execute0_lowered:
.L_overlay_start_1:
0x0: {  	(tag) =	ssettag $0x1  }
0x1: {  	s0 =	srdreg.scid;
	s1 =	stileid.u32  }
0x2: {  	s2 =	sand.u32 $0x1, s0;
	s8 =	sshll.u32 s1, $0x1  }
0x3: {  	s0 =	sor.u32 s2, s8  }
0x4: {  	s0 =	smul.u32 $0x22, s0;
	_ =	sdelay $0x1  }
0x5: {  	s0 =	smin.u32 s0, $0x3DF  }
0x6: {  	v14 =	vlaneseq.u32;
	s4 =	sshll.u32 s0, $0x3  }
0x7: {  	v0 =	vadd.s32 s4, v14  }
0x8: {  	v15 =	vimm.s32 $0x0;
	vm0 =	vgt.u32 v0, $0x800  }
0x9: {  	vm1 =	vgt.u32 v0, $0x1403;
	v1 =	vsel vm0, $0xFFFFFFFF, v15;
	vm0 =	vgt.u32 v0, $0xA01  }
0xa: {  	v4 =	vsel vm1, $0xFFFFFFFF, v15;
	v2 =	vsel vm0, $0xFFFFFFFF, v15  }
0xb: {  	vm1 =	vgt.u32 v0, $0x1C05;
	vm0 =	vgt.u32 v0, $0xE02;
	v2 =	vadd.s32 v2, v0  }
0xc: {  	v3 =	vsel vm0, $0xFFFFFFFF, v15;
	vm0 =	vgt.u32 v0, $0x1704;
	v1 =	vadd.s32 v1, v2  }
0xd: {  	s9 =	sadd.s32 $0x10, s4;
	v5 =	vsel vm1, $0xFFFFFFFF, v15;
	v2 =	vsel vm0, $0xFFFFFFFF, v15;
	v1 =	vadd.s32 v3, v1  }
0xe: {  	vm0 =	vgt.u32 v0, $0x1D06;
	v0 =	vadd.s32 v4, v1;
	v1 =	vadd.s32 s9, v14  }
0xf: {  	v3 =	vsel vm0, $0xFFFFFFFF, v15;
	v0 =	vadd.s32 v2, v0;
	vm0 =	vgt.u32 v1, $0xA01  }
0x10: {  	vm1 =	vgt.u32 v1, $0x800;
	v0 =	vadd.s32 v5, v0;
	v2 =	vsel vm0, $0xFFFFFFFF, v15  }
0x11: {  	v4 =	vsel vm1, $0xFFFFFFFF, v15;
	vm0 =	vgt.u32 v1, $0xE02;
	v2 =	vadd.s32 v2, v1  }
0x12: {  	v5 =	vsel vm0, $0xFFFFFFFF, v15;
	vm0 =	vgt.u32 v1, $0x1403;
	v2 =	vadd.s32 v4, v2  }
0x13: {  	v4 =	vsel vm0, $0xFFFFFFFF, v15;
	vm0 =	vgt.u32 v1, $0x1704;
	v2 =	vadd.s32 v5, v2  }
0x14: {  	v5 =	vsel vm0, $0xFFFFFFFF, v15;
	vm0 =	vgt.u32 v1, $0x1C05;
	v2 =	vadd.s32 v4, v2  }
0x15: {  	v4 =	vsel vm0, $0xFFFFFFFF, v15;
	vm0 =	vgt.u32 v1, $0x1D06;
	v1 =	vadd.s32 v5, v2  }
0x16: {  	s10 =	sadd.s32 $0x20, s4;
	v0 =	vadd.s32 v3, v0;
	v2 =	vsel vm0, $0xFFFFFFFF, v15;
	v1 =	vadd.s32 v4, v1  }
0x17: {  	vm0 =	vlt.s32 v0, $0x1FFF;
	v1 =	vadd.s32 v2, v1;
	v2 =	vadd.s32 s10, v14  }
0x18: {  	v0 =	vnsel vm0, $0x1FFF, v0;
	vm0 =	vlt.s32 v1, $0x1FFF;
	vm1 =	vgt.u32 v2, $0x800  }
0x19: {  	v1 =	vnsel vm0, $0x1FFF, v1;
	v3 =	vsel vm1, $0xFFFFFFFF, v15;
	vm0 =	vgt.u32 v2, $0xA01  }
0x1a: {  	vm1 =	vgt.u32 v2, $0x1403;
	v4 =	vsel vm0, $0xFFFFFFFF, v15;
	vm0 =	vgt.u32 v2, $0xE02  }
0x1b: {  	v6 =	vsel vm1, $0xFFFFFFFF, v15;
	vm1 =	vgt.u32 v2, $0x1C05;
	v4 =	vadd.s32 v4, v2  }
0x1c: {  	v5 =	vsel vm0, $0xFFFFFFFF, v15;
	vm0 =	vgt.u32 v2, $0x1704;
	v3 =	vadd.s32 v3, v4  }
0x1d: {  	s11 =	sadd.s32 $0x30, s4;
	v7 =	vsel vm1, $0xFFFFFFFF, v15;
	v4 =	vsel vm0, $0xFFFFFFFF, v15;
	v3 =	vadd.s32 v5, v3  }
0x1e: {  	vm0 =	vgt.u32 v2, $0x1D06;
	v2 =	vadd.s32 v6, v3;
	v3 =	vadd.s32 s11, v14  }
0x1f: {  	v5 =	vsel vm0, $0xFFFFFFFF, v15;
	v2 =	vadd.s32 v4, v2;
	vm0 =	vgt.u32 v3, $0xA01  }
0x20: {  	vm1 =	vgt.u32 v3, $0x800;
	v2 =	vadd.s32 v7, v2;
	v4 =	vsel vm0, $0xFFFFFFFF, v15  }
0x21: {  	v6 =	vsel vm1, $0xFFFFFFFF, v15;
	vm0 =	vgt.u32 v3, $0xE02;
	v4 =	vadd.s32 v4, v3  }
0x22: {  	v7 =	vsel vm0, $0xFFFFFFFF, v15;
	vm0 =	vgt.u32 v3, $0x1403;
	v4 =	vadd.s32 v6, v4  }
0x23: {  	v6 =	vsel vm0, $0xFFFFFFFF, v15;
	vm0 =	vgt.u32 v3, $0x1704;
	v4 =	vadd.s32 v7, v4  }
0x24: {  	v7 =	vsel vm0, $0xFFFFFFFF, v15;
	vm0 =	vgt.u32 v3, $0x1C05;
	v4 =	vadd.s32 v6, v4  }
0x25: {  	v6 =	vsel vm0, $0xFFFFFFFF, v15;
	vm0 =	vgt.u32 v3, $0x1D06;
	v3 =	vadd.s32 v7, v4  }
0x26: {  	s12 =	sadd.s32 $0x40, s4;
	v2 =	vadd.s32 v5, v2;
	v4 =	vsel vm0, $0xFFFFFFFF, v15;
	v3 =	vadd.s32 v6, v3  }
0x27: {  	vm0 =	vlt.s32 v2, $0x1FFF;
	v3 =	vadd.s32 v4, v3;
	v4 =	vadd.s32 s12, v14  }
0x28: {  	v2 =	vnsel vm0, $0x1FFF, v2;
	vm0 =	vlt.s32 v3, $0x1FFF;
	vm1 =	vgt.u32 v4, $0x800  }
0x29: {  	v3 =	vnsel vm0, $0x1FFF, v3;
	v5 =	vsel vm1, $0xFFFFFFFF, v15;
	vm0 =	vgt.u32 v4, $0xA01  }
0x2a: {  	vm1 =	vgt.u32 v4, $0x1403;
	v6 =	vsel vm0, $0xFFFFFFFF, v15;
	vm0 =	vgt.u32 v4, $0xE02  }
0x2b: {  	v8 =	vsel vm1, $0xFFFFFFFF, v15;
	vm1 =	vgt.u32 v4, $0x1C05;
	v6 =	vadd.s32 v6, v4  }
0x2c: {  	v7 =	vsel vm0, $0xFFFFFFFF, v15;
	vm0 =	vgt.u32 v4, $0x1704;
	v5 =	vadd.s32 v5, v6  }
0x2d: {  	s13 =	sadd.s32 $0x50, s4;
	v9 =	vsel vm1, $0xFFFFFFFF, v15;
	v6 =	vsel vm0, $0xFFFFFFFF, v15;
	v5 =	vadd.s32 v7, v5  }
0x2e: {  	vm0 =	vgt.u32 v4, $0x1D06;
	v4 =	vadd.s32 v8, v5;
	v5 =	vadd.s32 s13, v14  }
0x2f: {  	v7 =	vsel vm0, $0xFFFFFFFF, v15;
	v4 =	vadd.s32 v6, v4;
	vm0 =	vgt.u32 v5, $0xA01  }
0x30: {  	vm1 =	vgt.u32 v5, $0x800;
	v4 =	vadd.s32 v9, v4;
	v6 =	vsel vm0, $0xFFFFFFFF, v15  }
0x31: {  	v8 =	vsel vm1, $0xFFFFFFFF, v15;
	vm0 =	vgt.u32 v5, $0xE02;
	v6 =	vadd.s32 v6, v5  }
0x32: {  	v9 =	vsel vm0, $0xFFFFFFFF, v15;
	vm0 =	vgt.u32 v5, $0x1403;
	v6 =	vadd.s32 v8, v6  }
0x33: {  	v8 =	vsel vm0, $0xFFFFFFFF, v15;
	vm0 =	vgt.u32 v5, $0x1704;
	v6 =	vadd.s32 v9, v6  }
0x34: {  	v9 =	vsel vm0, $0xFFFFFFFF, v15;
	vm0 =	vgt.u32 v5, $0x1C05;
	v6 =	vadd.s32 v8, v6  }
0x35: {  	v8 =	vsel vm0, $0xFFFFFFFF, v15;
	vm0 =	vgt.u32 v5, $0x1D06;
	v5 =	vadd.s32 v9, v6  }
0x36: {  	s14 =	sadd.s32 $0x60, s4;
	v4 =	vadd.s32 v7, v4;
	v6 =	vsel vm0, $0xFFFFFFFF, v15;
	v5 =	vadd.s32 v8, v5  }
0x37: {  	vm0 =	vlt.s32 v4, $0x1FFF;
	v5 =	vadd.s32 v6, v5;
	v6 =	vadd.s32 s14, v14  }
0x38: {  	v4 =	vnsel vm0, $0x1FFF, v4;
	vm0 =	vlt.s32 v5, $0x1FFF;
	vm1 =	vgt.u32 v6, $0x800  }
0x39: {  	v5 =	vnsel vm0, $0x1FFF, v5;
	v7 =	vsel vm1, $0xFFFFFFFF, v15;
	vm0 =	vgt.u32 v6, $0xA01  }
0x3a: {  	vm1 =	vgt.u32 v6, $0x1403;
	v8 =	vsel vm0, $0xFFFFFFFF, v15;
	vm0 =	vgt.u32 v6, $0xE02  }
0x3b: {  	v10 =	vsel vm1, $0xFFFFFFFF, v15;
	vm1 =	vgt.u32 v6, $0x1C05;
	v8 =	vadd.s32 v8, v6  }
0x3c: {  	v9 =	vsel vm0, $0xFFFFFFFF, v15;
	vm0 =	vgt.u32 v6, $0x1704;
	v7 =	vadd.s32 v7, v8  }
0x3d: {  	s15 =	sadd.s32 $0x70, s4;
	v11 =	vsel vm1, $0xFFFFFFFF, v15;
	v8 =	vsel vm0, $0xFFFFFFFF, v15;
	v7 =	vadd.s32 v9, v7  }
0x3e: {  	vm0 =	vgt.u32 v6, $0x1D06;
	v6 =	vadd.s32 v10, v7;
	v7 =	vadd.s32 s15, v14  }
0x3f: {  	v9 =	vsel vm0, $0xFFFFFFFF, v15;
	v6 =	vadd.s32 v8, v6;
	vm0 =	vgt.u32 v7, $0xA01  }
0x40: {  	vm1 =	vgt.u32 v7, $0x800;
	v6 =	vadd.s32 v11, v6;
	v8 =	vsel vm0, $0xFFFFFFFF, v15  }
0x41: {  	v10 =	vsel vm1, $0xFFFFFFFF, v15;
	vm0 =	vgt.u32 v7, $0xE02;
	v8 =	vadd.s32 v8, v7  }
0x42: {  	v11 =	vsel vm0, $0xFFFFFFFF, v15;
	vm0 =	vgt.u32 v7, $0x1403;
	v8 =	vadd.s32 v10, v8  }
0x43: {  	v10 =	vsel vm0, $0xFFFFFFFF, v15;
	vm0 =	vgt.u32 v7, $0x1704;
	v8 =	vadd.s32 v11, v8  }
0x44: {  	v11 =	vsel vm0, $0xFFFFFFFF, v15;
	vm0 =	vgt.u32 v7, $0x1C05;
	v8 =	vadd.s32 v10, v8  }
0x45: {  	v10 =	vsel vm0, $0xFFFFFFFF, v15;
	vm0 =	vgt.u32 v7, $0x1D06;
	v7 =	vadd.s32 v11, v8  }
0x46: {  	s16 =	sadd.s32 $0x80, s4;
	v6 =	vadd.s32 v9, v6;
	v8 =	vsel vm0, $0xFFFFFFFF, v15;
	v7 =	vadd.s32 v10, v7  }
0x47: {  	vm0 =	vlt.s32 v6, $0x1FFF;
	v7 =	vadd.s32 v8, v7;
	v8 =	vadd.s32 s16, v14  }
0x48: {  	v6 =	vnsel vm0, $0x1FFF, v6;
	vm0 =	vlt.s32 v7, $0x1FFF;
	vm1 =	vgt.u32 v8, $0xA01  }
0x49: {  	v7 =	vnsel vm0, $0x1FFF, v7;
	vm0 =	vgt.u32 v8, $0x800;
	v9 =	vsel vm1, $0xFFFFFFFF, v15  }
0x4a: {  	v10 =	vsel vm0, $0xFFFFFFFF, v15;
	vm0 =	vgt.u32 v8, $0xE02;
	v9 =	vadd.s32 v9, v8  }
0x4b: {  	v11 =	vsel vm0, $0xFFFFFFFF, v15;
	vm0 =	vgt.u32 v8, $0x1403;
	v9 =	vadd.s32 v10, v9  }
0x4c: {  	v10 =	vsel vm0, $0xFFFFFFFF, v15;
	vm0 =	vgt.u32 v8, $0x1704;
	v9 =	vadd.s32 v11, v9  }
0x4d: {  	s7 =	rddreg [dreg:$0x1];
	v11 =	vsel vm0, $0xFFFFFFFF, v15;
	vm0 =	vgt.u32 v8, $0x1C05;
	v9 =	vadd.s32 v10, v9  }
0x4e: {  	s6 =	rddreg [dreg:$0x2];
	s5 =	sadd.s32 $0x90, s4;
	v10 =	vsel vm0, $0xFFFFFFFF, v15;
	vm0 =	vgt.u32 v8, $0x1D06;
	v8 =	vadd.s32 v11, v9  }
0x4f: {  	s3 =	simm.s32 $0x0;
	s1 =	rddreg [dreg:$0x0];
	v8 =	vadd.s32 v10, v8;
	v10 =	vadd.s32 s5, v14;
	s5 =	sshll.u32 s0, $0xB  }
0x50: {  	[smem:$0x7FF] =	sst s3;
	s16 =	ssub.s32 $0x1C0280, s5  }
0x51: {  	_ =	strace $0x80000047;
	s17 =	ssub.s32 $0x1C0290, s5;
	[dreg:$0x4] =	wrdreg s16  }
0x52: {  	s18 =	ssub.s32 $0x1C02A0, s5;
	[dreg:$0x5] =	wrdreg s17  }
0x53: {  	s19 =	ssub.s32 $0x1C02B0, s5;
	[dreg:$0x6] =	wrdreg s18  }
0x54: {  	s20 =	ssub.s32 $0x1C02C0, s5;
	[dreg:$0x7] =	wrdreg s19  }
0x55: {  	s21 =	ssub.s32 $0x1C02D0, s5;
	[dreg:$0x8] =	wrdreg s20  }
0x56: {  	s22 =	ssub.s32 $0x1C02E0, s5;
	[dreg:$0x9] =	wrdreg s21  }
0x57: {  	s26 =	sadd.s32 $0xFFFFF308, s4;
	s23 =	ssub.s32 $0x1C02F0, s5;
	[dreg:$0xa] =	wrdreg s22  }
0x58: {  	p2 =	sgt.u32 s26, $0x10F;
	s24 =	ssub.s32 $0x1C0680, s5;
	[dreg:$0xb] =	wrdreg s23  }
0x59: {  	s10 =	sadd.s32 $0xC0, s4;
	s25 =	ssub.s32 $0x1C0690, s5;
	[dreg:$0xc] =	wrdreg s24  }
0x5a: {  	s11 =	sadd.s32 $0xD0, s4;
	s26 =	ssub.s32 $0x1D0300, s5;
	[dreg:$0xd] =	wrdreg s25  }
0x5b: {  	v20 =	vadd.s32 s10, v14;
	s14 =	sadd.s32 $0xFFFFF908, s4;
	s10 =	ssub.s32 $0x1D0330, s5;
	[dreg:$0x14] =	wrdreg s26  }
0x5c: {  	v18 =	vadd.s32 s11, v14;
	p0 =	sgt.u32 s14, $0x10F;
	s11 =	ssub.s32 $0x1D0340, s5;
	[dreg:$0x17] =	wrdreg s10  }
0x5d: {  	s15 =	sadd.s32 $0xFFFFF708, s4;
	s14 =	ssub.s32 $0x1D0370, s5;
	[dreg:$0x18] =	wrdreg s11  }
0x5e: {  	p1 =	sgt.u32 s15, $0x10F;
	s15 =	ssub.s32 $0x1D0700, s5;
	[dreg:$0x1b] =	wrdreg s14  }
0x5f: {  	s16 =	ssub.s32 $0x1C06A0, s5;
	[dreg:$0x1c] =	wrdreg s15  }
0x60: {  	s18 =	ssub.s32 $0x1C06B0, s5;
	[dreg:$0xe] =	wrdreg s16  }
0x61: {  	s20 =	ssub.s32 $0x1C06C0, s5;
	[dreg:$0xf] =	wrdreg s18  }
0x62: {  	s22 =	ssub.s32 $0x1C06D0, s5;
	[dreg:$0x10] =	wrdreg s20  }
0x63: {  	s23 =	ssub.s32 $0x1C06E0, s5;
	[dreg:$0x11] =	wrdreg s22  }
0x64: {  	s25 =	ssub.s32 $0x1C06F0, s5;
	[dreg:$0x12] =	wrdreg s23  }
0x65: {  	s26 =	ssub.s32 $0x170220, s5;
	[dreg:$0x13] =	wrdreg s25  }
0x66: {  	s10 =	ssub.s32 $0x170260, s5;
	[smem:$0x7B0] =	sst s26  }
0x67: {  	s11 =	ssub.s32 $0x170270, s5;
	[smem:$0x7B4] =	sst s10  }
0x68: {  	s14 =	ssub.s32 $0x170620, s5;
	[smem:$0x7B5] =	sst s11  }
0x69: {  	s15 =	ssub.s32 $0x170630, s5;
	[smem:$0x7B8] =	sst s14  }
0x6a: {  	s17 =	sadd.s32 $0xFFFFED08, s4;
	s16 =	ssub.s32 $0x1D0710, s5;
	[smem:$0x7B9] =	sst s15  }
0x6b: {  	p3 =	sgt.u32 s17, $0x10F;
	s17 =	ssub.s32 $0x1D0720, s5;
	[dreg:$0x1d] =	wrdreg s16  }
0x6c: {  	s21 =	sadd.s32 $0xFFFFE508, s4;
	s18 =	ssub.s32 $0x1D0730, s5;
	[dreg:$0x1e] =	wrdreg s17  }
0x6d: {  	p5 =	sgt.u32 s21, $0x10F;
	s21 =	ssub.s32 $0x1D0750, s5;
	[dreg:$0x1f] =	wrdreg s18  }
0x6e: {  	s22 =	ssub.s32 $0x1D0760, s5;
	[smem:$0x7AB] =	sst s21  }
0x6f: {  	s24 =	sadd.s32 $0xFFFFE408, s4;
	s23 =	ssub.s32 $0x1D0770, s5;
	[smem:$0x7AC] =	sst s22  }
0x70: {  	p6 =	sgt.u32 s24, $0x10F;
	s24 =	ssub.s32 $0x170200, s5;
	[smem:$0x7AD] =	sst s23  }
0x71: {  	s25 =	ssub.s32 $0x170210, s5;
	[smem:$0x7AE] =	sst s24  }
0x72: {  	s20 =	sadd.s32 $0x800, s7;
	s7 =	ssub.s32 $0x170230, s5;
	[smem:$0x7AF] =	sst s25  }
0x73: {  	s26 =	ssub.s32 $0x1401D0, s5;
	[smem:$0x7B1] =	sst s7  }
0x74: {  	s10 =	ssub.s32 $0x140580, s5;
	[smem:$0x7C3] =	sst s26  }
0x75: {  	s11 =	ssub.s32 $0x140590, s5;
	[smem:$0x7C6] =	sst s10  }
0x76: {  	s14 =	ssub.s32 $0x1405C0, s5;
	[smem:$0x7C7] =	sst s11  }
0x77: {  	s15 =	ssub.s32 $0x1405D0, s5;
	[smem:$0x7CA] =	sst s14  }
0x78: {  	s16 =	ssub.s32 $0x170640, s5;
	[smem:$0x7CB] =	sst s15  }
0x79: {  	s17 =	ssub.s32 $0x170650, s5;
	[smem:$0x7BA] =	sst s16  }
0x7a: {  	s18 =	ssub.s32 $0x170660, s5;
	[smem:$0x7BB] =	sst s17  }
0x7b: {  	s21 =	ssub.s32 $0x140180, s5;
	[smem:$0x7BC] =	sst s18  }
0x7c: {  	s22 =	ssub.s32 $0x140190, s5;
	[smem:$0x7BE] =	sst s21  }
0x7d: {  	s9 =	sadd.s32 $0xB0, s4;
	s23 =	ssub.s32 $0x1401A0, s5;
	[smem:$0x7BF] =	sst s22  }
0x7e: {  	v19 =	vadd.s32 s9, v14;
	v9 =	vsel vm0, $0xFFFFFFFF, v15;
	s24 =	ssub.s32 $0x1401B0, s5;
	[smem:$0x7C0] =	sst s23  }
0x7f: {  	v8 =	vadd.s32 v9, v8;
	vm0 =	vgt.u32 v10, $0x800;
	vm1 =	vgt.u32 v10, $0xA01;
	s25 =	ssub.s32 $0x1401C0, s5;
	[smem:$0x7C1] =	sst s24  }
0x80: {  	v9 =	vsel vm0, $0xFFFFFFFF, v15;
	v11 =	vsel vm1, $0xFFFFFFFF, v15;
	vm0 =	vgt.u32 v10, $0xE02;
	s7 =	ssub.s32 $0x1401E0, s5;
	[smem:$0x7C2] =	sst s25  }
0x81: {  	v12 =	vsel vm0, $0xFFFFFFFF, v15;
	vm0 =	vgt.u32 v10, $0x1403;
	v11 =	vadd.s32 v11, v10;
	s26 =	ssub.s32 $0xE0170, s5;
	[smem:$0x7C4] =	sst s7  }
0x82: {  	v13 =	vsel vm0, $0xFFFFFFFF, v15;
	vm0 =	vgt.u32 v10, $0x1704;
	v9 =	vadd.s32 v9, v11;
	s10 =	ssub.s32 $0xE0540, s5;
	[smem:$0x7D5] =	sst s26  }
0x83: {  	s11 =	ssub.s32 $0xE0550, s5;
	v11 =	vsel vm0, $0xFFFFFFFF, v15;
	vm0 =	vgt.u32 v10, $0x1C05;
	v9 =	vadd.s32 v12, v9;
	[smem:$0x7DA] =	sst s10  }
0x84: {  	s8 =	sadd.s32 $0xA0, s4;
	vm2 =	vgt.u32 v19, $0xA01;
	s14 =	ssub.s32 $0xA0080, s5;
	[smem:$0x7DB] =	sst s11;
	v12 =	vsel vm0, $0xFFFFFFFF, v15;
	v9 =	vadd.s32 v13, v9  }
0x85: {  	s9 =	simm.s32 @!p3 $0x0;
	s15 =	ssub.s32 $0xA0090, s5;
	[smem:$0x7DE] =	sst s14;
	vm0 =	vgt.u32 v10, $0x1D06;
	v9 =	vadd.s32 v11, v9;
	v11 =	vadd.s32 s8, v14  }
0x86: {  	s19 =	sadd.s32 $0xFFFFEA08, s4;
	s9 =	simm.s32 @p3 $0x1;
	[smem:$0x7DF] =	sst s15;
	v10 =	vsel vm0, $0xFFFFFFFF, v15;
	v9 =	vadd.s32 v12, v9;
	vm0 =	vgt.u32 v11, $0x800  }
0x87: {  	p3 =	sgt.u32 s19, $0x10F;
	s19 =	ssub.s32 $0x1D0740, s5;
	[smem:$0x7A8] =	sst s9;
	vm1 =	vgt.u32 v11, $0xA01;
	v12 =	vsel vm0, $0xFFFFFFFF, v15;
	vm0 =	vgt.u32 v11, $0xE02  }
0x88: {  	s16 =	ssub.s32 $0x1405E0, s5;
	[smem:$0x7AA] =	sst s19;
	v13 =	vsel vm1, $0xFFFFFFFF, v15;
	v9 =	vadd.s32 v10, v9;
	v16 =	vsel vm0, $0xFFFFFFFF, v15  }
0x89: {  	s17 =	ssub.s32 $0x1405F0, s5;
	[smem:$0x7CC] =	sst s16;
	vm0 =	vgt.u32 v11, $0x1403;
	v13 =	vadd.s32 v13, v11;
	vm1 =	vlt.s32 v9, $0x1FFF  }
0x8a: {  	s12 =	sadd.s32 $0xE0, s4;
	s18 =	ssub.s32 $0xE0100, s5;
	[smem:$0x7CD] =	sst s17;
	v17 =	vsel vm0, $0xFFFFFFFF, v15;
	vm0 =	vgt.u32 v11, $0x1704;
	v12 =	vadd.s32 v12, v13  }
0x8b: {  	s21 =	ssub.s32 $0xE0120, s5;
	[smem:$0x7CE] =	sst s18;
	v13 =	vadd.s32 s12, v14;
	v9 =	vnsel vm1, $0x1FFF, v9;
	vm1 =	vgt.u32 v19, $0x800  }
0x8c: {  	s22 =	ssub.s32 $0xE0130, s5;
	[smem:$0x7D0] =	sst s21;
	v21 =	vsel vm0, $0xFFFFFFFF, v15;
	v12 =	vadd.s32 v16, v12;
	vm0 =	vgt.u32 v11, $0x1C05  }
0x8d: {  	s13 =	sadd.s32 $0xF0, s4;
	s23 =	ssub.s32 $0xE0140, s5;
	[smem:$0x7D1] =	sst s22;
	v12 =	vadd.s32 v17, v12;
	v16 =	vsel vm0, $0xFFFFFFFF, v15;
	vm0 =	vgt.u32 v11, $0x1D06  }
0x8e: {  	s24 =	ssub.s32 $0xE0150, s5;
	[smem:$0x7D2] =	sst s23;
	v17 =	vadd.s32 s13, v14;
	v11 =	vadd.s32 v21, v12;
	v10 =	vsel vm0, $0xFFFFFFFF, v15  }
0x8f: {  	s4 =	sadd.s32 $0x100, s4;
	s25 =	ssub.s32 $0xE0160, s5;
	[smem:$0x7D3] =	sst s24;
	vm0 =	vlt.s32 v8, $0x1FFF;
	v12 =	vsel vm2, $0xFFFFFFFF, v15;
	vm2 =	vgt.u32 v20, $0x800  }
0x90: {  	s7 =	ssub.s32 $0xE0520, s5;
	[smem:$0x7D4] =	sst s25;
	v11 =	vadd.s32 v16, v11;
	v8 =	vnsel vm0, $0x1FFF, v8;
	v16 =	vadd.s32 s4, v14  }
0x91: {  	s26 =	ssub.s32 $0xA04B0, s5;
	[smem:$0x7D8] =	sst s7;
	v10 =	vadd.s32 v10, v11;
	v11 =	vsel vm1, $0xFFFFFFFF, v15;
	vm1 =	vgt.u32 v19, $0xE02  }
0x92: {  	s10 =	ssub.s32 $0x80000, s5;
	[smem:$0x7E9] =	sst s26;
	v12 =	vadd.s32 v12, v19;
	v21 =	vsel vm1, $0xFFFFFFFF, v15;
	vm1 =	vgt.u32 v19, $0x1403  }
0x93: {  	s11 =	ssub.s32 $0x80010, s5;
	[smem:$0x7EE] =	sst s10;
	v11 =	vadd.s32 v11, v12;
	v22 =	vsel vm1, $0xFFFFFFFF, v15;
	vm1 =	vgt.u32 v19, $0x1704  }
0x94: {  	s14 =	ssub.s32 $0x80040, s5;
	[smem:$0x7EF] =	sst s11;
	v11 =	vadd.s32 v21, v11;
	v12 =	vsel vm1, $0xFFFFFFFF, v15;
	vm1 =	vgt.u32 v19, $0x1C05  }
0x95: {  	s15 =	ssub.s32 $0x80050, s5;
	[smem:$0x7F2] =	sst s14;
	v11 =	vadd.s32 v22, v11;
	v21 =	vsel vm1, $0xFFFFFFFF, v15;
	vm1 =	vgt.u32 v19, $0x1D06  }
0x96: {  	s19 =	ssub.s32 $0x170670, s5;
	[smem:$0x7F3] =	sst s15;
	v11 =	vadd.s32 v12, v11;
	v19 =	vsel vm1, $0xFFFFFFFF, v15;
	vm1 =	vgt.u32 v20, $0xA01  }
0x97: {  	s16 =	ssub.s32 $0xA00A0, s5;
	[smem:$0x7BD] =	sst s19;
	vm0 =	vlt.s32 v10, $0x1FFF;
	v11 =	vadd.s32 v21, v11;
	v12 =	vsel vm1, $0xFFFFFFFF, v15  }
0x98: {  	s17 =	ssub.s32 $0xA00B0, s5;
	[smem:$0x7E0] =	sst s16;
	v21 =	vsel vm2, $0xFFFFFFFF, v15;
	vm1 =	vgt.u32 v20, $0xE02;
	v12 =	vadd.s32 v12, v20  }
0x99: {  	s18 =	ssub.s32 $0xA00C0, s5;
	[smem:$0x7E1] =	sst s17;
	v22 =	vsel vm1, $0xFFFFFFFF, v15;
	vm1 =	vgt.u32 v20, $0x1403;
	v12 =	vadd.s32 v21, v12  }
0x9a: {  	s21 =	ssub.s32 $0xA00E0, s5;
	[smem:$0x7E2] =	sst s18;
	v21 =	vsel vm1, $0xFFFFFFFF, v15;
	vm1 =	vgt.u32 v20, $0x1704;
	v12 =	vadd.s32 v22, v12  }
0x9b: {  	s22 =	ssub.s32 $0xA00F0, s5;
	[smem:$0x7E4] =	sst s21;
	v22 =	vsel vm1, $0xFFFFFFFF, v15;
	vm1 =	vgt.u32 v20, $0x1C05;
	v12 =	vadd.s32 v21, v12  }
0x9c: {  	s23 =	ssub.s32 $0xA0480, s5;
	[smem:$0x7E5] =	sst s22;
	v21 =	vsel vm1, $0xFFFFFFFF, v15;
	vm1 =	vgt.u32 v20, $0x1D06;
	v12 =	vadd.s32 v22, v12  }
0x9d: {  	s24 =	ssub.s32 $0xA0490, s5;
	[smem:$0x7E6] =	sst s23;
	v11 =	vadd.s32 v19, v11;
	v19 =	vsel vm1, $0xFFFFFFFF, v15;
	v12 =	vadd.s32 v21, v12  }
0x9e: {  	s25 =	ssub.s32 $0xA04A0, s5;
	[smem:$0x7E7] =	sst s24;
	v10 =	vnsel vm0, $0x1FFF, v10;
	vm0 =	vlt.s32 v11, $0x1FFF;
	v12 =	vadd.s32 v19, v12  }
0x9f: {  	s7 =	ssub.s32 $0xA04E0, s5;
	[smem:$0x7E8] =	sst s25;
	vm2 =	vgt.u32 v17, $0x800;
	v11 =	vnsel vm0, $0x1FFF, v11;
	vm0 =	vlt.s32 v12, $0x1FFF  }
0xa0: {  	s9 =	simm.s32 @!p3 $0x0;
	s26 =	ssub.s32 $0x80470, s5;
	[smem:$0x7EC] =	sst s7;
	vm1 =	vgt.u32 v18, $0xA01;
	v12 =	vnsel vm0, $0x1FFF, v12;
	vm0 =	vgt.u32 v18, $0x800  }
0xa1: {  	s9 =	simm.s32 @p3 $0x1;
	[smem:$0x7FD] =	sst s26;
	v19 =	vsel vm1, $0xFFFFFFFF, v15;
	v20 =	vsel vm0, $0xFFFFFFFF, v15;
	vm0 =	vgt.u32 v18, $0xE02  }
0xa2: {  	s8 =	ssub.s32 $0x1D0310, s5;
	[smem:$0x7A9] =	sst s9;
	v19 =	vadd.s32 v19, v18;
	v21 =	vsel vm0, $0xFFFFFFFF, v15;
	vm0 =	vgt.u32 v18, $0x1403  }
0xa3: {  	s28 =	simm.s32 $0x9000;
	s19 =	ssub.s32 $0xE0110, s5;
	[dreg:$0x15] =	wrdreg s8;
	v19 =	vadd.s32 v20, v19;
	v20 =	vsel vm0, $0xFFFFFFFF, v15;
	vm0 =	vgt.u32 v18, $0x1704  }
0xa4: {  	s29 =	simm.s32 $0xA000;
	s16 =	ssub.s32 $0x80060, s5;
	[smem:$0x7CF] =	sst s19;
	v19 =	vadd.s32 v21, v19;
	v21 =	vsel vm0, $0xFFFFFFFF, v15;
	vm0 =	vgt.u32 v18, $0x1C05  }
0xa5: {  	s30 =	simm.s32 $0xB000;
	s17 =	ssub.s32 $0x80070, s5;
	[smem:$0x7F4] =	sst s16;
	v19 =	vadd.s32 v20, v19;
	v20 =	vsel vm0, $0xFFFFFFFF, v15;
	vm0 =	vgt.u32 v18, $0x1D06  }
0xa6: {  	s31 =	simm.s32 $0xC000;
	s18 =	ssub.s32 $0x80400, s5;
	[smem:$0x7F5] =	sst s17;
	vm1 =	vgt.u32 v13, $0x800;
	v18 =	vadd.s32 v21, v19;
	v19 =	vsel vm0, $0xFFFFFFFF, v15  }
0xa7: {  	s2 =	ssub.s32 $0x2, s2;
	s21 =	ssub.s32 $0x80420, s5;
	[smem:$0x7F6] =	sst s18;
	v18 =	vadd.s32 v20, v18;
	vm0 =	vgt.u32 v13, $0xA01;
	v20 =	vsel vm1, $0xFFFFFFFF, v15  }
0xa8: {  	p4 =	sne.s32 s0, $0x3DF;
	s22 =	ssub.s32 $0x80430, s5;
	[smem:$0x7F8] =	sst s21;
	v18 =	vadd.s32 v19, v18;
	v19 =	vsel vm0, $0xFFFFFFFF, v15;
	vm0 =	vgt.u32 v13, $0xE02  }
0xa9: {  	s0 =	sshll.u32 s0, $0x8;
	s23 =	ssub.s32 $0x80440, s5;
	[smem:$0x7F9] =	sst s22;
	v19 =	vadd.s32 v19, v13;
	v21 =	vsel vm0, $0xFFFFFFFF, v15;
	vm0 =	vgt.u32 v13, $0x1403  }
0xaa: {  	s10 =	simm.s32 $0xB800;
	s24 =	ssub.s32 $0x80450, s5;
	[smem:$0x7FA] =	sst s23;
	v19 =	vadd.s32 v20, v19;
	v20 =	vsel vm0, $0xFFFFFFFF, v15;
	vm0 =	vgt.u32 v13, $0x1704  }
0xab: {  	s11 =	simm.s32 $0xC800;
	s25 =	ssub.s32 $0x80460, s5;
	[smem:$0x7FB] =	sst s24;
	v19 =	vadd.s32 v21, v19;
	v21 =	vsel vm0, $0xFFFFFFFF, v15;
	vm0 =	vgt.u32 v13, $0x1C05  }
0xac: {  	s14 =	simm.s32 $0xF800;
	s9 =	ssub.s32 $0x1D0320, s5;
	[smem:$0x7FC] =	sst s25;
	v19 =	vadd.s32 v20, v19;
	v20 =	vsel vm0, $0xFFFFFFFF, v15;
	vm0 =	vgt.u32 v13, $0x1D06  }
0xad: {  	s15 =	simm.s32 $0x10800;
	s8 =	ssub.s32 $0x170240, s5;
	[dreg:$0x16] =	wrdreg s9;
	vm1 =	vlt.s32 v18, $0x1FFF;
	v13 =	vadd.s32 v21, v19;
	v19 =	vsel vm0, $0xFFFFFFFF, v15  }
0xae: {  	s26 =	simm.s32 $0x8800;
	s19 =	ssub.s32 $0xA00D0, s5;
	[smem:$0x7B2] =	sst s8;
	v20 =	vadd.s32 v20, v13;
	v13 =	vnsel vm1, $0x1FFF, v18;
	vm1 =	vgt.u32 v17, $0xA01  }
0xaf: {  	s7 =	simm.s32 $0x9800;
	s9 =	ssub.s32 $0x170250, s5;
	[smem:$0x7E3] =	sst s19;
	v18 =	vadd.s32 v19, v20;
	v19 =	vsel vm1, $0xFFFFFFFF, v15;
	v20 =	vsel vm2, $0xFFFFFFFF, v15  }
0xb0: {  	s21 =	simm.s32 $0x6000;
	s19 =	ssub.s32 $0x80410, s5;
	[smem:$0x7B3] =	sst s9;
	vm1 =	vgt.u32 v17, $0xE02;
	vm2 =	vgt.u32 v16, $0x800;
	v19 =	vadd.s32 v19, v17  }
0xb1: {  	s8 =	sshrl.u32 s2, $0x1;
	s9 =	ssub.s32 $0x1401F0, s5;
	[smem:$0x7F7] =	sst s19;
	v21 =	vsel vm1, $0xFFFFFFFF, v15;
	vm1 =	vgt.u32 v17, $0x1403;
	v19 =	vadd.s32 v20, v19  }
0xb2: {  	s2 =	ssub.s32 s2, s8;
	s8 =	ssub.s32 $0xE0530, s5;
	[smem:$0x7C5] =	sst s9;
	v20 =	vsel vm1, $0xFFFFFFFF, v15;
	vm1 =	vgt.u32 v17, $0x1704;
	v19 =	vadd.s32 v21, v19  }
0xb3: {  	s22 =	simm.s32 $0x6800;
	s12 =	ssub.s32 $0x1D0350, s5;
	[smem:$0x7D9] =	sst s8;
	v21 =	vsel vm1, $0xFFFFFFFF, v15;
	vm1 =	vgt.u32 v17, $0x1C05;
	v19 =	vadd.s32 v20, v19  }
0xb4: {  	s9 =	sadd.s32 s6, s0;
	s6 =	ssub.s32 $0xE0510, s5;
	[dreg:$0x19] =	wrdreg s12;
	v20 =	vsel vm1, $0xFFFFFFFF, v15;
	vm1 =	vgt.u32 v17, $0x1D06;
	v17 =	vadd.s32 v21, v19  }
0xb5: {  	s23 =	simm.s32 $0x7000;
	s8 =	ssub.s32 $0xA04F0, s5;
	[smem:$0x7D7] =	sst s6;
	v19 =	vsel vm1, $0xFFFFFFFF, v15;
	vm1 =	vgt.u32 v16, $0xA01;
	v17 =	vadd.s32 v20, v17  }
0xb6: {  	s24 =	simm.s32 $0x7800;
	s12 =	ssub.s32 $0x170600, s5;
	[smem:$0x7ED] =	sst s8;
	vm0 =	vlt.s32 v18, $0x1FFF;
	v19 =	vadd.s32 v19, v17;
	v17 =	vsel vm1, $0xFFFFFFFF, v15  }
0xb7: {  	s25 =	simm.s32 $0x8000;
	s6 =	ssub.s32 $0xA04D0, s5;
	[smem:$0x7B6] =	sst s12;
	v20 =	vsel vm2, $0xFFFFFFFF, v15;
	vm1 =	vgt.u32 v16, $0xE02;
	v17 =	vadd.s32 v17, v16  }
0xb8: {  	s16 =	simm.s32 $0x1;
	s13 =	ssub.s32 $0x1D0360, s5;
	[smem:$0x7EB] =	sst s6;
	v21 =	vsel vm1, $0xFFFFFFFF, v15;
	vm1 =	vgt.u32 v16, $0x1403;
	v17 =	vadd.s32 v20, v17  }
0xb9: {  	s17 =	simm.s32 $0x2;
	s12 =	ssub.s32 $0x1405A0, s5;
	[dreg:$0x1a] =	wrdreg s13;
	v20 =	vsel vm1, $0xFFFFFFFF, v15;
	vm1 =	vgt.u32 v16, $0x1704;
	v17 =	vadd.s32 v21, v17  }
0xba: {  	s18 =	simm.s32 $0x3;
	s13 =	ssub.s32 $0x170610, s5;
	[smem:$0x7C8] =	sst s12;
	v21 =	vsel vm1, $0xFFFFFFFF, v15;
	vm1 =	vgt.u32 v16, $0x1C05;
	v17 =	vadd.s32 v20, v17  }
0xbb: {  	s0 =	simm.s32 $0xE000;
	s12 =	ssub.s32 $0xE0560, s5;
	[smem:$0x7B7] =	sst s13;
	v20 =	vsel vm1, $0xFFFFFFFF, v15;
	vm1 =	vgt.u32 v16, $0x1D06;
	v16 =	vadd.s32 v21, v17  }
0xbc: {  	s8 =	simm.s32 $0xA800;
	s13 =	ssub.s32 $0x1405B0, s5;
	[smem:$0x7DC] =	sst s12;
	v15 =	vsel vm1, $0xFFFFFFFF, v15;
	v17 =	vshll.u32 v0, $0x1;
	v16 =	vadd.s32 v20, v16  }
0xbd: {  	s6 =	smax.u32 s2, $0x1;
	s4 =	ssub.s32 $0xE0500, s5;
	[smem:$0x7C9] =	sst s13;
	v20 =	vadd.s32 v15, v16;
	v15 =	vand.u32 $0x7, v0;
	v16 =	vand.u32 $0xFFFFFFF0, v17  }
.Ltmp0:
0xbe: {  	s12 =	ssub.s32 $0x80020, s5;
	[smem:$0x7D6] =	sst s4;
	vm1 =	vlt.s32 v19, $0x1FFF;
	vm2 =	vlt.s32 v20, $0x1FFF;
	v17 =	vor.u32 v15, v16;
	(pc) =	sbr.rel .LBB2_1-.Ltmp0, $4  }
0xbf: {  	s2 =	simm.s32 $0xD000;
	s13 =	ssub.s32 $0xE0570, s5;
	[smem:$0x7F0] =	sst s12;
	v15 =	vand.u32 $0x7, v14;
	v16 =	vshrl.u32 v14, $0x3;
	v14 =	vor.u32 $0x8, v14  }
0xc0: {  	s4 =	ssub.s32 $0xA04C0, s5;
	s12 =	simm.s32 $0xD800;
	[smem:$0x7DD] =	sst s13;
	v21 =	vperm.xlane v17, v15;
	v16 =	vmul.u32 $0x8, v16;
	v22 =	vperm.xlane v17, v14  }
0xc1: {  	[smem:$0x7EA] =	sst s4;
	s13 =	ssub.s32 $0x80030, s5;
	s4 =	simm.s32 $0xF000;
	v17 =	vnsel vm0, $0x1FFF, v18;
	v18 =	vnsel vm1, $0x1FFF, v19;
	v19 =	vnsel vm2, $0x1FFF, v20  }
0xc2: {  	s5 =	simm.s32 $0x10000;
	[smem:$0x7F1] =	sst s13;
	s13 =	simm.s32 $0xE800;
	vm0 =	vmmov $0xffff;
	v20 =	vadd.s32 v16, v21;
	v21 =	vadd.s32 v16, v22  }
.LBB2_2:
0xc3: {  	v22 =	vld [tilespmem:$0x11180];
	_ =	sdelay $0x1  }
0xc4: {  	s19 =	sld [smem:$0x7EE];
	_ =	sdelay $0x2  }
0xc5: {  	[tilespmem:s19+$0x0] =	vst v22  }
0xc6: {  	v22 =	vld [tilespmem:$0x11190];
	_ =	sdelay $0x1  }
0xc7: {  	s19 =	sld [smem:$0x7EF];
	_ =	sdelay $0x2  }
0xc8: {  	[tilespmem:s19+$0x0] =	vst v22  }
0xc9: {  	v22 =	vld [tilespmem:$0x111A0];
	_ =	sdelay $0x1  }
0xca: {  	s19 =	sld [smem:$0x7F0];
	_ =	sdelay $0x2  }
0xcb: {  	[tilespmem:s19+$0x0] =	vst v22  }
0xcc: {  	v22 =	vld [tilespmem:$0x111B0];
	_ =	sdelay $0x1  }
0xcd: {  	s19 =	sld [smem:$0x7F1];
	_ =	sdelay $0x2  }
0xce: {  	[tilespmem:s19+$0x0] =	vst v22  }
0xcf: {  	v22 =	vld [tilespmem:$0x111C0];
	_ =	sdelay $0x1  }
0xd0: {  	s19 =	sld [smem:$0x7F2];
	_ =	sdelay $0x2  }
0xd1: {  	[tilespmem:s19+$0x0] =	vst v22  }
0xd2: {  	v22 =	vld [tilespmem:$0x111D0];
	_ =	sdelay $0x1  }
0xd3: {  	s19 =	sld [smem:$0x7F3];
	_ =	sdelay $0x2  }
0xd4: {  	[tilespmem:s19+$0x0] =	vst v22  }
0xd5: {  	v22 =	vld [tilespmem:$0x111E0];
	_ =	sdelay $0x1  }
0xd6: {  	s19 =	sld [smem:$0x7F4];
	_ =	sdelay $0x2  }
0xd7: {  	[tilespmem:s19+$0x0] =	vst v22  }
0xd8: {  	v22 =	vld [tilespmem:$0x111F0];
	_ =	sdelay $0x1  }
0xd9: {  	s19 =	sld [smem:$0x7F5];
	_ =	sdelay $0x2  }
0xda: {  	[tilespmem:s19+$0x0] =	vst v22  }
0xdb: {  	v22 =	vld [tilespmem:$0x11580];
	_ =	sdelay $0x1  }
0xdc: {  	s19 =	sld [smem:$0x7F6];
	_ =	sdelay $0x2  }
0xdd: {  	[tilespmem:s19+$0x0] =	vst v22  }
0xde: {  	v22 =	vld [tilespmem:$0x11590];
	_ =	sdelay $0x1  }
0xdf: {  	s19 =	sld [smem:$0x7F7];
	_ =	sdelay $0x2  }
0xe0: {  	[tilespmem:s19+$0x0] =	vst v22  }
0xe1: {  	v22 =	vld [tilespmem:$0x115A0];
	_ =	sdelay $0x1  }
0xe2: {  	s19 =	sld [smem:$0x7F8];
	_ =	sdelay $0x2  }
0xe3: {  	[tilespmem:s19+$0x0] =	vst v22  }
0xe4: {  	v22 =	vld [tilespmem:$0x115B0];
	_ =	sdelay $0x1  }
0xe5: {  	s19 =	sld [smem:$0x7F9];
	_ =	sdelay $0x2  }
0xe6: {  	[tilespmem:s19+$0x0] =	vst v22  }
0xe7: {  	v22 =	vld [tilespmem:$0x115C0];
	_ =	sdelay $0x1  }
0xe8: {  	s19 =	sld [smem:$0x7FA];
	_ =	sdelay $0x2  }
0xe9: {  	[tilespmem:s19+$0x0] =	vst v22  }
0xea: {  	v22 =	vld [tilespmem:$0x115D0];
	_ =	sdelay $0x1  }
0xeb: {  	s19 =	sld [smem:$0x7FB];
	_ =	sdelay $0x2  }
0xec: {  	[tilespmem:s19+$0x0] =	vst v22  }
0xed: {  	v22 =	vld [tilespmem:$0x115E0];
	_ =	sdelay $0x1  }
0xee: {  	s19 =	sld [smem:$0x7FC];
	_ =	sdelay $0x2  }
0xef: {  	[tilespmem:s19+$0x0] =	vst v22  }
0xf0: {  	v22 =	vld [tilespmem:$0x115F0];
	_ =	sdelay $0x1  }
0xf1: {  	s19 =	sld [smem:$0x7FD];
	_ =	sdelay $0x2  }
0xf2: {  	[tilespmem:s19+$0x0] =	vst v22  }
.LBB2_12:
0xf3: {  	v22 =	vld @!p4 [tilespmem:$0x11500]  }
0xf4: {  	v23 =	vld @!p4 [tilespmem:$0x11510]  }
0xf5: {  	v24 =	vld @!p4 [tilespmem:$0x11520]  }
0xf6: {  	v25 =	vld @!p4 [tilespmem:$0x11530]  }
0xf7: {  	v26 =	vld @!p4 [tilespmem:$0x11540]  }
0xf8: {  	[tilespmem:$0x10B80] =	vst @!p4 v22;
	v22 =	vld @!p4 [tilespmem:$0x11550]  }
0xf9: {  	[tilespmem:$0x10B90] =	vst @!p4 v23;
	v23 =	vld @!p4 [tilespmem:$0x11560]  }
0xfa: {  	[tilespmem:$0x10BA0] =	vst @!p4 v24;
	v24 =	vld @!p4 [tilespmem:$0x11570]  }
0xfb: {  	[tilespmem:$0x10BB0] =	vst @!p4 v25;
	v25 =	vld @!p4 [tilespmem:$0x11900]  }
0xfc: {  	[tilespmem:$0x10BC0] =	vst @!p4 v26;
	v26 =	vld @!p4 [tilespmem:$0x11910]  }
0xfd: {  	[tilespmem:$0x10BD0] =	vst @!p4 v22;
	v22 =	vld @!p4 [tilespmem:$0x11920]  }
0xfe: {  	[tilespmem:$0x10BE0] =	vst @!p4 v23;
	v23 =	vld @!p4 [tilespmem:$0x11930]  }
0xff: {  	[tilespmem:$0x10BF0] =	vst @!p4 v24;
	v24 =	vld @!p4 [tilespmem:$0x11940]  }
0x100: {  	[tilespmem:$0x10F80] =	vst @!p4 v25;
	v25 =	vld @!p4 [tilespmem:$0x11950]  }
0x101: {  	[tilespmem:$0x10F90] =	vst @!p4 v26;
	v26 =	vld @!p4 [tilespmem:$0x11960]  }
0x102: {  	[tilespmem:$0x10FA0] =	vst @!p4 v22;
	v22 =	vld @!p4 [tilespmem:$0x11970]  }
0x103: {  	[tilespmem:$0x10FB0] =	vst @!p4 v23  }
0x104: {  	[tilespmem:$0x10FC0] =	vst @!p4 v24  }
0x105: {  	s6 =	sadd.s32 $0xFFFFFFFF, s6;
	[tilespmem:$0x10FD0] =	vst @!p4 v25  }
0x106: {  	p3 =	sne.s32 s6, $0x0;
	[tilespmem:$0x10FE0] =	vst @!p4 v26  }
.Ltmp1:
0x107: {  	[tilespmem:$0x10FF0] =	vst @!p4 v22;
	(pc) =	sbr.rel @!p3 .LBB2_13-.Ltmp1, $4  }
0x108: {  	[hbm4b:s9+s3] =	stream.linear.scatter [tilespmem:s3], [sflag:$0x3], $0x11000, $0x38;
	[tilespmem:$0x11980] =	vst v63  }
0x109: {  	_ =	swait.ge [sflag:s18], $0x11000  }
0x10a: {  	[sflag:s18] =	ssyncset.done $0x0  }
0x10b: {  	[sflag:s18] =	ssyncadd.s32 $0xFFFEF000  }
.LBB2_1:
0x10c: {  	s19 =	simm.s32 $0x11180  }
0x10d: {  	[tilespmem:s19], [sflag:$0x2] =	stream.linear.gather [hbm4b:s20+s3], $0x800, $0x38;
	[tilespmem:$0x11980] =	vst v63  }
0x10e: {  	[tilespmem:$0x11000] =	vst v0  }
0x10f: {  	[tilespmem:$0x11010] =	vst v1  }
0x110: {  	[tilespmem:$0x11020] =	vst v2  }
0x111: {  	[tilespmem:$0x11030] =	vst v3  }
0x112: {  	[tilespmem:$0x11040] =	vst v4  }
0x113: {  	[tilespmem:$0x11050] =	vst v5  }
0x114: {  	[tilespmem:$0x11060] =	vst v6  }
0x115: {  	[tilespmem:$0x11070] =	vst v7  }
0x116: {  	[tilespmem:$0x11080] =	vst v8  }
0x117: {  	[tilespmem:$0x11090] =	vst v9  }
0x118: {  	[tilespmem:$0x110A0] =	vst v10  }
0x119: {  	[tilespmem:$0x110B0] =	vst v11  }
0x11a: {  	[tilespmem:$0x110C0] =	vst v12  }
0x11b: {  	[tilespmem:$0x110D0] =	vst v13  }
0x11c: {  	[tilespmem:$0x110E0] =	vst v17  }
0x11d: {  	[tilespmem:$0x110F0] =	vst v18  }
0x11e: {  	[tilespmem:$0x11100] =	vst v19  }
0x11f: {  	[tilespmem:s3], [sflag:$0x1] =	stream.indirect_vreg.gather [hbm4b:s1+s3], $0x80, v20, vm0, $0xb8;
	[tilespmem:$0x11980] =	vst v63  }
0x120: {  	s19 =	simm.s32 $0x800  }
0x121: {  	[tilespmem:s19], [sflag:$0x1] =	stream.indirect_vreg.gather [hbm4b:s1+s3], $0x80, v21, vm0, $0xb8;
	[tilespmem:$0x11980] =	vst v63  }
0x122: {  	v22 =	vld [tilespmem:$0x11010];
	_ =	sdelay $0x4  }
0x123: {  	v23 =	vshll.u32 v22, $0x1  }
0x124: {  	v22 =	vand.u32 $0x7, v22;
	v23 =	vand.u32 $0xFFFFFFF0, v23  }
0x125: {  	v22 =	vor.u32 v22, v23  }
0x126: {  	v23 =	vperm.xlane v22, v15;
	_ =	sdelay $0x1  }
0x127: {  	v22 =	vperm.xlane v22, v14;
	v23 =	vadd.s32 v16, v23;
	_ =	sdelay $0x1  }
0x128: {  	v22 =	vadd.s32 v16, v22;
	_ =	sdelay $0x1  }
0x129: {  	s19 =	simm.s32 $0x1000  }
0x12a: {  	[tilespmem:s19], [sflag:$0x1] =	stream.indirect_vreg.gather [hbm4b:s1+s3], $0x80, v23, vm0, $0xb8;
	[tilespmem:$0x11980] =	vst v63  }
0x12b: {  	s19 =	simm.s32 $0x1800  }
0x12c: {  	[tilespmem:s19], [sflag:$0x1] =	stream.indirect_vreg.gather [hbm4b:s1+s3], $0x80, v22, vm0, $0xb8;
	[tilespmem:$0x11980] =	vst v63  }
0x12d: {  	v22 =	vld [tilespmem:$0x11020];
	_ =	sdelay $0x4  }
0x12e: {  	v23 =	vshll.u32 v22, $0x1  }
0x12f: {  	v22 =	vand.u32 $0x7, v22;
	v23 =	vand.u32 $0xFFFFFFF0, v23  }
0x130: {  	v22 =	vor.u32 v22, v23  }
0x131: {  	v23 =	vperm.xlane v22, v15;
	_ =	sdelay $0x1  }
0x132: {  	v22 =	vperm.xlane v22, v14;
	v23 =	vadd.s32 v16, v23;
	_ =	sdelay $0x1  }
0x133: {  	v22 =	vadd.s32 v16, v22;
	_ =	sdelay $0x1  }
0x134: {  	s19 =	simm.s32 $0x2000  }
0x135: {  	[tilespmem:s19], [sflag:$0x1] =	stream.indirect_vreg.gather [hbm4b:s1+s3], $0x80, v23, vm0, $0xb8;
	[tilespmem:$0x11980] =	vst v63  }
0x136: {  	s19 =	simm.s32 $0x2800  }
0x137: {  	[tilespmem:s19], [sflag:$0x1] =	stream.indirect_vreg.gather [hbm4b:s1+s3], $0x80, v22, vm0, $0xb8;
	[tilespmem:$0x11980] =	vst v63  }
0x138: {  	v22 =	vld [tilespmem:$0x11030];
	_ =	sdelay $0x4  }
0x139: {  	v23 =	vshll.u32 v22, $0x1  }
0x13a: {  	v22 =	vand.u32 $0x7, v22;
	v23 =	vand.u32 $0xFFFFFFF0, v23  }
0x13b: {  	v22 =	vor.u32 v22, v23  }
0x13c: {  	v23 =	vperm.xlane v22, v15;
	_ =	sdelay $0x1  }
0x13d: {  	v22 =	vperm.xlane v22, v14;
	v23 =	vadd.s32 v16, v23;
	_ =	sdelay $0x1  }
0x13e: {  	v22 =	vadd.s32 v16, v22;
	_ =	sdelay $0x1  }
0x13f: {  	s19 =	simm.s32 $0x3000  }
0x140: {  	[tilespmem:s19], [sflag:$0x1] =	stream.indirect_vreg.gather [hbm4b:s1+s3], $0x80, v23, vm0, $0xb8;
	[tilespmem:$0x11980] =	vst v63  }
0x141: {  	s19 =	simm.s32 $0x3800  }
0x142: {  	[tilespmem:s19], [sflag:$0x1] =	stream.indirect_vreg.gather [hbm4b:s1+s3], $0x80, v22, vm0, $0xb8;
	[tilespmem:$0x11980] =	vst v63  }
0x143: {  	v22 =	vld [tilespmem:$0x11040];
	_ =	sdelay $0x4  }
0x144: {  	v23 =	vshll.u32 v22, $0x1  }
0x145: {  	v22 =	vand.u32 $0x7, v22;
	v23 =	vand.u32 $0xFFFFFFF0, v23  }
0x146: {  	v22 =	vor.u32 v22, v23  }
0x147: {  	v23 =	vperm.xlane v22, v15;
	_ =	sdelay $0x1  }
0x148: {  	v22 =	vperm.xlane v22, v14;
	v23 =	vadd.s32 v16, v23;
	_ =	sdelay $0x1  }
0x149: {  	v22 =	vadd.s32 v16, v22;
	_ =	sdelay $0x1  }
0x14a: {  	s19 =	simm.s32 $0x4000  }
0x14b: {  	[tilespmem:s19], [sflag:$0x1] =	stream.indirect_vreg.gather [hbm4b:s1+s3], $0x80, v23, vm0, $0xb8;
	[tilespmem:$0x11980] =	vst v63  }
0x14c: {  	s19 =	simm.s32 $0x4800  }
0x14d: {  	[tilespmem:s19], [sflag:$0x1] =	stream.indirect_vreg.gather [hbm4b:s1+s3], $0x80, v22, vm0, $0xb8;
	[tilespmem:$0x11980] =	vst v63  }
0x14e: {  	v22 =	vld [tilespmem:$0x11050];
	_ =	sdelay $0x4  }
0x14f: {  	v23 =	vshll.u32 v22, $0x1  }
0x150: {  	v22 =	vand.u32 $0x7, v22;
	v23 =	vand.u32 $0xFFFFFFF0, v23  }
0x151: {  	v22 =	vor.u32 v22, v23  }
0x152: {  	v23 =	vperm.xlane v22, v15;
	_ =	sdelay $0x1  }
0x153: {  	v22 =	vperm.xlane v22, v14;
	v23 =	vadd.s32 v16, v23;
	_ =	sdelay $0x1  }
0x154: {  	v22 =	vadd.s32 v16, v22;
	_ =	sdelay $0x1  }
0x155: {  	s19 =	simm.s32 $0x5000  }
0x156: {  	[tilespmem:s19], [sflag:$0x1] =	stream.indirect_vreg.gather [hbm4b:s1+s3], $0x80, v23, vm0, $0xb8;
	[tilespmem:$0x11980] =	vst v63  }
0x157: {  	s19 =	simm.s32 $0x5800  }
0x158: {  	[tilespmem:s19], [sflag:$0x1] =	stream.indirect_vreg.gather [hbm4b:s1+s3], $0x80, v22, vm0, $0xb8;
	[tilespmem:$0x11980] =	vst v63  }
0x159: {  	v22 =	vld [tilespmem:$0x11060];
	_ =	sdelay $0x4  }
0x15a: {  	v23 =	vshll.u32 v22, $0x1  }
0x15b: {  	v22 =	vand.u32 $0x7, v22;
	v23 =	vand.u32 $0xFFFFFFF0, v23  }
0x15c: {  	v22 =	vor.u32 v22, v23  }
0x15d: {  	v23 =	vperm.xlane v22, v15;
	_ =	sdelay $0x1  }
0x15e: {  	v22 =	vperm.xlane v22, v14;
	v23 =	vadd.s32 v16, v23;
	_ =	sdelay $0x1  }
0x15f: {  	v22 =	vadd.s32 v16, v22;
	_ =	sdelay $0x2  }
0x160: {  	[tilespmem:s21], [sflag:$0x1] =	stream.indirect_vreg.gather [hbm4b:s1+s3], $0x80, v23, vm0, $0xb8;
	[tilespmem:$0x11980] =	vst v63  }
0x161: {  	_ = 	snop  }
0x162: {  	[tilespmem:s22], [sflag:$0x1] =	stream.indirect_vreg.gather [hbm4b:s1+s3], $0x80, v22, vm0, $0xb8;
	[tilespmem:$0x11980] =	vst v63  }
0x163: {  	v22 =	vld [tilespmem:$0x11070];
	_ =	sdelay $0x4  }
0x164: {  	v23 =	vshll.u32 v22, $0x1  }
0x165: {  	v22 =	vand.u32 $0x7, v22;
	v23 =	vand.u32 $0xFFFFFFF0, v23  }
0x166: {  	v22 =	vor.u32 v22, v23  }
0x167: {  	v23 =	vperm.xlane v22, v15;
	_ =	sdelay $0x1  }
0x168: {  	v22 =	vperm.xlane v22, v14;
	v23 =	vadd.s32 v16, v23;
	_ =	sdelay $0x1  }
0x169: {  	v22 =	vadd.s32 v16, v22;
	_ =	sdelay $0x2  }
0x16a: {  	[tilespmem:s23], [sflag:$0x1] =	stream.indirect_vreg.gather [hbm4b:s1+s3], $0x80, v23, vm0, $0xb8;
	[tilespmem:$0x11980] =	vst v63  }
0x16b: {  	_ = 	snop  }
0x16c: {  	[tilespmem:s24], [sflag:$0x1] =	stream.indirect_vreg.gather [hbm4b:s1+s3], $0x80, v22, vm0, $0xb8;
	[tilespmem:$0x11980] =	vst v63  }
0x16d: {  	v22 =	vld [tilespmem:$0x11080];
	_ =	sdelay $0x4  }
0x16e: {  	v23 =	vshll.u32 v22, $0x1  }
0x16f: {  	v22 =	vand.u32 $0x7, v22;
	v23 =	vand.u32 $0xFFFFFFF0, v23  }
0x170: {  	v22 =	vor.u32 v22, v23  }
0x171: {  	v23 =	vperm.xlane v22, v15;
	_ =	sdelay $0x1  }
0x172: {  	v22 =	vperm.xlane v22, v14;
	v23 =	vadd.s32 v16, v23;
	_ =	sdelay $0x1  }
0x173: {  	v22 =	vadd.s32 v16, v22;
	_ =	sdelay $0x2  }
0x174: {  	[tilespmem:s25], [sflag:$0x1] =	stream.indirect_vreg.gather [hbm4b:s1+s3], $0x80, v23, vm0, $0xb8;
	[tilespmem:$0x11980] =	vst v63  }
0x175: {  	_ = 	snop  }
0x176: {  	[tilespmem:s26], [sflag:$0x1] =	stream.indirect_vreg.gather [hbm4b:s1+s3], $0x80, v22, vm0, $0xb8;
	[tilespmem:$0x11980] =	vst v63  }
0x177: {  	v22 =	vld [tilespmem:$0x11090];
	_ =	sdelay $0x4  }
0x178: {  	v23 =	vshll.u32 v22, $0x1  }
0x179: {  	v22 =	vand.u32 $0x7, v22;
	v23 =	vand.u32 $0xFFFFFFF0, v23  }
0x17a: {  	v22 =	vor.u32 v22, v23  }
0x17b: {  	v23 =	vperm.xlane v22, v15;
	_ =	sdelay $0x1  }
0x17c: {  	v22 =	vperm.xlane v22, v14;
	v23 =	vadd.s32 v16, v23;
	_ =	sdelay $0x1  }
0x17d: {  	v22 =	vadd.s32 v16, v22;
	_ =	sdelay $0x2  }
0x17e: {  	[tilespmem:s28], [sflag:$0x1] =	stream.indirect_vreg.gather [hbm4b:s1+s3], $0x80, v23, vm0, $0xb8;
	[tilespmem:$0x11980] =	vst v63  }
0x17f: {  	_ = 	snop  }
0x180: {  	[tilespmem:s7], [sflag:$0x1] =	stream.indirect_vreg.gather [hbm4b:s1+s3], $0x80, v22, vm0, $0xb8;
	[tilespmem:$0x11980] =	vst v63  }
0x181: {  	v22 =	vld [tilespmem:$0x110A0];
	_ =	sdelay $0x4  }
0x182: {  	v23 =	vshll.u32 v22, $0x1  }
0x183: {  	v22 =	vand.u32 $0x7, v22;
	v23 =	vand.u32 $0xFFFFFFF0, v23  }
0x184: {  	v22 =	vor.u32 v22, v23  }
0x185: {  	v23 =	vperm.xlane v22, v15;
	_ =	sdelay $0x1  }
0x186: {  	v22 =	vperm.xlane v22, v14;
	v23 =	vadd.s32 v16, v23;
	_ =	sdelay $0x1  }
0x187: {  	v22 =	vadd.s32 v16, v22;
	_ =	sdelay $0x2  }
0x188: {  	[tilespmem:s29], [sflag:$0x1] =	stream.indirect_vreg.gather [hbm4b:s1+s3], $0x80, v23, vm0, $0xb8;
	[tilespmem:$0x11980] =	vst v63  }
0x189: {  	_ = 	snop  }
0x18a: {  	[tilespmem:s8], [sflag:$0x1] =	stream.indirect_vreg.gather [hbm4b:s1+s3], $0x80, v22, vm0, $0xb8;
	[tilespmem:$0x11980] =	vst v63  }
0x18b: {  	v22 =	vld [tilespmem:$0x110B0];
	_ =	sdelay $0x4  }
0x18c: {  	v23 =	vshll.u32 v22, $0x1  }
0x18d: {  	v22 =	vand.u32 $0x7, v22;
	v23 =	vand.u32 $0xFFFFFFF0, v23  }
0x18e: {  	v22 =	vor.u32 v22, v23  }
0x18f: {  	v23 =	vperm.xlane v22, v15;
	_ =	sdelay $0x1  }
0x190: {  	v22 =	vperm.xlane v22, v14;
	v23 =	vadd.s32 v16, v23;
	_ =	sdelay $0x1  }
0x191: {  	v22 =	vadd.s32 v16, v22;
	_ =	sdelay $0x2  }
0x192: {  	[tilespmem:s30], [sflag:$0x1] =	stream.indirect_vreg.gather [hbm4b:s1+s3], $0x80, v23, vm0, $0xb8;
	[tilespmem:$0x11980] =	vst v63  }
0x193: {  	_ = 	snop  }
0x194: {  	[tilespmem:s10], [sflag:$0x1] =	stream.indirect_vreg.gather [hbm4b:s1+s3], $0x80, v22, vm0, $0xb8;
	[tilespmem:$0x11980] =	vst v63  }
0x195: {  	v22 =	vld [tilespmem:$0x110C0];
	_ =	sdelay $0x4  }
0x196: {  	v23 =	vshll.u32 v22, $0x1  }
0x197: {  	v22 =	vand.u32 $0x7, v22;
	v23 =	vand.u32 $0xFFFFFFF0, v23  }
0x198: {  	v22 =	vor.u32 v22, v23  }
0x199: {  	v23 =	vperm.xlane v22, v15;
	_ =	sdelay $0x1  }
0x19a: {  	v22 =	vperm.xlane v22, v14;
	v23 =	vadd.s32 v16, v23;
	_ =	sdelay $0x1  }
0x19b: {  	v22 =	vadd.s32 v16, v22;
	_ =	sdelay $0x2  }
0x19c: {  	[tilespmem:s31], [sflag:$0x1] =	stream.indirect_vreg.gather [hbm4b:s1+s3], $0x80, v23, vm0, $0xb8;
	[tilespmem:$0x11980] =	vst v63  }
0x19d: {  	_ = 	snop  }
0x19e: {  	[tilespmem:s11], [sflag:$0x1] =	stream.indirect_vreg.gather [hbm4b:s1+s3], $0x80, v22, vm0, $0xb8;
	[tilespmem:$0x11980] =	vst v63  }
0x19f: {  	v22 =	vld [tilespmem:$0x110D0];
	_ =	sdelay $0x4  }
0x1a0: {  	v23 =	vshll.u32 v22, $0x1  }
0x1a1: {  	v22 =	vand.u32 $0x7, v22;
	v23 =	vand.u32 $0xFFFFFFF0, v23  }
0x1a2: {  	v22 =	vor.u32 v22, v23  }
0x1a3: {  	v23 =	vperm.xlane v22, v15;
	_ =	sdelay $0x1  }
0x1a4: {  	v22 =	vperm.xlane v22, v14;
	v23 =	vadd.s32 v16, v23;
	_ =	sdelay $0x1  }
0x1a5: {  	v22 =	vadd.s32 v16, v22;
	_ =	sdelay $0x2  }
0x1a6: {  	[tilespmem:s2], [sflag:$0x1] =	stream.indirect_vreg.gather [hbm4b:s1+s3], $0x80, v23, vm0, $0xb8;
	[tilespmem:$0x11980] =	vst v63  }
0x1a7: {  	_ = 	snop  }
0x1a8: {  	[tilespmem:s12], [sflag:$0x1] =	stream.indirect_vreg.gather [hbm4b:s1+s3], $0x80, v22, vm0, $0xb8;
	[tilespmem:$0x11980] =	vst v63  }
0x1a9: {  	v22 =	vld [tilespmem:$0x110E0];
	_ =	sdelay $0x4  }
0x1aa: {  	v23 =	vshll.u32 v22, $0x1  }
0x1ab: {  	v22 =	vand.u32 $0x7, v22;
	v23 =	vand.u32 $0xFFFFFFF0, v23  }
0x1ac: {  	v22 =	vor.u32 v22, v23  }
0x1ad: {  	v23 =	vperm.xlane v22, v15;
	_ =	sdelay $0x1  }
0x1ae: {  	v22 =	vperm.xlane v22, v14;
	v23 =	vadd.s32 v16, v23;
	_ =	sdelay $0x1  }
0x1af: {  	v22 =	vadd.s32 v16, v22;
	_ =	sdelay $0x2  }
0x1b0: {  	[tilespmem:s0], [sflag:$0x1] =	stream.indirect_vreg.gather [hbm4b:s1+s3], $0x80, v23, vm0, $0xb8;
	[tilespmem:$0x11980] =	vst v63  }
0x1b1: {  	_ = 	snop  }
0x1b2: {  	[tilespmem:s13], [sflag:$0x1] =	stream.indirect_vreg.gather [hbm4b:s1+s3], $0x80, v22, vm0, $0xb8;
	[tilespmem:$0x11980] =	vst v63  }
0x1b3: {  	v22 =	vld [tilespmem:$0x110F0];
	_ =	sdelay $0x4  }
0x1b4: {  	v23 =	vshll.u32 v22, $0x1  }
0x1b5: {  	v22 =	vand.u32 $0x7, v22;
	v23 =	vand.u32 $0xFFFFFFF0, v23  }
0x1b6: {  	v22 =	vor.u32 v22, v23  }
0x1b7: {  	v23 =	vperm.xlane v22, v15;
	_ =	sdelay $0x1  }
0x1b8: {  	v22 =	vperm.xlane v22, v14;
	v23 =	vadd.s32 v16, v23;
	_ =	sdelay $0x1  }
0x1b9: {  	v22 =	vadd.s32 v16, v22;
	_ =	sdelay $0x2  }
0x1ba: {  	[tilespmem:s4], [sflag:$0x1] =	stream.indirect_vreg.gather [hbm4b:s1+s3], $0x80, v23, vm0, $0xb8;
	[tilespmem:$0x11980] =	vst v63  }
0x1bb: {  	_ = 	snop  }
0x1bc: {  	[tilespmem:s14], [sflag:$0x1] =	stream.indirect_vreg.gather [hbm4b:s1+s3], $0x80, v22, vm0, $0xb8;
	[tilespmem:$0x11980] =	vst v63  }
0x1bd: {  	v22 =	vld [tilespmem:$0x11100];
	_ =	sdelay $0x4  }
0x1be: {  	v23 =	vshll.u32 v22, $0x1  }
0x1bf: {  	v22 =	vand.u32 $0x7, v22;
	v23 =	vand.u32 $0xFFFFFFF0, v23  }
0x1c0: {  	v22 =	vor.u32 v22, v23  }
0x1c1: {  	v23 =	vperm.xlane v22, v15;
	_ =	sdelay $0x1  }
0x1c2: {  	v22 =	vperm.xlane v22, v14;
	v23 =	vadd.s32 v16, v23;
	_ =	sdelay $0x1  }
0x1c3: {  	v22 =	vadd.s32 v16, v22;
	_ =	sdelay $0x2  }
0x1c4: {  	[tilespmem:s5], [sflag:$0x1] =	stream.indirect_vreg.gather [hbm4b:s1+s3], $0x80, v23, vm0, $0xb8;
	[tilespmem:$0x11980] =	vst v63  }
0x1c5: {  	_ = 	snop  }
0x1c6: {  	[tilespmem:s15], [sflag:$0x1] =	stream.indirect_vreg.gather [hbm4b:s1+s3], $0x80, v22, vm0, $0xb8;
	[tilespmem:$0x11980] =	vst v63  }
0x1c7: {  	_ =	swait.ge [sflag:s16], $0x11000  }
.Ltmp2:
0x1c8: {  	[sflag:s16] =	ssyncset.done $0x0;
	(pc) =	sbr.rel @!p0 .LBB2_2-.Ltmp2, $4  }
0x1c9: {  	[sflag:s16] =	ssyncadd.s32 $0xFFFEF000  }
0x1ca: {  	_ =	swait.ge [sflag:s17], $0x800  }
0x1cb: {  	[sflag:s17] =	ssyncset.done $0x0  }
0x1cc: {  	[sflag:s17] =	ssyncadd.s32 $0xFFFFF800  }
.Ltmp3:
0x1cd: {  	(pc) =	sbr.rel @p1 .LBB2_5-.Ltmp3, $1  }
0x1ce: {  	_ =	sdelay $0x3  }
0x1cf: {  	v22 =	vld [tilespmem:$0x11200];
	_ =	sdelay $0x1  }
0x1d0: {  	s19 =	sld [smem:$0x7DE];
	_ =	sdelay $0x2  }
0x1d1: {  	[tilespmem:s19+$0x0] =	vst v22  }
0x1d2: {  	v22 =	vld [tilespmem:$0x11210];
	_ =	sdelay $0x1  }
0x1d3: {  	s19 =	sld [smem:$0x7DF];
	_ =	sdelay $0x2  }
0x1d4: {  	[tilespmem:s19+$0x0] =	vst v22  }
0x1d5: {  	v22 =	vld [tilespmem:$0x11220];
	_ =	sdelay $0x1  }
0x1d6: {  	s19 =	sld [smem:$0x7E0];
	_ =	sdelay $0x2  }
0x1d7: {  	[tilespmem:s19+$0x0] =	vst v22  }
0x1d8: {  	v22 =	vld [tilespmem:$0x11230];
	_ =	sdelay $0x1  }
0x1d9: {  	s19 =	sld [smem:$0x7E1];
	_ =	sdelay $0x2  }
0x1da: {  	[tilespmem:s19+$0x0] =	vst v22  }
0x1db: {  	v22 =	vld [tilespmem:$0x11240];
	_ =	sdelay $0x1  }
0x1dc: {  	s19 =	sld [smem:$0x7E2];
	_ =	sdelay $0x2  }
0x1dd: {  	[tilespmem:s19+$0x0] =	vst v22  }
0x1de: {  	v22 =	vld [tilespmem:$0x11250];
	_ =	sdelay $0x1  }
0x1df: {  	s19 =	sld [smem:$0x7E3];
	_ =	sdelay $0x2  }
0x1e0: {  	[tilespmem:s19+$0x0] =	vst v22  }
0x1e1: {  	v22 =	vld [tilespmem:$0x11260];
	_ =	sdelay $0x1  }
0x1e2: {  	s19 =	sld [smem:$0x7E4];
	_ =	sdelay $0x2  }
0x1e3: {  	[tilespmem:s19+$0x0] =	vst v22  }
0x1e4: {  	v22 =	vld [tilespmem:$0x11270];
	_ =	sdelay $0x1  }
0x1e5: {  	s19 =	sld [smem:$0x7E5];
	_ =	sdelay $0x2  }
0x1e6: {  	[tilespmem:s19+$0x0] =	vst v22  }
0x1e7: {  	v22 =	vld [tilespmem:$0x11600];
	_ =	sdelay $0x1  }
0x1e8: {  	s19 =	sld [smem:$0x7E6];
	_ =	sdelay $0x2  }
0x1e9: {  	[tilespmem:s19+$0x0] =	vst v22  }
0x1ea: {  	v22 =	vld [tilespmem:$0x11610];
	_ =	sdelay $0x1  }
0x1eb: {  	s19 =	sld [smem:$0x7E7];
	_ =	sdelay $0x2  }
0x1ec: {  	[tilespmem:s19+$0x0] =	vst v22  }
0x1ed: {  	v22 =	vld [tilespmem:$0x11620];
	_ =	sdelay $0x1  }
0x1ee: {  	s19 =	sld [smem:$0x7E8];
	_ =	sdelay $0x2  }
0x1ef: {  	[tilespmem:s19+$0x0] =	vst v22  }
0x1f0: {  	v22 =	vld [tilespmem:$0x11630];
	_ =	sdelay $0x1  }
0x1f1: {  	s19 =	sld [smem:$0x7E9];
	_ =	sdelay $0x2  }
0x1f2: {  	[tilespmem:s19+$0x0] =	vst v22  }
0x1f3: {  	v22 =	vld [tilespmem:$0x11640];
	_ =	sdelay $0x1  }
0x1f4: {  	s19 =	sld [smem:$0x7EA];
	_ =	sdelay $0x2  }
0x1f5: {  	[tilespmem:s19+$0x0] =	vst v22  }
0x1f6: {  	v22 =	vld [tilespmem:$0x11650];
	_ =	sdelay $0x1  }
0x1f7: {  	s19 =	sld [smem:$0x7EB];
	_ =	sdelay $0x2  }
0x1f8: {  	[tilespmem:s19+$0x0] =	vst v22  }
0x1f9: {  	v22 =	vld [tilespmem:$0x11660];
	_ =	sdelay $0x1  }
0x1fa: {  	s19 =	sld [smem:$0x7EC];
	_ =	sdelay $0x2  }
0x1fb: {  	[tilespmem:s19+$0x0] =	vst v22  }
0x1fc: {  	v22 =	vld [tilespmem:$0x11670]  }
.Ltmp4:
0x1fd: {  	_ = 	snop;
	(pc) =	sbr.rel .LBB2_12-.Ltmp4, $2  }
0x1fe: {  	s19 =	sld [smem:$0x7ED];
	_ =	sdelay $0x2  }
0x1ff: {  	[tilespmem:s19+$0x0] =	vst v22  }
.LBB2_5:
.Ltmp5:
0x200: {  	(pc) =	sbr.rel @p2 .LBB2_7-.Ltmp5, $1  }
0x201: {  	_ =	sdelay $0x3  }
0x202: {  	v22 =	vld [tilespmem:$0x11280];
	_ =	sdelay $0x1  }
0x203: {  	s19 =	sld [smem:$0x7CE];
	_ =	sdelay $0x2  }
0x204: {  	[tilespmem:s19+$0x0] =	vst v22  }
0x205: {  	v22 =	vld [tilespmem:$0x11290];
	_ =	sdelay $0x1  }
0x206: {  	s19 =	sld [smem:$0x7CF];
	_ =	sdelay $0x2  }
0x207: {  	[tilespmem:s19+$0x0] =	vst v22  }
0x208: {  	v22 =	vld [tilespmem:$0x112A0];
	_ =	sdelay $0x1  }
0x209: {  	s19 =	sld [smem:$0x7D0];
	_ =	sdelay $0x2  }
0x20a: {  	[tilespmem:s19+$0x0] =	vst v22  }
0x20b: {  	v22 =	vld [tilespmem:$0x112B0];
	_ =	sdelay $0x1  }
0x20c: {  	s19 =	sld [smem:$0x7D1];
	_ =	sdelay $0x2  }
0x20d: {  	[tilespmem:s19+$0x0] =	vst v22  }
0x20e: {  	v22 =	vld [tilespmem:$0x112C0];
	_ =	sdelay $0x1  }
0x20f: {  	s19 =	sld [smem:$0x7D2];
	_ =	sdelay $0x2  }
0x210: {  	[tilespmem:s19+$0x0] =	vst v22  }
0x211: {  	v22 =	vld [tilespmem:$0x112D0];
	_ =	sdelay $0x1  }
0x212: {  	s19 =	sld [smem:$0x7D3];
	_ =	sdelay $0x2  }
0x213: {  	[tilespmem:s19+$0x0] =	vst v22  }
0x214: {  	v22 =	vld [tilespmem:$0x112E0];
	_ =	sdelay $0x1  }
0x215: {  	s19 =	sld [smem:$0x7D4];
	_ =	sdelay $0x2  }
0x216: {  	[tilespmem:s19+$0x0] =	vst v22  }
0x217: {  	v22 =	vld [tilespmem:$0x112F0];
	_ =	sdelay $0x1  }
0x218: {  	s19 =	sld [smem:$0x7D5];
	_ =	sdelay $0x2  }
0x219: {  	[tilespmem:s19+$0x0] =	vst v22  }
0x21a: {  	v22 =	vld [tilespmem:$0x11680];
	_ =	sdelay $0x1  }
0x21b: {  	s19 =	sld [smem:$0x7D6];
	_ =	sdelay $0x2  }
0x21c: {  	[tilespmem:s19+$0x0] =	vst v22  }
0x21d: {  	v22 =	vld [tilespmem:$0x11690];
	_ =	sdelay $0x1  }
0x21e: {  	s19 =	sld [smem:$0x7D7];
	_ =	sdelay $0x2  }
0x21f: {  	[tilespmem:s19+$0x0] =	vst v22  }
0x220: {  	v22 =	vld [tilespmem:$0x116A0];
	_ =	sdelay $0x1  }
0x221: {  	s19 =	sld [smem:$0x7D8];
	_ =	sdelay $0x2  }
0x222: {  	[tilespmem:s19+$0x0] =	vst v22  }
0x223: {  	v22 =	vld [tilespmem:$0x116B0];
	_ =	sdelay $0x1  }
0x224: {  	s19 =	sld [smem:$0x7D9];
	_ =	sdelay $0x2  }
0x225: {  	[tilespmem:s19+$0x0] =	vst v22  }
0x226: {  	v22 =	vld [tilespmem:$0x116C0];
	_ =	sdelay $0x1  }
0x227: {  	s19 =	sld [smem:$0x7DA];
	_ =	sdelay $0x2  }
0x228: {  	[tilespmem:s19+$0x0] =	vst v22  }
0x229: {  	v22 =	vld [tilespmem:$0x116D0];
	_ =	sdelay $0x1  }
0x22a: {  	s19 =	sld [smem:$0x7DB];
	_ =	sdelay $0x2  }
0x22b: {  	[tilespmem:s19+$0x0] =	vst v22  }
0x22c: {  	v22 =	vld [tilespmem:$0x116E0];
	_ =	sdelay $0x1  }
0x22d: {  	s19 =	sld [smem:$0x7DC];
	_ =	sdelay $0x2  }
0x22e: {  	[tilespmem:s19+$0x0] =	vst v22  }
0x22f: {  	v22 =	vld [tilespmem:$0x116F0]  }
.Ltmp6:
0x230: {  	_ = 	snop;
	(pc) =	sbr.rel .LBB2_12-.Ltmp6, $2  }
0x231: {  	s19 =	sld [smem:$0x7DD];
	_ =	sdelay $0x2  }
0x232: {  	[tilespmem:s19+$0x0] =	vst v22  }
.LBB2_7:
0x233: {  	s19 =	sld [smem:$0x7A8];
	_ =	sdelay $0x2  }
0x234: {  	p3 =	seq.s32 s19, $0x1  }
.Ltmp7:
0x235: {  	_ = 	snop;
	(pc) =	sbr.rel @p3 .LBB2_9-.Ltmp7, $1  }
0x236: {  	_ =	sdelay $0x3  }
0x237: {  	v22 =	vld [tilespmem:$0x11300];
	_ =	sdelay $0x1  }
0x238: {  	s19 =	sld [smem:$0x7BE];
	_ =	sdelay $0x2  }
0x239: {  	[tilespmem:s19+$0x0] =	vst v22  }
0x23a: {  	v22 =	vld [tilespmem:$0x11310];
	_ =	sdelay $0x1  }
0x23b: {  	s19 =	sld [smem:$0x7BF];
	_ =	sdelay $0x2  }
0x23c: {  	[tilespmem:s19+$0x0] =	vst v22  }
0x23d: {  	v22 =	vld [tilespmem:$0x11320];
	_ =	sdelay $0x1  }
0x23e: {  	s19 =	sld [smem:$0x7C0];
	_ =	sdelay $0x2  }
0x23f: {  	[tilespmem:s19+$0x0] =	vst v22  }
0x240: {  	v22 =	vld [tilespmem:$0x11330];
	_ =	sdelay $0x1  }
0x241: {  	s19 =	sld [smem:$0x7C1];
	_ =	sdelay $0x2  }
0x242: {  	[tilespmem:s19+$0x0] =	vst v22  }
0x243: {  	v22 =	vld [tilespmem:$0x11340];
	_ =	sdelay $0x1  }
0x244: {  	s19 =	sld [smem:$0x7C2];
	_ =	sdelay $0x2  }
0x245: {  	[tilespmem:s19+$0x0] =	vst v22  }
0x246: {  	v22 =	vld [tilespmem:$0x11350];
	_ =	sdelay $0x1  }
0x247: {  	s19 =	sld [smem:$0x7C3];
	_ =	sdelay $0x2  }
0x248: {  	[tilespmem:s19+$0x0] =	vst v22  }
0x249: {  	v22 =	vld [tilespmem:$0x11360];
	_ =	sdelay $0x1  }
0x24a: {  	s19 =	sld [smem:$0x7C4];
	_ =	sdelay $0x2  }
0x24b: {  	[tilespmem:s19+$0x0] =	vst v22  }
0x24c: {  	v22 =	vld [tilespmem:$0x11370];
	_ =	sdelay $0x1  }
0x24d: {  	s19 =	sld [smem:$0x7C5];
	_ =	sdelay $0x2  }
0x24e: {  	[tilespmem:s19+$0x0] =	vst v22  }
0x24f: {  	v22 =	vld [tilespmem:$0x11700];
	_ =	sdelay $0x1  }
0x250: {  	s19 =	sld [smem:$0x7C6];
	_ =	sdelay $0x2  }
0x251: {  	[tilespmem:s19+$0x0] =	vst v22  }
0x252: {  	v22 =	vld [tilespmem:$0x11710];
	_ =	sdelay $0x1  }
0x253: {  	s19 =	sld [smem:$0x7C7];
	_ =	sdelay $0x2  }
0x254: {  	[tilespmem:s19+$0x0] =	vst v22  }
0x255: {  	v22 =	vld [tilespmem:$0x11720];
	_ =	sdelay $0x1  }
0x256: {  	s19 =	sld [smem:$0x7C8];
	_ =	sdelay $0x2  }
0x257: {  	[tilespmem:s19+$0x0] =	vst v22  }
0x258: {  	v22 =	vld [tilespmem:$0x11730];
	_ =	sdelay $0x1  }
0x259: {  	s19 =	sld [smem:$0x7C9];
	_ =	sdelay $0x2  }
0x25a: {  	[tilespmem:s19+$0x0] =	vst v22  }
0x25b: {  	v22 =	vld [tilespmem:$0x11740];
	_ =	sdelay $0x1  }
0x25c: {  	s19 =	sld [smem:$0x7CA];
	_ =	sdelay $0x2  }
0x25d: {  	[tilespmem:s19+$0x0] =	vst v22  }
0x25e: {  	v22 =	vld [tilespmem:$0x11750];
	_ =	sdelay $0x1  }
0x25f: {  	s19 =	sld [smem:$0x7CB];
	_ =	sdelay $0x2  }
0x260: {  	[tilespmem:s19+$0x0] =	vst v22  }
0x261: {  	v22 =	vld [tilespmem:$0x11760];
	_ =	sdelay $0x1  }
0x262: {  	s19 =	sld [smem:$0x7CC];
	_ =	sdelay $0x2  }
0x263: {  	[tilespmem:s19+$0x0] =	vst v22  }
0x264: {  	v22 =	vld [tilespmem:$0x11770]  }
.Ltmp8:
0x265: {  	_ = 	snop;
	(pc) =	sbr.rel .LBB2_12-.Ltmp8, $2  }
0x266: {  	s19 =	sld [smem:$0x7CD];
	_ =	sdelay $0x2  }
0x267: {  	[tilespmem:s19+$0x0] =	vst v22  }
.LBB2_9:
0x268: {  	s19 =	sld [smem:$0x7A9];
	_ =	sdelay $0x2  }
0x269: {  	p3 =	seq.s32 s19, $0x1  }
.Ltmp9:
0x26a: {  	_ = 	snop;
	(pc) =	sbr.rel @p3 .LBB2_11-.Ltmp9, $1  }
0x26b: {  	_ =	sdelay $0x3  }
0x26c: {  	v22 =	vld [tilespmem:$0x11380];
	_ =	sdelay $0x1  }
0x26d: {  	s19 =	sld [smem:$0x7AE];
	_ =	sdelay $0x2  }
0x26e: {  	[tilespmem:s19+$0x0] =	vst v22  }
0x26f: {  	v22 =	vld [tilespmem:$0x11390];
	_ =	sdelay $0x1  }
0x270: {  	s19 =	sld [smem:$0x7AF];
	_ =	sdelay $0x2  }
0x271: {  	[tilespmem:s19+$0x0] =	vst v22  }
0x272: {  	v22 =	vld [tilespmem:$0x113A0];
	_ =	sdelay $0x1  }
0x273: {  	s19 =	sld [smem:$0x7B0];
	_ =	sdelay $0x2  }
0x274: {  	[tilespmem:s19+$0x0] =	vst v22  }
0x275: {  	v22 =	vld [tilespmem:$0x113B0];
	_ =	sdelay $0x1  }
0x276: {  	s19 =	sld [smem:$0x7B1];
	_ =	sdelay $0x2  }
0x277: {  	[tilespmem:s19+$0x0] =	vst v22  }
0x278: {  	v22 =	vld [tilespmem:$0x113C0];
	_ =	sdelay $0x1  }
0x279: {  	s19 =	sld [smem:$0x7B2];
	_ =	sdelay $0x2  }
0x27a: {  	[tilespmem:s19+$0x0] =	vst v22  }
0x27b: {  	v22 =	vld [tilespmem:$0x113D0];
	_ =	sdelay $0x1  }
0x27c: {  	s19 =	sld [smem:$0x7B3];
	_ =	sdelay $0x2  }
0x27d: {  	[tilespmem:s19+$0x0] =	vst v22  }
0x27e: {  	v22 =	vld [tilespmem:$0x113E0];
	_ =	sdelay $0x1  }
0x27f: {  	s19 =	sld [smem:$0x7B4];
	_ =	sdelay $0x2  }
0x280: {  	[tilespmem:s19+$0x0] =	vst v22  }
0x281: {  	v22 =	vld [tilespmem:$0x113F0];
	_ =	sdelay $0x1  }
0x282: {  	s19 =	sld [smem:$0x7B5];
	_ =	sdelay $0x2  }
0x283: {  	[tilespmem:s19+$0x0] =	vst v22  }
0x284: {  	v22 =	vld [tilespmem:$0x11780];
	_ =	sdelay $0x1  }
0x285: {  	s19 =	sld [smem:$0x7B6];
	_ =	sdelay $0x2  }
0x286: {  	[tilespmem:s19+$0x0] =	vst v22  }
0x287: {  	v22 =	vld [tilespmem:$0x11790];
	_ =	sdelay $0x1  }
0x288: {  	s19 =	sld [smem:$0x7B7];
	_ =	sdelay $0x2  }
0x289: {  	[tilespmem:s19+$0x0] =	vst v22  }
0x28a: {  	v22 =	vld [tilespmem:$0x117A0];
	_ =	sdelay $0x1  }
0x28b: {  	s19 =	sld [smem:$0x7B8];
	_ =	sdelay $0x2  }
0x28c: {  	[tilespmem:s19+$0x0] =	vst v22  }
0x28d: {  	v22 =	vld [tilespmem:$0x117B0];
	_ =	sdelay $0x1  }
0x28e: {  	s19 =	sld [smem:$0x7B9];
	_ =	sdelay $0x2  }
0x28f: {  	[tilespmem:s19+$0x0] =	vst v22  }
0x290: {  	v22 =	vld [tilespmem:$0x117C0];
	_ =	sdelay $0x1  }
0x291: {  	s19 =	sld [smem:$0x7BA];
	_ =	sdelay $0x2  }
0x292: {  	[tilespmem:s19+$0x0] =	vst v22  }
0x293: {  	v22 =	vld [tilespmem:$0x117D0];
	_ =	sdelay $0x1  }
0x294: {  	s19 =	sld [smem:$0x7BB];
	_ =	sdelay $0x2  }
0x295: {  	[tilespmem:s19+$0x0] =	vst v22  }
0x296: {  	v22 =	vld [tilespmem:$0x117E0];
	_ =	sdelay $0x1  }
0x297: {  	s19 =	sld [smem:$0x7BC];
	_ =	sdelay $0x2  }
0x298: {  	[tilespmem:s19+$0x0] =	vst v22  }
0x299: {  	v22 =	vld [tilespmem:$0x117F0]  }
.Ltmp10:
0x29a: {  	_ = 	snop;
	(pc) =	sbr.rel .LBB2_12-.Ltmp10, $2  }
0x29b: {  	s19 =	sld [smem:$0x7BD];
	_ =	sdelay $0x2  }
0x29c: {  	[tilespmem:s19+$0x0] =	vst v22  }
.LBB2_11:
0x29d: {  	v22 =	vld @!p5 [tilespmem:$0x11400];
	_ =	sdelay $0x3  }
0x29e: {  	s19 =	rddreg [dreg:$0x4]  }
0x29f: {  	[tilespmem:s19+$0x0] =	vst @!p5 v22  }
0x2a0: {  	v22 =	vld @!p5 [tilespmem:$0x11410];
	_ =	sdelay $0x3  }
0x2a1: {  	s19 =	rddreg [dreg:$0x5]  }
0x2a2: {  	[tilespmem:s19+$0x0] =	vst @!p5 v22  }
0x2a3: {  	v22 =	vld @!p5 [tilespmem:$0x11420];
	_ =	sdelay $0x3  }
0x2a4: {  	s19 =	rddreg [dreg:$0x6]  }
0x2a5: {  	[tilespmem:s19+$0x0] =	vst @!p5 v22  }
0x2a6: {  	v22 =	vld @!p5 [tilespmem:$0x11430];
	_ =	sdelay $0x3  }
0x2a7: {  	s19 =	rddreg [dreg:$0x7]  }
0x2a8: {  	[tilespmem:s19+$0x0] =	vst @!p5 v22  }
0x2a9: {  	v22 =	vld @!p5 [tilespmem:$0x11440];
	_ =	sdelay $0x3  }
0x2aa: {  	s19 =	rddreg [dreg:$0x8]  }
0x2ab: {  	[tilespmem:s19+$0x0] =	vst @!p5 v22  }
0x2ac: {  	v22 =	vld @!p5 [tilespmem:$0x11450];
	_ =	sdelay $0x3  }
0x2ad: {  	s19 =	rddreg [dreg:$0x9]  }
0x2ae: {  	[tilespmem:s19+$0x0] =	vst @!p5 v22  }
0x2af: {  	v22 =	vld @!p5 [tilespmem:$0x11460];
	_ =	sdelay $0x3  }
0x2b0: {  	s19 =	rddreg [dreg:$0xa]  }
0x2b1: {  	[tilespmem:s19+$0x0] =	vst @!p5 v22  }
0x2b2: {  	v22 =	vld @!p5 [tilespmem:$0x11470];
	_ =	sdelay $0x3  }
0x2b3: {  	s19 =	rddreg [dreg:$0xb]  }
0x2b4: {  	[tilespmem:s19+$0x0] =	vst @!p5 v22  }
0x2b5: {  	v22 =	vld @!p5 [tilespmem:$0x11800];
	_ =	sdelay $0x3  }
0x2b6: {  	s19 =	rddreg [dreg:$0xc]  }
0x2b7: {  	[tilespmem:s19+$0x0] =	vst @!p5 v22  }
0x2b8: {  	v22 =	vld @!p5 [tilespmem:$0x11810];
	_ =	sdelay $0x3  }
0x2b9: {  	s19 =	rddreg [dreg:$0xd]  }
0x2ba: {  	[tilespmem:s19+$0x0] =	vst @!p5 v22  }
0x2bb: {  	v22 =	vld @!p5 [tilespmem:$0x11820];
	_ =	sdelay $0x3  }
0x2bc: {  	s19 =	rddreg [dreg:$0xe]  }
0x2bd: {  	[tilespmem:s19+$0x0] =	vst @!p5 v22  }
0x2be: {  	v22 =	vld @!p5 [tilespmem:$0x11830];
	_ =	sdelay $0x3  }
0x2bf: {  	s19 =	rddreg [dreg:$0xf]  }
0x2c0: {  	[tilespmem:s19+$0x0] =	vst @!p5 v22  }
0x2c1: {  	v22 =	vld @!p5 [tilespmem:$0x11840];
	_ =	sdelay $0x3  }
0x2c2: {  	s19 =	rddreg [dreg:$0x10]  }
0x2c3: {  	[tilespmem:s19+$0x0] =	vst @!p5 v22  }
0x2c4: {  	v22 =	vld @!p5 [tilespmem:$0x11850];
	_ =	sdelay $0x3  }
0x2c5: {  	s19 =	rddreg [dreg:$0x11]  }
0x2c6: {  	[tilespmem:s19+$0x0] =	vst @!p5 v22  }
0x2c7: {  	v22 =	vld @!p5 [tilespmem:$0x11860];
	_ =	sdelay $0x3  }
0x2c8: {  	s19 =	rddreg [dreg:$0x12]  }
0x2c9: {  	[tilespmem:s19+$0x0] =	vst @!p5 v22  }
0x2ca: {  	v22 =	vld @!p5 [tilespmem:$0x11870];
	_ =	sdelay $0x3  }
0x2cb: {  	s19 =	rddreg [dreg:$0x13]  }
0x2cc: {  	[tilespmem:s19+$0x0] =	vst @!p5 v22  }
0x2cd: {  	v22 =	vld @!p6 [tilespmem:$0x11480];
	_ =	sdelay $0x3  }
0x2ce: {  	s19 =	rddreg [dreg:$0x14]  }
0x2cf: {  	[tilespmem:s19+$0x0] =	vst @!p6 v22  }
0x2d0: {  	v22 =	vld @!p6 [tilespmem:$0x11490];
	_ =	sdelay $0x3  }
0x2d1: {  	s19 =	rddreg [dreg:$0x15]  }
0x2d2: {  	[tilespmem:s19+$0x0] =	vst @!p6 v22  }
0x2d3: {  	v22 =	vld @!p6 [tilespmem:$0x114A0];
	_ =	sdelay $0x3  }
0x2d4: {  	s19 =	rddreg [dreg:$0x16]  }
0x2d5: {  	[tilespmem:s19+$0x0] =	vst @!p6 v22  }
0x2d6: {  	v22 =	vld @!p6 [tilespmem:$0x114B0];
	_ =	sdelay $0x3  }
0x2d7: {  	s19 =	rddreg [dreg:$0x17]  }
0x2d8: {  	[tilespmem:s19+$0x0] =	vst @!p6 v22  }
0x2d9: {  	v22 =	vld @!p6 [tilespmem:$0x114C0];
	_ =	sdelay $0x3  }
0x2da: {  	s19 =	rddreg [dreg:$0x18]  }
0x2db: {  	[tilespmem:s19+$0x0] =	vst @!p6 v22  }
0x2dc: {  	v22 =	vld @!p6 [tilespmem:$0x114D0];
	_ =	sdelay $0x3  }
0x2dd: {  	s19 =	rddreg [dreg:$0x19]  }
0x2de: {  	[tilespmem:s19+$0x0] =	vst @!p6 v22  }
0x2df: {  	v22 =	vld @!p6 [tilespmem:$0x114E0];
	_ =	sdelay $0x3  }
0x2e0: {  	s19 =	rddreg [dreg:$0x1a]  }
0x2e1: {  	[tilespmem:s19+$0x0] =	vst @!p6 v22  }
0x2e2: {  	v22 =	vld @!p6 [tilespmem:$0x114F0];
	_ =	sdelay $0x3  }
0x2e3: {  	s19 =	rddreg [dreg:$0x1b]  }
0x2e4: {  	[tilespmem:s19+$0x0] =	vst @!p6 v22  }
0x2e5: {  	v22 =	vld @!p6 [tilespmem:$0x11880];
	_ =	sdelay $0x3  }
0x2e6: {  	s19 =	rddreg [dreg:$0x1c]  }
0x2e7: {  	[tilespmem:s19+$0x0] =	vst @!p6 v22  }
0x2e8: {  	v22 =	vld @!p6 [tilespmem:$0x11890];
	_ =	sdelay $0x3  }
0x2e9: {  	s19 =	rddreg [dreg:$0x1d]  }
0x2ea: {  	[tilespmem:s19+$0x0] =	vst @!p6 v22  }
0x2eb: {  	v22 =	vld @!p6 [tilespmem:$0x118A0];
	_ =	sdelay $0x3  }
0x2ec: {  	s19 =	rddreg [dreg:$0x1e]  }
0x2ed: {  	[tilespmem:s19+$0x0] =	vst @!p6 v22  }
0x2ee: {  	v22 =	vld @!p6 [tilespmem:$0x118B0];
	_ =	sdelay $0x3  }
0x2ef: {  	s19 =	rddreg [dreg:$0x1f]  }
0x2f0: {  	[tilespmem:s19+$0x0] =	vst @!p6 v22  }
0x2f1: {  	v22 =	vld @!p6 [tilespmem:$0x118C0];
	_ =	sdelay $0x1  }
0x2f2: {  	s19 =	sld [smem:$0x7AA];
	_ =	sdelay $0x2  }
0x2f3: {  	[tilespmem:s19+$0x0] =	vst @!p6 v22  }
0x2f4: {  	v22 =	vld @!p6 [tilespmem:$0x118D0];
	_ =	sdelay $0x1  }
0x2f5: {  	s19 =	sld [smem:$0x7AB];
	_ =	sdelay $0x2  }
0x2f6: {  	[tilespmem:s19+$0x0] =	vst @!p6 v22  }
0x2f7: {  	v22 =	vld @!p6 [tilespmem:$0x118E0];
	_ =	sdelay $0x1  }
0x2f8: {  	s19 =	sld [smem:$0x7AC];
	_ =	sdelay $0x2  }
0x2f9: {  	[tilespmem:s19+$0x0] =	vst @!p6 v22  }
0x2fa: {  	v22 =	vld @!p6 [tilespmem:$0x118F0]  }
.Ltmp11:
0x2fb: {  	_ = 	snop;
	(pc) =	sbr.rel .LBB2_12-.Ltmp11, $2  }
0x2fc: {  	s19 =	sld [smem:$0x7AD];
	_ =	sdelay $0x2  }
0x2fd: {  	[tilespmem:s19+$0x0] =	vst @!p6 v22  }
.LBB2_13:
0x2fe: {  	_ =	sfence.sel $0x180000  }
0x2ff: {  	[bflag:$0x0] =	sbarrier.arrive $0xFFFF  }
0x300: {  	_ =	strace $0x90000047  }
0x301: {  	s0 =	stileid.u32;
	[bflag:$0x2] =	sbarrier.arrive $0xFFFF  }
0x302: {  	p0 =	sne.s32 s0, $0x0;
	s0 =	rddreg [dreg:$0x3]  }
0x303: {  	s0 =	sadd.s32 @!p0 $0x100000, s0  }
0x304: {  	[sflag:s0] =	ssyncadd.tile.s32 @!p0 $0x1;
	_ =	shalt  }
.Lfunc_end2:
_tile_overlayer_lowered:
.L_overlay_start_2:
0x305: {  	(tag) =	ssettag $0x2  }
0x306: {  	s0 =	rddreg [dreg:$0x0];
	s2 =	stileid.u32  }
0x307: {  	s1 =	rddreg [dreg:$0x1];
	p0 =	sne.s32 s2, $0x0  }
0x308: {  	s3 =	rddreg [dreg:$0x2];
	[bflag:$0x3] =	sbarrier.arrive $0xFFFF;
	s2 =	simm.s32 @!p0 $0x1C03  }
0x309: {  	[timem:s3], [sflag:s2] =	dma.local @!p0 [hbm:s0], s1  }
0x30a: {  	s0 =	simm.s32 @!p0 $0x3  }
0x30b: {  	_ =	swait.ge @!p0 [sflag:s0], s1  }
0x30c: {  	s1 =	ssub.s32 @!p0 $0x0, s1;
	[sflag:s0] =	ssyncset.done @!p0 $0x0  }
0x30d: {  	[sflag:s0] =	ssyncadd.s32 @!p0 s1  }
0x30e: {  	[bflag:$0x3] =	sbarrier.arrive $0xFFFF  }
0x30f: {  	_ =	shalt  }

</sc_bundles>
